<compile_context>
chip_gen: v7x
topology: tpu7x:2x2x1
jax: 0.10.2.dev20260603
libtpu: 0.0.44.dev20260713+nightly
codegen_flags: <defaults>
</compile_context>

<pallas_src>
import jax
import jax.numpy as jnp
from jax import lax
from jax.experimental import pallas as pl
from jax.experimental.pallas import tpu as pltpu
from jax.experimental.pallas import tpu_sc as plsc

N = 10000
D = 128
E = 320000
EPS = 1e-5

NC = 2
NS = 16
L = 16
NW = NC * NS
EW = E // NW
K = 80
CH = EW // K
NP = 10240
RPT = NP // NS

BR = 1000
NB = N // BR


def _seg_sum_call():
    mesh = plsc.VectorSubcoreMesh(
        core_axis_name="c", subcore_axis_name="s", num_cores=NC, num_subcores=NS
    )
    out_type = jax.ShapeDtypeStruct((NC, NP, D), jnp.float32)
    RB = 6
    NR = 3
    UN = 6
    scratch = (
        [pltpu.VMEM((RB, K), jnp.int32)]
        + [pltpu.VMEM((CH, K), jnp.int32)]
        + [pltpu.VMEM((K, D), jnp.float32) for _ in range(NR)]
        + [pltpu.VMEM_SHARED((NP, D), jnp.float32)]
        + [pltpu.SemaphoreType.DMA for _ in range(RB + 2 * NR)]
    )

    def body(h_hbm, srcw_hbm, dstw_hbm, zacc_hbm, p_hbm, *rest):
        srcc = rest[0]
        dst_v = rest[1]
        rows = rest[2:2 + NR]
        acc_sh = rest[2 + NR]
        isem = rest[3 + NR:3 + NR + RB]
        rsem = rest[3 + NR + RB:3 + NR + RB + NR]
        ssem = rest[3 + NR + RB + NR:]
        c = lax.axis_index("c")
        s = lax.axis_index("s")
        wid = c * NS + s
        base = s * RPT

        src1d = srcw_hbm.at[wid].at[0]

        def idx_copy(j, slot):
            return pltpu.make_async_copy(
                src1d.at[pl.ds(j * K, K)], srcc.at[slot], isem[slot])

        def gat_copy(j, slot, b):
            return pltpu.make_async_copy(
                h_hbm.at[srcc.at[slot]], rows[b], rsem[b])

        def sca_start(j, b):
            pltpu.async_copy(rows[b], acc_sh.at[dst_v.at[j]], ssem[b],
                             add=True)

        def sca_wait(j, b):
            pltpu.make_async_copy(rows[b], acc_sh.at[dst_v.at[j]],
                                  ssem[b]).wait()

        def guard(cond, fn):
            if isinstance(cond, bool):
                if cond:
                    fn()
            else:
                pl.when(cond)(fn)

        def step(j, t):
            b = t % NR
            bn = (t + 2) % NR
            sl = t % RB
            sln = (t + 2) % RB

            def prefetch():
                def drain_prev():
                    sca_wait(j - 1, bn)

                guard(j >= 1 if isinstance(j, int) else j >= 1, drain_prev)
                idx_copy(j + 2, sln).wait()
                gat_copy(j + 2, sln, bn).start()

            guard(j + 2 < CH, prefetch)
            gat_copy(j, sl, b).wait()
            sca_start(j, b)
            guard(j + RB < CH, lambda: idx_copy(j + RB, sl).start())

        pltpu.sync_copy(zacc_hbm, acc_sh.at[pl.ds(base, RPT)])
        pltpu.sync_copy(dstw_hbm.at[wid], dst_v)
        plsc.subcore_barrier()

        for r in range(RB):
            idx_copy(r, r).start()
        idx_copy(0, 0).wait()
        gat_copy(0, 0, 0).start()
        idx_copy(1, 1).wait()
        gat_copy(1, 1, 1).start()

        NG = CH // UN
        def group(i, _):
            j0 = i * UN
            for t in range(UN):
                step(j0 + t, t)
            return 0

        lax.fori_loop(0, NG, group, 0)
        for j in range(NG * UN, CH):
            step(j, j % UN)
        for t in range(NR):
            j = CH - 1 - t
            sca_wait(j, j % NR)

        plsc.subcore_barrier()

        pltpu.sync_copy(acc_sh.at[pl.ds(base, RPT)],
                        p_hbm.at[c].at[pl.ds(base, RPT)])

    return pl.kernel(body, out_type=out_type, mesh=mesh,
                     scratch_types=scratch)


CW = 128
NSS = 4


def _count_call():
    mesh = plsc.VectorSubcoreMesh(
        core_axis_name="c", subcore_axis_name="s", num_cores=NC, num_subcores=NS
    )
    out_type = jax.ShapeDtypeStruct((NC, NP, CW), jnp.float32)
    scratch = (
        [pltpu.VMEM((CH, K), jnp.int32),
         pltpu.VMEM((K, CW), jnp.float32),
         pltpu.VMEM_SHARED((NP, CW), jnp.float32)]
        + [pltpu.SemaphoreType.DMA for _ in range(NSS)]
    )

    def body(dstw_hbm, ones_hbm, zacc_hbm, c_hbm, dst_v, ones_v, cnt_sh, *sems):
        c = lax.axis_index("c")
        s = lax.axis_index("s")
        wid = c * NS + s
        base = s * RPT

        pltpu.sync_copy(zacc_hbm, cnt_sh.at[pl.ds(base, RPT)])
        pltpu.sync_copy(dstw_hbm.at[wid], dst_v)
        pltpu.sync_copy(ones_hbm, ones_v)
        plsc.subcore_barrier()

        def sca_start(j, t):
            pltpu.async_copy(ones_v, cnt_sh.at[dst_v.at[j]], sems[t],
                             add=True)

        def sca_wait(j, t):
            pltpu.make_async_copy(ones_v, cnt_sh.at[dst_v.at[j]],
                                  sems[t]).wait()

        for j in range(NSS):
            sca_start(j, j)

        NG = (CH - NSS) // NSS

        def group(i, _):
            j0 = NSS + i * NSS
            for t in range(NSS):
                sca_wait(j0 + t - NSS, t)
                sca_start(j0 + t, t)
            return 0

        lax.fori_loop(0, NG, group, 0)
        for j in range(NSS + NG * NSS, CH):
            sca_wait(j - NSS, j % NSS)
            sca_start(j, j % NSS)
        for j in range(CH - NSS, CH):
            sca_wait(j, j % NSS)
        plsc.subcore_barrier()

        pltpu.sync_copy(cnt_sh.at[pl.ds(base, RPT)],
                        c_hbm.at[c].at[pl.ds(base, RPT)])

    return pl.kernel(body, out_type=out_type, mesh=mesh,
                     scratch_types=scratch)


def _mm_stats_call(h, p, cnts, wl, wr, b, cnt_narrow: bool):

    def body(p_ref, c_ref, h_ref, wl_ref, wr_ref, b_ref, t_ref, st_ref,
             *cn_ref):
        i = pl.program_id(0)
        psum = p_ref[0]
        for cc in range(1, NC):
            psum = psum + p_ref[cc]
        if cnt_narrow:
            cnt = c_ref[...]
        else:
            csum = c_ref[0, :, 0:1]
            for cc in range(1, NC):
                csum = csum + c_ref[cc, :, 0:1]
            cnt = jnp.maximum(csum, 1.0)
            cn_ref[0][...] = cnt
        agg = psum / cnt
        t = (jnp.dot(agg, wl_ref[...], preferred_element_type=jnp.float32)
             + jnp.dot(h_ref[...], wr_ref[...], preferred_element_type=jnp.float32)
             + b_ref[...])
        t_ref[...] = t

        @pl.when(i == 0)
        def _():
            st_ref[...] = jnp.zeros_like(st_ref)

        st_ref[0:1, :] += jnp.sum(t, axis=0, keepdims=True)
        st_ref[1:2, :] += jnp.sum(t * t, axis=0, keepdims=True)

    if cnt_narrow:
        c_spec = pl.BlockSpec((BR, 1), lambda i: (i, 0))
        extra_out_specs = []
        extra_out_shapes = []
    else:
        c_spec = pl.BlockSpec((NC, BR, CW), lambda i: (0, i, 0))
        extra_out_specs = [pl.BlockSpec((BR, 1), lambda i: (i, 0))]
        extra_out_shapes = [jax.ShapeDtypeStruct((N, 1), jnp.float32)]

    return pl.pallas_call(
        body,
        grid=(NB,),
        in_specs=[
            pl.BlockSpec((NC, BR, D), lambda i: (0, i, 0)),
            c_spec,
            pl.BlockSpec((BR, D), lambda i: (i, 0)),
            pl.BlockSpec((D, D), lambda i: (0, 0)),
            pl.BlockSpec((D, D), lambda i: (0, 0)),
            pl.BlockSpec((1, D), lambda i: (0, 0)),
        ],
        out_specs=[
            pl.BlockSpec((BR, D), lambda i: (i, 0)),
            pl.BlockSpec((8, D), lambda i: (0, 0)),
        ] + extra_out_specs,
        out_shape=[
            jax.ShapeDtypeStruct((N, D), jnp.float32),
            jax.ShapeDtypeStruct((8, D), jnp.float32),
        ] + extra_out_shapes,
    )(p, cnts, h, wl, wr, b)


def _norm_call(t, st, g, bt, relu: bool):

    def body(t_ref, st_ref, g_ref, bt_ref, o_ref):
        m = st_ref[0:1, :] * (1.0 / N)
        v = st_ref[1:2, :] * (1.0 / N) - m * m
        inv = lax.rsqrt(v + EPS)
        y = (t_ref[...] - m) * (inv * g_ref[...]) + bt_ref[...]
        if relu:
            y = jnp.maximum(y, 0.0)
        o_ref[...] = y

    return pl.pallas_call(
        body,
        grid=(NB,),
        in_specs=[
            pl.BlockSpec((BR, D), lambda i: (i, 0)),
            pl.BlockSpec((8, D), lambda i: (0, 0)),
            pl.BlockSpec((1, D), lambda i: (0, 0)),
            pl.BlockSpec((1, D), lambda i: (0, 0)),
        ],
        out_specs=pl.BlockSpec((BR, D), lambda i: (i, 0)),
        out_shape=jax.ShapeDtypeStruct((N, D), jnp.float32),
    )(t, st, g, bt)


def _one(r):
    return r[0] if isinstance(r, (tuple, list)) else r


@jax.jit
def kernel(x, edge_index, W1l, W1r, b1, g1, bt1, W2l, W2r, b2, g2, bt2):
    src = edge_index[0].astype(jnp.int32).reshape(NW, 1, EW)
    dst = edge_index[1].astype(jnp.int32).reshape(NW, CH, K)
    zacc = jnp.zeros((RPT, D), jnp.float32)
    zacc_c = jnp.zeros((RPT, CW), jnp.float32)
    ones = jnp.ones((K, CW), jnp.float32)
    b1r = b1.reshape(1, D)
    g1r = g1.reshape(1, D)
    bt1r = bt1.reshape(1, D)
    b2r = b2.reshape(1, D)
    g2r = g2.reshape(1, D)
    bt2r = bt2.reshape(1, D)

    cnts = _one(_count_call()(dst, ones, zacc_c))
    p1 = _one(_seg_sum_call()(x, src, dst, zacc))
    t1, st1, cnt1 = _mm_stats_call(x, p1, cnts, W1l, W1r, b1r,
                                   cnt_narrow=False)
    h1 = _norm_call(t1, st1, g1r, bt1r, relu=True)
    p2 = _one(_seg_sum_call()(h1, src, dst, zacc))
    t2, st2 = _mm_stats_call(h1, p2, cnt1, W2l, W2r, b2r, cnt_narrow=True)
    return _norm_call(t2, st2, g2r, bt2r, relu=False)

# --- scband reference (transcript-rebuilt; emitter-appended) ---
"""Pipeline reference for scband-graph-sage-53592601920046 (READ-ONLY COPY).

The authoritative reference and input builder live on the scoring server;
editing this copy changes nothing except your own understanding.
"""

import jax, jax.numpy as jnp
import numpy as np

N = 10000
E = 320000
D = 128
H = 128
O = 128
EPS = 1e-5


def setup_inputs(seed: int = 0) -> dict:
    key = jax.random.key(seed)
    ks = jax.random.split(key, 12)
    x = jax.random.normal(ks[0], (N, D), dtype=jnp.float32)
    edge_index = jax.random.randint(ks[1], (2, E), 0, N)
    s1 = 1.0 / np.sqrt(D)
    s2 = 1.0 / np.sqrt(H)
    W1l = jax.random.normal(ks[2], (D, H), dtype=jnp.float32) * s1
    W1r = jax.random.normal(ks[3], (D, H), dtype=jnp.float32) * s1
    b1 = jnp.zeros((H,), dtype=jnp.float32)
    g1 = jnp.ones((H,), dtype=jnp.float32)
    bt1 = jnp.zeros((H,), dtype=jnp.float32)
    W2l = jax.random.normal(ks[4], (H, O), dtype=jnp.float32) * s2
    W2r = jax.random.normal(ks[5], (H, O), dtype=jnp.float32) * s2
    b2 = jnp.zeros((O,), dtype=jnp.float32)
    g2 = jnp.ones((O,), dtype=jnp.float32)
    bt2 = jnp.zeros((O,), dtype=jnp.float32)
    return {"x": x, "edge_index": edge_index, "W1l": W1l, "W1r": W1r, "b1": b1,
            "g1": g1, "bt1": bt1, "W2l": W2l, "W2r": W2r, "b2": b2, "g2": g2, "bt2": bt2}


def _sage_conv(h, src, dst, Wl, Wr, b):
    # PyG SAGEConv with aggr='mean', normalize=False (default):
    # out = lin_l(mean_{j in N(i)} x_j) + lin_r(x_i)
    msg = h[src]
    agg = jax.ops.segment_sum(msg, dst, num_segments=N)
    cnt = jax.ops.segment_sum(jnp.ones((E,), dtype=jnp.float32), dst, num_segments=N)
    agg = agg / jnp.clip(cnt, 1.0)[:, None]
    return agg @ Wl + h @ Wr + b


def _batch_norm(h, g, b):
    m = h.mean(axis=0)
    v = h.var(axis=0)
    return (h - m) / jnp.sqrt(v + EPS) * g + b


def reference(x, edge_index, W1l, W1r, b1, g1, bt1, W2l, W2r, b2, g2, bt2):
    src = edge_index[0]
    dst = edge_index[1]
    h = _sage_conv(x, src, dst, W1l, W1r, b1)
    h = _batch_norm(h, g1, bt1)
    h = jax.nn.relu(h)
    # dropout p=0.0 -> identity
    h = _sage_conv(h, src, dst, W2l, W2r, b2)
    h = _batch_norm(h, g2, bt2)
    return h

if __name__ == "__main__":
    import jax
    _d = setup_inputs()
    print(jax.jit(kernel)(*tuple(_d.values())))

</pallas_src>

<mosaic_0001>
#map = affine_map<(d0, d1) -> (0, 0, 0)>
#map1 = affine_map<(d0, d1) -> (0, 0)>
module attributes {stable_mosaic.version = 14 : i64} {
  func.func @body(%arg0: i32, %arg1: i32, %arg2: memref<32x125x80xi32, #tpu.memory_space<hbm>>, %arg3: memref<80x128xf32, #tpu.memory_space<hbm>>, %arg4: memref<640x128xf32, #tpu.memory_space<hbm>>, %arg5: memref<2x10240x128xf32, #tpu.memory_space<hbm>>, %arg6: memref<125x80xi32, #tpu.memory_space<vmem>>, %arg7: memref<80x128xf32, #tpu.memory_space<vmem>>, %arg8: memref<10240x128xf32, #tpu.memory_space<vmem_shared>>, %arg9: memref<!tpu.dma_semaphore, #tpu.memory_space<semaphore_mem>>, %arg10: memref<!tpu.dma_semaphore, #tpu.memory_space<semaphore_mem>>, %arg11: memref<!tpu.dma_semaphore, #tpu.memory_space<semaphore_mem>>, %arg12: memref<!tpu.dma_semaphore, #tpu.memory_space<semaphore_mem>>) attributes {dimension_semantics = [#tpu.dimension_semantics<core_parallel>, #tpu.dimension_semantics<subcore_parallel>], iteration_bounds = array<i64: 2, 16>, scalar_prefetch = 0 : i64, scratch_operands = 7 : i64, tpu.core_type = #tpu.core_type<sc_vector_subcore>, window_params = [{transform_indices = #map}, {transform_indices = #map1}, {transform_indices = #map1}, {transform_indices = #map}]} {
    %mul3A = arith.constant 16 : i32
    %mul3A_0 = arith.muli %arg0, %mul3A : i32
    %add3A = arith.addi %mul3A_0, %arg1 : i32
    %mul3A_1 = arith.constant 640 : i32
    %mul3A_2 = arith.muli %arg1, %mul3A_1 : i32
    "tpu.region"() ({
      %run_scoped3A = tpu.sem_alloc : memref<!tpu.dma_semaphore, #tpu.memory_space<semaphore_mem>>
      %dma_start3A_78 = arith.constant 0 : i32
      %dma_start3A_79 = tpu.memref_slice %arg8[%mul3A_2, %dma_start3A_78] : memref<10240x128xf32, #tpu.memory_space<vmem_shared>> -> memref<640x128xf32, #tpu.memory_space<vmem_shared>>
      tpu.enqueue_dma source(%arg4 : memref<640x128xf32, #tpu.memory_space<hbm>>) target(%dma_start3A_79 : memref<640x128xf32, #tpu.memory_space<vmem_shared>>) target_semaphore(%run_scoped3A : memref<!tpu.dma_semaphore, #tpu.memory_space<semaphore_mem>>)
      %dma_wait3A_80 = arith.constant 0 : i32
      %dma_wait3A_81 = tpu.memref_slice %arg8[%mul3A_2, %dma_wait3A_80] : memref<10240x128xf32, #tpu.memory_space<vmem_shared>> -> memref<640x128xf32, #tpu.memory_space<vmem_shared>>
      tpu.wait_dma2 semaphore(%run_scoped3A : memref<!tpu.dma_semaphore, #tpu.memory_space<semaphore_mem>>) src(%arg4 : memref<640x128xf32, #tpu.memory_space<hbm>>) dst(%dma_wait3A_81 : memref<640x128xf32, #tpu.memory_space<vmem_shared>>)
      tpu.yield
    }) : () -> ()
    "tpu.region"() ({
      %run_scoped3A = tpu.sem_alloc : memref<!tpu.dma_semaphore, #tpu.memory_space<semaphore_mem>>
      %dma_start3A_78 = arith.constant 0 : i32
      %dma_start3A_79 = arith.constant 0 : i32
      %dma_start3A_80 = tpu.memref_slice %arg2[%add3A, %dma_start3A_78, %dma_start3A_79] : memref<32x125x80xi32, #tpu.memory_space<hbm>> -> memref<1x125x80xi32, #tpu.memory_space<hbm>>
      %dma_start3A_81 = tpu.memref_squeeze %dma_start3A_80 : memref<1x125x80xi32, #tpu.memory_space<hbm>> -> memref<125x80xi32, #tpu.memory_space<hbm>>
      %dma_start3A_82 = arith.constant 0 : i32
      %dma_start3A_83 = arith.constant 0 : i32
      %dma_start3A_84 = tpu.memref_slice %arg2[%add3A, %dma_start3A_82, %dma_start3A_83] : memref<32x125x80xi32, #tpu.memory_space<hbm>> -> memref<1x125x80xi32, #tpu.memory_space<hbm>>
      %dma_start3A_85 = tpu.memref_squeeze %dma_start3A_84 : memref<1x125x80xi32, #tpu.memory_space<hbm>> -> memref<125x80xi32, #tpu.memory_space<hbm>>
      tpu.enqueue_dma source(%dma_start3A_85 : memref<125x80xi32, #tpu.memory_space<hbm>>) target(%arg6 : memref<125x80xi32, #tpu.memory_space<vmem>>) target_semaphore(%run_scoped3A : memref<!tpu.dma_semaphore, #tpu.memory_space<semaphore_mem>>)
      %dma_wait3A_86 = arith.constant 0 : i32
      %dma_wait3A_87 = arith.constant 0 : i32
      %dma_wait3A_88 = tpu.memref_slice %arg2[%add3A, %dma_wait3A_86, %dma_wait3A_87] : memref<32x125x80xi32, #tpu.memory_space<hbm>> -> memref<1x125x80xi32, #tpu.memory_space<hbm>>
      %dma_wait3A_89 = tpu.memref_squeeze %dma_wait3A_88 : memref<1x125x80xi32, #tpu.memory_space<hbm>> -> memref<125x80xi32, #tpu.memory_space<hbm>>
      %dma_wait3A_90 = arith.constant 0 : i32
      %dma_wait3A_91 = arith.constant 0 : i32
      %dma_wait3A_92 = tpu.memref_slice %arg2[%add3A, %dma_wait3A_90, %dma_wait3A_91] : memref<32x125x80xi32, #tpu.memory_space<hbm>> -> memref<1x125x80xi32, #tpu.memory_space<hbm>>
      %dma_wait3A_93 = tpu.memref_squeeze %dma_wait3A_92 : memref<1x125x80xi32, #tpu.memory_space<hbm>> -> memref<125x80xi32, #tpu.memory_space<hbm>>
      tpu.wait_dma2 semaphore(%run_scoped3A : memref<!tpu.dma_semaphore, #tpu.memory_space<semaphore_mem>>) src(%dma_wait3A_93 : memref<125x80xi32, #tpu.memory_space<hbm>>) dst(%arg6 : memref<125x80xi32, #tpu.memory_space<vmem>>)
      tpu.yield
    }) : () -> ()
    "tpu.region"() ({
      %run_scoped3A = tpu.sem_alloc : memref<!tpu.dma_semaphore, #tpu.memory_space<semaphore_mem>>
      tpu.enqueue_dma source(%arg3 : memref<80x128xf32, #tpu.memory_space<hbm>>) target(%arg7 : memref<80x128xf32, #tpu.memory_space<vmem>>) target_semaphore(%run_scoped3A : memref<!tpu.dma_semaphore, #tpu.memory_space<semaphore_mem>>)
      tpu.wait_dma2 semaphore(%run_scoped3A : memref<!tpu.dma_semaphore, #tpu.memory_space<semaphore_mem>>) src(%arg3 : memref<80x128xf32, #tpu.memory_space<hbm>>) dst(%arg7 : memref<80x128xf32, #tpu.memory_space<vmem>>)
      tpu.yield
    }) : () -> ()
    %barrier3A = arith.constant 0 : index
    tpu.barrier barrier_id(%barrier3A)
    %dma_start3A = arith.constant 0 : i32
    %dma_start3A_3 = arith.constant 0 : i32
    %dma_start3A_4 = tpu.memref_slice %arg6[%dma_start3A, %dma_start3A_3] : memref<125x80xi32, #tpu.memory_space<vmem>> -> memref<1x80xi32, #tpu.memory_space<vmem>>
    %dma_start3A_5 = tpu.memref_squeeze %dma_start3A_4 : memref<1x80xi32, #tpu.memory_space<vmem>> -> memref<80xi32, #tpu.memory_space<vmem>>
    %dma_start3A_6 = arith.constant 0 : i32
    %dma_start3A_7 = arith.constant 0 : i32
    %dma_start3A_8 = tpu.memref_slice %arg8[%dma_start3A_6, %dma_start3A_7] : memref<10240x128xf32, #tpu.memory_space<vmem_shared>> -> memref<10240x128xf32, #tpu.memory_space<vmem_shared>>
    tpu.enqueue_indirect_dma source(%arg7 : memref<80x128xf32, #tpu.memory_space<vmem>>) target(%dma_start3A_8 : memref<10240x128xf32, #tpu.memory_space<vmem_shared>>) offsets(%dma_start3A_5 : memref<80xi32, #tpu.memory_space<vmem>>) semaphore(%arg9 : memref<!tpu.dma_semaphore, #tpu.memory_space<semaphore_mem>>) {add = true}
    %dma_start3A_9 = arith.constant 1 : i32
    %dma_start3A_10 = arith.constant 0 : i32
    %dma_start3A_11 = tpu.memref_slice %arg6[%dma_start3A_9, %dma_start3A_10] : memref<125x80xi32, #tpu.memory_space<vmem>> -> memref<1x80xi32, #tpu.memory_space<vmem>>
    %dma_start3A_12 = tpu.memref_squeeze %dma_start3A_11 : memref<1x80xi32, #tpu.memory_space<vmem>> -> memref<80xi32, #tpu.memory_space<vmem>>
    %dma_start3A_13 = arith.constant 0 : i32
    %dma_start3A_14 = arith.constant 0 : i32
    %dma_start3A_15 = tpu.memref_slice %arg8[%dma_start3A_13, %dma_start3A_14] : memref<10240x128xf32, #tpu.memory_space<vmem_shared>> -> memref<10240x128xf32, #tpu.memory_space<vmem_shared>>
    tpu.enqueue_indirect_dma source(%arg7 : memref<80x128xf32, #tpu.memory_space<vmem>>) target(%dma_start3A_15 : memref<10240x128xf32, #tpu.memory_space<vmem_shared>>) offsets(%dma_start3A_12 : memref<80xi32, #tpu.memory_space<vmem>>) semaphore(%arg10 : memref<!tpu.dma_semaphore, #tpu.memory_space<semaphore_mem>>) {add = true}
    %dma_start3A_16 = arith.constant 2 : i32
    %dma_start3A_17 = arith.constant 0 : i32
    %dma_start3A_18 = tpu.memref_slice %arg6[%dma_start3A_16, %dma_start3A_17] : memref<125x80xi32, #tpu.memory_space<vmem>> -> memref<1x80xi32, #tpu.memory_space<vmem>>
    %dma_start3A_19 = tpu.memref_squeeze %dma_start3A_18 : memref<1x80xi32, #tpu.memory_space<vmem>> -> memref<80xi32, #tpu.memory_space<vmem>>
    %dma_start3A_20 = arith.constant 0 : i32
    %dma_start3A_21 = arith.constant 0 : i32
    %dma_start3A_22 = tpu.memref_slice %arg8[%dma_start3A_20, %dma_start3A_21] : memref<10240x128xf32, #tpu.memory_space<vmem_shared>> -> memref<10240x128xf32, #tpu.memory_space<vmem_shared>>
    tpu.enqueue_indirect_dma source(%arg7 : memref<80x128xf32, #tpu.memory_space<vmem>>) target(%dma_start3A_22 : memref<10240x128xf32, #tpu.memory_space<vmem_shared>>) offsets(%dma_start3A_19 : memref<80xi32, #tpu.memory_space<vmem>>) semaphore(%arg11 : memref<!tpu.dma_semaphore, #tpu.memory_space<semaphore_mem>>) {add = true}
    %dma_start3A_23 = arith.constant 3 : i32
    %dma_start3A_24 = arith.constant 0 : i32
    %dma_start3A_25 = tpu.memref_slice %arg6[%dma_start3A_23, %dma_start3A_24] : memref<125x80xi32, #tpu.memory_space<vmem>> -> memref<1x80xi32, #tpu.memory_space<vmem>>
    %dma_start3A_26 = tpu.memref_squeeze %dma_start3A_25 : memref<1x80xi32, #tpu.memory_space<vmem>> -> memref<80xi32, #tpu.memory_space<vmem>>
    %dma_start3A_27 = arith.constant 0 : i32
    %dma_start3A_28 = arith.constant 0 : i32
    %dma_start3A_29 = tpu.memref_slice %arg8[%dma_start3A_27, %dma_start3A_28] : memref<10240x128xf32, #tpu.memory_space<vmem_shared>> -> memref<10240x128xf32, #tpu.memory_space<vmem_shared>>
    tpu.enqueue_indirect_dma source(%arg7 : memref<80x128xf32, #tpu.memory_space<vmem>>) target(%dma_start3A_29 : memref<10240x128xf32, #tpu.memory_space<vmem_shared>>) offsets(%dma_start3A_26 : memref<80xi32, #tpu.memory_space<vmem>>) semaphore(%arg12 : memref<!tpu.dma_semaphore, #tpu.memory_space<semaphore_mem>>) {add = true}
    %scan3A = arith.constant 0 : i32
    %scan3A_30 = arith.constant 0 : i32
    %scan3A_31 = arith.constant 30 : i32
    %scan3A_32 = arith.addi %scan3A_30, %scan3A_31 : i32
    %scan3A_33 = arith.constant 1 : i32
    %scan3A_34 = scf.for %scan3A_78 = %scan3A_30 to %scan3A_32 step %scan3A_33 iter_args(%scan3A_79 = %scan3A) -> (i32)  : i32 {
      %mul3A_80 = arith.constant 4 : i32
      %mul3A_81 = arith.muli %scan3A_78, %mul3A_80 : i32
      %add3A_82 = arith.constant 4 : i32
      %add3A_83 = arith.addi %add3A_82, %mul3A_81 : i32
      %add3A_84 = arith.constant 0 : i32
      %add3A_85 = arith.addi %add3A_83, %add3A_84 : i32
      %sub3A = arith.constant 4 : i32
      %sub3A_86 = arith.subi %add3A_85, %sub3A : i32
      %dma_wait3A_87 = arith.constant 0 : i32
      %dma_wait3A_88 = tpu.memref_slice %arg6[%sub3A_86, %dma_wait3A_87] : memref<125x80xi32, #tpu.memory_space<vmem>> -> memref<1x80xi32, #tpu.memory_space<vmem>>
      %dma_wait3A_89 = tpu.memref_squeeze %dma_wait3A_88 : memref<1x80xi32, #tpu.memory_space<vmem>> -> memref<80xi32, #tpu.memory_space<vmem>>
      %dma_wait3A_90 = arith.constant 0 : i32
      %dma_wait3A_91 = arith.constant 0 : i32
      %dma_wait3A_92 = tpu.memref_slice %arg8[%dma_wait3A_90, %dma_wait3A_91] : memref<10240x128xf32, #tpu.memory_space<vmem_shared>> -> memref<10240x128xf32, #tpu.memory_space<vmem_shared>>
      tpu.wait_indirect_dma semaphore(%arg9 : memref<!tpu.dma_semaphore, #tpu.memory_space<semaphore_mem>>) src(%arg7 : memref<80x128xf32, #tpu.memory_space<vmem>>) dst(%dma_wait3A_92 : memref<10240x128xf32, #tpu.memory_space<vmem_shared>>)
      %add3A_93 = arith.constant 0 : i32
      %add3A_94 = arith.addi %add3A_83, %add3A_93 : i32
      %dma_start3A_95 = arith.constant 0 : i32
      %dma_start3A_96 = tpu.memref_slice %arg6[%add3A_94, %dma_start3A_95] : memref<125x80xi32, #tpu.memory_space<vmem>> -> memref<1x80xi32, #tpu.memory_space<vmem>>
      %dma_start3A_97 = tpu.memref_squeeze %dma_start3A_96 : memref<1x80xi32, #tpu.memory_space<vmem>> -> memref<80xi32, #tpu.memory_space<vmem>>
      %dma_start3A_98 = arith.constant 0 : i32
      %dma_start3A_99 = arith.constant 0 : i32
      %dma_start3A_100 = tpu.memref_slice %arg8[%dma_start3A_98, %dma_start3A_99] : memref<10240x128xf32, #tpu.memory_space<vmem_shared>> -> memref<10240x128xf32, #tpu.memory_space<vmem_shared>>
      tpu.enqueue_indirect_dma source(%arg7 : memref<80x128xf32, #tpu.memory_space<vmem>>) target(%dma_start3A_100 : memref<10240x128xf32, #tpu.memory_space<vmem_shared>>) offsets(%dma_start3A_97 : memref<80xi32, #tpu.memory_space<vmem>>) semaphore(%arg9 : memref<!tpu.dma_semaphore, #tpu.memory_space<semaphore_mem>>) {add = true}
      %add3A_101 = arith.constant 1 : i32
      %add3A_102 = arith.addi %add3A_83, %add3A_101 : i32
      %sub3A_103 = arith.constant 4 : i32
      %sub3A_104 = arith.subi %add3A_102, %sub3A_103 : i32
      %dma_wait3A_105 = arith.constant 0 : i32
      %dma_wait3A_106 = tpu.memref_slice %arg6[%sub3A_104, %dma_wait3A_105] : memref<125x80xi32, #tpu.memory_space<vmem>> -> memref<1x80xi32, #tpu.memory_space<vmem>>
      %dma_wait3A_107 = tpu.memref_squeeze %dma_wait3A_106 : memref<1x80xi32, #tpu.memory_space<vmem>> -> memref<80xi32, #tpu.memory_space<vmem>>
      %dma_wait3A_108 = arith.constant 0 : i32
      %dma_wait3A_109 = arith.constant 0 : i32
      %dma_wait3A_110 = tpu.memref_slice %arg8[%dma_wait3A_108, %dma_wait3A_109] : memref<10240x128xf32, #tpu.memory_space<vmem_shared>> -> memref<10240x128xf32, #tpu.memory_space<vmem_shared>>
      tpu.wait_indirect_dma semaphore(%arg10 : memref<!tpu.dma_semaphore, #tpu.memory_space<semaphore_mem>>) src(%arg7 : memref<80x128xf32, #tpu.memory_space<vmem>>) dst(%dma_wait3A_110 : memref<10240x128xf32, #tpu.memory_space<vmem_shared>>)
      %add3A_111 = arith.constant 1 : i32
      %add3A_112 = arith.addi %add3A_83, %add3A_111 : i32
      %dma_start3A_113 = arith.constant 0 : i32
      %dma_start3A_114 = tpu.memref_slice %arg6[%add3A_112, %dma_start3A_113] : memref<125x80xi32, #tpu.memory_space<vmem>> -> memref<1x80xi32, #tpu.memory_space<vmem>>
      %dma_start3A_115 = tpu.memref_squeeze %dma_start3A_114 : memref<1x80xi32, #tpu.memory_space<vmem>> -> memref<80xi32, #tpu.memory_space<vmem>>
      %dma_start3A_116 = arith.constant 0 : i32
      %dma_start3A_117 = arith.constant 0 : i32
      %dma_start3A_118 = tpu.memref_slice %arg8[%dma_start3A_116, %dma_start3A_117] : memref<10240x128xf32, #tpu.memory_space<vmem_shared>> -> memref<10240x128xf32, #tpu.memory_space<vmem_shared>>
      tpu.enqueue_indirect_dma source(%arg7 : memref<80x128xf32, #tpu.memory_space<vmem>>) target(%dma_start3A_118 : memref<10240x128xf32, #tpu.memory_space<vmem_shared>>) offsets(%dma_start3A_115 : memref<80xi32, #tpu.memory_space<vmem>>) semaphore(%arg10 : memref<!tpu.dma_semaphore, #tpu.memory_space<semaphore_mem>>) {add = true}
      %add3A_119 = arith.constant 2 : i32
      %add3A_120 = arith.addi %add3A_83, %add3A_119 : i32
      %sub3A_121 = arith.constant 4 : i32
      %sub3A_122 = arith.subi %add3A_120, %sub3A_121 : i32
      %dma_wait3A_123 = arith.constant 0 : i32
      %dma_wait3A_124 = tpu.memref_slice %arg6[%sub3A_122, %dma_wait3A_123] : memref<125x80xi32, #tpu.memory_space<vmem>> -> memref<1x80xi32, #tpu.memory_space<vmem>>
      %dma_wait3A_125 = tpu.memref_squeeze %dma_wait3A_124 : memref<1x80xi32, #tpu.memory_space<vmem>> -> memref<80xi32, #tpu.memory_space<vmem>>
      %dma_wait3A_126 = arith.constant 0 : i32
      %dma_wait3A_127 = arith.constant 0 : i32
      %dma_wait3A_128 = tpu.memref_slice %arg8[%dma_wait3A_126, %dma_wait3A_127] : memref<10240x128xf32, #tpu.memory_space<vmem_shared>> -> memref<10240x128xf32, #tpu.memory_space<vmem_shared>>
      tpu.wait_indirect_dma semaphore(%arg11 : memref<!tpu.dma_semaphore, #tpu.memory_space<semaphore_mem>>) src(%arg7 : memref<80x128xf32, #tpu.memory_space<vmem>>) dst(%dma_wait3A_128 : memref<10240x128xf32, #tpu.memory_space<vmem_shared>>)
      %add3A_129 = arith.constant 2 : i32
      %add3A_130 = arith.addi %add3A_83, %add3A_129 : i32
      %dma_start3A_131 = arith.constant 0 : i32
      %dma_start3A_132 = tpu.memref_slice %arg6[%add3A_130, %dma_start3A_131] : memref<125x80xi32, #tpu.memory_space<vmem>> -> memref<1x80xi32, #tpu.memory_space<vmem>>
      %dma_start3A_133 = tpu.memref_squeeze %dma_start3A_132 : memref<1x80xi32, #tpu.memory_space<vmem>> -> memref<80xi32, #tpu.memory_space<vmem>>
      %dma_start3A_134 = arith.constant 0 : i32
      %dma_start3A_135 = arith.constant 0 : i32
      %dma_start3A_136 = tpu.memref_slice %arg8[%dma_start3A_134, %dma_start3A_135] : memref<10240x128xf32, #tpu.memory_space<vmem_shared>> -> memref<10240x128xf32, #tpu.memory_space<vmem_shared>>
      tpu.enqueue_indirect_dma source(%arg7 : memref<80x128xf32, #tpu.memory_space<vmem>>) target(%dma_start3A_136 : memref<10240x128xf32, #tpu.memory_space<vmem_shared>>) offsets(%dma_start3A_133 : memref<80xi32, #tpu.memory_space<vmem>>) semaphore(%arg11 : memref<!tpu.dma_semaphore, #tpu.memory_space<semaphore_mem>>) {add = true}
      %add3A_137 = arith.constant 3 : i32
      %add3A_138 = arith.addi %add3A_83, %add3A_137 : i32
      %sub3A_139 = arith.constant 4 : i32
      %sub3A_140 = arith.subi %add3A_138, %sub3A_139 : i32
      %dma_wait3A_141 = arith.constant 0 : i32
      %dma_wait3A_142 = tpu.memref_slice %arg6[%sub3A_140, %dma_wait3A_141] : memref<125x80xi32, #tpu.memory_space<vmem>> -> memref<1x80xi32, #tpu.memory_space<vmem>>
      %dma_wait3A_143 = tpu.memref_squeeze %dma_wait3A_142 : memref<1x80xi32, #tpu.memory_space<vmem>> -> memref<80xi32, #tpu.memory_space<vmem>>
      %dma_wait3A_144 = arith.constant 0 : i32
      %dma_wait3A_145 = arith.constant 0 : i32
      %dma_wait3A_146 = tpu.memref_slice %arg8[%dma_wait3A_144, %dma_wait3A_145] : memref<10240x128xf32, #tpu.memory_space<vmem_shared>> -> memref<10240x128xf32, #tpu.memory_space<vmem_shared>>
      tpu.wait_indirect_dma semaphore(%arg12 : memref<!tpu.dma_semaphore, #tpu.memory_space<semaphore_mem>>) src(%arg7 : memref<80x128xf32, #tpu.memory_space<vmem>>) dst(%dma_wait3A_146 : memref<10240x128xf32, #tpu.memory_space<vmem_shared>>)
      %add3A_147 = arith.constant 3 : i32
      %add3A_148 = arith.addi %add3A_83, %add3A_147 : i32
      %dma_start3A_149 = arith.constant 0 : i32
      %dma_start3A_150 = tpu.memref_slice %arg6[%add3A_148, %dma_start3A_149] : memref<125x80xi32, #tpu.memory_space<vmem>> -> memref<1x80xi32, #tpu.memory_space<vmem>>
      %dma_start3A_151 = tpu.memref_squeeze %dma_start3A_150 : memref<1x80xi32, #tpu.memory_space<vmem>> -> memref<80xi32, #tpu.memory_space<vmem>>
      %dma_start3A_152 = arith.constant 0 : i32
      %dma_start3A_153 = arith.constant 0 : i32
      %dma_start3A_154 = tpu.memref_slice %arg8[%dma_start3A_152, %dma_start3A_153] : memref<10240x128xf32, #tpu.memory_space<vmem_shared>> -> memref<10240x128xf32, #tpu.memory_space<vmem_shared>>
      tpu.enqueue_indirect_dma source(%arg7 : memref<80x128xf32, #tpu.memory_space<vmem>>) target(%dma_start3A_154 : memref<10240x128xf32, #tpu.memory_space<vmem_shared>>) offsets(%dma_start3A_151 : memref<80xi32, #tpu.memory_space<vmem>>) semaphore(%arg12 : memref<!tpu.dma_semaphore, #tpu.memory_space<semaphore_mem>>) {add = true}
      %scan3A_155 = arith.constant 0 : i32
      scf.yield %scan3A_155 : i32
    }
    %scan3A_35 = arith.constant 30 : i32
    %dma_wait3A = arith.constant 120 : i32
    %dma_wait3A_36 = arith.constant 0 : i32
    %dma_wait3A_37 = tpu.memref_slice %arg6[%dma_wait3A, %dma_wait3A_36] : memref<125x80xi32, #tpu.memory_space<vmem>> -> memref<1x80xi32, #tpu.memory_space<vmem>>
    %dma_wait3A_38 = tpu.memref_squeeze %dma_wait3A_37 : memref<1x80xi32, #tpu.memory_space<vmem>> -> memref<80xi32, #tpu.memory_space<vmem>>
    %dma_wait3A_39 = arith.constant 0 : i32
    %dma_wait3A_40 = arith.constant 0 : i32
    %dma_wait3A_41 = tpu.memref_slice %arg8[%dma_wait3A_39, %dma_wait3A_40] : memref<10240x128xf32, #tpu.memory_space<vmem_shared>> -> memref<10240x128xf32, #tpu.memory_space<vmem_shared>>
    tpu.wait_indirect_dma semaphore(%arg9 : memref<!tpu.dma_semaphore, #tpu.memory_space<semaphore_mem>>) src(%arg7 : memref<80x128xf32, #tpu.memory_space<vmem>>) dst(%dma_wait3A_41 : memref<10240x128xf32, #tpu.memory_space<vmem_shared>>)
    %dma_start3A_42 = arith.constant 124 : i32
    %dma_start3A_43 = arith.constant 0 : i32
    %dma_start3A_44 = tpu.memref_slice %arg6[%dma_start3A_42, %dma_start3A_43] : memref<125x80xi32, #tpu.memory_space<vmem>> -> memref<1x80xi32, #tpu.memory_space<vmem>>
    %dma_start3A_45 = tpu.memref_squeeze %dma_start3A_44 : memref<1x80xi32, #tpu.memory_space<vmem>> -> memref<80xi32, #tpu.memory_space<vmem>>
    %dma_start3A_46 = arith.constant 0 : i32
    %dma_start3A_47 = arith.constant 0 : i32
    %dma_start3A_48 = tpu.memref_slice %arg8[%dma_start3A_46, %dma_start3A_47] : memref<10240x128xf32, #tpu.memory_space<vmem_shared>> -> memref<10240x128xf32, #tpu.memory_space<vmem_shared>>
    tpu.enqueue_indirect_dma source(%arg7 : memref<80x128xf32, #tpu.memory_space<vmem>>) target(%dma_start3A_48 : memref<10240x128xf32, #tpu.memory_space<vmem_shared>>) offsets(%dma_start3A_45 : memref<80xi32, #tpu.memory_space<vmem>>) semaphore(%arg9 : memref<!tpu.dma_semaphore, #tpu.memory_space<semaphore_mem>>) {add = true}
    %dma_wait3A_49 = arith.constant 121 : i32
    %dma_wait3A_50 = arith.constant 0 : i32
    %dma_wait3A_51 = tpu.memref_slice %arg6[%dma_wait3A_49, %dma_wait3A_50] : memref<125x80xi32, #tpu.memory_space<vmem>> -> memref<1x80xi32, #tpu.memory_space<vmem>>
    %dma_wait3A_52 = tpu.memref_squeeze %dma_wait3A_51 : memref<1x80xi32, #tpu.memory_space<vmem>> -> memref<80xi32, #tpu.memory_space<vmem>>
    %dma_wait3A_53 = arith.constant 0 : i32
    %dma_wait3A_54 = arith.constant 0 : i32
    %dma_wait3A_55 = tpu.memref_slice %arg8[%dma_wait3A_53, %dma_wait3A_54] : memref<10240x128xf32, #tpu.memory_space<vmem_shared>> -> memref<10240x128xf32, #tpu.memory_space<vmem_shared>>
    tpu.wait_indirect_dma semaphore(%arg10 : memref<!tpu.dma_semaphore, #tpu.memory_space<semaphore_mem>>) src(%arg7 : memref<80x128xf32, #tpu.memory_space<vmem>>) dst(%dma_wait3A_55 : memref<10240x128xf32, #tpu.memory_space<vmem_shared>>)
    %dma_wait3A_56 = arith.constant 122 : i32
    %dma_wait3A_57 = arith.constant 0 : i32
    %dma_wait3A_58 = tpu.memref_slice %arg6[%dma_wait3A_56, %dma_wait3A_57] : memref<125x80xi32, #tpu.memory_space<vmem>> -> memref<1x80xi32, #tpu.memory_space<vmem>>
    %dma_wait3A_59 = tpu.memref_squeeze %dma_wait3A_58 : memref<1x80xi32, #tpu.memory_space<vmem>> -> memref<80xi32, #tpu.memory_space<vmem>>
    %dma_wait3A_60 = arith.constant 0 : i32
    %dma_wait3A_61 = arith.constant 0 : i32
    %dma_wait3A_62 = tpu.memref_slice %arg8[%dma_wait3A_60, %dma_wait3A_61] : memref<10240x128xf32, #tpu.memory_space<vmem_shared>> -> memref<10240x128xf32, #tpu.memory_space<vmem_shared>>
    tpu.wait_indirect_dma semaphore(%arg11 : memref<!tpu.dma_semaphore, #tpu.memory_space<semaphore_mem>>) src(%arg7 : memref<80x128xf32, #tpu.memory_space<vmem>>) dst(%dma_wait3A_62 : memref<10240x128xf32, #tpu.memory_space<vmem_shared>>)
    %dma_wait3A_63 = arith.constant 123 : i32
    %dma_wait3A_64 = arith.constant 0 : i32
    %dma_wait3A_65 = tpu.memref_slice %arg6[%dma_wait3A_63, %dma_wait3A_64] : memref<125x80xi32, #tpu.memory_space<vmem>> -> memref<1x80xi32, #tpu.memory_space<vmem>>
    %dma_wait3A_66 = tpu.memref_squeeze %dma_wait3A_65 : memref<1x80xi32, #tpu.memory_space<vmem>> -> memref<80xi32, #tpu.memory_space<vmem>>
    %dma_wait3A_67 = arith.constant 0 : i32
    %dma_wait3A_68 = arith.constant 0 : i32
    %dma_wait3A_69 = tpu.memref_slice %arg8[%dma_wait3A_67, %dma_wait3A_68] : memref<10240x128xf32, #tpu.memory_space<vmem_shared>> -> memref<10240x128xf32, #tpu.memory_space<vmem_shared>>
    tpu.wait_indirect_dma semaphore(%arg12 : memref<!tpu.dma_semaphore, #tpu.memory_space<semaphore_mem>>) src(%arg7 : memref<80x128xf32, #tpu.memory_space<vmem>>) dst(%dma_wait3A_69 : memref<10240x128xf32, #tpu.memory_space<vmem_shared>>)
    %dma_wait3A_70 = arith.constant 124 : i32
    %dma_wait3A_71 = arith.constant 0 : i32
    %dma_wait3A_72 = tpu.memref_slice %arg6[%dma_wait3A_70, %dma_wait3A_71] : memref<125x80xi32, #tpu.memory_space<vmem>> -> memref<1x80xi32, #tpu.memory_space<vmem>>
    %dma_wait3A_73 = tpu.memref_squeeze %dma_wait3A_72 : memref<1x80xi32, #tpu.memory_space<vmem>> -> memref<80xi32, #tpu.memory_space<vmem>>
    %dma_wait3A_74 = arith.constant 0 : i32
    %dma_wait3A_75 = arith.constant 0 : i32
    %dma_wait3A_76 = tpu.memref_slice %arg8[%dma_wait3A_74, %dma_wait3A_75] : memref<10240x128xf32, #tpu.memory_space<vmem_shared>> -> memref<10240x128xf32, #tpu.memory_space<vmem_shared>>
    tpu.wait_indirect_dma semaphore(%arg9 : memref<!tpu.dma_semaphore, #tpu.memory_space<semaphore_mem>>) src(%arg7 : memref<80x128xf32, #tpu.memory_space<vmem>>) dst(%dma_wait3A_76 : memref<10240x128xf32, #tpu.memory_space<vmem_shared>>)
    %barrier3A_77 = arith.constant 0 : index
    tpu.barrier barrier_id(%barrier3A_77)
    "tpu.region"() ({
      %run_scoped3A = tpu.sem_alloc : memref<!tpu.dma_semaphore, #tpu.memory_space<semaphore_mem>>
      %dma_start3A_78 = arith.constant 0 : i32
      %dma_start3A_79 = arith.constant 0 : i32
      %dma_start3A_80 = tpu.memref_slice %arg5[%arg0, %dma_start3A_78, %dma_start3A_79] : memref<2x10240x128xf32, #tpu.memory_space<hbm>> -> memref<1x10240x128xf32, #tpu.memory_space<hbm>>
      %dma_start3A_81 = tpu.memref_squeeze %dma_start3A_80 : memref<1x10240x128xf32, #tpu.memory_space<hbm>> -> memref<10240x128xf32, #tpu.memory_space<hbm>>
      %dma_start3A_82 = arith.constant 0 : i32
      %dma_start3A_83 = tpu.memref_slice %dma_start3A_81[%mul3A_2, %dma_start3A_82] : memref<10240x128xf32, #tpu.memory_space<hbm>> -> memref<640x128xf32, #tpu.memory_space<hbm>>
      %dma_start3A_84 = arith.constant 0 : i32
      %dma_start3A_85 = tpu.memref_slice %arg8[%mul3A_2, %dma_start3A_84] : memref<10240x128xf32, #tpu.memory_space<vmem_shared>> -> memref<640x128xf32, #tpu.memory_space<vmem_shared>>
      tpu.enqueue_dma source(%dma_start3A_85 : memref<640x128xf32, #tpu.memory_space<vmem_shared>>) target(%dma_start3A_83 : memref<640x128xf32, #tpu.memory_space<hbm>>) target_semaphore(%run_scoped3A : memref<!tpu.dma_semaphore, #tpu.memory_space<semaphore_mem>>)
      %dma_wait3A_86 = arith.constant 0 : i32
      %dma_wait3A_87 = arith.constant 0 : i32
      %dma_wait3A_88 = tpu.memref_slice %arg5[%arg0, %dma_wait3A_86, %dma_wait3A_87] : memref<2x10240x128xf32, #tpu.memory_space<hbm>> -> memref<1x10240x128xf32, #tpu.memory_space<hbm>>
      %dma_wait3A_89 = tpu.memref_squeeze %dma_wait3A_88 : memref<1x10240x128xf32, #tpu.memory_space<hbm>> -> memref<10240x128xf32, #tpu.memory_space<hbm>>
      %dma_wait3A_90 = arith.constant 0 : i32
      %dma_wait3A_91 = tpu.memref_slice %dma_wait3A_89[%mul3A_2, %dma_wait3A_90] : memref<10240x128xf32, #tpu.memory_space<hbm>> -> memref<640x128xf32, #tpu.memory_space<hbm>>
      %dma_wait3A_92 = arith.constant 0 : i32
      %dma_wait3A_93 = tpu.memref_slice %arg8[%mul3A_2, %dma_wait3A_92] : memref<10240x128xf32, #tpu.memory_space<vmem_shared>> -> memref<640x128xf32, #tpu.memory_space<vmem_shared>>
      tpu.wait_dma2 semaphore(%run_scoped3A : memref<!tpu.dma_semaphore, #tpu.memory_space<semaphore_mem>>) src(%dma_wait3A_93 : memref<640x128xf32, #tpu.memory_space<vmem_shared>>) dst(%dma_wait3A_91 : memref<640x128xf32, #tpu.memory_space<hbm>>)
      tpu.yield
    }) : () -> ()
    return
  }
}

#map = affine_map<(d0, d1) -> (0, 0)>
#map1 = affine_map<(d0, d1) -> (0, 0, 0)>
module attributes {stable_mosaic.version = 14 : i64} {
  func.func @body(%arg0: i32, %arg1: i32, %arg2: memref<10000x128xf32, #tpu.memory_space<hbm>>, %arg3: memref<32x1x10000xi32, #tpu.memory_space<hbm>>, %arg4: memref<32x125x80xi32, #tpu.memory_space<hbm>>, %arg5: memref<640x128xf32, #tpu.memory_space<hbm>>, %arg6: memref<2x10240x128xf32, #tpu.memory_space<hbm>>, %arg7: memref<6x80xi32, #tpu.memory_space<vmem>>, %arg8: memref<125x80xi32, #tpu.memory_space<vmem>>, %arg9: memref<80x128xf32, #tpu.memory_space<vmem>>, %arg10: memref<80x128xf32, #tpu.memory_space<vmem>>, %arg11: memref<80x128xf32, #tpu.memory_space<vmem>>, %arg12: memref<10240x128xf32, #tpu.memory_space<vmem_shared>>, %arg13: memref<!tpu.dma_semaphore, #tpu.memory_space<semaphore_mem>>, %arg14: memref<!tpu.dma_semaphore, #tpu.memory_space<semaphore_mem>>, %arg15: memref<!tpu.dma_semaphore, #tpu.memory_space<semaphore_mem>>, %arg16: memref<!tpu.dma_semaphore, #tpu.memory_space<semaphore_mem>>, %arg17: memref<!tpu.dma_semaphore, #tpu.memory_space<semaphore_mem>>, %arg18: memref<!tpu.dma_semaphore, #tpu.memory_space<semaphore_mem>>, %arg19: memref<!tpu.dma_semaphore, #tpu.memory_space<semaphore_mem>>, %arg20: memref<!tpu.dma_semaphore, #tpu.memory_space<semaphore_mem>>, %arg21: memref<!tpu.dma_semaphore, #tpu.memory_space<semaphore_mem>>, %arg22: memref<!tpu.dma_semaphore, #tpu.memory_space<semaphore_mem>>, %arg23: memref<!tpu.dma_semaphore, #tpu.memory_space<semaphore_mem>>, %arg24: memref<!tpu.dma_semaphore, #tpu.memory_space<semaphore_mem>>) attributes {dimension_semantics = [#tpu.dimension_semantics<core_parallel>, #tpu.dimension_semantics<subcore_parallel>], iteration_bounds = array<i64: 2, 16>, scalar_prefetch = 0 : i64, scratch_operands = 18 : i64, tpu.core_type = #tpu.core_type<sc_vector_subcore>, window_params = [{transform_indices = #map}, {transform_indices = #map1}, {transform_indices = #map1}, {transform_indices = #map}, {transform_indices = #map1}]} {
    %mul3A = arith.constant 16 : i32
    %mul3A_0 = arith.muli %arg0, %mul3A : i32
    %add3A = arith.addi %mul3A_0, %arg1 : i32
    %mul3A_1 = arith.constant 640 : i32
    %mul3A_2 = arith.muli %arg1, %mul3A_1 : i32
    "tpu.region"() ({
      %run_scoped3A = tpu.sem_alloc : memref<!tpu.dma_semaphore, #tpu.memory_space<semaphore_mem>>
      %dma_start3A_442 = arith.constant 0 : i32
      %dma_start3A_443 = tpu.memref_slice %arg12[%mul3A_2, %dma_start3A_442] : memref<10240x128xf32, #tpu.memory_space<vmem_shared>> -> memref<640x128xf32, #tpu.memory_space<vmem_shared>>
      tpu.enqueue_dma source(%arg5 : memref<640x128xf32, #tpu.memory_space<hbm>>) target(%dma_start3A_443 : memref<640x128xf32, #tpu.memory_space<vmem_shared>>) target_semaphore(%run_scoped3A : memref<!tpu.dma_semaphore, #tpu.memory_space<semaphore_mem>>)
      %dma_wait3A_444 = arith.constant 0 : i32
      %dma_wait3A_445 = tpu.memref_slice %arg12[%mul3A_2, %dma_wait3A_444] : memref<10240x128xf32, #tpu.memory_space<vmem_shared>> -> memref<640x128xf32, #tpu.memory_space<vmem_shared>>
      tpu.wait_dma2 semaphore(%run_scoped3A : memref<!tpu.dma_semaphore, #tpu.memory_space<semaphore_mem>>) src(%arg5 : memref<640x128xf32, #tpu.memory_space<hbm>>) dst(%dma_wait3A_445 : memref<640x128xf32, #tpu.memory_space<vmem_shared>>)
      tpu.yield
    }) : () -> ()
    "tpu.region"() ({
      %run_scoped3A = tpu.sem_alloc : memref<!tpu.dma_semaphore, #tpu.memory_space<semaphore_mem>>
      %dma_start3A_442 = arith.constant 0 : i32
      %dma_start3A_443 = arith.constant 0 : i32
      %dma_start3A_444 = tpu.memref_slice %arg4[%add3A, %dma_start3A_442, %dma_start3A_443] : memref<32x125x80xi32, #tpu.memory_space<hbm>> -> memref<1x125x80xi32, #tpu.memory_space<hbm>>
      %dma_start3A_445 = tpu.memref_squeeze %dma_start3A_444 : memref<1x125x80xi32, #tpu.memory_space<hbm>> -> memref<125x80xi32, #tpu.memory_space<hbm>>
      %dma_start3A_446 = arith.constant 0 : i32
      %dma_start3A_447 = arith.constant 0 : i32
      %dma_start3A_448 = tpu.memref_slice %arg4[%add3A, %dma_start3A_446, %dma_start3A_447] : memref<32x125x80xi32, #tpu.memory_space<hbm>> -> memref<1x125x80xi32, #tpu.memory_space<hbm>>
      %dma_start3A_449 = tpu.memref_squeeze %dma_start3A_448 : memref<1x125x80xi32, #tpu.memory_space<hbm>> -> memref<125x80xi32, #tpu.memory_space<hbm>>
      tpu.enqueue_dma source(%dma_start3A_449 : memref<125x80xi32, #tpu.memory_space<hbm>>) target(%arg8 : memref<125x80xi32, #tpu.memory_space<vmem>>) target_semaphore(%run_scoped3A : memref<!tpu.dma_semaphore, #tpu.memory_space<semaphore_mem>>)
      %dma_wait3A_450 = arith.constant 0 : i32
      %dma_wait3A_451 = arith.constant 0 : i32
      %dma_wait3A_452 = tpu.memref_slice %arg4[%add3A, %dma_wait3A_450, %dma_wait3A_451] : memref<32x125x80xi32, #tpu.memory_space<hbm>> -> memref<1x125x80xi32, #tpu.memory_space<hbm>>
      %dma_wait3A_453 = tpu.memref_squeeze %dma_wait3A_452 : memref<1x125x80xi32, #tpu.memory_space<hbm>> -> memref<125x80xi32, #tpu.memory_space<hbm>>
      %dma_wait3A_454 = arith.constant 0 : i32
      %dma_wait3A_455 = arith.constant 0 : i32
      %dma_wait3A_456 = tpu.memref_slice %arg4[%add3A, %dma_wait3A_454, %dma_wait3A_455] : memref<32x125x80xi32, #tpu.memory_space<hbm>> -> memref<1x125x80xi32, #tpu.memory_space<hbm>>
      %dma_wait3A_457 = tpu.memref_squeeze %dma_wait3A_456 : memref<1x125x80xi32, #tpu.memory_space<hbm>> -> memref<125x80xi32, #tpu.memory_space<hbm>>
      tpu.wait_dma2 semaphore(%run_scoped3A : memref<!tpu.dma_semaphore, #tpu.memory_space<semaphore_mem>>) src(%dma_wait3A_457 : memref<125x80xi32, #tpu.memory_space<hbm>>) dst(%arg8 : memref<125x80xi32, #tpu.memory_space<vmem>>)
      tpu.yield
    }) : () -> ()
    %barrier3A = arith.constant 0 : index
    tpu.barrier barrier_id(%barrier3A)
    %dma_start3A = arith.constant 0 : i32
    %dma_start3A_3 = arith.constant 0 : i32
    %dma_start3A_4 = arith.constant 0 : i32
    %dma_start3A_5 = tpu.memref_slice %arg7[%dma_start3A_3, %dma_start3A_4] : memref<6x80xi32, #tpu.memory_space<vmem>> -> memref<1x80xi32, #tpu.memory_space<vmem>>
    %dma_start3A_6 = tpu.memref_squeeze %dma_start3A_5 : memref<1x80xi32, #tpu.memory_space<vmem>> -> memref<80xi32, #tpu.memory_space<vmem>>
    %dma_start3A_7 = arith.constant 0 : i32
    %dma_start3A_8 = arith.constant 0 : i32
    %dma_start3A_9 = tpu.memref_slice %arg3[%add3A, %dma_start3A_7, %dma_start3A_8] : memref<32x1x10000xi32, #tpu.memory_space<hbm>> -> memref<1x1x10000xi32, #tpu.memory_space<hbm>>
    %dma_start3A_10 = tpu.memref_squeeze %dma_start3A_9 : memref<1x1x10000xi32, #tpu.memory_space<hbm>> -> memref<1x10000xi32, #tpu.memory_space<hbm>>
    %dma_start3A_11 = arith.constant 0 : i32
    %dma_start3A_12 = tpu.memref_slice %dma_start3A_10[%dma_start3A, %dma_start3A_11] : memref<1x10000xi32, #tpu.memory_space<hbm>> -> memref<1x10000xi32, #tpu.memory_space<hbm>>
    %dma_start3A_13 = tpu.memref_squeeze %dma_start3A_12 : memref<1x10000xi32, #tpu.memory_space<hbm>> -> memref<10000xi32, #tpu.memory_space<hbm>>
    %dma_start3A_14 = arith.constant 0 : i32
    %dma_start3A_15 = tpu.memref_slice %dma_start3A_13[%dma_start3A_14] : memref<10000xi32, #tpu.memory_space<hbm>> -> memref<80xi32, #tpu.memory_space<hbm>>
    %dma_start3A_16 = arith.constant 0 : i32
    %dma_start3A_17 = tpu.memref_slice %arg7[%dma_start3A_3, %dma_start3A_16] : memref<6x80xi32, #tpu.memory_space<vmem>> -> memref<1x80xi32, #tpu.memory_space<vmem>>
    %dma_start3A_18 = tpu.memref_squeeze %dma_start3A_17 : memref<1x80xi32, #tpu.memory_space<vmem>> -> memref<80xi32, #tpu.memory_space<vmem>>
    %dma_start3A_19 = arith.constant 0 : i32
    %dma_start3A_20 = arith.constant 0 : i32
    %dma_start3A_21 = tpu.memref_slice %arg3[%add3A, %dma_start3A_19, %dma_start3A_20] : memref<32x1x10000xi32, #tpu.memory_space<hbm>> -> memref<1x1x10000xi32, #tpu.memory_space<hbm>>
    %dma_start3A_22 = tpu.memref_squeeze %dma_start3A_21 : memref<1x1x10000xi32, #tpu.memory_space<hbm>> -> memref<1x10000xi32, #tpu.memory_space<hbm>>
    %dma_start3A_23 = arith.constant 0 : i32
    %dma_start3A_24 = tpu.memref_slice %dma_start3A_22[%dma_start3A, %dma_start3A_23] : memref<1x10000xi32, #tpu.memory_space<hbm>> -> memref<1x10000xi32, #tpu.memory_space<hbm>>
    %dma_start3A_25 = tpu.memref_squeeze %dma_start3A_24 : memref<1x10000xi32, #tpu.memory_space<hbm>> -> memref<10000xi32, #tpu.memory_space<hbm>>
    %dma_start3A_26 = arith.constant 0 : i32
    %dma_start3A_27 = tpu.memref_slice %dma_start3A_25[%dma_start3A_26] : memref<10000xi32, #tpu.memory_space<hbm>> -> memref<80xi32, #tpu.memory_space<hbm>>
    tpu.enqueue_dma source(%dma_start3A_27 : memref<80xi32, #tpu.memory_space<hbm>>) target(%dma_start3A_18 : memref<80xi32, #tpu.memory_space<vmem>>) target_semaphore(%arg13 : memref<!tpu.dma_semaphore, #tpu.memory_space<semaphore_mem>>)
    %dma_start3A_28 = arith.constant 0 : i32
    %dma_start3A_29 = arith.constant 1 : i32
    %dma_start3A_30 = arith.constant 0 : i32
    %dma_start3A_31 = tpu.memref_slice %arg7[%dma_start3A_29, %dma_start3A_30] : memref<6x80xi32, #tpu.memory_space<vmem>> -> memref<1x80xi32, #tpu.memory_space<vmem>>
    %dma_start3A_32 = tpu.memref_squeeze %dma_start3A_31 : memref<1x80xi32, #tpu.memory_space<vmem>> -> memref<80xi32, #tpu.memory_space<vmem>>
    %dma_start3A_33 = arith.constant 0 : i32
    %dma_start3A_34 = arith.constant 0 : i32
    %dma_start3A_35 = tpu.memref_slice %arg3[%add3A, %dma_start3A_33, %dma_start3A_34] : memref<32x1x10000xi32, #tpu.memory_space<hbm>> -> memref<1x1x10000xi32, #tpu.memory_space<hbm>>
    %dma_start3A_36 = tpu.memref_squeeze %dma_start3A_35 : memref<1x1x10000xi32, #tpu.memory_space<hbm>> -> memref<1x10000xi32, #tpu.memory_space<hbm>>
    %dma_start3A_37 = arith.constant 0 : i32
    %dma_start3A_38 = tpu.memref_slice %dma_start3A_36[%dma_start3A_28, %dma_start3A_37] : memref<1x10000xi32, #tpu.memory_space<hbm>> -> memref<1x10000xi32, #tpu.memory_space<hbm>>
    %dma_start3A_39 = tpu.memref_squeeze %dma_start3A_38 : memref<1x10000xi32, #tpu.memory_space<hbm>> -> memref<10000xi32, #tpu.memory_space<hbm>>
    %dma_start3A_40 = arith.constant 80 : i32
    %dma_start3A_41 = tpu.memref_slice %dma_start3A_39[%dma_start3A_40] : memref<10000xi32, #tpu.memory_space<hbm>> -> memref<80xi32, #tpu.memory_space<hbm>>
    %dma_start3A_42 = arith.constant 0 : i32
    %dma_start3A_43 = tpu.memref_slice %arg7[%dma_start3A_29, %dma_start3A_42] : memref<6x80xi32, #tpu.memory_space<vmem>> -> memref<1x80xi32, #tpu.memory_space<vmem>>
    %dma_start3A_44 = tpu.memref_squeeze %dma_start3A_43 : memref<1x80xi32, #tpu.memory_space<vmem>> -> memref<80xi32, #tpu.memory_space<vmem>>
    %dma_start3A_45 = arith.constant 0 : i32
    %dma_start3A_46 = arith.constant 0 : i32
    %dma_start3A_47 = tpu.memref_slice %arg3[%add3A, %dma_start3A_45, %dma_start3A_46] : memref<32x1x10000xi32, #tpu.memory_space<hbm>> -> memref<1x1x10000xi32, #tpu.memory_space<hbm>>
    %dma_start3A_48 = tpu.memref_squeeze %dma_start3A_47 : memref<1x1x10000xi32, #tpu.memory_space<hbm>> -> memref<1x10000xi32, #tpu.memory_space<hbm>>
    %dma_start3A_49 = arith.constant 0 : i32
    %dma_start3A_50 = tpu.memref_slice %dma_start3A_48[%dma_start3A_28, %dma_start3A_49] : memref<1x10000xi32, #tpu.memory_space<hbm>> -> memref<1x10000xi32, #tpu.memory_space<hbm>>
    %dma_start3A_51 = tpu.memref_squeeze %dma_start3A_50 : memref<1x10000xi32, #tpu.memory_space<hbm>> -> memref<10000xi32, #tpu.memory_space<hbm>>
    %dma_start3A_52 = arith.constant 80 : i32
    %dma_start3A_53 = tpu.memref_slice %dma_start3A_51[%dma_start3A_52] : memref<10000xi32, #tpu.memory_space<hbm>> -> memref<80xi32, #tpu.memory_space<hbm>>
    tpu.enqueue_dma source(%dma_start3A_53 : memref<80xi32, #tpu.memory_space<hbm>>) target(%dma_start3A_44 : memref<80xi32, #tpu.memory_space<vmem>>) target_semaphore(%arg14 : memref<!tpu.dma_semaphore, #tpu.memory_space<semaphore_mem>>)
    %dma_start3A_54 = arith.constant 0 : i32
    %dma_start3A_55 = arith.constant 2 : i32
    %dma_start3A_56 = arith.constant 0 : i32
    %dma_start3A_57 = tpu.memref_slice %arg7[%dma_start3A_55, %dma_start3A_56] : memref<6x80xi32, #tpu.memory_space<vmem>> -> memref<1x80xi32, #tpu.memory_space<vmem>>
    %dma_start3A_58 = tpu.memref_squeeze %dma_start3A_57 : memref<1x80xi32, #tpu.memory_space<vmem>> -> memref<80xi32, #tpu.memory_space<vmem>>
    %dma_start3A_59 = arith.constant 0 : i32
    %dma_start3A_60 = arith.constant 0 : i32
    %dma_start3A_61 = tpu.memref_slice %arg3[%add3A, %dma_start3A_59, %dma_start3A_60] : memref<32x1x10000xi32, #tpu.memory_space<hbm>> -> memref<1x1x10000xi32, #tpu.memory_space<hbm>>
    %dma_start3A_62 = tpu.memref_squeeze %dma_start3A_61 : memref<1x1x10000xi32, #tpu.memory_space<hbm>> -> memref<1x10000xi32, #tpu.memory_space<hbm>>
    %dma_start3A_63 = arith.constant 0 : i32
    %dma_start3A_64 = tpu.memref_slice %dma_start3A_62[%dma_start3A_54, %dma_start3A_63] : memref<1x10000xi32, #tpu.memory_space<hbm>> -> memref<1x10000xi32, #tpu.memory_space<hbm>>
    %dma_start3A_65 = tpu.memref_squeeze %dma_start3A_64 : memref<1x10000xi32, #tpu.memory_space<hbm>> -> memref<10000xi32, #tpu.memory_space<hbm>>
    %dma_start3A_66 = arith.constant 160 : i32
    %dma_start3A_67 = tpu.memref_slice %dma_start3A_65[%dma_start3A_66] : memref<10000xi32, #tpu.memory_space<hbm>> -> memref<80xi32, #tpu.memory_space<hbm>>
    %dma_start3A_68 = arith.constant 0 : i32
    %dma_start3A_69 = tpu.memref_slice %arg7[%dma_start3A_55, %dma_start3A_68] : memref<6x80xi32, #tpu.memory_space<vmem>> -> memref<1x80xi32, #tpu.memory_space<vmem>>
    %dma_start3A_70 = tpu.memref_squeeze %dma_start3A_69 : memref<1x80xi32, #tpu.memory_space<vmem>> -> memref<80xi32, #tpu.memory_space<vmem>>
    %dma_start3A_71 = arith.constant 0 : i32
    %dma_start3A_72 = arith.constant 0 : i32
    %dma_start3A_73 = tpu.memref_slice %arg3[%add3A, %dma_start3A_71, %dma_start3A_72] : memref<32x1x10000xi32, #tpu.memory_space<hbm>> -> memref<1x1x10000xi32, #tpu.memory_space<hbm>>
    %dma_start3A_74 = tpu.memref_squeeze %dma_start3A_73 : memref<1x1x10000xi32, #tpu.memory_space<hbm>> -> memref<1x10000xi32, #tpu.memory_space<hbm>>
    %dma_start3A_75 = arith.constant 0 : i32
    %dma_start3A_76 = tpu.memref_slice %dma_start3A_74[%dma_start3A_54, %dma_start3A_75] : memref<1x10000xi32, #tpu.memory_space<hbm>> -> memref<1x10000xi32, #tpu.memory_space<hbm>>
    %dma_start3A_77 = tpu.memref_squeeze %dma_start3A_76 : memref<1x10000xi32, #tpu.memory_space<hbm>> -> memref<10000xi32, #tpu.memory_space<hbm>>
    %dma_start3A_78 = arith.constant 160 : i32
    %dma_start3A_79 = tpu.memref_slice %dma_start3A_77[%dma_start3A_78] : memref<10000xi32, #tpu.memory_space<hbm>> -> memref<80xi32, #tpu.memory_space<hbm>>
    tpu.enqueue_dma source(%dma_start3A_79 : memref<80xi32, #tpu.memory_space<hbm>>) target(%dma_start3A_70 : memref<80xi32, #tpu.memory_space<vmem>>) target_semaphore(%arg15 : memref<!tpu.dma_semaphore, #tpu.memory_space<semaphore_mem>>)
    %dma_start3A_80 = arith.constant 0 : i32
    %dma_start3A_81 = arith.constant 3 : i32
    %dma_start3A_82 = arith.constant 0 : i32
    %dma_start3A_83 = tpu.memref_slice %arg7[%dma_start3A_81, %dma_start3A_82] : memref<6x80xi32, #tpu.memory_space<vmem>> -> memref<1x80xi32, #tpu.memory_space<vmem>>
    %dma_start3A_84 = tpu.memref_squeeze %dma_start3A_83 : memref<1x80xi32, #tpu.memory_space<vmem>> -> memref<80xi32, #tpu.memory_space<vmem>>
    %dma_start3A_85 = arith.constant 0 : i32
    %dma_start3A_86 = arith.constant 0 : i32
    %dma_start3A_87 = tpu.memref_slice %arg3[%add3A, %dma_start3A_85, %dma_start3A_86] : memref<32x1x10000xi32, #tpu.memory_space<hbm>> -> memref<1x1x10000xi32, #tpu.memory_space<hbm>>
    %dma_start3A_88 = tpu.memref_squeeze %dma_start3A_87 : memref<1x1x10000xi32, #tpu.memory_space<hbm>> -> memref<1x10000xi32, #tpu.memory_space<hbm>>
    %dma_start3A_89 = arith.constant 0 : i32
    %dma_start3A_90 = tpu.memref_slice %dma_start3A_88[%dma_start3A_80, %dma_start3A_89] : memref<1x10000xi32, #tpu.memory_space<hbm>> -> memref<1x10000xi32, #tpu.memory_space<hbm>>
    %dma_start3A_91 = tpu.memref_squeeze %dma_start3A_90 : memref<1x10000xi32, #tpu.memory_space<hbm>> -> memref<10000xi32, #tpu.memory_space<hbm>>
    %dma_start3A_92 = arith.constant 240 : i32
    %dma_start3A_93 = tpu.memref_slice %dma_start3A_91[%dma_start3A_92] : memref<10000xi32, #tpu.memory_space<hbm>> -> memref<80xi32, #tpu.memory_space<hbm>>
    %dma_start3A_94 = arith.constant 0 : i32
    %dma_start3A_95 = tpu.memref_slice %arg7[%dma_start3A_81, %dma_start3A_94] : memref<6x80xi32, #tpu.memory_space<vmem>> -> memref<1x80xi32, #tpu.memory_space<vmem>>
    %dma_start3A_96 = tpu.memref_squeeze %dma_start3A_95 : memref<1x80xi32, #tpu.memory_space<vmem>> -> memref<80xi32, #tpu.memory_space<vmem>>
    %dma_start3A_97 = arith.constant 0 : i32
    %dma_start3A_98 = arith.constant 0 : i32
    %dma_start3A_99 = tpu.memref_slice %arg3[%add3A, %dma_start3A_97, %dma_start3A_98] : memref<32x1x10000xi32, #tpu.memory_space<hbm>> -> memref<1x1x10000xi32, #tpu.memory_space<hbm>>
    %dma_start3A_100 = tpu.memref_squeeze %dma_start3A_99 : memref<1x1x10000xi32, #tpu.memory_space<hbm>> -> memref<1x10000xi32, #tpu.memory_space<hbm>>
    %dma_start3A_101 = arith.constant 0 : i32
    %dma_start3A_102 = tpu.memref_slice %dma_start3A_100[%dma_start3A_80, %dma_start3A_101] : memref<1x10000xi32, #tpu.memory_space<hbm>> -> memref<1x10000xi32, #tpu.memory_space<hbm>>
    %dma_start3A_103 = tpu.memref_squeeze %dma_start3A_102 : memref<1x10000xi32, #tpu.memory_space<hbm>> -> memref<10000xi32, #tpu.memory_space<hbm>>
    %dma_start3A_104 = arith.constant 240 : i32
    %dma_start3A_105 = tpu.memref_slice %dma_start3A_103[%dma_start3A_104] : memref<10000xi32, #tpu.memory_space<hbm>> -> memref<80xi32, #tpu.memory_space<hbm>>
    tpu.enqueue_dma source(%dma_start3A_105 : memref<80xi32, #tpu.memory_space<hbm>>) target(%dma_start3A_96 : memref<80xi32, #tpu.memory_space<vmem>>) target_semaphore(%arg16 : memref<!tpu.dma_semaphore, #tpu.memory_space<semaphore_mem>>)
    %dma_start3A_106 = arith.constant 0 : i32
    %dma_start3A_107 = arith.constant 4 : i32
    %dma_start3A_108 = arith.constant 0 : i32
    %dma_start3A_109 = tpu.memref_slice %arg7[%dma_start3A_107, %dma_start3A_108] : memref<6x80xi32, #tpu.memory_space<vmem>> -> memref<1x80xi32, #tpu.memory_space<vmem>>
    %dma_start3A_110 = tpu.memref_squeeze %dma_start3A_109 : memref<1x80xi32, #tpu.memory_space<vmem>> -> memref<80xi32, #tpu.memory_space<vmem>>
    %dma_start3A_111 = arith.constant 0 : i32
    %dma_start3A_112 = arith.constant 0 : i32
    %dma_start3A_113 = tpu.memref_slice %arg3[%add3A, %dma_start3A_111, %dma_start3A_112] : memref<32x1x10000xi32, #tpu.memory_space<hbm>> -> memref<1x1x10000xi32, #tpu.memory_space<hbm>>
    %dma_start3A_114 = tpu.memref_squeeze %dma_start3A_113 : memref<1x1x10000xi32, #tpu.memory_space<hbm>> -> memref<1x10000xi32, #tpu.memory_space<hbm>>
    %dma_start3A_115 = arith.constant 0 : i32
    %dma_start3A_116 = tpu.memref_slice %dma_start3A_114[%dma_start3A_106, %dma_start3A_115] : memref<1x10000xi32, #tpu.memory_space<hbm>> -> memref<1x10000xi32, #tpu.memory_space<hbm>>
    %dma_start3A_117 = tpu.memref_squeeze %dma_start3A_116 : memref<1x10000xi32, #tpu.memory_space<hbm>> -> memref<10000xi32, #tpu.memory_space<hbm>>
    %dma_start3A_118 = arith.constant 320 : i32
    %dma_start3A_119 = tpu.memref_slice %dma_start3A_117[%dma_start3A_118] : memref<10000xi32, #tpu.memory_space<hbm>> -> memref<80xi32, #tpu.memory_space<hbm>>
    %dma_start3A_120 = arith.constant 0 : i32
    %dma_start3A_121 = tpu.memref_slice %arg7[%dma_start3A_107, %dma_start3A_120] : memref<6x80xi32, #tpu.memory_space<vmem>> -> memref<1x80xi32, #tpu.memory_space<vmem>>
    %dma_start3A_122 = tpu.memref_squeeze %dma_start3A_121 : memref<1x80xi32, #tpu.memory_space<vmem>> -> memref<80xi32, #tpu.memory_space<vmem>>
    %dma_start3A_123 = arith.constant 0 : i32
    %dma_start3A_124 = arith.constant 0 : i32
    %dma_start3A_125 = tpu.memref_slice %arg3[%add3A, %dma_start3A_123, %dma_start3A_124] : memref<32x1x10000xi32, #tpu.memory_space<hbm>> -> memref<1x1x10000xi32, #tpu.memory_space<hbm>>
    %dma_start3A_126 = tpu.memref_squeeze %dma_start3A_125 : memref<1x1x10000xi32, #tpu.memory_space<hbm>> -> memref<1x10000xi32, #tpu.memory_space<hbm>>
    %dma_start3A_127 = arith.constant 0 : i32
    %dma_start3A_128 = tpu.memref_slice %dma_start3A_126[%dma_start3A_106, %dma_start3A_127] : memref<1x10000xi32, #tpu.memory_space<hbm>> -> memref<1x10000xi32, #tpu.memory_space<hbm>>
    %dma_start3A_129 = tpu.memref_squeeze %dma_start3A_128 : memref<1x10000xi32, #tpu.memory_space<hbm>> -> memref<10000xi32, #tpu.memory_space<hbm>>
    %dma_start3A_130 = arith.constant 320 : i32
    %dma_start3A_131 = tpu.memref_slice %dma_start3A_129[%dma_start3A_130] : memref<10000xi32, #tpu.memory_space<hbm>> -> memref<80xi32, #tpu.memory_space<hbm>>
    tpu.enqueue_dma source(%dma_start3A_131 : memref<80xi32, #tpu.memory_space<hbm>>) target(%dma_start3A_122 : memref<80xi32, #tpu.memory_space<vmem>>) target_semaphore(%arg17 : memref<!tpu.dma_semaphore, #tpu.memory_space<semaphore_mem>>)
    %dma_start3A_132 = arith.constant 0 : i32
    %dma_start3A_133 = arith.constant 5 : i32
    %dma_start3A_134 = arith.constant 0 : i32
    %dma_start3A_135 = tpu.memref_slice %arg7[%dma_start3A_133, %dma_start3A_134] : memref<6x80xi32, #tpu.memory_space<vmem>> -> memref<1x80xi32, #tpu.memory_space<vmem>>
    %dma_start3A_136 = tpu.memref_squeeze %dma_start3A_135 : memref<1x80xi32, #tpu.memory_space<vmem>> -> memref<80xi32, #tpu.memory_space<vmem>>
    %dma_start3A_137 = arith.constant 0 : i32
    %dma_start3A_138 = arith.constant 0 : i32
    %dma_start3A_139 = tpu.memref_slice %arg3[%add3A, %dma_start3A_137, %dma_start3A_138] : memref<32x1x10000xi32, #tpu.memory_space<hbm>> -> memref<1x1x10000xi32, #tpu.memory_space<hbm>>
    %dma_start3A_140 = tpu.memref_squeeze %dma_start3A_139 : memref<1x1x10000xi32, #tpu.memory_space<hbm>> -> memref<1x10000xi32, #tpu.memory_space<hbm>>
    %dma_start3A_141 = arith.constant 0 : i32
    %dma_start3A_142 = tpu.memref_slice %dma_start3A_140[%dma_start3A_132, %dma_start3A_141] : memref<1x10000xi32, #tpu.memory_space<hbm>> -> memref<1x10000xi32, #tpu.memory_space<hbm>>
    %dma_start3A_143 = tpu.memref_squeeze %dma_start3A_142 : memref<1x10000xi32, #tpu.memory_space<hbm>> -> memref<10000xi32, #tpu.memory_space<hbm>>
    %dma_start3A_144 = arith.constant 400 : i32
    %dma_start3A_145 = tpu.memref_slice %dma_start3A_143[%dma_start3A_144] : memref<10000xi32, #tpu.memory_space<hbm>> -> memref<80xi32, #tpu.memory_space<hbm>>
    %dma_start3A_146 = arith.constant 0 : i32
    %dma_start3A_147 = tpu.memref_slice %arg7[%dma_start3A_133, %dma_start3A_146] : memref<6x80xi32, #tpu.memory_space<vmem>> -> memref<1x80xi32, #tpu.memory_space<vmem>>
    %dma_start3A_148 = tpu.memref_squeeze %dma_start3A_147 : memref<1x80xi32, #tpu.memory_space<vmem>> -> memref<80xi32, #tpu.memory_space<vmem>>
    %dma_start3A_149 = arith.constant 0 : i32
    %dma_start3A_150 = arith.constant 0 : i32
    %dma_start3A_151 = tpu.memref_slice %arg3[%add3A, %dma_start3A_149, %dma_start3A_150] : memref<32x1x10000xi32, #tpu.memory_space<hbm>> -> memref<1x1x10000xi32, #tpu.memory_space<hbm>>
    %dma_start3A_152 = tpu.memref_squeeze %dma_start3A_151 : memref<1x1x10000xi32, #tpu.memory_space<hbm>> -> memref<1x10000xi32, #tpu.memory_space<hbm>>
    %dma_start3A_153 = arith.constant 0 : i32
    %dma_start3A_154 = tpu.memref_slice %dma_start3A_152[%dma_start3A_132, %dma_start3A_153] : memref<1x10000xi32, #tpu.memory_space<hbm>> -> memref<1x10000xi32, #tpu.memory_space<hbm>>
    %dma_start3A_155 = tpu.memref_squeeze %dma_start3A_154 : memref<1x10000xi32, #tpu.memory_space<hbm>> -> memref<10000xi32, #tpu.memory_space<hbm>>
    %dma_start3A_156 = arith.constant 400 : i32
    %dma_start3A_157 = tpu.memref_slice %dma_start3A_155[%dma_start3A_156] : memref<10000xi32, #tpu.memory_space<hbm>> -> memref<80xi32, #tpu.memory_space<hbm>>
    tpu.enqueue_dma source(%dma_start3A_157 : memref<80xi32, #tpu.memory_space<hbm>>) target(%dma_start3A_148 : memref<80xi32, #tpu.memory_space<vmem>>) target_semaphore(%arg18 : memref<!tpu.dma_semaphore, #tpu.memory_space<semaphore_mem>>)
    %dma_wait3A = arith.constant 0 : i32
    %dma_wait3A_158 = arith.constant 0 : i32
    %dma_wait3A_159 = arith.constant 0 : i32
    %dma_wait3A_160 = tpu.memref_slice %arg7[%dma_wait3A_158, %dma_wait3A_159] : memref<6x80xi32, #tpu.memory_space<vmem>> -> memref<1x80xi32, #tpu.memory_space<vmem>>
    %dma_wait3A_161 = tpu.memref_squeeze %dma_wait3A_160 : memref<1x80xi32, #tpu.memory_space<vmem>> -> memref<80xi32, #tpu.memory_space<vmem>>
    %dma_wait3A_162 = arith.constant 0 : i32
    %dma_wait3A_163 = arith.constant 0 : i32
    %dma_wait3A_164 = tpu.memref_slice %arg3[%add3A, %dma_wait3A_162, %dma_wait3A_163] : memref<32x1x10000xi32, #tpu.memory_space<hbm>> -> memref<1x1x10000xi32, #tpu.memory_space<hbm>>
    %dma_wait3A_165 = tpu.memref_squeeze %dma_wait3A_164 : memref<1x1x10000xi32, #tpu.memory_space<hbm>> -> memref<1x10000xi32, #tpu.memory_space<hbm>>
    %dma_wait3A_166 = arith.constant 0 : i32
    %dma_wait3A_167 = tpu.memref_slice %dma_wait3A_165[%dma_wait3A, %dma_wait3A_166] : memref<1x10000xi32, #tpu.memory_space<hbm>> -> memref<1x10000xi32, #tpu.memory_space<hbm>>
    %dma_wait3A_168 = tpu.memref_squeeze %dma_wait3A_167 : memref<1x10000xi32, #tpu.memory_space<hbm>> -> memref<10000xi32, #tpu.memory_space<hbm>>
    %dma_wait3A_169 = arith.constant 0 : i32
    %dma_wait3A_170 = tpu.memref_slice %dma_wait3A_168[%dma_wait3A_169] : memref<10000xi32, #tpu.memory_space<hbm>> -> memref<80xi32, #tpu.memory_space<hbm>>
    %dma_wait3A_171 = arith.constant 0 : i32
    %dma_wait3A_172 = tpu.memref_slice %arg7[%dma_wait3A_158, %dma_wait3A_171] : memref<6x80xi32, #tpu.memory_space<vmem>> -> memref<1x80xi32, #tpu.memory_space<vmem>>
    %dma_wait3A_173 = tpu.memref_squeeze %dma_wait3A_172 : memref<1x80xi32, #tpu.memory_space<vmem>> -> memref<80xi32, #tpu.memory_space<vmem>>
    %dma_wait3A_174 = arith.constant 0 : i32
    %dma_wait3A_175 = arith.constant 0 : i32
    %dma_wait3A_176 = tpu.memref_slice %arg3[%add3A, %dma_wait3A_174, %dma_wait3A_175] : memref<32x1x10000xi32, #tpu.memory_space<hbm>> -> memref<1x1x10000xi32, #tpu.memory_space<hbm>>
    %dma_wait3A_177 = tpu.memref_squeeze %dma_wait3A_176 : memref<1x1x10000xi32, #tpu.memory_space<hbm>> -> memref<1x10000xi32, #tpu.memory_space<hbm>>
    %dma_wait3A_178 = arith.constant 0 : i32
    %dma_wait3A_179 = tpu.memref_slice %dma_wait3A_177[%dma_wait3A, %dma_wait3A_178] : memref<1x10000xi32, #tpu.memory_space<hbm>> -> memref<1x10000xi32, #tpu.memory_space<hbm>>
    %dma_wait3A_180 = tpu.memref_squeeze %dma_wait3A_179 : memref<1x10000xi32, #tpu.memory_space<hbm>> -> memref<10000xi32, #tpu.memory_space<hbm>>
    %dma_wait3A_181 = arith.constant 0 : i32
    %dma_wait3A_182 = tpu.memref_slice %dma_wait3A_180[%dma_wait3A_181] : memref<10000xi32, #tpu.memory_space<hbm>> -> memref<80xi32, #tpu.memory_space<hbm>>
    tpu.wait_dma2 semaphore(%arg13 : memref<!tpu.dma_semaphore, #tpu.memory_space<semaphore_mem>>) src(%dma_wait3A_182 : memref<80xi32, #tpu.memory_space<hbm>>) dst(%dma_wait3A_173 : memref<80xi32, #tpu.memory_space<vmem>>)
    %dma_start3A_183 = arith.constant 0 : i32
    %dma_start3A_184 = arith.constant 0 : i32
    %dma_start3A_185 = tpu.memref_slice %arg7[%dma_start3A_183, %dma_start3A_184] : memref<6x80xi32, #tpu.memory_space<vmem>> -> memref<1x80xi32, #tpu.memory_space<vmem>>
    %dma_start3A_186 = tpu.memref_squeeze %dma_start3A_185 : memref<1x80xi32, #tpu.memory_space<vmem>> -> memref<80xi32, #tpu.memory_space<vmem>>
    %dma_start3A_187 = arith.constant 0 : i32
    %dma_start3A_188 = arith.constant 0 : i32
    %dma_start3A_189 = tpu.memref_slice %arg2[%dma_start3A_187, %dma_start3A_188] : memref<10000x128xf32, #tpu.memory_space<hbm>> -> memref<10000x128xf32, #tpu.memory_space<hbm>>
    tpu.enqueue_indirect_dma source(%dma_start3A_189 : memref<10000x128xf32, #tpu.memory_space<hbm>>) target(%arg9 : memref<80x128xf32, #tpu.memory_space<vmem>>) offsets(%dma_start3A_186 : memref<80xi32, #tpu.memory_space<vmem>>) semaphore(%arg19 : memref<!tpu.dma_semaphore, #tpu.memory_space<semaphore_mem>>)
    %dma_wait3A_190 = arith.constant 0 : i32
    %dma_wait3A_191 = arith.constant 1 : i32
    %dma_wait3A_192 = arith.constant 0 : i32
    %dma_wait3A_193 = tpu.memref_slice %arg7[%dma_wait3A_191, %dma_wait3A_192] : memref<6x80xi32, #tpu.memory_space<vmem>> -> memref<1x80xi32, #tpu.memory_space<vmem>>
    %dma_wait3A_194 = tpu.memref_squeeze %dma_wait3A_193 : memref<1x80xi32, #tpu.memory_space<vmem>> -> memref<80xi32, #tpu.memory_space<vmem>>
    %dma_wait3A_195 = arith.constant 0 : i32
    %dma_wait3A_196 = arith.constant 0 : i32
    %dma_wait3A_197 = tpu.memref_slice %arg3[%add3A, %dma_wait3A_195, %dma_wait3A_196] : memref<32x1x10000xi32, #tpu.memory_space<hbm>> -> memref<1x1x10000xi32, #tpu.memory_space<hbm>>
    %dma_wait3A_198 = tpu.memref_squeeze %dma_wait3A_197 : memref<1x1x10000xi32, #tpu.memory_space<hbm>> -> memref<1x10000xi32, #tpu.memory_space<hbm>>
    %dma_wait3A_199 = arith.constant 0 : i32
    %dma_wait3A_200 = tpu.memref_slice %dma_wait3A_198[%dma_wait3A_190, %dma_wait3A_199] : memref<1x10000xi32, #tpu.memory_space<hbm>> -> memref<1x10000xi32, #tpu.memory_space<hbm>>
    %dma_wait3A_201 = tpu.memref_squeeze %dma_wait3A_200 : memref<1x10000xi32, #tpu.memory_space<hbm>> -> memref<10000xi32, #tpu.memory_space<hbm>>
    %dma_wait3A_202 = arith.constant 80 : i32
    %dma_wait3A_203 = tpu.memref_slice %dma_wait3A_201[%dma_wait3A_202] : memref<10000xi32, #tpu.memory_space<hbm>> -> memref<80xi32, #tpu.memory_space<hbm>>
    %dma_wait3A_204 = arith.constant 0 : i32
    %dma_wait3A_205 = tpu.memref_slice %arg7[%dma_wait3A_191, %dma_wait3A_204] : memref<6x80xi32, #tpu.memory_space<vmem>> -> memref<1x80xi32, #tpu.memory_space<vmem>>
    %dma_wait3A_206 = tpu.memref_squeeze %dma_wait3A_205 : memref<1x80xi32, #tpu.memory_space<vmem>> -> memref<80xi32, #tpu.memory_space<vmem>>
    %dma_wait3A_207 = arith.constant 0 : i32
    %dma_wait3A_208 = arith.constant 0 : i32
    %dma_wait3A_209 = tpu.memref_slice %arg3[%add3A, %dma_wait3A_207, %dma_wait3A_208] : memref<32x1x10000xi32, #tpu.memory_space<hbm>> -> memref<1x1x10000xi32, #tpu.memory_space<hbm>>
    %dma_wait3A_210 = tpu.memref_squeeze %dma_wait3A_209 : memref<1x1x10000xi32, #tpu.memory_space<hbm>> -> memref<1x10000xi32, #tpu.memory_space<hbm>>
    %dma_wait3A_211 = arith.constant 0 : i32
    %dma_wait3A_212 = tpu.memref_slice %dma_wait3A_210[%dma_wait3A_190, %dma_wait3A_211] : memref<1x10000xi32, #tpu.memory_space<hbm>> -> memref<1x10000xi32, #tpu.memory_space<hbm>>
    %dma_wait3A_213 = tpu.memref_squeeze %dma_wait3A_212 : memref<1x10000xi32, #tpu.memory_space<hbm>> -> memref<10000xi32, #tpu.memory_space<hbm>>
    %dma_wait3A_214 = arith.constant 80 : i32
    %dma_wait3A_215 = tpu.memref_slice %dma_wait3A_213[%dma_wait3A_214] : memref<10000xi32, #tpu.memory_space<hbm>> -> memref<80xi32, #tpu.memory_space<hbm>>
    tpu.wait_dma2 semaphore(%arg14 : memref<!tpu.dma_semaphore, #tpu.memory_space<semaphore_mem>>) src(%dma_wait3A_215 : memref<80xi32, #tpu.memory_space<hbm>>) dst(%dma_wait3A_206 : memref<80xi32, #tpu.memory_space<vmem>>)
    %dma_start3A_216 = arith.constant 1 : i32
    %dma_start3A_217 = arith.constant 0 : i32
    %dma_start3A_218 = tpu.memref_slice %arg7[%dma_start3A_216, %dma_start3A_217] : memref<6x80xi32, #tpu.memory_space<vmem>> -> memref<1x80xi32, #tpu.memory_space<vmem>>
    %dma_start3A_219 = tpu.memref_squeeze %dma_start3A_218 : memref<1x80xi32, #tpu.memory_space<vmem>> -> memref<80xi32, #tpu.memory_space<vmem>>
    %dma_start3A_220 = arith.constant 0 : i32
    %dma_start3A_221 = arith.constant 0 : i32
    %dma_start3A_222 = tpu.memref_slice %arg2[%dma_start3A_220, %dma_start3A_221] : memref<10000x128xf32, #tpu.memory_space<hbm>> -> memref<10000x128xf32, #tpu.memory_space<hbm>>
    tpu.enqueue_indirect_dma source(%dma_start3A_222 : memref<10000x128xf32, #tpu.memory_space<hbm>>) target(%arg10 : memref<80x128xf32, #tpu.memory_space<vmem>>) offsets(%dma_start3A_219 : memref<80xi32, #tpu.memory_space<vmem>>) semaphore(%arg20 : memref<!tpu.dma_semaphore, #tpu.memory_space<semaphore_mem>>)
    %scan3A = arith.constant 0 : i32
    %scan3A_223 = arith.constant 0 : i32
    %scan3A_224 = arith.constant 0 : i32
    %scan3A_225 = arith.constant 20 : i32
    %scan3A_226 = arith.addi %scan3A_224, %scan3A_225 : i32
    %scan3A_227 = arith.constant 1 : i32
    %scan3A_228 = scf.for %scan3A_442 = %scan3A_224 to %scan3A_226 step %scan3A_227 iter_args(%scan3A_443 = %scan3A_223) -> (i32)  : i32 {
      %mul3A_444 = arith.constant 6 : i32
      %mul3A_445 = arith.muli %scan3A_442, %mul3A_444 : i32
      %add3A_446 = arith.constant 0 : i32
      %add3A_447 = arith.addi %mul3A_445, %add3A_446 : i32
      %add3A_448 = arith.constant 2 : i32
      %add3A_449 = arith.addi %add3A_447, %add3A_448 : i32
      %lt3A = arith.constant 125 : i32
      %lt3A_450 = arith.cmpi slt, %add3A_449, %lt3A : i32
      %convert_element_type3A = arith.extui %lt3A_450 : i1 to i32
      %cond3A = arith.constant 0 : i32
      %cond3A_451 = arith.cmpi ne, %convert_element_type3A, %cond3A : i32
      scf.if %cond3A_451 {
        %ge3A = arith.constant 1 : i32
        %ge3A_618 = arith.cmpi sge, %add3A_447, %ge3A : i32
        %convert_element_type3A_619 = arith.extui %ge3A_618 : i1 to i32
        %cond3A_620 = arith.constant 0 : i32
        %cond3A_621 = arith.cmpi ne, %convert_element_type3A_619, %cond3A_620 : i32
        scf.if %cond3A_621 {
          %sub3A = arith.constant 1 : i32
          %sub3A_658 = arith.subi %add3A_447, %sub3A : i32
          %dma_wait3A_659 = arith.constant 0 : i32
          %dma_wait3A_660 = tpu.memref_slice %arg8[%sub3A_658, %dma_wait3A_659] : memref<125x80xi32, #tpu.memory_space<vmem>> -> memref<1x80xi32, #tpu.memory_space<vmem>>
          %dma_wait3A_661 = tpu.memref_squeeze %dma_wait3A_660 : memref<1x80xi32, #tpu.memory_space<vmem>> -> memref<80xi32, #tpu.memory_space<vmem>>
          %dma_wait3A_662 = arith.constant 0 : i32
          %dma_wait3A_663 = arith.constant 0 : i32
          %dma_wait3A_664 = tpu.memref_slice %arg12[%dma_wait3A_662, %dma_wait3A_663] : memref<10240x128xf32, #tpu.memory_space<vmem_shared>> -> memref<10240x128xf32, #tpu.memory_space<vmem_shared>>
          tpu.wait_indirect_dma semaphore(%arg24 : memref<!tpu.dma_semaphore, #tpu.memory_space<semaphore_mem>>) src(%arg11 : memref<80x128xf32, #tpu.memory_space<vmem>>) dst(%dma_wait3A_664 : memref<10240x128xf32, #tpu.memory_space<vmem_shared>>)
        } else {
        }
        %add3A_622 = arith.constant 2 : i32
        %add3A_623 = arith.addi %add3A_447, %add3A_622 : i32
        %mul3A_624 = arith.constant 80 : i32
        %mul3A_625 = arith.muli %add3A_623, %mul3A_624 : i32
        %dma_wait3A_626 = arith.constant 2 : i32
        %dma_wait3A_627 = arith.constant 0 : i32
        %dma_wait3A_628 = tpu.memref_slice %arg7[%dma_wait3A_626, %dma_wait3A_627] : memref<6x80xi32, #tpu.memory_space<vmem>> -> memref<1x80xi32, #tpu.memory_space<vmem>>
        %dma_wait3A_629 = tpu.memref_squeeze %dma_wait3A_628 : memref<1x80xi32, #tpu.memory_space<vmem>> -> memref<80xi32, #tpu.memory_space<vmem>>
        %dma_wait3A_630 = arith.constant 0 : i32
        %dma_wait3A_631 = arith.constant 0 : i32
        %dma_wait3A_632 = tpu.memref_slice %arg3[%add3A, %dma_wait3A_630, %dma_wait3A_631] : memref<32x1x10000xi32, #tpu.memory_space<hbm>> -> memref<1x1x10000xi32, #tpu.memory_space<hbm>>
        %dma_wait3A_633 = tpu.memref_squeeze %dma_wait3A_632 : memref<1x1x10000xi32, #tpu.memory_space<hbm>> -> memref<1x10000xi32, #tpu.memory_space<hbm>>
        %dma_wait3A_634 = arith.constant 0 : i32
        %dma_wait3A_635 = tpu.memref_slice %dma_wait3A_633[%scan3A, %dma_wait3A_634] : memref<1x10000xi32, #tpu.memory_space<hbm>> -> memref<1x10000xi32, #tpu.memory_space<hbm>>
        %dma_wait3A_636 = tpu.memref_squeeze %dma_wait3A_635 : memref<1x10000xi32, #tpu.memory_space<hbm>> -> memref<10000xi32, #tpu.memory_space<hbm>>
        %dma_wait3A_637 = tpu.memref_slice %dma_wait3A_636[%mul3A_625] : memref<10000xi32, #tpu.memory_space<hbm>> -> memref<80xi32, #tpu.memory_space<hbm>>
        %dma_wait3A_638 = arith.constant 0 : i32
        %dma_wait3A_639 = tpu.memref_slice %arg7[%dma_wait3A_626, %dma_wait3A_638] : memref<6x80xi32, #tpu.memory_space<vmem>> -> memref<1x80xi32, #tpu.memory_space<vmem>>
        %dma_wait3A_640 = tpu.memref_squeeze %dma_wait3A_639 : memref<1x80xi32, #tpu.memory_space<vmem>> -> memref<80xi32, #tpu.memory_space<vmem>>
        %dma_wait3A_641 = arith.constant 0 : i32
        %dma_wait3A_642 = arith.constant 0 : i32
        %dma_wait3A_643 = tpu.memref_slice %arg3[%add3A, %dma_wait3A_641, %dma_wait3A_642] : memref<32x1x10000xi32, #tpu.memory_space<hbm>> -> memref<1x1x10000xi32, #tpu.memory_space<hbm>>
        %dma_wait3A_644 = tpu.memref_squeeze %dma_wait3A_643 : memref<1x1x10000xi32, #tpu.memory_space<hbm>> -> memref<1x10000xi32, #tpu.memory_space<hbm>>
        %dma_wait3A_645 = arith.constant 0 : i32
        %dma_wait3A_646 = tpu.memref_slice %dma_wait3A_644[%scan3A, %dma_wait3A_645] : memref<1x10000xi32, #tpu.memory_space<hbm>> -> memref<1x10000xi32, #tpu.memory_space<hbm>>
        %dma_wait3A_647 = tpu.memref_squeeze %dma_wait3A_646 : memref<1x10000xi32, #tpu.memory_space<hbm>> -> memref<10000xi32, #tpu.memory_space<hbm>>
        %dma_wait3A_648 = tpu.memref_slice %dma_wait3A_647[%mul3A_625] : memref<10000xi32, #tpu.memory_space<hbm>> -> memref<80xi32, #tpu.memory_space<hbm>>
        tpu.wait_dma2 semaphore(%arg15 : memref<!tpu.dma_semaphore, #tpu.memory_space<semaphore_mem>>) src(%dma_wait3A_648 : memref<80xi32, #tpu.memory_space<hbm>>) dst(%dma_wait3A_640 : memref<80xi32, #tpu.memory_space<vmem>>)
        %add3A_649 = arith.constant 2 : i32
        %add3A_650 = arith.addi %add3A_447, %add3A_649 : i32
        %dma_start3A_651 = arith.constant 2 : i32
        %dma_start3A_652 = arith.constant 0 : i32
        %dma_start3A_653 = tpu.memref_slice %arg7[%dma_start3A_651, %dma_start3A_652] : memref<6x80xi32, #tpu.memory_space<vmem>> -> memref<1x80xi32, #tpu.memory_space<vmem>>
        %dma_start3A_654 = tpu.memref_squeeze %dma_start3A_653 : memref<1x80xi32, #tpu.memory_space<vmem>> -> memref<80xi32, #tpu.memory_space<vmem>>
        %dma_start3A_655 = arith.constant 0 : i32
        %dma_start3A_656 = arith.constant 0 : i32
        %dma_start3A_657 = tpu.memref_slice %arg2[%dma_start3A_655, %dma_start3A_656] : memref<10000x128xf32, #tpu.memory_space<hbm>> -> memref<10000x128xf32, #tpu.memory_space<hbm>>
        tpu.enqueue_indirect_dma source(%dma_start3A_657 : memref<10000x128xf32, #tpu.memory_space<hbm>>) target(%arg11 : memref<80x128xf32, #tpu.memory_space<vmem>>) offsets(%dma_start3A_654 : memref<80xi32, #tpu.memory_space<vmem>>) semaphore(%arg21 : memref<!tpu.dma_semaphore, #tpu.memory_space<semaphore_mem>>)
      } else {
      }
      %dma_wait3A_452 = arith.constant 0 : i32
      %dma_wait3A_453 = arith.constant 0 : i32
      %dma_wait3A_454 = tpu.memref_slice %arg7[%dma_wait3A_452, %dma_wait3A_453] : memref<6x80xi32, #tpu.memory_space<vmem>> -> memref<1x80xi32, #tpu.memory_space<vmem>>
      %dma_wait3A_455 = tpu.memref_squeeze %dma_wait3A_454 : memref<1x80xi32, #tpu.memory_space<vmem>> -> memref<80xi32, #tpu.memory_space<vmem>>
      %dma_wait3A_456 = arith.constant 0 : i32
      %dma_wait3A_457 = arith.constant 0 : i32
      %dma_wait3A_458 = tpu.memref_slice %arg2[%dma_wait3A_456, %dma_wait3A_457] : memref<10000x128xf32, #tpu.memory_space<hbm>> -> memref<10000x128xf32, #tpu.memory_space<hbm>>
      tpu.wait_indirect_dma semaphore(%arg19 : memref<!tpu.dma_semaphore, #tpu.memory_space<semaphore_mem>>) src(%dma_wait3A_458 : memref<10000x128xf32, #tpu.memory_space<hbm>>) dst(%arg9 : memref<80x128xf32, #tpu.memory_space<vmem>>)
      %dma_start3A_459 = arith.constant 0 : i32
      %dma_start3A_460 = tpu.memref_slice %arg8[%add3A_447, %dma_start3A_459] : memref<125x80xi32, #tpu.memory_space<vmem>> -> memref<1x80xi32, #tpu.memory_space<vmem>>
      %dma_start3A_461 = tpu.memref_squeeze %dma_start3A_460 : memref<1x80xi32, #tpu.memory_space<vmem>> -> memref<80xi32, #tpu.memory_space<vmem>>
      %dma_start3A_462 = arith.constant 0 : i32
      %dma_start3A_463 = arith.constant 0 : i32
      %dma_start3A_464 = tpu.memref_slice %arg12[%dma_start3A_462, %dma_start3A_463] : memref<10240x128xf32, #tpu.memory_space<vmem_shared>> -> memref<10240x128xf32, #tpu.memory_space<vmem_shared>>
      tpu.enqueue_indirect_dma source(%arg9 : memref<80x128xf32, #tpu.memory_space<vmem>>) target(%dma_start3A_464 : memref<10240x128xf32, #tpu.memory_space<vmem_shared>>) offsets(%dma_start3A_461 : memref<80xi32, #tpu.memory_space<vmem>>) semaphore(%arg22 : memref<!tpu.dma_semaphore, #tpu.memory_space<semaphore_mem>>) {add = true}
      %add3A_465 = arith.constant 6 : i32
      %add3A_466 = arith.addi %add3A_447, %add3A_465 : i32
      %lt3A_467 = arith.constant 125 : i32
      %lt3A_468 = arith.cmpi slt, %add3A_466, %lt3A_467 : i32
      %convert_element_type3A_469 = arith.extui %lt3A_468 : i1 to i32
      %cond3A_470 = arith.constant 0 : i32
      %cond3A_471 = arith.cmpi ne, %convert_element_type3A_469, %cond3A_470 : i32
      scf.if %cond3A_471 {
        %add3A_618 = arith.constant 6 : i32
        %add3A_619 = arith.addi %add3A_447, %add3A_618 : i32
        %mul3A_620 = arith.constant 80 : i32
        %mul3A_621 = arith.muli %add3A_619, %mul3A_620 : i32
        %dma_start3A_622 = arith.constant 0 : i32
        %dma_start3A_623 = arith.constant 0 : i32
        %dma_start3A_624 = tpu.memref_slice %arg7[%dma_start3A_622, %dma_start3A_623] : memref<6x80xi32, #tpu.memory_space<vmem>> -> memref<1x80xi32, #tpu.memory_space<vmem>>
        %dma_start3A_625 = tpu.memref_squeeze %dma_start3A_624 : memref<1x80xi32, #tpu.memory_space<vmem>> -> memref<80xi32, #tpu.memory_space<vmem>>
        %dma_start3A_626 = arith.constant 0 : i32
        %dma_start3A_627 = arith.constant 0 : i32
        %dma_start3A_628 = tpu.memref_slice %arg3[%add3A, %dma_start3A_626, %dma_start3A_627] : memref<32x1x10000xi32, #tpu.memory_space<hbm>> -> memref<1x1x10000xi32, #tpu.memory_space<hbm>>
        %dma_start3A_629 = tpu.memref_squeeze %dma_start3A_628 : memref<1x1x10000xi32, #tpu.memory_space<hbm>> -> memref<1x10000xi32, #tpu.memory_space<hbm>>
        %dma_start3A_630 = arith.constant 0 : i32
        %dma_start3A_631 = tpu.memref_slice %dma_start3A_629[%scan3A, %dma_start3A_630] : memref<1x10000xi32, #tpu.memory_space<hbm>> -> memref<1x10000xi32, #tpu.memory_space<hbm>>
        %dma_start3A_632 = tpu.memref_squeeze %dma_start3A_631 : memref<1x10000xi32, #tpu.memory_space<hbm>> -> memref<10000xi32, #tpu.memory_space<hbm>>
        %dma_start3A_633 = tpu.memref_slice %dma_start3A_632[%mul3A_621] : memref<10000xi32, #tpu.memory_space<hbm>> -> memref<80xi32, #tpu.memory_space<hbm>>
        %dma_start3A_634 = arith.constant 0 : i32
        %dma_start3A_635 = tpu.memref_slice %arg7[%dma_start3A_622, %dma_start3A_634] : memref<6x80xi32, #tpu.memory_space<vmem>> -> memref<1x80xi32, #tpu.memory_space<vmem>>
        %dma_start3A_636 = tpu.memref_squeeze %dma_start3A_635 : memref<1x80xi32, #tpu.memory_space<vmem>> -> memref<80xi32, #tpu.memory_space<vmem>>
        %dma_start3A_637 = arith.constant 0 : i32
        %dma_start3A_638 = arith.constant 0 : i32
        %dma_start3A_639 = tpu.memref_slice %arg3[%add3A, %dma_start3A_637, %dma_start3A_638] : memref<32x1x10000xi32, #tpu.memory_space<hbm>> -> memref<1x1x10000xi32, #tpu.memory_space<hbm>>
        %dma_start3A_640 = tpu.memref_squeeze %dma_start3A_639 : memref<1x1x10000xi32, #tpu.memory_space<hbm>> -> memref<1x10000xi32, #tpu.memory_space<hbm>>
        %dma_start3A_641 = arith.constant 0 : i32
        %dma_start3A_642 = tpu.memref_slice %dma_start3A_640[%scan3A, %dma_start3A_641] : memref<1x10000xi32, #tpu.memory_space<hbm>> -> memref<1x10000xi32, #tpu.memory_space<hbm>>
        %dma_start3A_643 = tpu.memref_squeeze %dma_start3A_642 : memref<1x10000xi32, #tpu.memory_space<hbm>> -> memref<10000xi32, #tpu.memory_space<hbm>>
        %dma_start3A_644 = tpu.memref_slice %dma_start3A_643[%mul3A_621] : memref<10000xi32, #tpu.memory_space<hbm>> -> memref<80xi32, #tpu.memory_space<hbm>>
        tpu.enqueue_dma source(%dma_start3A_644 : memref<80xi32, #tpu.memory_space<hbm>>) target(%dma_start3A_636 : memref<80xi32, #tpu.memory_space<vmem>>) target_semaphore(%arg13 : memref<!tpu.dma_semaphore, #tpu.memory_space<semaphore_mem>>)
      } else {
      }
      %add3A_472 = arith.constant 1 : i32
      %add3A_473 = arith.addi %mul3A_445, %add3A_472 : i32
      %add3A_474 = arith.constant 2 : i32
      %add3A_475 = arith.addi %add3A_473, %add3A_474 : i32
      %lt3A_476 = arith.constant 125 : i32
      %lt3A_477 = arith.cmpi slt, %add3A_475, %lt3A_476 : i32
      %convert_element_type3A_478 = arith.extui %lt3A_477 : i1 to i32
      %cond3A_479 = arith.constant 0 : i32
      %cond3A_480 = arith.cmpi ne, %convert_element_type3A_478, %cond3A_479 : i32
      scf.if %cond3A_480 {
        %ge3A = arith.constant 1 : i32
        %ge3A_618 = arith.cmpi sge, %add3A_473, %ge3A : i32
        %convert_element_type3A_619 = arith.extui %ge3A_618 : i1 to i32
        %cond3A_620 = arith.constant 0 : i32
        %cond3A_621 = arith.cmpi ne, %convert_element_type3A_619, %cond3A_620 : i32
        scf.if %cond3A_621 {
          %sub3A = arith.constant 1 : i32
          %sub3A_658 = arith.subi %add3A_473, %sub3A : i32
          %dma_wait3A_659 = arith.constant 0 : i32
          %dma_wait3A_660 = tpu.memref_slice %arg8[%sub3A_658, %dma_wait3A_659] : memref<125x80xi32, #tpu.memory_space<vmem>> -> memref<1x80xi32, #tpu.memory_space<vmem>>
          %dma_wait3A_661 = tpu.memref_squeeze %dma_wait3A_660 : memref<1x80xi32, #tpu.memory_space<vmem>> -> memref<80xi32, #tpu.memory_space<vmem>>
          %dma_wait3A_662 = arith.constant 0 : i32
          %dma_wait3A_663 = arith.constant 0 : i32
          %dma_wait3A_664 = tpu.memref_slice %arg12[%dma_wait3A_662, %dma_wait3A_663] : memref<10240x128xf32, #tpu.memory_space<vmem_shared>> -> memref<10240x128xf32, #tpu.memory_space<vmem_shared>>
          tpu.wait_indirect_dma semaphore(%arg22 : memref<!tpu.dma_semaphore, #tpu.memory_space<semaphore_mem>>) src(%arg9 : memref<80x128xf32, #tpu.memory_space<vmem>>) dst(%dma_wait3A_664 : memref<10240x128xf32, #tpu.memory_space<vmem_shared>>)
        } else {
        }
        %add3A_622 = arith.constant 2 : i32
        %add3A_623 = arith.addi %add3A_473, %add3A_622 : i32
        %mul3A_624 = arith.constant 80 : i32
        %mul3A_625 = arith.muli %add3A_623, %mul3A_624 : i32
        %dma_wait3A_626 = arith.constant 3 : i32
        %dma_wait3A_627 = arith.constant 0 : i32
        %dma_wait3A_628 = tpu.memref_slice %arg7[%dma_wait3A_626, %dma_wait3A_627] : memref<6x80xi32, #tpu.memory_space<vmem>> -> memref<1x80xi32, #tpu.memory_space<vmem>>
        %dma_wait3A_629 = tpu.memref_squeeze %dma_wait3A_628 : memref<1x80xi32, #tpu.memory_space<vmem>> -> memref<80xi32, #tpu.memory_space<vmem>>
        %dma_wait3A_630 = arith.constant 0 : i32
        %dma_wait3A_631 = arith.constant 0 : i32
        %dma_wait3A_632 = tpu.memref_slice %arg3[%add3A, %dma_wait3A_630, %dma_wait3A_631] : memref<32x1x10000xi32, #tpu.memory_space<hbm>> -> memref<1x1x10000xi32, #tpu.memory_space<hbm>>
        %dma_wait3A_633 = tpu.memref_squeeze %dma_wait3A_632 : memref<1x1x10000xi32, #tpu.memory_space<hbm>> -> memref<1x10000xi32, #tpu.memory_space<hbm>>
        %dma_wait3A_634 = arith.constant 0 : i32
        %dma_wait3A_635 = tpu.memref_slice %dma_wait3A_633[%scan3A, %dma_wait3A_634] : memref<1x10000xi32, #tpu.memory_space<hbm>> -> memref<1x10000xi32, #tpu.memory_space<hbm>>
        %dma_wait3A_636 = tpu.memref_squeeze %dma_wait3A_635 : memref<1x10000xi32, #tpu.memory_space<hbm>> -> memref<10000xi32, #tpu.memory_space<hbm>>
        %dma_wait3A_637 = tpu.memref_slice %dma_wait3A_636[%mul3A_625] : memref<10000xi32, #tpu.memory_space<hbm>> -> memref<80xi32, #tpu.memory_space<hbm>>
        %dma_wait3A_638 = arith.constant 0 : i32
        %dma_wait3A_639 = tpu.memref_slice %arg7[%dma_wait3A_626, %dma_wait3A_638] : memref<6x80xi32, #tpu.memory_space<vmem>> -> memref<1x80xi32, #tpu.memory_space<vmem>>
        %dma_wait3A_640 = tpu.memref_squeeze %dma_wait3A_639 : memref<1x80xi32, #tpu.memory_space<vmem>> -> memref<80xi32, #tpu.memory_space<vmem>>
        %dma_wait3A_641 = arith.constant 0 : i32
        %dma_wait3A_642 = arith.constant 0 : i32
        %dma_wait3A_643 = tpu.memref_slice %arg3[%add3A, %dma_wait3A_641, %dma_wait3A_642] : memref<32x1x10000xi32, #tpu.memory_space<hbm>> -> memref<1x1x10000xi32, #tpu.memory_space<hbm>>
        %dma_wait3A_644 = tpu.memref_squeeze %dma_wait3A_643 : memref<1x1x10000xi32, #tpu.memory_space<hbm>> -> memref<1x10000xi32, #tpu.memory_space<hbm>>
        %dma_wait3A_645 = arith.constant 0 : i32
        %dma_wait3A_646 = tpu.memref_slice %dma_wait3A_644[%scan3A, %dma_wait3A_645] : memref<1x10000xi32, #tpu.memory_space<hbm>> -> memref<1x10000xi32, #tpu.memory_space<hbm>>
        %dma_wait3A_647 = tpu.memref_squeeze %dma_wait3A_646 : memref<1x10000xi32, #tpu.memory_space<hbm>> -> memref<10000xi32, #tpu.memory_space<hbm>>
        %dma_wait3A_648 = tpu.memref_slice %dma_wait3A_647[%mul3A_625] : memref<10000xi32, #tpu.memory_space<hbm>> -> memref<80xi32, #tpu.memory_space<hbm>>
        tpu.wait_dma2 semaphore(%arg16 : memref<!tpu.dma_semaphore, #tpu.memory_space<semaphore_mem>>) src(%dma_wait3A_648 : memref<80xi32, #tpu.memory_space<hbm>>) dst(%dma_wait3A_640 : memref<80xi32, #tpu.memory_space<vmem>>)
        %add3A_649 = arith.constant 2 : i32
        %add3A_650 = arith.addi %add3A_473, %add3A_649 : i32
        %dma_start3A_651 = arith.constant 3 : i32
        %dma_start3A_652 = arith.constant 0 : i32
        %dma_start3A_653 = tpu.memref_slice %arg7[%dma_start3A_651, %dma_start3A_652] : memref<6x80xi32, #tpu.memory_space<vmem>> -> memref<1x80xi32, #tpu.memory_space<vmem>>
        %dma_start3A_654 = tpu.memref_squeeze %dma_start3A_653 : memref<1x80xi32, #tpu.memory_space<vmem>> -> memref<80xi32, #tpu.memory_space<vmem>>
        %dma_start3A_655 = arith.constant 0 : i32
        %dma_start3A_656 = arith.constant 0 : i32
        %dma_start3A_657 = tpu.memref_slice %arg2[%dma_start3A_655, %dma_start3A_656] : memref<10000x128xf32, #tpu.memory_space<hbm>> -> memref<10000x128xf32, #tpu.memory_space<hbm>>
        tpu.enqueue_indirect_dma source(%dma_start3A_657 : memref<10000x128xf32, #tpu.memory_space<hbm>>) target(%arg9 : memref<80x128xf32, #tpu.memory_space<vmem>>) offsets(%dma_start3A_654 : memref<80xi32, #tpu.memory_space<vmem>>) semaphore(%arg19 : memref<!tpu.dma_semaphore, #tpu.memory_space<semaphore_mem>>)
      } else {
      }
      %dma_wait3A_481 = arith.constant 1 : i32
      %dma_wait3A_482 = arith.constant 0 : i32
      %dma_wait3A_483 = tpu.memref_slice %arg7[%dma_wait3A_481, %dma_wait3A_482] : memref<6x80xi32, #tpu.memory_space<vmem>> -> memref<1x80xi32, #tpu.memory_space<vmem>>
      %dma_wait3A_484 = tpu.memref_squeeze %dma_wait3A_483 : memref<1x80xi32, #tpu.memory_space<vmem>> -> memref<80xi32, #tpu.memory_space<vmem>>
      %dma_wait3A_485 = arith.constant 0 : i32
      %dma_wait3A_486 = arith.constant 0 : i32
      %dma_wait3A_487 = tpu.memref_slice %arg2[%dma_wait3A_485, %dma_wait3A_486] : memref<10000x128xf32, #tpu.memory_space<hbm>> -> memref<10000x128xf32, #tpu.memory_space<hbm>>
      tpu.wait_indirect_dma semaphore(%arg20 : memref<!tpu.dma_semaphore, #tpu.memory_space<semaphore_mem>>) src(%dma_wait3A_487 : memref<10000x128xf32, #tpu.memory_space<hbm>>) dst(%arg10 : memref<80x128xf32, #tpu.memory_space<vmem>>)
      %dma_start3A_488 = arith.constant 0 : i32
      %dma_start3A_489 = tpu.memref_slice %arg8[%add3A_473, %dma_start3A_488] : memref<125x80xi32, #tpu.memory_space<vmem>> -> memref<1x80xi32, #tpu.memory_space<vmem>>
      %dma_start3A_490 = tpu.memref_squeeze %dma_start3A_489 : memref<1x80xi32, #tpu.memory_space<vmem>> -> memref<80xi32, #tpu.memory_space<vmem>>
      %dma_start3A_491 = arith.constant 0 : i32
      %dma_start3A_492 = arith.constant 0 : i32
      %dma_start3A_493 = tpu.memref_slice %arg12[%dma_start3A_491, %dma_start3A_492] : memref<10240x128xf32, #tpu.memory_space<vmem_shared>> -> memref<10240x128xf32, #tpu.memory_space<vmem_shared>>
      tpu.enqueue_indirect_dma source(%arg10 : memref<80x128xf32, #tpu.memory_space<vmem>>) target(%dma_start3A_493 : memref<10240x128xf32, #tpu.memory_space<vmem_shared>>) offsets(%dma_start3A_490 : memref<80xi32, #tpu.memory_space<vmem>>) semaphore(%arg23 : memref<!tpu.dma_semaphore, #tpu.memory_space<semaphore_mem>>) {add = true}
      %add3A_494 = arith.constant 6 : i32
      %add3A_495 = arith.addi %add3A_473, %add3A_494 : i32
      %lt3A_496 = arith.constant 125 : i32
      %lt3A_497 = arith.cmpi slt, %add3A_495, %lt3A_496 : i32
      %convert_element_type3A_498 = arith.extui %lt3A_497 : i1 to i32
      %cond3A_499 = arith.constant 0 : i32
      %cond3A_500 = arith.cmpi ne, %convert_element_type3A_498, %cond3A_499 : i32
      scf.if %cond3A_500 {
        %add3A_618 = arith.constant 6 : i32
        %add3A_619 = arith.addi %add3A_473, %add3A_618 : i32
        %mul3A_620 = arith.constant 80 : i32
        %mul3A_621 = arith.muli %add3A_619, %mul3A_620 : i32
        %dma_start3A_622 = arith.constant 1 : i32
        %dma_start3A_623 = arith.constant 0 : i32
        %dma_start3A_624 = tpu.memref_slice %arg7[%dma_start3A_622, %dma_start3A_623] : memref<6x80xi32, #tpu.memory_space<vmem>> -> memref<1x80xi32, #tpu.memory_space<vmem>>
        %dma_start3A_625 = tpu.memref_squeeze %dma_start3A_624 : memref<1x80xi32, #tpu.memory_space<vmem>> -> memref<80xi32, #tpu.memory_space<vmem>>
        %dma_start3A_626 = arith.constant 0 : i32
        %dma_start3A_627 = arith.constant 0 : i32
        %dma_start3A_628 = tpu.memref_slice %arg3[%add3A, %dma_start3A_626, %dma_start3A_627] : memref<32x1x10000xi32, #tpu.memory_space<hbm>> -> memref<1x1x10000xi32, #tpu.memory_space<hbm>>
        %dma_start3A_629 = tpu.memref_squeeze %dma_start3A_628 : memref<1x1x10000xi32, #tpu.memory_space<hbm>> -> memref<1x10000xi32, #tpu.memory_space<hbm>>
        %dma_start3A_630 = arith.constant 0 : i32
        %dma_start3A_631 = tpu.memref_slice %dma_start3A_629[%scan3A, %dma_start3A_630] : memref<1x10000xi32, #tpu.memory_space<hbm>> -> memref<1x10000xi32, #tpu.memory_space<hbm>>
        %dma_start3A_632 = tpu.memref_squeeze %dma_start3A_631 : memref<1x10000xi32, #tpu.memory_space<hbm>> -> memref<10000xi32, #tpu.memory_space<hbm>>
        %dma_start3A_633 = tpu.memref_slice %dma_start3A_632[%mul3A_621] : memref<10000xi32, #tpu.memory_space<hbm>> -> memref<80xi32, #tpu.memory_space<hbm>>
        %dma_start3A_634 = arith.constant 0 : i32
        %dma_start3A_635 = tpu.memref_slice %arg7[%dma_start3A_622, %dma_start3A_634] : memref<6x80xi32, #tpu.memory_space<vmem>> -> memref<1x80xi32, #tpu.memory_space<vmem>>
        %dma_start3A_636 = tpu.memref_squeeze %dma_start3A_635 : memref<1x80xi32, #tpu.memory_space<vmem>> -> memref<80xi32, #tpu.memory_space<vmem>>
        %dma_start3A_637 = arith.constant 0 : i32
        %dma_start3A_638 = arith.constant 0 : i32
        %dma_start3A_639 = tpu.memref_slice %arg3[%add3A, %dma_start3A_637, %dma_start3A_638] : memref<32x1x10000xi32, #tpu.memory_space<hbm>> -> memref<1x1x10000xi32, #tpu.memory_space<hbm>>
        %dma_start3A_640 = tpu.memref_squeeze %dma_start3A_639 : memref<1x1x10000xi32, #tpu.memory_space<hbm>> -> memref<1x10000xi32, #tpu.memory_space<hbm>>
        %dma_start3A_641 = arith.constant 0 : i32
        %dma_start3A_642 = tpu.memref_slice %dma_start3A_640[%scan3A, %dma_start3A_641] : memref<1x10000xi32, #tpu.memory_space<hbm>> -> memref<1x10000xi32, #tpu.memory_space<hbm>>
        %dma_start3A_643 = tpu.memref_squeeze %dma_start3A_642 : memref<1x10000xi32, #tpu.memory_space<hbm>> -> memref<10000xi32, #tpu.memory_space<hbm>>
        %dma_start3A_644 = tpu.memref_slice %dma_start3A_643[%mul3A_621] : memref<10000xi32, #tpu.memory_space<hbm>> -> memref<80xi32, #tpu.memory_space<hbm>>
        tpu.enqueue_dma source(%dma_start3A_644 : memref<80xi32, #tpu.memory_space<hbm>>) target(%dma_start3A_636 : memref<80xi32, #tpu.memory_space<vmem>>) target_semaphore(%arg14 : memref<!tpu.dma_semaphore, #tpu.memory_space<semaphore_mem>>)
      } else {
      }
      %add3A_501 = arith.constant 2 : i32
      %add3A_502 = arith.addi %mul3A_445, %add3A_501 : i32
      %add3A_503 = arith.constant 2 : i32
      %add3A_504 = arith.addi %add3A_502, %add3A_503 : i32
      %lt3A_505 = arith.constant 125 : i32
      %lt3A_506 = arith.cmpi slt, %add3A_504, %lt3A_505 : i32
      %convert_element_type3A_507 = arith.extui %lt3A_506 : i1 to i32
      %cond3A_508 = arith.constant 0 : i32
      %cond3A_509 = arith.cmpi ne, %convert_element_type3A_507, %cond3A_508 : i32
      scf.if %cond3A_509 {
        %ge3A = arith.constant 1 : i32
        %ge3A_618 = arith.cmpi sge, %add3A_502, %ge3A : i32
        %convert_element_type3A_619 = arith.extui %ge3A_618 : i1 to i32
        %cond3A_620 = arith.constant 0 : i32
        %cond3A_621 = arith.cmpi ne, %convert_element_type3A_619, %cond3A_620 : i32
        scf.if %cond3A_621 {
          %sub3A = arith.constant 1 : i32
          %sub3A_658 = arith.subi %add3A_502, %sub3A : i32
          %dma_wait3A_659 = arith.constant 0 : i32
          %dma_wait3A_660 = tpu.memref_slice %arg8[%sub3A_658, %dma_wait3A_659] : memref<125x80xi32, #tpu.memory_space<vmem>> -> memref<1x80xi32, #tpu.memory_space<vmem>>
          %dma_wait3A_661 = tpu.memref_squeeze %dma_wait3A_660 : memref<1x80xi32, #tpu.memory_space<vmem>> -> memref<80xi32, #tpu.memory_space<vmem>>
          %dma_wait3A_662 = arith.constant 0 : i32
          %dma_wait3A_663 = arith.constant 0 : i32
          %dma_wait3A_664 = tpu.memref_slice %arg12[%dma_wait3A_662, %dma_wait3A_663] : memref<10240x128xf32, #tpu.memory_space<vmem_shared>> -> memref<10240x128xf32, #tpu.memory_space<vmem_shared>>
          tpu.wait_indirect_dma semaphore(%arg23 : memref<!tpu.dma_semaphore, #tpu.memory_space<semaphore_mem>>) src(%arg10 : memref<80x128xf32, #tpu.memory_space<vmem>>) dst(%dma_wait3A_664 : memref<10240x128xf32, #tpu.memory_space<vmem_shared>>)
        } else {
        }
        %add3A_622 = arith.constant 2 : i32
        %add3A_623 = arith.addi %add3A_502, %add3A_622 : i32
        %mul3A_624 = arith.constant 80 : i32
        %mul3A_625 = arith.muli %add3A_623, %mul3A_624 : i32
        %dma_wait3A_626 = arith.constant 4 : i32
        %dma_wait3A_627 = arith.constant 0 : i32
        %dma_wait3A_628 = tpu.memref_slice %arg7[%dma_wait3A_626, %dma_wait3A_627] : memref<6x80xi32, #tpu.memory_space<vmem>> -> memref<1x80xi32, #tpu.memory_space<vmem>>
        %dma_wait3A_629 = tpu.memref_squeeze %dma_wait3A_628 : memref<1x80xi32, #tpu.memory_space<vmem>> -> memref<80xi32, #tpu.memory_space<vmem>>
        %dma_wait3A_630 = arith.constant 0 : i32
        %dma_wait3A_631 = arith.constant 0 : i32
        %dma_wait3A_632 = tpu.memref_slice %arg3[%add3A, %dma_wait3A_630, %dma_wait3A_631] : memref<32x1x10000xi32, #tpu.memory_space<hbm>> -> memref<1x1x10000xi32, #tpu.memory_space<hbm>>
        %dma_wait3A_633 = tpu.memref_squeeze %dma_wait3A_632 : memref<1x1x10000xi32, #tpu.memory_space<hbm>> -> memref<1x10000xi32, #tpu.memory_space<hbm>>
        %dma_wait3A_634 = arith.constant 0 : i32
        %dma_wait3A_635 = tpu.memref_slice %dma_wait3A_633[%scan3A, %dma_wait3A_634] : memref<1x10000xi32, #tpu.memory_space<hbm>> -> memref<1x10000xi32, #tpu.memory_space<hbm>>
        %dma_wait3A_636 = tpu.memref_squeeze %dma_wait3A_635 : memref<1x10000xi32, #tpu.memory_space<hbm>> -> memref<10000xi32, #tpu.memory_space<hbm>>
        %dma_wait3A_637 = tpu.memref_slice %dma_wait3A_636[%mul3A_625] : memref<10000xi32, #tpu.memory_space<hbm>> -> memref<80xi32, #tpu.memory_space<hbm>>
        %dma_wait3A_638 = arith.constant 0 : i32
        %dma_wait3A_639 = tpu.memref_slice %arg7[%dma_wait3A_626, %dma_wait3A_638] : memref<6x80xi32, #tpu.memory_space<vmem>> -> memref<1x80xi32, #tpu.memory_space<vmem>>
        %dma_wait3A_640 = tpu.memref_squeeze %dma_wait3A_639 : memref<1x80xi32, #tpu.memory_space<vmem>> -> memref<80xi32, #tpu.memory_space<vmem>>
        %dma_wait3A_641 = arith.constant 0 : i32
        %dma_wait3A_642 = arith.constant 0 : i32
        %dma_wait3A_643 = tpu.memref_slice %arg3[%add3A, %dma_wait3A_641, %dma_wait3A_642] : memref<32x1x10000xi32, #tpu.memory_space<hbm>> -> memref<1x1x10000xi32, #tpu.memory_space<hbm>>
        %dma_wait3A_644 = tpu.memref_squeeze %dma_wait3A_643 : memref<1x1x10000xi32, #tpu.memory_space<hbm>> -> memref<1x10000xi32, #tpu.memory_space<hbm>>
        %dma_wait3A_645 = arith.constant 0 : i32
        %dma_wait3A_646 = tpu.memref_slice %dma_wait3A_644[%scan3A, %dma_wait3A_645] : memref<1x10000xi32, #tpu.memory_space<hbm>> -> memref<1x10000xi32, #tpu.memory_space<hbm>>
        %dma_wait3A_647 = tpu.memref_squeeze %dma_wait3A_646 : memref<1x10000xi32, #tpu.memory_space<hbm>> -> memref<10000xi32, #tpu.memory_space<hbm>>
        %dma_wait3A_648 = tpu.memref_slice %dma_wait3A_647[%mul3A_625] : memref<10000xi32, #tpu.memory_space<hbm>> -> memref<80xi32, #tpu.memory_space<hbm>>
        tpu.wait_dma2 semaphore(%arg17 : memref<!tpu.dma_semaphore, #tpu.memory_space<semaphore_mem>>) src(%dma_wait3A_648 : memref<80xi32, #tpu.memory_space<hbm>>) dst(%dma_wait3A_640 : memref<80xi32, #tpu.memory_space<vmem>>)
        %add3A_649 = arith.constant 2 : i32
        %add3A_650 = arith.addi %add3A_502, %add3A_649 : i32
        %dma_start3A_651 = arith.constant 4 : i32
        %dma_start3A_652 = arith.constant 0 : i32
        %dma_start3A_653 = tpu.memref_slice %arg7[%dma_start3A_651, %dma_start3A_652] : memref<6x80xi32, #tpu.memory_space<vmem>> -> memref<1x80xi32, #tpu.memory_space<vmem>>
        %dma_start3A_654 = tpu.memref_squeeze %dma_start3A_653 : memref<1x80xi32, #tpu.memory_space<vmem>> -> memref<80xi32, #tpu.memory_space<vmem>>
        %dma_start3A_655 = arith.constant 0 : i32
        %dma_start3A_656 = arith.constant 0 : i32
        %dma_start3A_657 = tpu.memref_slice %arg2[%dma_start3A_655, %dma_start3A_656] : memref<10000x128xf32, #tpu.memory_space<hbm>> -> memref<10000x128xf32, #tpu.memory_space<hbm>>
        tpu.enqueue_indirect_dma source(%dma_start3A_657 : memref<10000x128xf32, #tpu.memory_space<hbm>>) target(%arg10 : memref<80x128xf32, #tpu.memory_space<vmem>>) offsets(%dma_start3A_654 : memref<80xi32, #tpu.memory_space<vmem>>) semaphore(%arg20 : memref<!tpu.dma_semaphore, #tpu.memory_space<semaphore_mem>>)
      } else {
      }
      %dma_wait3A_510 = arith.constant 2 : i32
      %dma_wait3A_511 = arith.constant 0 : i32
      %dma_wait3A_512 = tpu.memref_slice %arg7[%dma_wait3A_510, %dma_wait3A_511] : memref<6x80xi32, #tpu.memory_space<vmem>> -> memref<1x80xi32, #tpu.memory_space<vmem>>
      %dma_wait3A_513 = tpu.memref_squeeze %dma_wait3A_512 : memref<1x80xi32, #tpu.memory_space<vmem>> -> memref<80xi32, #tpu.memory_space<vmem>>
      %dma_wait3A_514 = arith.constant 0 : i32
      %dma_wait3A_515 = arith.constant 0 : i32
      %dma_wait3A_516 = tpu.memref_slice %arg2[%dma_wait3A_514, %dma_wait3A_515] : memref<10000x128xf32, #tpu.memory_space<hbm>> -> memref<10000x128xf32, #tpu.memory_space<hbm>>
      tpu.wait_indirect_dma semaphore(%arg21 : memref<!tpu.dma_semaphore, #tpu.memory_space<semaphore_mem>>) src(%dma_wait3A_516 : memref<10000x128xf32, #tpu.memory_space<hbm>>) dst(%arg11 : memref<80x128xf32, #tpu.memory_space<vmem>>)
      %dma_start3A_517 = arith.constant 0 : i32
      %dma_start3A_518 = tpu.memref_slice %arg8[%add3A_502, %dma_start3A_517] : memref<125x80xi32, #tpu.memory_space<vmem>> -> memref<1x80xi32, #tpu.memory_space<vmem>>
      %dma_start3A_519 = tpu.memref_squeeze %dma_start3A_518 : memref<1x80xi32, #tpu.memory_space<vmem>> -> memref<80xi32, #tpu.memory_space<vmem>>
      %dma_start3A_520 = arith.constant 0 : i32
      %dma_start3A_521 = arith.constant 0 : i32
      %dma_start3A_522 = tpu.memref_slice %arg12[%dma_start3A_520, %dma_start3A_521] : memref<10240x128xf32, #tpu.memory_space<vmem_shared>> -> memref<10240x128xf32, #tpu.memory_space<vmem_shared>>
      tpu.enqueue_indirect_dma source(%arg11 : memref<80x128xf32, #tpu.memory_space<vmem>>) target(%dma_start3A_522 : memref<10240x128xf32, #tpu.memory_space<vmem_shared>>) offsets(%dma_start3A_519 : memref<80xi32, #tpu.memory_space<vmem>>) semaphore(%arg24 : memref<!tpu.dma_semaphore, #tpu.memory_space<semaphore_mem>>) {add = true}
      %add3A_523 = arith.constant 6 : i32
      %add3A_524 = arith.addi %add3A_502, %add3A_523 : i32
      %lt3A_525 = arith.constant 125 : i32
      %lt3A_526 = arith.cmpi slt, %add3A_524, %lt3A_525 : i32
      %convert_element_type3A_527 = arith.extui %lt3A_526 : i1 to i32
      %cond3A_528 = arith.constant 0 : i32
      %cond3A_529 = arith.cmpi ne, %convert_element_type3A_527, %cond3A_528 : i32
      scf.if %cond3A_529 {
        %add3A_618 = arith.constant 6 : i32
        %add3A_619 = arith.addi %add3A_502, %add3A_618 : i32
        %mul3A_620 = arith.constant 80 : i32
        %mul3A_621 = arith.muli %add3A_619, %mul3A_620 : i32
        %dma_start3A_622 = arith.constant 2 : i32
        %dma_start3A_623 = arith.constant 0 : i32
        %dma_start3A_624 = tpu.memref_slice %arg7[%dma_start3A_622, %dma_start3A_623] : memref<6x80xi32, #tpu.memory_space<vmem>> -> memref<1x80xi32, #tpu.memory_space<vmem>>
        %dma_start3A_625 = tpu.memref_squeeze %dma_start3A_624 : memref<1x80xi32, #tpu.memory_space<vmem>> -> memref<80xi32, #tpu.memory_space<vmem>>
        %dma_start3A_626 = arith.constant 0 : i32
        %dma_start3A_627 = arith.constant 0 : i32
        %dma_start3A_628 = tpu.memref_slice %arg3[%add3A, %dma_start3A_626, %dma_start3A_627] : memref<32x1x10000xi32, #tpu.memory_space<hbm>> -> memref<1x1x10000xi32, #tpu.memory_space<hbm>>
        %dma_start3A_629 = tpu.memref_squeeze %dma_start3A_628 : memref<1x1x10000xi32, #tpu.memory_space<hbm>> -> memref<1x10000xi32, #tpu.memory_space<hbm>>
        %dma_start3A_630 = arith.constant 0 : i32
        %dma_start3A_631 = tpu.memref_slice %dma_start3A_629[%scan3A, %dma_start3A_630] : memref<1x10000xi32, #tpu.memory_space<hbm>> -> memref<1x10000xi32, #tpu.memory_space<hbm>>
        %dma_start3A_632 = tpu.memref_squeeze %dma_start3A_631 : memref<1x10000xi32, #tpu.memory_space<hbm>> -> memref<10000xi32, #tpu.memory_space<hbm>>
        %dma_start3A_633 = tpu.memref_slice %dma_start3A_632[%mul3A_621] : memref<10000xi32, #tpu.memory_space<hbm>> -> memref<80xi32, #tpu.memory_space<hbm>>
        %dma_start3A_634 = arith.constant 0 : i32
        %dma_start3A_635 = tpu.memref_slice %arg7[%dma_start3A_622, %dma_start3A_634] : memref<6x80xi32, #tpu.memory_space<vmem>> -> memref<1x80xi32, #tpu.memory_space<vmem>>
        %dma_start3A_636 = tpu.memref_squeeze %dma_start3A_635 : memref<1x80xi32, #tpu.memory_space<vmem>> -> memref<80xi32, #tpu.memory_space<vmem>>
        %dma_start3A_637 = arith.constant 0 : i32
        %dma_start3A_638 = arith.constant 0 : i32
        %dma_start3A_639 = tpu.memref_slice %arg3[%add3A, %dma_start3A_637, %dma_start3A_638] : memref<32x1x10000xi32, #tpu.memory_space<hbm>> -> memref<1x1x10000xi32, #tpu.memory_space<hbm>>
        %dma_start3A_640 = tpu.memref_squeeze %dma_start3A_639 : memref<1x1x10000xi32, #tpu.memory_space<hbm>> -> memref<1x10000xi32, #tpu.memory_space<hbm>>
        %dma_start3A_641 = arith.constant 0 : i32
        %dma_start3A_642 = tpu.memref_slice %dma_start3A_640[%scan3A, %dma_start3A_641] : memref<1x10000xi32, #tpu.memory_space<hbm>> -> memref<1x10000xi32, #tpu.memory_space<hbm>>
        %dma_start3A_643 = tpu.memref_squeeze %dma_start3A_642 : memref<1x10000xi32, #tpu.memory_space<hbm>> -> memref<10000xi32, #tpu.memory_space<hbm>>
        %dma_start3A_644 = tpu.memref_slice %dma_start3A_643[%mul3A_621] : memref<10000xi32, #tpu.memory_space<hbm>> -> memref<80xi32, #tpu.memory_space<hbm>>
        tpu.enqueue_dma source(%dma_start3A_644 : memref<80xi32, #tpu.memory_space<hbm>>) target(%dma_start3A_636 : memref<80xi32, #tpu.memory_space<vmem>>) target_semaphore(%arg15 : memref<!tpu.dma_semaphore, #tpu.memory_space<semaphore_mem>>)
      } else {
      }
      %add3A_530 = arith.constant 3 : i32
      %add3A_531 = arith.addi %mul3A_445, %add3A_530 : i32
      %add3A_532 = arith.constant 2 : i32
      %add3A_533 = arith.addi %add3A_531, %add3A_532 : i32
      %lt3A_534 = arith.constant 125 : i32
      %lt3A_535 = arith.cmpi slt, %add3A_533, %lt3A_534 : i32
      %convert_element_type3A_536 = arith.extui %lt3A_535 : i1 to i32
      %cond3A_537 = arith.constant 0 : i32
      %cond3A_538 = arith.cmpi ne, %convert_element_type3A_536, %cond3A_537 : i32
      scf.if %cond3A_538 {
        %ge3A = arith.constant 1 : i32
        %ge3A_618 = arith.cmpi sge, %add3A_531, %ge3A : i32
        %convert_element_type3A_619 = arith.extui %ge3A_618 : i1 to i32
        %cond3A_620 = arith.constant 0 : i32
        %cond3A_621 = arith.cmpi ne, %convert_element_type3A_619, %cond3A_620 : i32
        scf.if %cond3A_621 {
          %sub3A = arith.constant 1 : i32
          %sub3A_658 = arith.subi %add3A_531, %sub3A : i32
          %dma_wait3A_659 = arith.constant 0 : i32
          %dma_wait3A_660 = tpu.memref_slice %arg8[%sub3A_658, %dma_wait3A_659] : memref<125x80xi32, #tpu.memory_space<vmem>> -> memref<1x80xi32, #tpu.memory_space<vmem>>
          %dma_wait3A_661 = tpu.memref_squeeze %dma_wait3A_660 : memref<1x80xi32, #tpu.memory_space<vmem>> -> memref<80xi32, #tpu.memory_space<vmem>>
          %dma_wait3A_662 = arith.constant 0 : i32
          %dma_wait3A_663 = arith.constant 0 : i32
          %dma_wait3A_664 = tpu.memref_slice %arg12[%dma_wait3A_662, %dma_wait3A_663] : memref<10240x128xf32, #tpu.memory_space<vmem_shared>> -> memref<10240x128xf32, #tpu.memory_space<vmem_shared>>
          tpu.wait_indirect_dma semaphore(%arg24 : memref<!tpu.dma_semaphore, #tpu.memory_space<semaphore_mem>>) src(%arg11 : memref<80x128xf32, #tpu.memory_space<vmem>>) dst(%dma_wait3A_664 : memref<10240x128xf32, #tpu.memory_space<vmem_shared>>)
        } else {
        }
        %add3A_622 = arith.constant 2 : i32
        %add3A_623 = arith.addi %add3A_531, %add3A_622 : i32
        %mul3A_624 = arith.constant 80 : i32
        %mul3A_625 = arith.muli %add3A_623, %mul3A_624 : i32
        %dma_wait3A_626 = arith.constant 5 : i32
        %dma_wait3A_627 = arith.constant 0 : i32
        %dma_wait3A_628 = tpu.memref_slice %arg7[%dma_wait3A_626, %dma_wait3A_627] : memref<6x80xi32, #tpu.memory_space<vmem>> -> memref<1x80xi32, #tpu.memory_space<vmem>>
        %dma_wait3A_629 = tpu.memref_squeeze %dma_wait3A_628 : memref<1x80xi32, #tpu.memory_space<vmem>> -> memref<80xi32, #tpu.memory_space<vmem>>
        %dma_wait3A_630 = arith.constant 0 : i32
        %dma_wait3A_631 = arith.constant 0 : i32
        %dma_wait3A_632 = tpu.memref_slice %arg3[%add3A, %dma_wait3A_630, %dma_wait3A_631] : memref<32x1x10000xi32, #tpu.memory_space<hbm>> -> memref<1x1x10000xi32, #tpu.memory_space<hbm>>
        %dma_wait3A_633 = tpu.memref_squeeze %dma_wait3A_632 : memref<1x1x10000xi32, #tpu.memory_space<hbm>> -> memref<1x10000xi32, #tpu.memory_space<hbm>>
        %dma_wait3A_634 = arith.constant 0 : i32
        %dma_wait3A_635 = tpu.memref_slice %dma_wait3A_633[%scan3A, %dma_wait3A_634] : memref<1x10000xi32, #tpu.memory_space<hbm>> -> memref<1x10000xi32, #tpu.memory_space<hbm>>
        %dma_wait3A_636 = tpu.memref_squeeze %dma_wait3A_635 : memref<1x10000xi32, #tpu.memory_space<hbm>> -> memref<10000xi32, #tpu.memory_space<hbm>>
        %dma_wait3A_637 = tpu.memref_slice %dma_wait3A_636[%mul3A_625] : memref<10000xi32, #tpu.memory_space<hbm>> -> memref<80xi32, #tpu.memory_space<hbm>>
        %dma_wait3A_638 = arith.constant 0 : i32
        %dma_wait3A_639 = tpu.memref_slice %arg7[%dma_wait3A_626, %dma_wait3A_638] : memref<6x80xi32, #tpu.memory_space<vmem>> -> memref<1x80xi32, #tpu.memory_space<vmem>>
        %dma_wait3A_640 = tpu.memref_squeeze %dma_wait3A_639 : memref<1x80xi32, #tpu.memory_space<vmem>> -> memref<80xi32, #tpu.memory_space<vmem>>
        %dma_wait3A_641 = arith.constant 0 : i32
        %dma_wait3A_642 = arith.constant 0 : i32
        %dma_wait3A_643 = tpu.memref_slice %arg3[%add3A, %dma_wait3A_641, %dma_wait3A_642] : memref<32x1x10000xi32, #tpu.memory_space<hbm>> -> memref<1x1x10000xi32, #tpu.memory_space<hbm>>
        %dma_wait3A_644 = tpu.memref_squeeze %dma_wait3A_643 : memref<1x1x10000xi32, #tpu.memory_space<hbm>> -> memref<1x10000xi32, #tpu.memory_space<hbm>>
        %dma_wait3A_645 = arith.constant 0 : i32
        %dma_wait3A_646 = tpu.memref_slice %dma_wait3A_644[%scan3A, %dma_wait3A_645] : memref<1x10000xi32, #tpu.memory_space<hbm>> -> memref<1x10000xi32, #tpu.memory_space<hbm>>
        %dma_wait3A_647 = tpu.memref_squeeze %dma_wait3A_646 : memref<1x10000xi32, #tpu.memory_space<hbm>> -> memref<10000xi32, #tpu.memory_space<hbm>>
        %dma_wait3A_648 = tpu.memref_slice %dma_wait3A_647[%mul3A_625] : memref<10000xi32, #tpu.memory_space<hbm>> -> memref<80xi32, #tpu.memory_space<hbm>>
        tpu.wait_dma2 semaphore(%arg18 : memref<!tpu.dma_semaphore, #tpu.memory_space<semaphore_mem>>) src(%dma_wait3A_648 : memref<80xi32, #tpu.memory_space<hbm>>) dst(%dma_wait3A_640 : memref<80xi32, #tpu.memory_space<vmem>>)
        %add3A_649 = arith.constant 2 : i32
        %add3A_650 = arith.addi %add3A_531, %add3A_649 : i32
        %dma_start3A_651 = arith.constant 5 : i32
        %dma_start3A_652 = arith.constant 0 : i32
        %dma_start3A_653 = tpu.memref_slice %arg7[%dma_start3A_651, %dma_start3A_652] : memref<6x80xi32, #tpu.memory_space<vmem>> -> memref<1x80xi32, #tpu.memory_space<vmem>>
        %dma_start3A_654 = tpu.memref_squeeze %dma_start3A_653 : memref<1x80xi32, #tpu.memory_space<vmem>> -> memref<80xi32, #tpu.memory_space<vmem>>
        %dma_start3A_655 = arith.constant 0 : i32
        %dma_start3A_656 = arith.constant 0 : i32
        %dma_start3A_657 = tpu.memref_slice %arg2[%dma_start3A_655, %dma_start3A_656] : memref<10000x128xf32, #tpu.memory_space<hbm>> -> memref<10000x128xf32, #tpu.memory_space<hbm>>
        tpu.enqueue_indirect_dma source(%dma_start3A_657 : memref<10000x128xf32, #tpu.memory_space<hbm>>) target(%arg11 : memref<80x128xf32, #tpu.memory_space<vmem>>) offsets(%dma_start3A_654 : memref<80xi32, #tpu.memory_space<vmem>>) semaphore(%arg21 : memref<!tpu.dma_semaphore, #tpu.memory_space<semaphore_mem>>)
      } else {
      }
      %dma_wait3A_539 = arith.constant 3 : i32
      %dma_wait3A_540 = arith.constant 0 : i32
      %dma_wait3A_541 = tpu.memref_slice %arg7[%dma_wait3A_539, %dma_wait3A_540] : memref<6x80xi32, #tpu.memory_space<vmem>> -> memref<1x80xi32, #tpu.memory_space<vmem>>
      %dma_wait3A_542 = tpu.memref_squeeze %dma_wait3A_541 : memref<1x80xi32, #tpu.memory_space<vmem>> -> memref<80xi32, #tpu.memory_space<vmem>>
      %dma_wait3A_543 = arith.constant 0 : i32
      %dma_wait3A_544 = arith.constant 0 : i32
      %dma_wait3A_545 = tpu.memref_slice %arg2[%dma_wait3A_543, %dma_wait3A_544] : memref<10000x128xf32, #tpu.memory_space<hbm>> -> memref<10000x128xf32, #tpu.memory_space<hbm>>
      tpu.wait_indirect_dma semaphore(%arg19 : memref<!tpu.dma_semaphore, #tpu.memory_space<semaphore_mem>>) src(%dma_wait3A_545 : memref<10000x128xf32, #tpu.memory_space<hbm>>) dst(%arg9 : memref<80x128xf32, #tpu.memory_space<vmem>>)
      %dma_start3A_546 = arith.constant 0 : i32
      %dma_start3A_547 = tpu.memref_slice %arg8[%add3A_531, %dma_start3A_546] : memref<125x80xi32, #tpu.memory_space<vmem>> -> memref<1x80xi32, #tpu.memory_space<vmem>>
      %dma_start3A_548 = tpu.memref_squeeze %dma_start3A_547 : memref<1x80xi32, #tpu.memory_space<vmem>> -> memref<80xi32, #tpu.memory_space<vmem>>
      %dma_start3A_549 = arith.constant 0 : i32
      %dma_start3A_550 = arith.constant 0 : i32
      %dma_start3A_551 = tpu.memref_slice %arg12[%dma_start3A_549, %dma_start3A_550] : memref<10240x128xf32, #tpu.memory_space<vmem_shared>> -> memref<10240x128xf32, #tpu.memory_space<vmem_shared>>
      tpu.enqueue_indirect_dma source(%arg9 : memref<80x128xf32, #tpu.memory_space<vmem>>) target(%dma_start3A_551 : memref<10240x128xf32, #tpu.memory_space<vmem_shared>>) offsets(%dma_start3A_548 : memref<80xi32, #tpu.memory_space<vmem>>) semaphore(%arg22 : memref<!tpu.dma_semaphore, #tpu.memory_space<semaphore_mem>>) {add = true}
      %add3A_552 = arith.constant 6 : i32
      %add3A_553 = arith.addi %add3A_531, %add3A_552 : i32
      %lt3A_554 = arith.constant 125 : i32
      %lt3A_555 = arith.cmpi slt, %add3A_553, %lt3A_554 : i32
      %convert_element_type3A_556 = arith.extui %lt3A_555 : i1 to i32
      %cond3A_557 = arith.constant 0 : i32
      %cond3A_558 = arith.cmpi ne, %convert_element_type3A_556, %cond3A_557 : i32
      scf.if %cond3A_558 {
        %add3A_618 = arith.constant 6 : i32
        %add3A_619 = arith.addi %add3A_531, %add3A_618 : i32
        %mul3A_620 = arith.constant 80 : i32
        %mul3A_621 = arith.muli %add3A_619, %mul3A_620 : i32
        %dma_start3A_622 = arith.constant 3 : i32
        %dma_start3A_623 = arith.constant 0 : i32
        %dma_start3A_624 = tpu.memref_slice %arg7[%dma_start3A_622, %dma_start3A_623] : memref<6x80xi32, #tpu.memory_space<vmem>> -> memref<1x80xi32, #tpu.memory_space<vmem>>
        %dma_start3A_625 = tpu.memref_squeeze %dma_start3A_624 : memref<1x80xi32, #tpu.memory_space<vmem>> -> memref<80xi32, #tpu.memory_space<vmem>>
        %dma_start3A_626 = arith.constant 0 : i32
        %dma_start3A_627 = arith.constant 0 : i32
        %dma_start3A_628 = tpu.memref_slice %arg3[%add3A, %dma_start3A_626, %dma_start3A_627] : memref<32x1x10000xi32, #tpu.memory_space<hbm>> -> memref<1x1x10000xi32, #tpu.memory_space<hbm>>
        %dma_start3A_629 = tpu.memref_squeeze %dma_start3A_628 : memref<1x1x10000xi32, #tpu.memory_space<hbm>> -> memref<1x10000xi32, #tpu.memory_space<hbm>>
        %dma_start3A_630 = arith.constant 0 : i32
        %dma_start3A_631 = tpu.memref_slice %dma_start3A_629[%scan3A, %dma_start3A_630] : memref<1x10000xi32, #tpu.memory_space<hbm>> -> memref<1x10000xi32, #tpu.memory_space<hbm>>
        %dma_start3A_632 = tpu.memref_squeeze %dma_start3A_631 : memref<1x10000xi32, #tpu.memory_space<hbm>> -> memref<10000xi32, #tpu.memory_space<hbm>>
        %dma_start3A_633 = tpu.memref_slice %dma_start3A_632[%mul3A_621] : memref<10000xi32, #tpu.memory_space<hbm>> -> memref<80xi32, #tpu.memory_space<hbm>>
        %dma_start3A_634 = arith.constant 0 : i32
        %dma_start3A_635 = tpu.memref_slice %arg7[%dma_start3A_622, %dma_start3A_634] : memref<6x80xi32, #tpu.memory_space<vmem>> -> memref<1x80xi32, #tpu.memory_space<vmem>>
        %dma_start3A_636 = tpu.memref_squeeze %dma_start3A_635 : memref<1x80xi32, #tpu.memory_space<vmem>> -> memref<80xi32, #tpu.memory_space<vmem>>
        %dma_start3A_637 = arith.constant 0 : i32
        %dma_start3A_638 = arith.constant 0 : i32
        %dma_start3A_639 = tpu.memref_slice %arg3[%add3A, %dma_start3A_637, %dma_start3A_638] : memref<32x1x10000xi32, #tpu.memory_space<hbm>> -> memref<1x1x10000xi32, #tpu.memory_space<hbm>>
        %dma_start3A_640 = tpu.memref_squeeze %dma_start3A_639 : memref<1x1x10000xi32, #tpu.memory_space<hbm>> -> memref<1x10000xi32, #tpu.memory_space<hbm>>
        %dma_start3A_641 = arith.constant 0 : i32
        %dma_start3A_642 = tpu.memref_slice %dma_start3A_640[%scan3A, %dma_start3A_641] : memref<1x10000xi32, #tpu.memory_space<hbm>> -> memref<1x10000xi32, #tpu.memory_space<hbm>>
        %dma_start3A_643 = tpu.memref_squeeze %dma_start3A_642 : memref<1x10000xi32, #tpu.memory_space<hbm>> -> memref<10000xi32, #tpu.memory_space<hbm>>
        %dma_start3A_644 = tpu.memref_slice %dma_start3A_643[%mul3A_621] : memref<10000xi32, #tpu.memory_space<hbm>> -> memref<80xi32, #tpu.memory_space<hbm>>
        tpu.enqueue_dma source(%dma_start3A_644 : memref<80xi32, #tpu.memory_space<hbm>>) target(%dma_start3A_636 : memref<80xi32, #tpu.memory_space<vmem>>) target_semaphore(%arg16 : memref<!tpu.dma_semaphore, #tpu.memory_space<semaphore_mem>>)
      } else {
      }
      %add3A_559 = arith.constant 4 : i32
      %add3A_560 = arith.addi %mul3A_445, %add3A_559 : i32
      %add3A_561 = arith.constant 2 : i32
      %add3A_562 = arith.addi %add3A_560, %add3A_561 : i32
      %lt3A_563 = arith.constant 125 : i32
      %lt3A_564 = arith.cmpi slt, %add3A_562, %lt3A_563 : i32
      %convert_element_type3A_565 = arith.extui %lt3A_564 : i1 to i32
      %cond3A_566 = arith.constant 0 : i32
      %cond3A_567 = arith.cmpi ne, %convert_element_type3A_565, %cond3A_566 : i32
      scf.if %cond3A_567 {
        %ge3A = arith.constant 1 : i32
        %ge3A_618 = arith.cmpi sge, %add3A_560, %ge3A : i32
        %convert_element_type3A_619 = arith.extui %ge3A_618 : i1 to i32
        %cond3A_620 = arith.constant 0 : i32
        %cond3A_621 = arith.cmpi ne, %convert_element_type3A_619, %cond3A_620 : i32
        scf.if %cond3A_621 {
          %sub3A = arith.constant 1 : i32
          %sub3A_658 = arith.subi %add3A_560, %sub3A : i32
          %dma_wait3A_659 = arith.constant 0 : i32
          %dma_wait3A_660 = tpu.memref_slice %arg8[%sub3A_658, %dma_wait3A_659] : memref<125x80xi32, #tpu.memory_space<vmem>> -> memref<1x80xi32, #tpu.memory_space<vmem>>
          %dma_wait3A_661 = tpu.memref_squeeze %dma_wait3A_660 : memref<1x80xi32, #tpu.memory_space<vmem>> -> memref<80xi32, #tpu.memory_space<vmem>>
          %dma_wait3A_662 = arith.constant 0 : i32
          %dma_wait3A_663 = arith.constant 0 : i32
          %dma_wait3A_664 = tpu.memref_slice %arg12[%dma_wait3A_662, %dma_wait3A_663] : memref<10240x128xf32, #tpu.memory_space<vmem_shared>> -> memref<10240x128xf32, #tpu.memory_space<vmem_shared>>
          tpu.wait_indirect_dma semaphore(%arg22 : memref<!tpu.dma_semaphore, #tpu.memory_space<semaphore_mem>>) src(%arg9 : memref<80x128xf32, #tpu.memory_space<vmem>>) dst(%dma_wait3A_664 : memref<10240x128xf32, #tpu.memory_space<vmem_shared>>)
        } else {
        }
        %add3A_622 = arith.constant 2 : i32
        %add3A_623 = arith.addi %add3A_560, %add3A_622 : i32
        %mul3A_624 = arith.constant 80 : i32
        %mul3A_625 = arith.muli %add3A_623, %mul3A_624 : i32
        %dma_wait3A_626 = arith.constant 0 : i32
        %dma_wait3A_627 = arith.constant 0 : i32
        %dma_wait3A_628 = tpu.memref_slice %arg7[%dma_wait3A_626, %dma_wait3A_627] : memref<6x80xi32, #tpu.memory_space<vmem>> -> memref<1x80xi32, #tpu.memory_space<vmem>>
        %dma_wait3A_629 = tpu.memref_squeeze %dma_wait3A_628 : memref<1x80xi32, #tpu.memory_space<vmem>> -> memref<80xi32, #tpu.memory_space<vmem>>
        %dma_wait3A_630 = arith.constant 0 : i32
        %dma_wait3A_631 = arith.constant 0 : i32
        %dma_wait3A_632 = tpu.memref_slice %arg3[%add3A, %dma_wait3A_630, %dma_wait3A_631] : memref<32x1x10000xi32, #tpu.memory_space<hbm>> -> memref<1x1x10000xi32, #tpu.memory_space<hbm>>
        %dma_wait3A_633 = tpu.memref_squeeze %dma_wait3A_632 : memref<1x1x10000xi32, #tpu.memory_space<hbm>> -> memref<1x10000xi32, #tpu.memory_space<hbm>>
        %dma_wait3A_634 = arith.constant 0 : i32
        %dma_wait3A_635 = tpu.memref_slice %dma_wait3A_633[%scan3A, %dma_wait3A_634] : memref<1x10000xi32, #tpu.memory_space<hbm>> -> memref<1x10000xi32, #tpu.memory_space<hbm>>
        %dma_wait3A_636 = tpu.memref_squeeze %dma_wait3A_635 : memref<1x10000xi32, #tpu.memory_space<hbm>> -> memref<10000xi32, #tpu.memory_space<hbm>>
        %dma_wait3A_637 = tpu.memref_slice %dma_wait3A_636[%mul3A_625] : memref<10000xi32, #tpu.memory_space<hbm>> -> memref<80xi32, #tpu.memory_space<hbm>>
        %dma_wait3A_638 = arith.constant 0 : i32
        %dma_wait3A_639 = tpu.memref_slice %arg7[%dma_wait3A_626, %dma_wait3A_638] : memref<6x80xi32, #tpu.memory_space<vmem>> -> memref<1x80xi32, #tpu.memory_space<vmem>>
        %dma_wait3A_640 = tpu.memref_squeeze %dma_wait3A_639 : memref<1x80xi32, #tpu.memory_space<vmem>> -> memref<80xi32, #tpu.memory_space<vmem>>
        %dma_wait3A_641 = arith.constant 0 : i32
        %dma_wait3A_642 = arith.constant 0 : i32
        %dma_wait3A_643 = tpu.memref_slice %arg3[%add3A, %dma_wait3A_641, %dma_wait3A_642] : memref<32x1x10000xi32, #tpu.memory_space<hbm>> -> memref<1x1x10000xi32, #tpu.memory_space<hbm>>
        %dma_wait3A_644 = tpu.memref_squeeze %dma_wait3A_643 : memref<1x1x10000xi32, #tpu.memory_space<hbm>> -> memref<1x10000xi32, #tpu.memory_space<hbm>>
        %dma_wait3A_645 = arith.constant 0 : i32
        %dma_wait3A_646 = tpu.memref_slice %dma_wait3A_644[%scan3A, %dma_wait3A_645] : memref<1x10000xi32, #tpu.memory_space<hbm>> -> memref<1x10000xi32, #tpu.memory_space<hbm>>
        %dma_wait3A_647 = tpu.memref_squeeze %dma_wait3A_646 : memref<1x10000xi32, #tpu.memory_space<hbm>> -> memref<10000xi32, #tpu.memory_space<hbm>>
        %dma_wait3A_648 = tpu.memref_slice %dma_wait3A_647[%mul3A_625] : memref<10000xi32, #tpu.memory_space<hbm>> -> memref<80xi32, #tpu.memory_space<hbm>>
        tpu.wait_dma2 semaphore(%arg13 : memref<!tpu.dma_semaphore, #tpu.memory_space<semaphore_mem>>) src(%dma_wait3A_648 : memref<80xi32, #tpu.memory_space<hbm>>) dst(%dma_wait3A_640 : memref<80xi32, #tpu.memory_space<vmem>>)
        %add3A_649 = arith.constant 2 : i32
        %add3A_650 = arith.addi %add3A_560, %add3A_649 : i32
        %dma_start3A_651 = arith.constant 0 : i32
        %dma_start3A_652 = arith.constant 0 : i32
        %dma_start3A_653 = tpu.memref_slice %arg7[%dma_start3A_651, %dma_start3A_652] : memref<6x80xi32, #tpu.memory_space<vmem>> -> memref<1x80xi32, #tpu.memory_space<vmem>>
        %dma_start3A_654 = tpu.memref_squeeze %dma_start3A_653 : memref<1x80xi32, #tpu.memory_space<vmem>> -> memref<80xi32, #tpu.memory_space<vmem>>
        %dma_start3A_655 = arith.constant 0 : i32
        %dma_start3A_656 = arith.constant 0 : i32
        %dma_start3A_657 = tpu.memref_slice %arg2[%dma_start3A_655, %dma_start3A_656] : memref<10000x128xf32, #tpu.memory_space<hbm>> -> memref<10000x128xf32, #tpu.memory_space<hbm>>
        tpu.enqueue_indirect_dma source(%dma_start3A_657 : memref<10000x128xf32, #tpu.memory_space<hbm>>) target(%arg9 : memref<80x128xf32, #tpu.memory_space<vmem>>) offsets(%dma_start3A_654 : memref<80xi32, #tpu.memory_space<vmem>>) semaphore(%arg19 : memref<!tpu.dma_semaphore, #tpu.memory_space<semaphore_mem>>)
      } else {
      }
      %dma_wait3A_568 = arith.constant 4 : i32
      %dma_wait3A_569 = arith.constant 0 : i32
      %dma_wait3A_570 = tpu.memref_slice %arg7[%dma_wait3A_568, %dma_wait3A_569] : memref<6x80xi32, #tpu.memory_space<vmem>> -> memref<1x80xi32, #tpu.memory_space<vmem>>
      %dma_wait3A_571 = tpu.memref_squeeze %dma_wait3A_570 : memref<1x80xi32, #tpu.memory_space<vmem>> -> memref<80xi32, #tpu.memory_space<vmem>>
      %dma_wait3A_572 = arith.constant 0 : i32
      %dma_wait3A_573 = arith.constant 0 : i32
      %dma_wait3A_574 = tpu.memref_slice %arg2[%dma_wait3A_572, %dma_wait3A_573] : memref<10000x128xf32, #tpu.memory_space<hbm>> -> memref<10000x128xf32, #tpu.memory_space<hbm>>
      tpu.wait_indirect_dma semaphore(%arg20 : memref<!tpu.dma_semaphore, #tpu.memory_space<semaphore_mem>>) src(%dma_wait3A_574 : memref<10000x128xf32, #tpu.memory_space<hbm>>) dst(%arg10 : memref<80x128xf32, #tpu.memory_space<vmem>>)
      %dma_start3A_575 = arith.constant 0 : i32
      %dma_start3A_576 = tpu.memref_slice %arg8[%add3A_560, %dma_start3A_575] : memref<125x80xi32, #tpu.memory_space<vmem>> -> memref<1x80xi32, #tpu.memory_space<vmem>>
      %dma_start3A_577 = tpu.memref_squeeze %dma_start3A_576 : memref<1x80xi32, #tpu.memory_space<vmem>> -> memref<80xi32, #tpu.memory_space<vmem>>
      %dma_start3A_578 = arith.constant 0 : i32
      %dma_start3A_579 = arith.constant 0 : i32
      %dma_start3A_580 = tpu.memref_slice %arg12[%dma_start3A_578, %dma_start3A_579] : memref<10240x128xf32, #tpu.memory_space<vmem_shared>> -> memref<10240x128xf32, #tpu.memory_space<vmem_shared>>
      tpu.enqueue_indirect_dma source(%arg10 : memref<80x128xf32, #tpu.memory_space<vmem>>) target(%dma_start3A_580 : memref<10240x128xf32, #tpu.memory_space<vmem_shared>>) offsets(%dma_start3A_577 : memref<80xi32, #tpu.memory_space<vmem>>) semaphore(%arg23 : memref<!tpu.dma_semaphore, #tpu.memory_space<semaphore_mem>>) {add = true}
      %add3A_581 = arith.constant 6 : i32
      %add3A_582 = arith.addi %add3A_560, %add3A_581 : i32
      %lt3A_583 = arith.constant 125 : i32
      %lt3A_584 = arith.cmpi slt, %add3A_582, %lt3A_583 : i32
      %convert_element_type3A_585 = arith.extui %lt3A_584 : i1 to i32
      %cond3A_586 = arith.constant 0 : i32
      %cond3A_587 = arith.cmpi ne, %convert_element_type3A_585, %cond3A_586 : i32
      scf.if %cond3A_587 {
        %add3A_618 = arith.constant 6 : i32
        %add3A_619 = arith.addi %add3A_560, %add3A_618 : i32
        %mul3A_620 = arith.constant 80 : i32
        %mul3A_621 = arith.muli %add3A_619, %mul3A_620 : i32
        %dma_start3A_622 = arith.constant 4 : i32
        %dma_start3A_623 = arith.constant 0 : i32
        %dma_start3A_624 = tpu.memref_slice %arg7[%dma_start3A_622, %dma_start3A_623] : memref<6x80xi32, #tpu.memory_space<vmem>> -> memref<1x80xi32, #tpu.memory_space<vmem>>
        %dma_start3A_625 = tpu.memref_squeeze %dma_start3A_624 : memref<1x80xi32, #tpu.memory_space<vmem>> -> memref<80xi32, #tpu.memory_space<vmem>>
        %dma_start3A_626 = arith.constant 0 : i32
        %dma_start3A_627 = arith.constant 0 : i32
        %dma_start3A_628 = tpu.memref_slice %arg3[%add3A, %dma_start3A_626, %dma_start3A_627] : memref<32x1x10000xi32, #tpu.memory_space<hbm>> -> memref<1x1x10000xi32, #tpu.memory_space<hbm>>
        %dma_start3A_629 = tpu.memref_squeeze %dma_start3A_628 : memref<1x1x10000xi32, #tpu.memory_space<hbm>> -> memref<1x10000xi32, #tpu.memory_space<hbm>>
        %dma_start3A_630 = arith.constant 0 : i32
        %dma_start3A_631 = tpu.memref_slice %dma_start3A_629[%scan3A, %dma_start3A_630] : memref<1x10000xi32, #tpu.memory_space<hbm>> -> memref<1x10000xi32, #tpu.memory_space<hbm>>
        %dma_start3A_632 = tpu.memref_squeeze %dma_start3A_631 : memref<1x10000xi32, #tpu.memory_space<hbm>> -> memref<10000xi32, #tpu.memory_space<hbm>>
        %dma_start3A_633 = tpu.memref_slice %dma_start3A_632[%mul3A_621] : memref<10000xi32, #tpu.memory_space<hbm>> -> memref<80xi32, #tpu.memory_space<hbm>>
        %dma_start3A_634 = arith.constant 0 : i32
        %dma_start3A_635 = tpu.memref_slice %arg7[%dma_start3A_622, %dma_start3A_634] : memref<6x80xi32, #tpu.memory_space<vmem>> -> memref<1x80xi32, #tpu.memory_space<vmem>>
        %dma_start3A_636 = tpu.memref_squeeze %dma_start3A_635 : memref<1x80xi32, #tpu.memory_space<vmem>> -> memref<80xi32, #tpu.memory_space<vmem>>
        %dma_start3A_637 = arith.constant 0 : i32
        %dma_start3A_638 = arith.constant 0 : i32
        %dma_start3A_639 = tpu.memref_slice %arg3[%add3A, %dma_start3A_637, %dma_start3A_638] : memref<32x1x10000xi32, #tpu.memory_space<hbm>> -> memref<1x1x10000xi32, #tpu.memory_space<hbm>>
        %dma_start3A_640 = tpu.memref_squeeze %dma_start3A_639 : memref<1x1x10000xi32, #tpu.memory_space<hbm>> -> memref<1x10000xi32, #tpu.memory_space<hbm>>
        %dma_start3A_641 = arith.constant 0 : i32
        %dma_start3A_642 = tpu.memref_slice %dma_start3A_640[%scan3A, %dma_start3A_641] : memref<1x10000xi32, #tpu.memory_space<hbm>> -> memref<1x10000xi32, #tpu.memory_space<hbm>>
        %dma_start3A_643 = tpu.memref_squeeze %dma_start3A_642 : memref<1x10000xi32, #tpu.memory_space<hbm>> -> memref<10000xi32, #tpu.memory_space<hbm>>
        %dma_start3A_644 = tpu.memref_slice %dma_start3A_643[%mul3A_621] : memref<10000xi32, #tpu.memory_space<hbm>> -> memref<80xi32, #tpu.memory_space<hbm>>
        tpu.enqueue_dma source(%dma_start3A_644 : memref<80xi32, #tpu.memory_space<hbm>>) target(%dma_start3A_636 : memref<80xi32, #tpu.memory_space<vmem>>) target_semaphore(%arg17 : memref<!tpu.dma_semaphore, #tpu.memory_space<semaphore_mem>>)
      } else {
      }
      %add3A_588 = arith.constant 5 : i32
      %add3A_589 = arith.addi %mul3A_445, %add3A_588 : i32
      %add3A_590 = arith.constant 2 : i32
      %add3A_591 = arith.addi %add3A_589, %add3A_590 : i32
      %lt3A_592 = arith.constant 125 : i32
      %lt3A_593 = arith.cmpi slt, %add3A_591, %lt3A_592 : i32
      %convert_element_type3A_594 = arith.extui %lt3A_593 : i1 to i32
      %cond3A_595 = arith.constant 0 : i32
      %cond3A_596 = arith.cmpi ne, %convert_element_type3A_594, %cond3A_595 : i32
      scf.if %cond3A_596 {
        %ge3A = arith.constant 1 : i32
        %ge3A_618 = arith.cmpi sge, %add3A_589, %ge3A : i32
        %convert_element_type3A_619 = arith.extui %ge3A_618 : i1 to i32
        %cond3A_620 = arith.constant 0 : i32
        %cond3A_621 = arith.cmpi ne, %convert_element_type3A_619, %cond3A_620 : i32
        scf.if %cond3A_621 {
          %sub3A = arith.constant 1 : i32
          %sub3A_658 = arith.subi %add3A_589, %sub3A : i32
          %dma_wait3A_659 = arith.constant 0 : i32
          %dma_wait3A_660 = tpu.memref_slice %arg8[%sub3A_658, %dma_wait3A_659] : memref<125x80xi32, #tpu.memory_space<vmem>> -> memref<1x80xi32, #tpu.memory_space<vmem>>
          %dma_wait3A_661 = tpu.memref_squeeze %dma_wait3A_660 : memref<1x80xi32, #tpu.memory_space<vmem>> -> memref<80xi32, #tpu.memory_space<vmem>>
          %dma_wait3A_662 = arith.constant 0 : i32
          %dma_wait3A_663 = arith.constant 0 : i32
          %dma_wait3A_664 = tpu.memref_slice %arg12[%dma_wait3A_662, %dma_wait3A_663] : memref<10240x128xf32, #tpu.memory_space<vmem_shared>> -> memref<10240x128xf32, #tpu.memory_space<vmem_shared>>
          tpu.wait_indirect_dma semaphore(%arg23 : memref<!tpu.dma_semaphore, #tpu.memory_space<semaphore_mem>>) src(%arg10 : memref<80x128xf32, #tpu.memory_space<vmem>>) dst(%dma_wait3A_664 : memref<10240x128xf32, #tpu.memory_space<vmem_shared>>)
        } else {
        }
        %add3A_622 = arith.constant 2 : i32
        %add3A_623 = arith.addi %add3A_589, %add3A_622 : i32
        %mul3A_624 = arith.constant 80 : i32
        %mul3A_625 = arith.muli %add3A_623, %mul3A_624 : i32
        %dma_wait3A_626 = arith.constant 1 : i32
        %dma_wait3A_627 = arith.constant 0 : i32
        %dma_wait3A_628 = tpu.memref_slice %arg7[%dma_wait3A_626, %dma_wait3A_627] : memref<6x80xi32, #tpu.memory_space<vmem>> -> memref<1x80xi32, #tpu.memory_space<vmem>>
        %dma_wait3A_629 = tpu.memref_squeeze %dma_wait3A_628 : memref<1x80xi32, #tpu.memory_space<vmem>> -> memref<80xi32, #tpu.memory_space<vmem>>
        %dma_wait3A_630 = arith.constant 0 : i32
        %dma_wait3A_631 = arith.constant 0 : i32
        %dma_wait3A_632 = tpu.memref_slice %arg3[%add3A, %dma_wait3A_630, %dma_wait3A_631] : memref<32x1x10000xi32, #tpu.memory_space<hbm>> -> memref<1x1x10000xi32, #tpu.memory_space<hbm>>
        %dma_wait3A_633 = tpu.memref_squeeze %dma_wait3A_632 : memref<1x1x10000xi32, #tpu.memory_space<hbm>> -> memref<1x10000xi32, #tpu.memory_space<hbm>>
        %dma_wait3A_634 = arith.constant 0 : i32
        %dma_wait3A_635 = tpu.memref_slice %dma_wait3A_633[%scan3A, %dma_wait3A_634] : memref<1x10000xi32, #tpu.memory_space<hbm>> -> memref<1x10000xi32, #tpu.memory_space<hbm>>
        %dma_wait3A_636 = tpu.memref_squeeze %dma_wait3A_635 : memref<1x10000xi32, #tpu.memory_space<hbm>> -> memref<10000xi32, #tpu.memory_space<hbm>>
        %dma_wait3A_637 = tpu.memref_slice %dma_wait3A_636[%mul3A_625] : memref<10000xi32, #tpu.memory_space<hbm>> -> memref<80xi32, #tpu.memory_space<hbm>>
        %dma_wait3A_638 = arith.constant 0 : i32
        %dma_wait3A_639 = tpu.memref_slice %arg7[%dma_wait3A_626, %dma_wait3A_638] : memref<6x80xi32, #tpu.memory_space<vmem>> -> memref<1x80xi32, #tpu.memory_space<vmem>>
        %dma_wait3A_640 = tpu.memref_squeeze %dma_wait3A_639 : memref<1x80xi32, #tpu.memory_space<vmem>> -> memref<80xi32, #tpu.memory_space<vmem>>
        %dma_wait3A_641 = arith.constant 0 : i32
        %dma_wait3A_642 = arith.constant 0 : i32
        %dma_wait3A_643 = tpu.memref_slice %arg3[%add3A, %dma_wait3A_641, %dma_wait3A_642] : memref<32x1x10000xi32, #tpu.memory_space<hbm>> -> memref<1x1x10000xi32, #tpu.memory_space<hbm>>
        %dma_wait3A_644 = tpu.memref_squeeze %dma_wait3A_643 : memref<1x1x10000xi32, #tpu.memory_space<hbm>> -> memref<1x10000xi32, #tpu.memory_space<hbm>>
        %dma_wait3A_645 = arith.constant 0 : i32
        %dma_wait3A_646 = tpu.memref_slice %dma_wait3A_644[%scan3A, %dma_wait3A_645] : memref<1x10000xi32, #tpu.memory_space<hbm>> -> memref<1x10000xi32, #tpu.memory_space<hbm>>
        %dma_wait3A_647 = tpu.memref_squeeze %dma_wait3A_646 : memref<1x10000xi32, #tpu.memory_space<hbm>> -> memref<10000xi32, #tpu.memory_space<hbm>>
        %dma_wait3A_648 = tpu.memref_slice %dma_wait3A_647[%mul3A_625] : memref<10000xi32, #tpu.memory_space<hbm>> -> memref<80xi32, #tpu.memory_space<hbm>>
        tpu.wait_dma2 semaphore(%arg14 : memref<!tpu.dma_semaphore, #tpu.memory_space<semaphore_mem>>) src(%dma_wait3A_648 : memref<80xi32, #tpu.memory_space<hbm>>) dst(%dma_wait3A_640 : memref<80xi32, #tpu.memory_space<vmem>>)
        %add3A_649 = arith.constant 2 : i32
        %add3A_650 = arith.addi %add3A_589, %add3A_649 : i32
        %dma_start3A_651 = arith.constant 1 : i32
        %dma_start3A_652 = arith.constant 0 : i32
        %dma_start3A_653 = tpu.memref_slice %arg7[%dma_start3A_651, %dma_start3A_652] : memref<6x80xi32, #tpu.memory_space<vmem>> -> memref<1x80xi32, #tpu.memory_space<vmem>>
        %dma_start3A_654 = tpu.memref_squeeze %dma_start3A_653 : memref<1x80xi32, #tpu.memory_space<vmem>> -> memref<80xi32, #tpu.memory_space<vmem>>
        %dma_start3A_655 = arith.constant 0 : i32
        %dma_start3A_656 = arith.constant 0 : i32
        %dma_start3A_657 = tpu.memref_slice %arg2[%dma_start3A_655, %dma_start3A_656] : memref<10000x128xf32, #tpu.memory_space<hbm>> -> memref<10000x128xf32, #tpu.memory_space<hbm>>
        tpu.enqueue_indirect_dma source(%dma_start3A_657 : memref<10000x128xf32, #tpu.memory_space<hbm>>) target(%arg10 : memref<80x128xf32, #tpu.memory_space<vmem>>) offsets(%dma_start3A_654 : memref<80xi32, #tpu.memory_space<vmem>>) semaphore(%arg20 : memref<!tpu.dma_semaphore, #tpu.memory_space<semaphore_mem>>)
      } else {
      }
      %dma_wait3A_597 = arith.constant 5 : i32
      %dma_wait3A_598 = arith.constant 0 : i32
      %dma_wait3A_599 = tpu.memref_slice %arg7[%dma_wait3A_597, %dma_wait3A_598] : memref<6x80xi32, #tpu.memory_space<vmem>> -> memref<1x80xi32, #tpu.memory_space<vmem>>
      %dma_wait3A_600 = tpu.memref_squeeze %dma_wait3A_599 : memref<1x80xi32, #tpu.memory_space<vmem>> -> memref<80xi32, #tpu.memory_space<vmem>>
      %dma_wait3A_601 = arith.constant 0 : i32
      %dma_wait3A_602 = arith.constant 0 : i32
      %dma_wait3A_603 = tpu.memref_slice %arg2[%dma_wait3A_601, %dma_wait3A_602] : memref<10000x128xf32, #tpu.memory_space<hbm>> -> memref<10000x128xf32, #tpu.memory_space<hbm>>
      tpu.wait_indirect_dma semaphore(%arg21 : memref<!tpu.dma_semaphore, #tpu.memory_space<semaphore_mem>>) src(%dma_wait3A_603 : memref<10000x128xf32, #tpu.memory_space<hbm>>) dst(%arg11 : memref<80x128xf32, #tpu.memory_space<vmem>>)
      %dma_start3A_604 = arith.constant 0 : i32
      %dma_start3A_605 = tpu.memref_slice %arg8[%add3A_589, %dma_start3A_604] : memref<125x80xi32, #tpu.memory_space<vmem>> -> memref<1x80xi32, #tpu.memory_space<vmem>>
      %dma_start3A_606 = tpu.memref_squeeze %dma_start3A_605 : memref<1x80xi32, #tpu.memory_space<vmem>> -> memref<80xi32, #tpu.memory_space<vmem>>
      %dma_start3A_607 = arith.constant 0 : i32
      %dma_start3A_608 = arith.constant 0 : i32
      %dma_start3A_609 = tpu.memref_slice %arg12[%dma_start3A_607, %dma_start3A_608] : memref<10240x128xf32, #tpu.memory_space<vmem_shared>> -> memref<10240x128xf32, #tpu.memory_space<vmem_shared>>
      tpu.enqueue_indirect_dma source(%arg11 : memref<80x128xf32, #tpu.memory_space<vmem>>) target(%dma_start3A_609 : memref<10240x128xf32, #tpu.memory_space<vmem_shared>>) offsets(%dma_start3A_606 : memref<80xi32, #tpu.memory_space<vmem>>) semaphore(%arg24 : memref<!tpu.dma_semaphore, #tpu.memory_space<semaphore_mem>>) {add = true}
      %add3A_610 = arith.constant 6 : i32
      %add3A_611 = arith.addi %add3A_589, %add3A_610 : i32
      %lt3A_612 = arith.constant 125 : i32
      %lt3A_613 = arith.cmpi slt, %add3A_611, %lt3A_612 : i32
      %convert_element_type3A_614 = arith.extui %lt3A_613 : i1 to i32
      %cond3A_615 = arith.constant 0 : i32
      %cond3A_616 = arith.cmpi ne, %convert_element_type3A_614, %cond3A_615 : i32
      scf.if %cond3A_616 {
        %add3A_618 = arith.constant 6 : i32
        %add3A_619 = arith.addi %add3A_589, %add3A_618 : i32
        %mul3A_620 = arith.constant 80 : i32
        %mul3A_621 = arith.muli %add3A_619, %mul3A_620 : i32
        %dma_start3A_622 = arith.constant 5 : i32
        %dma_start3A_623 = arith.constant 0 : i32
        %dma_start3A_624 = tpu.memref_slice %arg7[%dma_start3A_622, %dma_start3A_623] : memref<6x80xi32, #tpu.memory_space<vmem>> -> memref<1x80xi32, #tpu.memory_space<vmem>>
        %dma_start3A_625 = tpu.memref_squeeze %dma_start3A_624 : memref<1x80xi32, #tpu.memory_space<vmem>> -> memref<80xi32, #tpu.memory_space<vmem>>
        %dma_start3A_626 = arith.constant 0 : i32
        %dma_start3A_627 = arith.constant 0 : i32
        %dma_start3A_628 = tpu.memref_slice %arg3[%add3A, %dma_start3A_626, %dma_start3A_627] : memref<32x1x10000xi32, #tpu.memory_space<hbm>> -> memref<1x1x10000xi32, #tpu.memory_space<hbm>>
        %dma_start3A_629 = tpu.memref_squeeze %dma_start3A_628 : memref<1x1x10000xi32, #tpu.memory_space<hbm>> -> memref<1x10000xi32, #tpu.memory_space<hbm>>
        %dma_start3A_630 = arith.constant 0 : i32
        %dma_start3A_631 = tpu.memref_slice %dma_start3A_629[%scan3A, %dma_start3A_630] : memref<1x10000xi32, #tpu.memory_space<hbm>> -> memref<1x10000xi32, #tpu.memory_space<hbm>>
        %dma_start3A_632 = tpu.memref_squeeze %dma_start3A_631 : memref<1x10000xi32, #tpu.memory_space<hbm>> -> memref<10000xi32, #tpu.memory_space<hbm>>
        %dma_start3A_633 = tpu.memref_slice %dma_start3A_632[%mul3A_621] : memref<10000xi32, #tpu.memory_space<hbm>> -> memref<80xi32, #tpu.memory_space<hbm>>
        %dma_start3A_634 = arith.constant 0 : i32
        %dma_start3A_635 = tpu.memref_slice %arg7[%dma_start3A_622, %dma_start3A_634] : memref<6x80xi32, #tpu.memory_space<vmem>> -> memref<1x80xi32, #tpu.memory_space<vmem>>
        %dma_start3A_636 = tpu.memref_squeeze %dma_start3A_635 : memref<1x80xi32, #tpu.memory_space<vmem>> -> memref<80xi32, #tpu.memory_space<vmem>>
        %dma_start3A_637 = arith.constant 0 : i32
        %dma_start3A_638 = arith.constant 0 : i32
        %dma_start3A_639 = tpu.memref_slice %arg3[%add3A, %dma_start3A_637, %dma_start3A_638] : memref<32x1x10000xi32, #tpu.memory_space<hbm>> -> memref<1x1x10000xi32, #tpu.memory_space<hbm>>
        %dma_start3A_640 = tpu.memref_squeeze %dma_start3A_639 : memref<1x1x10000xi32, #tpu.memory_space<hbm>> -> memref<1x10000xi32, #tpu.memory_space<hbm>>
        %dma_start3A_641 = arith.constant 0 : i32
        %dma_start3A_642 = tpu.memref_slice %dma_start3A_640[%scan3A, %dma_start3A_641] : memref<1x10000xi32, #tpu.memory_space<hbm>> -> memref<1x10000xi32, #tpu.memory_space<hbm>>
        %dma_start3A_643 = tpu.memref_squeeze %dma_start3A_642 : memref<1x10000xi32, #tpu.memory_space<hbm>> -> memref<10000xi32, #tpu.memory_space<hbm>>
        %dma_start3A_644 = tpu.memref_slice %dma_start3A_643[%mul3A_621] : memref<10000xi32, #tpu.memory_space<hbm>> -> memref<80xi32, #tpu.memory_space<hbm>>
        tpu.enqueue_dma source(%dma_start3A_644 : memref<80xi32, #tpu.memory_space<hbm>>) target(%dma_start3A_636 : memref<80xi32, #tpu.memory_space<vmem>>) target_semaphore(%arg18 : memref<!tpu.dma_semaphore, #tpu.memory_space<semaphore_mem>>)
      } else {
      }
      %scan3A_617 = arith.constant 0 : i32
      scf.yield %scan3A_617 : i32
    }
    %scan3A_229 = arith.constant 20 : i32
    %dma_wait3A_230 = arith.constant 119 : i32
    %dma_wait3A_231 = arith.constant 0 : i32
    %dma_wait3A_232 = tpu.memref_slice %arg8[%dma_wait3A_230, %dma_wait3A_231] : memref<125x80xi32, #tpu.memory_space<vmem>> -> memref<1x80xi32, #tpu.memory_space<vmem>>
    %dma_wait3A_233 = tpu.memref_squeeze %dma_wait3A_232 : memref<1x80xi32, #tpu.memory_space<vmem>> -> memref<80xi32, #tpu.memory_space<vmem>>
    %dma_wait3A_234 = arith.constant 0 : i32
    %dma_wait3A_235 = arith.constant 0 : i32
    %dma_wait3A_236 = tpu.memref_slice %arg12[%dma_wait3A_234, %dma_wait3A_235] : memref<10240x128xf32, #tpu.memory_space<vmem_shared>> -> memref<10240x128xf32, #tpu.memory_space<vmem_shared>>
    tpu.wait_indirect_dma semaphore(%arg24 : memref<!tpu.dma_semaphore, #tpu.memory_space<semaphore_mem>>) src(%arg11 : memref<80x128xf32, #tpu.memory_space<vmem>>) dst(%dma_wait3A_236 : memref<10240x128xf32, #tpu.memory_space<vmem_shared>>)
    %dma_wait3A_237 = arith.constant 0 : i32
    %dma_wait3A_238 = arith.constant 2 : i32
    %dma_wait3A_239 = arith.constant 0 : i32
    %dma_wait3A_240 = tpu.memref_slice %arg7[%dma_wait3A_238, %dma_wait3A_239] : memref<6x80xi32, #tpu.memory_space<vmem>> -> memref<1x80xi32, #tpu.memory_space<vmem>>
    %dma_wait3A_241 = tpu.memref_squeeze %dma_wait3A_240 : memref<1x80xi32, #tpu.memory_space<vmem>> -> memref<80xi32, #tpu.memory_space<vmem>>
    %dma_wait3A_242 = arith.constant 0 : i32
    %dma_wait3A_243 = arith.constant 0 : i32
    %dma_wait3A_244 = tpu.memref_slice %arg3[%add3A, %dma_wait3A_242, %dma_wait3A_243] : memref<32x1x10000xi32, #tpu.memory_space<hbm>> -> memref<1x1x10000xi32, #tpu.memory_space<hbm>>
    %dma_wait3A_245 = tpu.memref_squeeze %dma_wait3A_244 : memref<1x1x10000xi32, #tpu.memory_space<hbm>> -> memref<1x10000xi32, #tpu.memory_space<hbm>>
    %dma_wait3A_246 = arith.constant 0 : i32
    %dma_wait3A_247 = tpu.memref_slice %dma_wait3A_245[%dma_wait3A_237, %dma_wait3A_246] : memref<1x10000xi32, #tpu.memory_space<hbm>> -> memref<1x10000xi32, #tpu.memory_space<hbm>>
    %dma_wait3A_248 = tpu.memref_squeeze %dma_wait3A_247 : memref<1x10000xi32, #tpu.memory_space<hbm>> -> memref<10000xi32, #tpu.memory_space<hbm>>
    %dma_wait3A_249 = arith.constant 9760 : i32
    %dma_wait3A_250 = tpu.memref_slice %dma_wait3A_248[%dma_wait3A_249] : memref<10000xi32, #tpu.memory_space<hbm>> -> memref<80xi32, #tpu.memory_space<hbm>>
    %dma_wait3A_251 = arith.constant 0 : i32
    %dma_wait3A_252 = tpu.memref_slice %arg7[%dma_wait3A_238, %dma_wait3A_251] : memref<6x80xi32, #tpu.memory_space<vmem>> -> memref<1x80xi32, #tpu.memory_space<vmem>>
    %dma_wait3A_253 = tpu.memref_squeeze %dma_wait3A_252 : memref<1x80xi32, #tpu.memory_space<vmem>> -> memref<80xi32, #tpu.memory_space<vmem>>
    %dma_wait3A_254 = arith.constant 0 : i32
    %dma_wait3A_255 = arith.constant 0 : i32
    %dma_wait3A_256 = tpu.memref_slice %arg3[%add3A, %dma_wait3A_254, %dma_wait3A_255] : memref<32x1x10000xi32, #tpu.memory_space<hbm>> -> memref<1x1x10000xi32, #tpu.memory_space<hbm>>
    %dma_wait3A_257 = tpu.memref_squeeze %dma_wait3A_256 : memref<1x1x10000xi32, #tpu.memory_space<hbm>> -> memref<1x10000xi32, #tpu.memory_space<hbm>>
    %dma_wait3A_258 = arith.constant 0 : i32
    %dma_wait3A_259 = tpu.memref_slice %dma_wait3A_257[%dma_wait3A_237, %dma_wait3A_258] : memref<1x10000xi32, #tpu.memory_space<hbm>> -> memref<1x10000xi32, #tpu.memory_space<hbm>>
    %dma_wait3A_260 = tpu.memref_squeeze %dma_wait3A_259 : memref<1x10000xi32, #tpu.memory_space<hbm>> -> memref<10000xi32, #tpu.memory_space<hbm>>
    %dma_wait3A_261 = arith.constant 9760 : i32
    %dma_wait3A_262 = tpu.memref_slice %dma_wait3A_260[%dma_wait3A_261] : memref<10000xi32, #tpu.memory_space<hbm>> -> memref<80xi32, #tpu.memory_space<hbm>>
    tpu.wait_dma2 semaphore(%arg15 : memref<!tpu.dma_semaphore, #tpu.memory_space<semaphore_mem>>) src(%dma_wait3A_262 : memref<80xi32, #tpu.memory_space<hbm>>) dst(%dma_wait3A_253 : memref<80xi32, #tpu.memory_space<vmem>>)
    %dma_start3A_263 = arith.constant 2 : i32
    %dma_start3A_264 = arith.constant 0 : i32
    %dma_start3A_265 = tpu.memref_slice %arg7[%dma_start3A_263, %dma_start3A_264] : memref<6x80xi32, #tpu.memory_space<vmem>> -> memref<1x80xi32, #tpu.memory_space<vmem>>
    %dma_start3A_266 = tpu.memref_squeeze %dma_start3A_265 : memref<1x80xi32, #tpu.memory_space<vmem>> -> memref<80xi32, #tpu.memory_space<vmem>>
    %dma_start3A_267 = arith.constant 0 : i32
    %dma_start3A_268 = arith.constant 0 : i32
    %dma_start3A_269 = tpu.memref_slice %arg2[%dma_start3A_267, %dma_start3A_268] : memref<10000x128xf32, #tpu.memory_space<hbm>> -> memref<10000x128xf32, #tpu.memory_space<hbm>>
    tpu.enqueue_indirect_dma source(%dma_start3A_269 : memref<10000x128xf32, #tpu.memory_space<hbm>>) target(%arg11 : memref<80x128xf32, #tpu.memory_space<vmem>>) offsets(%dma_start3A_266 : memref<80xi32, #tpu.memory_space<vmem>>) semaphore(%arg21 : memref<!tpu.dma_semaphore, #tpu.memory_space<semaphore_mem>>)
    %dma_wait3A_270 = arith.constant 0 : i32
    %dma_wait3A_271 = arith.constant 0 : i32
    %dma_wait3A_272 = tpu.memref_slice %arg7[%dma_wait3A_270, %dma_wait3A_271] : memref<6x80xi32, #tpu.memory_space<vmem>> -> memref<1x80xi32, #tpu.memory_space<vmem>>
    %dma_wait3A_273 = tpu.memref_squeeze %dma_wait3A_272 : memref<1x80xi32, #tpu.memory_space<vmem>> -> memref<80xi32, #tpu.memory_space<vmem>>
    %dma_wait3A_274 = arith.constant 0 : i32
    %dma_wait3A_275 = arith.constant 0 : i32
    %dma_wait3A_276 = tpu.memref_slice %arg2[%dma_wait3A_274, %dma_wait3A_275] : memref<10000x128xf32, #tpu.memory_space<hbm>> -> memref<10000x128xf32, #tpu.memory_space<hbm>>
    tpu.wait_indirect_dma semaphore(%arg19 : memref<!tpu.dma_semaphore, #tpu.memory_space<semaphore_mem>>) src(%dma_wait3A_276 : memref<10000x128xf32, #tpu.memory_space<hbm>>) dst(%arg9 : memref<80x128xf32, #tpu.memory_space<vmem>>)
    %dma_start3A_277 = arith.constant 120 : i32
    %dma_start3A_278 = arith.constant 0 : i32
    %dma_start3A_279 = tpu.memref_slice %arg8[%dma_start3A_277, %dma_start3A_278] : memref<125x80xi32, #tpu.memory_space<vmem>> -> memref<1x80xi32, #tpu.memory_space<vmem>>
    %dma_start3A_280 = tpu.memref_squeeze %dma_start3A_279 : memref<1x80xi32, #tpu.memory_space<vmem>> -> memref<80xi32, #tpu.memory_space<vmem>>
    %dma_start3A_281 = arith.constant 0 : i32
    %dma_start3A_282 = arith.constant 0 : i32
    %dma_start3A_283 = tpu.memref_slice %arg12[%dma_start3A_281, %dma_start3A_282] : memref<10240x128xf32, #tpu.memory_space<vmem_shared>> -> memref<10240x128xf32, #tpu.memory_space<vmem_shared>>
    tpu.enqueue_indirect_dma source(%arg9 : memref<80x128xf32, #tpu.memory_space<vmem>>) target(%dma_start3A_283 : memref<10240x128xf32, #tpu.memory_space<vmem_shared>>) offsets(%dma_start3A_280 : memref<80xi32, #tpu.memory_space<vmem>>) semaphore(%arg22 : memref<!tpu.dma_semaphore, #tpu.memory_space<semaphore_mem>>) {add = true}
    %dma_wait3A_284 = arith.constant 120 : i32
    %dma_wait3A_285 = arith.constant 0 : i32
    %dma_wait3A_286 = tpu.memref_slice %arg8[%dma_wait3A_284, %dma_wait3A_285] : memref<125x80xi32, #tpu.memory_space<vmem>> -> memref<1x80xi32, #tpu.memory_space<vmem>>
    %dma_wait3A_287 = tpu.memref_squeeze %dma_wait3A_286 : memref<1x80xi32, #tpu.memory_space<vmem>> -> memref<80xi32, #tpu.memory_space<vmem>>
    %dma_wait3A_288 = arith.constant 0 : i32
    %dma_wait3A_289 = arith.constant 0 : i32
    %dma_wait3A_290 = tpu.memref_slice %arg12[%dma_wait3A_288, %dma_wait3A_289] : memref<10240x128xf32, #tpu.memory_space<vmem_shared>> -> memref<10240x128xf32, #tpu.memory_space<vmem_shared>>
    tpu.wait_indirect_dma semaphore(%arg22 : memref<!tpu.dma_semaphore, #tpu.memory_space<semaphore_mem>>) src(%arg9 : memref<80x128xf32, #tpu.memory_space<vmem>>) dst(%dma_wait3A_290 : memref<10240x128xf32, #tpu.memory_space<vmem_shared>>)
    %dma_wait3A_291 = arith.constant 0 : i32
    %dma_wait3A_292 = arith.constant 3 : i32
    %dma_wait3A_293 = arith.constant 0 : i32
    %dma_wait3A_294 = tpu.memref_slice %arg7[%dma_wait3A_292, %dma_wait3A_293] : memref<6x80xi32, #tpu.memory_space<vmem>> -> memref<1x80xi32, #tpu.memory_space<vmem>>
    %dma_wait3A_295 = tpu.memref_squeeze %dma_wait3A_294 : memref<1x80xi32, #tpu.memory_space<vmem>> -> memref<80xi32, #tpu.memory_space<vmem>>
    %dma_wait3A_296 = arith.constant 0 : i32
    %dma_wait3A_297 = arith.constant 0 : i32
    %dma_wait3A_298 = tpu.memref_slice %arg3[%add3A, %dma_wait3A_296, %dma_wait3A_297] : memref<32x1x10000xi32, #tpu.memory_space<hbm>> -> memref<1x1x10000xi32, #tpu.memory_space<hbm>>
    %dma_wait3A_299 = tpu.memref_squeeze %dma_wait3A_298 : memref<1x1x10000xi32, #tpu.memory_space<hbm>> -> memref<1x10000xi32, #tpu.memory_space<hbm>>
    %dma_wait3A_300 = arith.constant 0 : i32
    %dma_wait3A_301 = tpu.memref_slice %dma_wait3A_299[%dma_wait3A_291, %dma_wait3A_300] : memref<1x10000xi32, #tpu.memory_space<hbm>> -> memref<1x10000xi32, #tpu.memory_space<hbm>>
    %dma_wait3A_302 = tpu.memref_squeeze %dma_wait3A_301 : memref<1x10000xi32, #tpu.memory_space<hbm>> -> memref<10000xi32, #tpu.memory_space<hbm>>
    %dma_wait3A_303 = arith.constant 9840 : i32
    %dma_wait3A_304 = tpu.memref_slice %dma_wait3A_302[%dma_wait3A_303] : memref<10000xi32, #tpu.memory_space<hbm>> -> memref<80xi32, #tpu.memory_space<hbm>>
    %dma_wait3A_305 = arith.constant 0 : i32
    %dma_wait3A_306 = tpu.memref_slice %arg7[%dma_wait3A_292, %dma_wait3A_305] : memref<6x80xi32, #tpu.memory_space<vmem>> -> memref<1x80xi32, #tpu.memory_space<vmem>>
    %dma_wait3A_307 = tpu.memref_squeeze %dma_wait3A_306 : memref<1x80xi32, #tpu.memory_space<vmem>> -> memref<80xi32, #tpu.memory_space<vmem>>
    %dma_wait3A_308 = arith.constant 0 : i32
    %dma_wait3A_309 = arith.constant 0 : i32
    %dma_wait3A_310 = tpu.memref_slice %arg3[%add3A, %dma_wait3A_308, %dma_wait3A_309] : memref<32x1x10000xi32, #tpu.memory_space<hbm>> -> memref<1x1x10000xi32, #tpu.memory_space<hbm>>
    %dma_wait3A_311 = tpu.memref_squeeze %dma_wait3A_310 : memref<1x1x10000xi32, #tpu.memory_space<hbm>> -> memref<1x10000xi32, #tpu.memory_space<hbm>>
    %dma_wait3A_312 = arith.constant 0 : i32
    %dma_wait3A_313 = tpu.memref_slice %dma_wait3A_311[%dma_wait3A_291, %dma_wait3A_312] : memref<1x10000xi32, #tpu.memory_space<hbm>> -> memref<1x10000xi32, #tpu.memory_space<hbm>>
    %dma_wait3A_314 = tpu.memref_squeeze %dma_wait3A_313 : memref<1x10000xi32, #tpu.memory_space<hbm>> -> memref<10000xi32, #tpu.memory_space<hbm>>
    %dma_wait3A_315 = arith.constant 9840 : i32
    %dma_wait3A_316 = tpu.memref_slice %dma_wait3A_314[%dma_wait3A_315] : memref<10000xi32, #tpu.memory_space<hbm>> -> memref<80xi32, #tpu.memory_space<hbm>>
    tpu.wait_dma2 semaphore(%arg16 : memref<!tpu.dma_semaphore, #tpu.memory_space<semaphore_mem>>) src(%dma_wait3A_316 : memref<80xi32, #tpu.memory_space<hbm>>) dst(%dma_wait3A_307 : memref<80xi32, #tpu.memory_space<vmem>>)
    %dma_start3A_317 = arith.constant 3 : i32
    %dma_start3A_318 = arith.constant 0 : i32
    %dma_start3A_319 = tpu.memref_slice %arg7[%dma_start3A_317, %dma_start3A_318] : memref<6x80xi32, #tpu.memory_space<vmem>> -> memref<1x80xi32, #tpu.memory_space<vmem>>
    %dma_start3A_320 = tpu.memref_squeeze %dma_start3A_319 : memref<1x80xi32, #tpu.memory_space<vmem>> -> memref<80xi32, #tpu.memory_space<vmem>>
    %dma_start3A_321 = arith.constant 0 : i32
    %dma_start3A_322 = arith.constant 0 : i32
    %dma_start3A_323 = tpu.memref_slice %arg2[%dma_start3A_321, %dma_start3A_322] : memref<10000x128xf32, #tpu.memory_space<hbm>> -> memref<10000x128xf32, #tpu.memory_space<hbm>>
    tpu.enqueue_indirect_dma source(%dma_start3A_323 : memref<10000x128xf32, #tpu.memory_space<hbm>>) target(%arg9 : memref<80x128xf32, #tpu.memory_space<vmem>>) offsets(%dma_start3A_320 : memref<80xi32, #tpu.memory_space<vmem>>) semaphore(%arg19 : memref<!tpu.dma_semaphore, #tpu.memory_space<semaphore_mem>>)
    %dma_wait3A_324 = arith.constant 1 : i32
    %dma_wait3A_325 = arith.constant 0 : i32
    %dma_wait3A_326 = tpu.memref_slice %arg7[%dma_wait3A_324, %dma_wait3A_325] : memref<6x80xi32, #tpu.memory_space<vmem>> -> memref<1x80xi32, #tpu.memory_space<vmem>>
    %dma_wait3A_327 = tpu.memref_squeeze %dma_wait3A_326 : memref<1x80xi32, #tpu.memory_space<vmem>> -> memref<80xi32, #tpu.memory_space<vmem>>
    %dma_wait3A_328 = arith.constant 0 : i32
    %dma_wait3A_329 = arith.constant 0 : i32
    %dma_wait3A_330 = tpu.memref_slice %arg2[%dma_wait3A_328, %dma_wait3A_329] : memref<10000x128xf32, #tpu.memory_space<hbm>> -> memref<10000x128xf32, #tpu.memory_space<hbm>>
    tpu.wait_indirect_dma semaphore(%arg20 : memref<!tpu.dma_semaphore, #tpu.memory_space<semaphore_mem>>) src(%dma_wait3A_330 : memref<10000x128xf32, #tpu.memory_space<hbm>>) dst(%arg10 : memref<80x128xf32, #tpu.memory_space<vmem>>)
    %dma_start3A_331 = arith.constant 121 : i32
    %dma_start3A_332 = arith.constant 0 : i32
    %dma_start3A_333 = tpu.memref_slice %arg8[%dma_start3A_331, %dma_start3A_332] : memref<125x80xi32, #tpu.memory_space<vmem>> -> memref<1x80xi32, #tpu.memory_space<vmem>>
    %dma_start3A_334 = tpu.memref_squeeze %dma_start3A_333 : memref<1x80xi32, #tpu.memory_space<vmem>> -> memref<80xi32, #tpu.memory_space<vmem>>
    %dma_start3A_335 = arith.constant 0 : i32
    %dma_start3A_336 = arith.constant 0 : i32
    %dma_start3A_337 = tpu.memref_slice %arg12[%dma_start3A_335, %dma_start3A_336] : memref<10240x128xf32, #tpu.memory_space<vmem_shared>> -> memref<10240x128xf32, #tpu.memory_space<vmem_shared>>
    tpu.enqueue_indirect_dma source(%arg10 : memref<80x128xf32, #tpu.memory_space<vmem>>) target(%dma_start3A_337 : memref<10240x128xf32, #tpu.memory_space<vmem_shared>>) offsets(%dma_start3A_334 : memref<80xi32, #tpu.memory_space<vmem>>) semaphore(%arg23 : memref<!tpu.dma_semaphore, #tpu.memory_space<semaphore_mem>>) {add = true}
    %dma_wait3A_338 = arith.constant 121 : i32
    %dma_wait3A_339 = arith.constant 0 : i32
    %dma_wait3A_340 = tpu.memref_slice %arg8[%dma_wait3A_338, %dma_wait3A_339] : memref<125x80xi32, #tpu.memory_space<vmem>> -> memref<1x80xi32, #tpu.memory_space<vmem>>
    %dma_wait3A_341 = tpu.memref_squeeze %dma_wait3A_340 : memref<1x80xi32, #tpu.memory_space<vmem>> -> memref<80xi32, #tpu.memory_space<vmem>>
    %dma_wait3A_342 = arith.constant 0 : i32
    %dma_wait3A_343 = arith.constant 0 : i32
    %dma_wait3A_344 = tpu.memref_slice %arg12[%dma_wait3A_342, %dma_wait3A_343] : memref<10240x128xf32, #tpu.memory_space<vmem_shared>> -> memref<10240x128xf32, #tpu.memory_space<vmem_shared>>
    tpu.wait_indirect_dma semaphore(%arg23 : memref<!tpu.dma_semaphore, #tpu.memory_space<semaphore_mem>>) src(%arg10 : memref<80x128xf32, #tpu.memory_space<vmem>>) dst(%dma_wait3A_344 : memref<10240x128xf32, #tpu.memory_space<vmem_shared>>)
    %dma_wait3A_345 = arith.constant 0 : i32
    %dma_wait3A_346 = arith.constant 4 : i32
    %dma_wait3A_347 = arith.constant 0 : i32
    %dma_wait3A_348 = tpu.memref_slice %arg7[%dma_wait3A_346, %dma_wait3A_347] : memref<6x80xi32, #tpu.memory_space<vmem>> -> memref<1x80xi32, #tpu.memory_space<vmem>>
    %dma_wait3A_349 = tpu.memref_squeeze %dma_wait3A_348 : memref<1x80xi32, #tpu.memory_space<vmem>> -> memref<80xi32, #tpu.memory_space<vmem>>
    %dma_wait3A_350 = arith.constant 0 : i32
    %dma_wait3A_351 = arith.constant 0 : i32
    %dma_wait3A_352 = tpu.memref_slice %arg3[%add3A, %dma_wait3A_350, %dma_wait3A_351] : memref<32x1x10000xi32, #tpu.memory_space<hbm>> -> memref<1x1x10000xi32, #tpu.memory_space<hbm>>
    %dma_wait3A_353 = tpu.memref_squeeze %dma_wait3A_352 : memref<1x1x10000xi32, #tpu.memory_space<hbm>> -> memref<1x10000xi32, #tpu.memory_space<hbm>>
    %dma_wait3A_354 = arith.constant 0 : i32
    %dma_wait3A_355 = tpu.memref_slice %dma_wait3A_353[%dma_wait3A_345, %dma_wait3A_354] : memref<1x10000xi32, #tpu.memory_space<hbm>> -> memref<1x10000xi32, #tpu.memory_space<hbm>>
    %dma_wait3A_356 = tpu.memref_squeeze %dma_wait3A_355 : memref<1x10000xi32, #tpu.memory_space<hbm>> -> memref<10000xi32, #tpu.memory_space<hbm>>
    %dma_wait3A_357 = arith.constant 9920 : i32
    %dma_wait3A_358 = tpu.memref_slice %dma_wait3A_356[%dma_wait3A_357] : memref<10000xi32, #tpu.memory_space<hbm>> -> memref<80xi32, #tpu.memory_space<hbm>>
    %dma_wait3A_359 = arith.constant 0 : i32
    %dma_wait3A_360 = tpu.memref_slice %arg7[%dma_wait3A_346, %dma_wait3A_359] : memref<6x80xi32, #tpu.memory_space<vmem>> -> memref<1x80xi32, #tpu.memory_space<vmem>>
    %dma_wait3A_361 = tpu.memref_squeeze %dma_wait3A_360 : memref<1x80xi32, #tpu.memory_space<vmem>> -> memref<80xi32, #tpu.memory_space<vmem>>
    %dma_wait3A_362 = arith.constant 0 : i32
    %dma_wait3A_363 = arith.constant 0 : i32
    %dma_wait3A_364 = tpu.memref_slice %arg3[%add3A, %dma_wait3A_362, %dma_wait3A_363] : memref<32x1x10000xi32, #tpu.memory_space<hbm>> -> memref<1x1x10000xi32, #tpu.memory_space<hbm>>
    %dma_wait3A_365 = tpu.memref_squeeze %dma_wait3A_364 : memref<1x1x10000xi32, #tpu.memory_space<hbm>> -> memref<1x10000xi32, #tpu.memory_space<hbm>>
    %dma_wait3A_366 = arith.constant 0 : i32
    %dma_wait3A_367 = tpu.memref_slice %dma_wait3A_365[%dma_wait3A_345, %dma_wait3A_366] : memref<1x10000xi32, #tpu.memory_space<hbm>> -> memref<1x10000xi32, #tpu.memory_space<hbm>>
    %dma_wait3A_368 = tpu.memref_squeeze %dma_wait3A_367 : memref<1x10000xi32, #tpu.memory_space<hbm>> -> memref<10000xi32, #tpu.memory_space<hbm>>
    %dma_wait3A_369 = arith.constant 9920 : i32
    %dma_wait3A_370 = tpu.memref_slice %dma_wait3A_368[%dma_wait3A_369] : memref<10000xi32, #tpu.memory_space<hbm>> -> memref<80xi32, #tpu.memory_space<hbm>>
    tpu.wait_dma2 semaphore(%arg17 : memref<!tpu.dma_semaphore, #tpu.memory_space<semaphore_mem>>) src(%dma_wait3A_370 : memref<80xi32, #tpu.memory_space<hbm>>) dst(%dma_wait3A_361 : memref<80xi32, #tpu.memory_space<vmem>>)
    %dma_start3A_371 = arith.constant 4 : i32
    %dma_start3A_372 = arith.constant 0 : i32
    %dma_start3A_373 = tpu.memref_slice %arg7[%dma_start3A_371, %dma_start3A_372] : memref<6x80xi32, #tpu.memory_space<vmem>> -> memref<1x80xi32, #tpu.memory_space<vmem>>
    %dma_start3A_374 = tpu.memref_squeeze %dma_start3A_373 : memref<1x80xi32, #tpu.memory_space<vmem>> -> memref<80xi32, #tpu.memory_space<vmem>>
    %dma_start3A_375 = arith.constant 0 : i32
    %dma_start3A_376 = arith.constant 0 : i32
    %dma_start3A_377 = tpu.memref_slice %arg2[%dma_start3A_375, %dma_start3A_376] : memref<10000x128xf32, #tpu.memory_space<hbm>> -> memref<10000x128xf32, #tpu.memory_space<hbm>>
    tpu.enqueue_indirect_dma source(%dma_start3A_377 : memref<10000x128xf32, #tpu.memory_space<hbm>>) target(%arg10 : memref<80x128xf32, #tpu.memory_space<vmem>>) offsets(%dma_start3A_374 : memref<80xi32, #tpu.memory_space<vmem>>) semaphore(%arg20 : memref<!tpu.dma_semaphore, #tpu.memory_space<semaphore_mem>>)
    %dma_wait3A_378 = arith.constant 2 : i32
    %dma_wait3A_379 = arith.constant 0 : i32
    %dma_wait3A_380 = tpu.memref_slice %arg7[%dma_wait3A_378, %dma_wait3A_379] : memref<6x80xi32, #tpu.memory_space<vmem>> -> memref<1x80xi32, #tpu.memory_space<vmem>>
    %dma_wait3A_381 = tpu.memref_squeeze %dma_wait3A_380 : memref<1x80xi32, #tpu.memory_space<vmem>> -> memref<80xi32, #tpu.memory_space<vmem>>
    %dma_wait3A_382 = arith.constant 0 : i32
    %dma_wait3A_383 = arith.constant 0 : i32
    %dma_wait3A_384 = tpu.memref_slice %arg2[%dma_wait3A_382, %dma_wait3A_383] : memref<10000x128xf32, #tpu.memory_space<hbm>> -> memref<10000x128xf32, #tpu.memory_space<hbm>>
    tpu.wait_indirect_dma semaphore(%arg21 : memref<!tpu.dma_semaphore, #tpu.memory_space<semaphore_mem>>) src(%dma_wait3A_384 : memref<10000x128xf32, #tpu.memory_space<hbm>>) dst(%arg11 : memref<80x128xf32, #tpu.memory_space<vmem>>)
    %dma_start3A_385 = arith.constant 122 : i32
    %dma_start3A_386 = arith.constant 0 : i32
    %dma_start3A_387 = tpu.memref_slice %arg8[%dma_start3A_385, %dma_start3A_386] : memref<125x80xi32, #tpu.memory_space<vmem>> -> memref<1x80xi32, #tpu.memory_space<vmem>>
    %dma_start3A_388 = tpu.memref_squeeze %dma_start3A_387 : memref<1x80xi32, #tpu.memory_space<vmem>> -> memref<80xi32, #tpu.memory_space<vmem>>
    %dma_start3A_389 = arith.constant 0 : i32
    %dma_start3A_390 = arith.constant 0 : i32
    %dma_start3A_391 = tpu.memref_slice %arg12[%dma_start3A_389, %dma_start3A_390] : memref<10240x128xf32, #tpu.memory_space<vmem_shared>> -> memref<10240x128xf32, #tpu.memory_space<vmem_shared>>
    tpu.enqueue_indirect_dma source(%arg11 : memref<80x128xf32, #tpu.memory_space<vmem>>) target(%dma_start3A_391 : memref<10240x128xf32, #tpu.memory_space<vmem_shared>>) offsets(%dma_start3A_388 : memref<80xi32, #tpu.memory_space<vmem>>) semaphore(%arg24 : memref<!tpu.dma_semaphore, #tpu.memory_space<semaphore_mem>>) {add = true}
    %dma_wait3A_392 = arith.constant 3 : i32
    %dma_wait3A_393 = arith.constant 0 : i32
    %dma_wait3A_394 = tpu.memref_slice %arg7[%dma_wait3A_392, %dma_wait3A_393] : memref<6x80xi32, #tpu.memory_space<vmem>> -> memref<1x80xi32, #tpu.memory_space<vmem>>
    %dma_wait3A_395 = tpu.memref_squeeze %dma_wait3A_394 : memref<1x80xi32, #tpu.memory_space<vmem>> -> memref<80xi32, #tpu.memory_space<vmem>>
    %dma_wait3A_396 = arith.constant 0 : i32
    %dma_wait3A_397 = arith.constant 0 : i32
    %dma_wait3A_398 = tpu.memref_slice %arg2[%dma_wait3A_396, %dma_wait3A_397] : memref<10000x128xf32, #tpu.memory_space<hbm>> -> memref<10000x128xf32, #tpu.memory_space<hbm>>
    tpu.wait_indirect_dma semaphore(%arg19 : memref<!tpu.dma_semaphore, #tpu.memory_space<semaphore_mem>>) src(%dma_wait3A_398 : memref<10000x128xf32, #tpu.memory_space<hbm>>) dst(%arg9 : memref<80x128xf32, #tpu.memory_space<vmem>>)
    %dma_start3A_399 = arith.constant 123 : i32
    %dma_start3A_400 = arith.constant 0 : i32
    %dma_start3A_401 = tpu.memref_slice %arg8[%dma_start3A_399, %dma_start3A_400] : memref<125x80xi32, #tpu.memory_space<vmem>> -> memref<1x80xi32, #tpu.memory_space<vmem>>
    %dma_start3A_402 = tpu.memref_squeeze %dma_start3A_401 : memref<1x80xi32, #tpu.memory_space<vmem>> -> memref<80xi32, #tpu.memory_space<vmem>>
    %dma_start3A_403 = arith.constant 0 : i32
    %dma_start3A_404 = arith.constant 0 : i32
    %dma_start3A_405 = tpu.memref_slice %arg12[%dma_start3A_403, %dma_start3A_404] : memref<10240x128xf32, #tpu.memory_space<vmem_shared>> -> memref<10240x128xf32, #tpu.memory_space<vmem_shared>>
    tpu.enqueue_indirect_dma source(%arg9 : memref<80x128xf32, #tpu.memory_space<vmem>>) target(%dma_start3A_405 : memref<10240x128xf32, #tpu.memory_space<vmem_shared>>) offsets(%dma_start3A_402 : memref<80xi32, #tpu.memory_space<vmem>>) semaphore(%arg22 : memref<!tpu.dma_semaphore, #tpu.memory_space<semaphore_mem>>) {add = true}
    %dma_wait3A_406 = arith.constant 4 : i32
    %dma_wait3A_407 = arith.constant 0 : i32
    %dma_wait3A_408 = tpu.memref_slice %arg7[%dma_wait3A_406, %dma_wait3A_407] : memref<6x80xi32, #tpu.memory_space<vmem>> -> memref<1x80xi32, #tpu.memory_space<vmem>>
    %dma_wait3A_409 = tpu.memref_squeeze %dma_wait3A_408 : memref<1x80xi32, #tpu.memory_space<vmem>> -> memref<80xi32, #tpu.memory_space<vmem>>
    %dma_wait3A_410 = arith.constant 0 : i32
    %dma_wait3A_411 = arith.constant 0 : i32
    %dma_wait3A_412 = tpu.memref_slice %arg2[%dma_wait3A_410, %dma_wait3A_411] : memref<10000x128xf32, #tpu.memory_space<hbm>> -> memref<10000x128xf32, #tpu.memory_space<hbm>>
    tpu.wait_indirect_dma semaphore(%arg20 : memref<!tpu.dma_semaphore, #tpu.memory_space<semaphore_mem>>) src(%dma_wait3A_412 : memref<10000x128xf32, #tpu.memory_space<hbm>>) dst(%arg10 : memref<80x128xf32, #tpu.memory_space<vmem>>)
    %dma_start3A_413 = arith.constant 124 : i32
    %dma_start3A_414 = arith.constant 0 : i32
    %dma_start3A_415 = tpu.memref_slice %arg8[%dma_start3A_413, %dma_start3A_414] : memref<125x80xi32, #tpu.memory_space<vmem>> -> memref<1x80xi32, #tpu.memory_space<vmem>>
    %dma_start3A_416 = tpu.memref_squeeze %dma_start3A_415 : memref<1x80xi32, #tpu.memory_space<vmem>> -> memref<80xi32, #tpu.memory_space<vmem>>
    %dma_start3A_417 = arith.constant 0 : i32
    %dma_start3A_418 = arith.constant 0 : i32
    %dma_start3A_419 = tpu.memref_slice %arg12[%dma_start3A_417, %dma_start3A_418] : memref<10240x128xf32, #tpu.memory_space<vmem_shared>> -> memref<10240x128xf32, #tpu.memory_space<vmem_shared>>
    tpu.enqueue_indirect_dma source(%arg10 : memref<80x128xf32, #tpu.memory_space<vmem>>) target(%dma_start3A_419 : memref<10240x128xf32, #tpu.memory_space<vmem_shared>>) offsets(%dma_start3A_416 : memref<80xi32, #tpu.memory_space<vmem>>) semaphore(%arg23 : memref<!tpu.dma_semaphore, #tpu.memory_space<semaphore_mem>>) {add = true}
    %dma_wait3A_420 = arith.constant 124 : i32
    %dma_wait3A_421 = arith.constant 0 : i32
    %dma_wait3A_422 = tpu.memref_slice %arg8[%dma_wait3A_420, %dma_wait3A_421] : memref<125x80xi32, #tpu.memory_space<vmem>> -> memref<1x80xi32, #tpu.memory_space<vmem>>
    %dma_wait3A_423 = tpu.memref_squeeze %dma_wait3A_422 : memref<1x80xi32, #tpu.memory_space<vmem>> -> memref<80xi32, #tpu.memory_space<vmem>>
    %dma_wait3A_424 = arith.constant 0 : i32
    %dma_wait3A_425 = arith.constant 0 : i32
    %dma_wait3A_426 = tpu.memref_slice %arg12[%dma_wait3A_424, %dma_wait3A_425] : memref<10240x128xf32, #tpu.memory_space<vmem_shared>> -> memref<10240x128xf32, #tpu.memory_space<vmem_shared>>
    tpu.wait_indirect_dma semaphore(%arg23 : memref<!tpu.dma_semaphore, #tpu.memory_space<semaphore_mem>>) src(%arg10 : memref<80x128xf32, #tpu.memory_space<vmem>>) dst(%dma_wait3A_426 : memref<10240x128xf32, #tpu.memory_space<vmem_shared>>)
    %dma_wait3A_427 = arith.constant 123 : i32
    %dma_wait3A_428 = arith.constant 0 : i32
    %dma_wait3A_429 = tpu.memref_slice %arg8[%dma_wait3A_427, %dma_wait3A_428] : memref<125x80xi32, #tpu.memory_space<vmem>> -> memref<1x80xi32, #tpu.memory_space<vmem>>
    %dma_wait3A_430 = tpu.memref_squeeze %dma_wait3A_429 : memref<1x80xi32, #tpu.memory_space<vmem>> -> memref<80xi32, #tpu.memory_space<vmem>>
    %dma_wait3A_431 = arith.constant 0 : i32
    %dma_wait3A_432 = arith.constant 0 : i32
    %dma_wait3A_433 = tpu.memref_slice %arg12[%dma_wait3A_431, %dma_wait3A_432] : memref<10240x128xf32, #tpu.memory_space<vmem_shared>> -> memref<10240x128xf32, #tpu.memory_space<vmem_shared>>
    tpu.wait_indirect_dma semaphore(%arg22 : memref<!tpu.dma_semaphore, #tpu.memory_space<semaphore_mem>>) src(%arg9 : memref<80x128xf32, #tpu.memory_space<vmem>>) dst(%dma_wait3A_433 : memref<10240x128xf32, #tpu.memory_space<vmem_shared>>)
    %dma_wait3A_434 = arith.constant 122 : i32
    %dma_wait3A_435 = arith.constant 0 : i32
    %dma_wait3A_436 = tpu.memref_slice %arg8[%dma_wait3A_434, %dma_wait3A_435] : memref<125x80xi32, #tpu.memory_space<vmem>> -> memref<1x80xi32, #tpu.memory_space<vmem>>
    %dma_wait3A_437 = tpu.memref_squeeze %dma_wait3A_436 : memref<1x80xi32, #tpu.memory_space<vmem>> -> memref<80xi32, #tpu.memory_space<vmem>>
    %dma_wait3A_438 = arith.constant 0 : i32
    %dma_wait3A_439 = arith.constant 0 : i32
    %dma_wait3A_440 = tpu.memref_slice %arg12[%dma_wait3A_438, %dma_wait3A_439] : memref<10240x128xf32, #tpu.memory_space<vmem_shared>> -> memref<10240x128xf32, #tpu.memory_space<vmem_shared>>
    tpu.wait_indirect_dma semaphore(%arg24 : memref<!tpu.dma_semaphore, #tpu.memory_space<semaphore_mem>>) src(%arg11 : memref<80x128xf32, #tpu.memory_space<vmem>>) dst(%dma_wait3A_440 : memref<10240x128xf32, #tpu.memory_space<vmem_shared>>)
    %barrier3A_441 = arith.constant 0 : index
    tpu.barrier barrier_id(%barrier3A_441)
    "tpu.region"() ({
      %run_scoped3A = tpu.sem_alloc : memref<!tpu.dma_semaphore, #tpu.memory_space<semaphore_mem>>
      %dma_start3A_442 = arith.constant 0 : i32
      %dma_start3A_443 = arith.constant 0 : i32
      %dma_start3A_444 = tpu.memref_slice %arg6[%arg0, %dma_start3A_442, %dma_start3A_443] : memref<2x10240x128xf32, #tpu.memory_space<hbm>> -> memref<1x10240x128xf32, #tpu.memory_space<hbm>>
      %dma_start3A_445 = tpu.memref_squeeze %dma_start3A_444 : memref<1x10240x128xf32, #tpu.memory_space<hbm>> -> memref<10240x128xf32, #tpu.memory_space<hbm>>
      %dma_start3A_446 = arith.constant 0 : i32
      %dma_start3A_447 = tpu.memref_slice %dma_start3A_445[%mul3A_2, %dma_start3A_446] : memref<10240x128xf32, #tpu.memory_space<hbm>> -> memref<640x128xf32, #tpu.memory_space<hbm>>
      %dma_start3A_448 = arith.constant 0 : i32
      %dma_start3A_449 = tpu.memref_slice %arg12[%mul3A_2, %dma_start3A_448] : memref<10240x128xf32, #tpu.memory_space<vmem_shared>> -> memref<640x128xf32, #tpu.memory_space<vmem_shared>>
      tpu.enqueue_dma source(%dma_start3A_449 : memref<640x128xf32, #tpu.memory_space<vmem_shared>>) target(%dma_start3A_447 : memref<640x128xf32, #tpu.memory_space<hbm>>) target_semaphore(%run_scoped3A : memref<!tpu.dma_semaphore, #tpu.memory_space<semaphore_mem>>)
      %dma_wait3A_450 = arith.constant 0 : i32
      %dma_wait3A_451 = arith.constant 0 : i32
      %dma_wait3A_452 = tpu.memref_slice %arg6[%arg0, %dma_wait3A_450, %dma_wait3A_451] : memref<2x10240x128xf32, #tpu.memory_space<hbm>> -> memref<1x10240x128xf32, #tpu.memory_space<hbm>>
      %dma_wait3A_453 = tpu.memref_squeeze %dma_wait3A_452 : memref<1x10240x128xf32, #tpu.memory_space<hbm>> -> memref<10240x128xf32, #tpu.memory_space<hbm>>
      %dma_wait3A_454 = arith.constant 0 : i32
      %dma_wait3A_455 = tpu.memref_slice %dma_wait3A_453[%mul3A_2, %dma_wait3A_454] : memref<10240x128xf32, #tpu.memory_space<hbm>> -> memref<640x128xf32, #tpu.memory_space<hbm>>
      %dma_wait3A_456 = arith.constant 0 : i32
      %dma_wait3A_457 = tpu.memref_slice %arg12[%mul3A_2, %dma_wait3A_456] : memref<10240x128xf32, #tpu.memory_space<vmem_shared>> -> memref<640x128xf32, #tpu.memory_space<vmem_shared>>
      tpu.wait_dma2 semaphore(%run_scoped3A : memref<!tpu.dma_semaphore, #tpu.memory_space<semaphore_mem>>) src(%dma_wait3A_457 : memref<640x128xf32, #tpu.memory_space<vmem_shared>>) dst(%dma_wait3A_455 : memref<640x128xf32, #tpu.memory_space<hbm>>)
      tpu.yield
    }) : () -> ()
    return
  }
}

#map = affine_map<(d0, d1) -> (0, 0)>
#map1 = affine_map<(d0, d1) -> (0, 0, 0)>
module attributes {stable_mosaic.version = 14 : i64} {
  func.func @body(%arg0: i32, %arg1: i32, %arg2: memref<10000x128xf32, #tpu.memory_space<hbm>>, %arg3: memref<32x1x10000xi32, #tpu.memory_space<hbm>>, %arg4: memref<32x125x80xi32, #tpu.memory_space<hbm>>, %arg5: memref<640x128xf32, #tpu.memory_space<hbm>>, %arg6: memref<2x10240x128xf32, #tpu.memory_space<hbm>>, %arg7: memref<6x80xi32, #tpu.memory_space<vmem>>, %arg8: memref<125x80xi32, #tpu.memory_space<vmem>>, %arg9: memref<80x128xf32, #tpu.memory_space<vmem>>, %arg10: memref<80x128xf32, #tpu.memory_space<vmem>>, %arg11: memref<80x128xf32, #tpu.memory_space<vmem>>, %arg12: memref<10240x128xf32, #tpu.memory_space<vmem_shared>>, %arg13: memref<!tpu.dma_semaphore, #tpu.memory_space<semaphore_mem>>, %arg14: memref<!tpu.dma_semaphore, #tpu.memory_space<semaphore_mem>>, %arg15: memref<!tpu.dma_semaphore, #tpu.memory_space<semaphore_mem>>, %arg16: memref<!tpu.dma_semaphore, #tpu.memory_space<semaphore_mem>>, %arg17: memref<!tpu.dma_semaphore, #tpu.memory_space<semaphore_mem>>, %arg18: memref<!tpu.dma_semaphore, #tpu.memory_space<semaphore_mem>>, %arg19: memref<!tpu.dma_semaphore, #tpu.memory_space<semaphore_mem>>, %arg20: memref<!tpu.dma_semaphore, #tpu.memory_space<semaphore_mem>>, %arg21: memref<!tpu.dma_semaphore, #tpu.memory_space<semaphore_mem>>, %arg22: memref<!tpu.dma_semaphore, #tpu.memory_space<semaphore_mem>>, %arg23: memref<!tpu.dma_semaphore, #tpu.memory_space<semaphore_mem>>, %arg24: memref<!tpu.dma_semaphore, #tpu.memory_space<semaphore_mem>>) attributes {dimension_semantics = [#tpu.dimension_semantics<core_parallel>, #tpu.dimension_semantics<subcore_parallel>], iteration_bounds = array<i64: 2, 16>, scalar_prefetch = 0 : i64, scratch_operands = 18 : i64, tpu.core_type = #tpu.core_type<sc_vector_subcore>, window_params = [{transform_indices = #map}, {transform_indices = #map1}, {transform_indices = #map1}, {transform_indices = #map}, {transform_indices = #map1}]} {
    %mul3A = arith.constant 16 : i32
    %mul3A_0 = arith.muli %arg0, %mul3A : i32
    %add3A = arith.addi %mul3A_0, %arg1 : i32
    %mul3A_1 = arith.constant 640 : i32
    %mul3A_2 = arith.muli %arg1, %mul3A_1 : i32
    "tpu.region"() ({
      %run_scoped3A = tpu.sem_alloc : memref<!tpu.dma_semaphore, #tpu.memory_space<semaphore_mem>>
      %dma_start3A_442 = arith.constant 0 : i32
      %dma_start3A_443 = tpu.memref_slice %arg12[%mul3A_2, %dma_start3A_442] : memref<10240x128xf32, #tpu.memory_space<vmem_shared>> -> memref<640x128xf32, #tpu.memory_space<vmem_shared>>
      tpu.enqueue_dma source(%arg5 : memref<640x128xf32, #tpu.memory_space<hbm>>) target(%dma_start3A_443 : memref<640x128xf32, #tpu.memory_space<vmem_shared>>) target_semaphore(%run_scoped3A : memref<!tpu.dma_semaphore, #tpu.memory_space<semaphore_mem>>)
      %dma_wait3A_444 = arith.constant 0 : i32
      %dma_wait3A_445 = tpu.memref_slice %arg12[%mul3A_2, %dma_wait3A_444] : memref<10240x128xf32, #tpu.memory_space<vmem_shared>> -> memref<640x128xf32, #tpu.memory_space<vmem_shared>>
      tpu.wait_dma2 semaphore(%run_scoped3A : memref<!tpu.dma_semaphore, #tpu.memory_space<semaphore_mem>>) src(%arg5 : memref<640x128xf32, #tpu.memory_space<hbm>>) dst(%dma_wait3A_445 : memref<640x128xf32, #tpu.memory_space<vmem_shared>>)
      tpu.yield
    }) : () -> ()
    "tpu.region"() ({
      %run_scoped3A = tpu.sem_alloc : memref<!tpu.dma_semaphore, #tpu.memory_space<semaphore_mem>>
      %dma_start3A_442 = arith.constant 0 : i32
      %dma_start3A_443 = arith.constant 0 : i32
      %dma_start3A_444 = tpu.memref_slice %arg4[%add3A, %dma_start3A_442, %dma_start3A_443] : memref<32x125x80xi32, #tpu.memory_space<hbm>> -> memref<1x125x80xi32, #tpu.memory_space<hbm>>
      %dma_start3A_445 = tpu.memref_squeeze %dma_start3A_444 : memref<1x125x80xi32, #tpu.memory_space<hbm>> -> memref<125x80xi32, #tpu.memory_space<hbm>>
      %dma_start3A_446 = arith.constant 0 : i32
      %dma_start3A_447 = arith.constant 0 : i32
      %dma_start3A_448 = tpu.memref_slice %arg4[%add3A, %dma_start3A_446, %dma_start3A_447] : memref<32x125x80xi32, #tpu.memory_space<hbm>> -> memref<1x125x80xi32, #tpu.memory_space<hbm>>
      %dma_start3A_449 = tpu.memref_squeeze %dma_start3A_448 : memref<1x125x80xi32, #tpu.memory_space<hbm>> -> memref<125x80xi32, #tpu.memory_space<hbm>>
      tpu.enqueue_dma source(%dma_start3A_449 : memref<125x80xi32, #tpu.memory_space<hbm>>) target(%arg8 : memref<125x80xi32, #tpu.memory_space<vmem>>) target_semaphore(%run_scoped3A : memref<!tpu.dma_semaphore, #tpu.memory_space<semaphore_mem>>)
      %dma_wait3A_450 = arith.constant 0 : i32
      %dma_wait3A_451 = arith.constant 0 : i32
      %dma_wait3A_452 = tpu.memref_slice %arg4[%add3A, %dma_wait3A_450, %dma_wait3A_451] : memref<32x125x80xi32, #tpu.memory_space<hbm>> -> memref<1x125x80xi32, #tpu.memory_space<hbm>>
      %dma_wait3A_453 = tpu.memref_squeeze %dma_wait3A_452 : memref<1x125x80xi32, #tpu.memory_space<hbm>> -> memref<125x80xi32, #tpu.memory_space<hbm>>
      %dma_wait3A_454 = arith.constant 0 : i32
      %dma_wait3A_455 = arith.constant 0 : i32
      %dma_wait3A_456 = tpu.memref_slice %arg4[%add3A, %dma_wait3A_454, %dma_wait3A_455] : memref<32x125x80xi32, #tpu.memory_space<hbm>> -> memref<1x125x80xi32, #tpu.memory_space<hbm>>
      %dma_wait3A_457 = tpu.memref_squeeze %dma_wait3A_456 : memref<1x125x80xi32, #tpu.memory_space<hbm>> -> memref<125x80xi32, #tpu.memory_space<hbm>>
      tpu.wait_dma2 semaphore(%run_scoped3A : memref<!tpu.dma_semaphore, #tpu.memory_space<semaphore_mem>>) src(%dma_wait3A_457 : memref<125x80xi32, #tpu.memory_space<hbm>>) dst(%arg8 : memref<125x80xi32, #tpu.memory_space<vmem>>)
      tpu.yield
    }) : () -> ()
    %barrier3A = arith.constant 0 : index
    tpu.barrier barrier_id(%barrier3A)
    %dma_start3A = arith.constant 0 : i32
    %dma_start3A_3 = arith.constant 0 : i32
    %dma_start3A_4 = arith.constant 0 : i32
    %dma_start3A_5 = tpu.memref_slice %arg7[%dma_start3A_3, %dma_start3A_4] : memref<6x80xi32, #tpu.memory_space<vmem>> -> memref<1x80xi32, #tpu.memory_space<vmem>>
    %dma_start3A_6 = tpu.memref_squeeze %dma_start3A_5 : memref<1x80xi32, #tpu.memory_space<vmem>> -> memref<80xi32, #tpu.memory_space<vmem>>
    %dma_start3A_7 = arith.constant 0 : i32
    %dma_start3A_8 = arith.constant 0 : i32
    %dma_start3A_9 = tpu.memref_slice %arg3[%add3A, %dma_start3A_7, %dma_start3A_8] : memref<32x1x10000xi32, #tpu.memory_space<hbm>> -> memref<1x1x10000xi32, #tpu.memory_space<hbm>>
    %dma_start3A_10 = tpu.memref_squeeze %dma_start3A_9 : memref<1x1x10000xi32, #tpu.memory_space<hbm>> -> memref<1x10000xi32, #tpu.memory_space<hbm>>
    %dma_start3A_11 = arith.constant 0 : i32
    %dma_start3A_12 = tpu.memref_slice %dma_start3A_10[%dma_start3A, %dma_start3A_11] : memref<1x10000xi32, #tpu.memory_space<hbm>> -> memref<1x10000xi32, #tpu.memory_space<hbm>>
    %dma_start3A_13 = tpu.memref_squeeze %dma_start3A_12 : memref<1x10000xi32, #tpu.memory_space<hbm>> -> memref<10000xi32, #tpu.memory_space<hbm>>
    %dma_start3A_14 = arith.constant 0 : i32
    %dma_start3A_15 = tpu.memref_slice %dma_start3A_13[%dma_start3A_14] : memref<10000xi32, #tpu.memory_space<hbm>> -> memref<80xi32, #tpu.memory_space<hbm>>
    %dma_start3A_16 = arith.constant 0 : i32
    %dma_start3A_17 = tpu.memref_slice %arg7[%dma_start3A_3, %dma_start3A_16] : memref<6x80xi32, #tpu.memory_space<vmem>> -> memref<1x80xi32, #tpu.memory_space<vmem>>
    %dma_start3A_18 = tpu.memref_squeeze %dma_start3A_17 : memref<1x80xi32, #tpu.memory_space<vmem>> -> memref<80xi32, #tpu.memory_space<vmem>>
    %dma_start3A_19 = arith.constant 0 : i32
    %dma_start3A_20 = arith.constant 0 : i32
    %dma_start3A_21 = tpu.memref_slice %arg3[%add3A, %dma_start3A_19, %dma_start3A_20] : memref<32x1x10000xi32, #tpu.memory_space<hbm>> -> memref<1x1x10000xi32, #tpu.memory_space<hbm>>
    %dma_start3A_22 = tpu.memref_squeeze %dma_start3A_21 : memref<1x1x10000xi32, #tpu.memory_space<hbm>> -> memref<1x10000xi32, #tpu.memory_space<hbm>>
    %dma_start3A_23 = arith.constant 0 : i32
    %dma_start3A_24 = tpu.memref_slice %dma_start3A_22[%dma_start3A, %dma_start3A_23] : memref<1x10000xi32, #tpu.memory_space<hbm>> -> memref<1x10000xi32, #tpu.memory_space<hbm>>
    %dma_start3A_25 = tpu.memref_squeeze %dma_start3A_24 : memref<1x10000xi32, #tpu.memory_space<hbm>> -> memref<10000xi32, #tpu.memory_space<hbm>>
    %dma_start3A_26 = arith.constant 0 : i32
    %dma_start3A_27 = tpu.memref_slice %dma_start3A_25[%dma_start3A_26] : memref<10000xi32, #tpu.memory_space<hbm>> -> memref<80xi32, #tpu.memory_space<hbm>>
    tpu.enqueue_dma source(%dma_start3A_27 : memref<80xi32, #tpu.memory_space<hbm>>) target(%dma_start3A_18 : memref<80xi32, #tpu.memory_space<vmem>>) target_semaphore(%arg13 : memref<!tpu.dma_semaphore, #tpu.memory_space<semaphore_mem>>)
    %dma_start3A_28 = arith.constant 0 : i32
    %dma_start3A_29 = arith.constant 1 : i32
    %dma_start3A_30 = arith.constant 0 : i32
    %dma_start3A_31 = tpu.memref_slice %arg7[%dma_start3A_29, %dma_start3A_30] : memref<6x80xi32, #tpu.memory_space<vmem>> -> memref<1x80xi32, #tpu.memory_space<vmem>>
    %dma_start3A_32 = tpu.memref_squeeze %dma_start3A_31 : memref<1x80xi32, #tpu.memory_space<vmem>> -> memref<80xi32, #tpu.memory_space<vmem>>
    %dma_start3A_33 = arith.constant 0 : i32
    %dma_start3A_34 = arith.constant 0 : i32
    %dma_start3A_35 = tpu.memref_slice %arg3[%add3A, %dma_start3A_33, %dma_start3A_34] : memref<32x1x10000xi32, #tpu.memory_space<hbm>> -> memref<1x1x10000xi32, #tpu.memory_space<hbm>>
    %dma_start3A_36 = tpu.memref_squeeze %dma_start3A_35 : memref<1x1x10000xi32, #tpu.memory_space<hbm>> -> memref<1x10000xi32, #tpu.memory_space<hbm>>
    %dma_start3A_37 = arith.constant 0 : i32
    %dma_start3A_38 = tpu.memref_slice %dma_start3A_36[%dma_start3A_28, %dma_start3A_37] : memref<1x10000xi32, #tpu.memory_space<hbm>> -> memref<1x10000xi32, #tpu.memory_space<hbm>>
    %dma_start3A_39 = tpu.memref_squeeze %dma_start3A_38 : memref<1x10000xi32, #tpu.memory_space<hbm>> -> memref<10000xi32, #tpu.memory_space<hbm>>
    %dma_start3A_40 = arith.constant 80 : i32
    %dma_start3A_41 = tpu.memref_slice %dma_start3A_39[%dma_start3A_40] : memref<10000xi32, #tpu.memory_space<hbm>> -> memref<80xi32, #tpu.memory_space<hbm>>
    %dma_start3A_42 = arith.constant 0 : i32
    %dma_start3A_43 = tpu.memref_slice %arg7[%dma_start3A_29, %dma_start3A_42] : memref<6x80xi32, #tpu.memory_space<vmem>> -> memref<1x80xi32, #tpu.memory_space<vmem>>
    %dma_start3A_44 = tpu.memref_squeeze %dma_start3A_43 : memref<1x80xi32, #tpu.memory_space<vmem>> -> memref<80xi32, #tpu.memory_space<vmem>>
    %dma_start3A_45 = arith.constant 0 : i32
    %dma_start3A_46 = arith.constant 0 : i32
    %dma_start3A_47 = tpu.memref_slice %arg3[%add3A, %dma_start3A_45, %dma_start3A_46] : memref<32x1x10000xi32, #tpu.memory_space<hbm>> -> memref<1x1x10000xi32, #tpu.memory_space<hbm>>
    %dma_start3A_48 = tpu.memref_squeeze %dma_start3A_47 : memref<1x1x10000xi32, #tpu.memory_space<hbm>> -> memref<1x10000xi32, #tpu.memory_space<hbm>>
    %dma_start3A_49 = arith.constant 0 : i32
    %dma_start3A_50 = tpu.memref_slice %dma_start3A_48[%dma_start3A_28, %dma_start3A_49] : memref<1x10000xi32, #tpu.memory_space<hbm>> -> memref<1x10000xi32, #tpu.memory_space<hbm>>
    %dma_start3A_51 = tpu.memref_squeeze %dma_start3A_50 : memref<1x10000xi32, #tpu.memory_space<hbm>> -> memref<10000xi32, #tpu.memory_space<hbm>>
    %dma_start3A_52 = arith.constant 80 : i32
    %dma_start3A_53 = tpu.memref_slice %dma_start3A_51[%dma_start3A_52] : memref<10000xi32, #tpu.memory_space<hbm>> -> memref<80xi32, #tpu.memory_space<hbm>>
    tpu.enqueue_dma source(%dma_start3A_53 : memref<80xi32, #tpu.memory_space<hbm>>) target(%dma_start3A_44 : memref<80xi32, #tpu.memory_space<vmem>>) target_semaphore(%arg14 : memref<!tpu.dma_semaphore, #tpu.memory_space<semaphore_mem>>)
    %dma_start3A_54 = arith.constant 0 : i32
    %dma_start3A_55 = arith.constant 2 : i32
    %dma_start3A_56 = arith.constant 0 : i32
    %dma_start3A_57 = tpu.memref_slice %arg7[%dma_start3A_55, %dma_start3A_56] : memref<6x80xi32, #tpu.memory_space<vmem>> -> memref<1x80xi32, #tpu.memory_space<vmem>>
    %dma_start3A_58 = tpu.memref_squeeze %dma_start3A_57 : memref<1x80xi32, #tpu.memory_space<vmem>> -> memref<80xi32, #tpu.memory_space<vmem>>
    %dma_start3A_59 = arith.constant 0 : i32
    %dma_start3A_60 = arith.constant 0 : i32
    %dma_start3A_61 = tpu.memref_slice %arg3[%add3A, %dma_start3A_59, %dma_start3A_60] : memref<32x1x10000xi32, #tpu.memory_space<hbm>> -> memref<1x1x10000xi32, #tpu.memory_space<hbm>>
    %dma_start3A_62 = tpu.memref_squeeze %dma_start3A_61 : memref<1x1x10000xi32, #tpu.memory_space<hbm>> -> memref<1x10000xi32, #tpu.memory_space<hbm>>
    %dma_start3A_63 = arith.constant 0 : i32
    %dma_start3A_64 = tpu.memref_slice %dma_start3A_62[%dma_start3A_54, %dma_start3A_63] : memref<1x10000xi32, #tpu.memory_space<hbm>> -> memref<1x10000xi32, #tpu.memory_space<hbm>>
    %dma_start3A_65 = tpu.memref_squeeze %dma_start3A_64 : memref<1x10000xi32, #tpu.memory_space<hbm>> -> memref<10000xi32, #tpu.memory_space<hbm>>
    %dma_start3A_66 = arith.constant 160 : i32
    %dma_start3A_67 = tpu.memref_slice %dma_start3A_65[%dma_start3A_66] : memref<10000xi32, #tpu.memory_space<hbm>> -> memref<80xi32, #tpu.memory_space<hbm>>
    %dma_start3A_68 = arith.constant 0 : i32
    %dma_start3A_69 = tpu.memref_slice %arg7[%dma_start3A_55, %dma_start3A_68] : memref<6x80xi32, #tpu.memory_space<vmem>> -> memref<1x80xi32, #tpu.memory_space<vmem>>
    %dma_start3A_70 = tpu.memref_squeeze %dma_start3A_69 : memref<1x80xi32, #tpu.memory_space<vmem>> -> memref<80xi32, #tpu.memory_space<vmem>>
    %dma_start3A_71 = arith.constant 0 : i32
    %dma_start3A_72 = arith.constant 0 : i32
    %dma_start3A_73 = tpu.memref_slice %arg3[%add3A, %dma_start3A_71, %dma_start3A_72] : memref<32x1x10000xi32, #tpu.memory_space<hbm>> -> memref<1x1x10000xi32, #tpu.memory_space<hbm>>
    %dma_start3A_74 = tpu.memref_squeeze %dma_start3A_73 : memref<1x1x10000xi32, #tpu.memory_space<hbm>> -> memref<1x10000xi32, #tpu.memory_space<hbm>>
    %dma_start3A_75 = arith.constant 0 : i32
    %dma_start3A_76 = tpu.memref_slice %dma_start3A_74[%dma_start3A_54, %dma_start3A_75] : memref<1x10000xi32, #tpu.memory_space<hbm>> -> memref<1x10000xi32, #tpu.memory_space<hbm>>
    %dma_start3A_77 = tpu.memref_squeeze %dma_start3A_76 : memref<1x10000xi32, #tpu.memory_space<hbm>> -> memref<10000xi32, #tpu.memory_space<hbm>>
    %dma_start3A_78 = arith.constant 160 : i32
    %dma_start3A_79 = tpu.memref_slice %dma_start3A_77[%dma_start3A_78] : memref<10000xi32, #tpu.memory_space<hbm>> -> memref<80xi32, #tpu.memory_space<hbm>>
    tpu.enqueue_dma source(%dma_start3A_79 : memref<80xi32, #tpu.memory_space<hbm>>) target(%dma_start3A_70 : memref<80xi32, #tpu.memory_space<vmem>>) target_semaphore(%arg15 : memref<!tpu.dma_semaphore, #tpu.memory_space<semaphore_mem>>)
    %dma_start3A_80 = arith.constant 0 : i32
    %dma_start3A_81 = arith.constant 3 : i32
    %dma_start3A_82 = arith.constant 0 : i32
    %dma_start3A_83 = tpu.memref_slice %arg7[%dma_start3A_81, %dma_start3A_82] : memref<6x80xi32, #tpu.memory_space<vmem>> -> memref<1x80xi32, #tpu.memory_space<vmem>>
    %dma_start3A_84 = tpu.memref_squeeze %dma_start3A_83 : memref<1x80xi32, #tpu.memory_space<vmem>> -> memref<80xi32, #tpu.memory_space<vmem>>
    %dma_start3A_85 = arith.constant 0 : i32
    %dma_start3A_86 = arith.constant 0 : i32
    %dma_start3A_87 = tpu.memref_slice %arg3[%add3A, %dma_start3A_85, %dma_start3A_86] : memref<32x1x10000xi32, #tpu.memory_space<hbm>> -> memref<1x1x10000xi32, #tpu.memory_space<hbm>>
    %dma_start3A_88 = tpu.memref_squeeze %dma_start3A_87 : memref<1x1x10000xi32, #tpu.memory_space<hbm>> -> memref<1x10000xi32, #tpu.memory_space<hbm>>
    %dma_start3A_89 = arith.constant 0 : i32
    %dma_start3A_90 = tpu.memref_slice %dma_start3A_88[%dma_start3A_80, %dma_start3A_89] : memref<1x10000xi32, #tpu.memory_space<hbm>> -> memref<1x10000xi32, #tpu.memory_space<hbm>>
    %dma_start3A_91 = tpu.memref_squeeze %dma_start3A_90 : memref<1x10000xi32, #tpu.memory_space<hbm>> -> memref<10000xi32, #tpu.memory_space<hbm>>
    %dma_start3A_92 = arith.constant 240 : i32
    %dma_start3A_93 = tpu.memref_slice %dma_start3A_91[%dma_start3A_92] : memref<10000xi32, #tpu.memory_space<hbm>> -> memref<80xi32, #tpu.memory_space<hbm>>
    %dma_start3A_94 = arith.constant 0 : i32
    %dma_start3A_95 = tpu.memref_slice %arg7[%dma_start3A_81, %dma_start3A_94] : memref<6x80xi32, #tpu.memory_space<vmem>> -> memref<1x80xi32, #tpu.memory_space<vmem>>
    %dma_start3A_96 = tpu.memref_squeeze %dma_start3A_95 : memref<1x80xi32, #tpu.memory_space<vmem>> -> memref<80xi32, #tpu.memory_space<vmem>>
    %dma_start3A_97 = arith.constant 0 : i32
    %dma_start3A_98 = arith.constant 0 : i32
    %dma_start3A_99 = tpu.memref_slice %arg3[%add3A, %dma_start3A_97, %dma_start3A_98] : memref<32x1x10000xi32, #tpu.memory_space<hbm>> -> memref<1x1x10000xi32, #tpu.memory_space<hbm>>
    %dma_start3A_100 = tpu.memref_squeeze %dma_start3A_99 : memref<1x1x10000xi32, #tpu.memory_space<hbm>> -> memref<1x10000xi32, #tpu.memory_space<hbm>>
    %dma_start3A_101 = arith.constant 0 : i32
    %dma_start3A_102 = tpu.memref_slice %dma_start3A_100[%dma_start3A_80, %dma_start3A_101] : memref<1x10000xi32, #tpu.memory_space<hbm>> -> memref<1x10000xi32, #tpu.memory_space<hbm>>
    %dma_start3A_103 = tpu.memref_squeeze %dma_start3A_102 : memref<1x10000xi32, #tpu.memory_space<hbm>> -> memref<10000xi32, #tpu.memory_space<hbm>>
    %dma_start3A_104 = arith.constant 240 : i32
    %dma_start3A_105 = tpu.memref_slice %dma_start3A_103[%dma_start3A_104] : memref<10000xi32, #tpu.memory_space<hbm>> -> memref<80xi32, #tpu.memory_space<hbm>>
    tpu.enqueue_dma source(%dma_start3A_105 : memref<80xi32, #tpu.memory_space<hbm>>) target(%dma_start3A_96 : memref<80xi32, #tpu.memory_space<vmem>>) target_semaphore(%arg16 : memref<!tpu.dma_semaphore, #tpu.memory_space<semaphore_mem>>)
    %dma_start3A_106 = arith.constant 0 : i32
    %dma_start3A_107 = arith.constant 4 : i32
    %dma_start3A_108 = arith.constant 0 : i32
    %dma_start3A_109 = tpu.memref_slice %arg7[%dma_start3A_107, %dma_start3A_108] : memref<6x80xi32, #tpu.memory_space<vmem>> -> memref<1x80xi32, #tpu.memory_space<vmem>>
    %dma_start3A_110 = tpu.memref_squeeze %dma_start3A_109 : memref<1x80xi32, #tpu.memory_space<vmem>> -> memref<80xi32, #tpu.memory_space<vmem>>
    %dma_start3A_111 = arith.constant 0 : i32
    %dma_start3A_112 = arith.constant 0 : i32
    %dma_start3A_113 = tpu.memref_slice %arg3[%add3A, %dma_start3A_111, %dma_start3A_112] : memref<32x1x10000xi32, #tpu.memory_space<hbm>> -> memref<1x1x10000xi32, #tpu.memory_space<hbm>>
    %dma_start3A_114 = tpu.memref_squeeze %dma_start3A_113 : memref<1x1x10000xi32, #tpu.memory_space<hbm>> -> memref<1x10000xi32, #tpu.memory_space<hbm>>
    %dma_start3A_115 = arith.constant 0 : i32
    %dma_start3A_116 = tpu.memref_slice %dma_start3A_114[%dma_start3A_106, %dma_start3A_115] : memref<1x10000xi32, #tpu.memory_space<hbm>> -> memref<1x10000xi32, #tpu.memory_space<hbm>>
    %dma_start3A_117 = tpu.memref_squeeze %dma_start3A_116 : memref<1x10000xi32, #tpu.memory_space<hbm>> -> memref<10000xi32, #tpu.memory_space<hbm>>
    %dma_start3A_118 = arith.constant 320 : i32
    %dma_start3A_119 = tpu.memref_slice %dma_start3A_117[%dma_start3A_118] : memref<10000xi32, #tpu.memory_space<hbm>> -> memref<80xi32, #tpu.memory_space<hbm>>
    %dma_start3A_120 = arith.constant 0 : i32
    %dma_start3A_121 = tpu.memref_slice %arg7[%dma_start3A_107, %dma_start3A_120] : memref<6x80xi32, #tpu.memory_space<vmem>> -> memref<1x80xi32, #tpu.memory_space<vmem>>
    %dma_start3A_122 = tpu.memref_squeeze %dma_start3A_121 : memref<1x80xi32, #tpu.memory_space<vmem>> -> memref<80xi32, #tpu.memory_space<vmem>>
    %dma_start3A_123 = arith.constant 0 : i32
    %dma_start3A_124 = arith.constant 0 : i32
    %dma_start3A_125 = tpu.memref_slice %arg3[%add3A, %dma_start3A_123, %dma_start3A_124] : memref<32x1x10000xi32, #tpu.memory_space<hbm>> -> memref<1x1x10000xi32, #tpu.memory_space<hbm>>
    %dma_start3A_126 = tpu.memref_squeeze %dma_start3A_125 : memref<1x1x10000xi32, #tpu.memory_space<hbm>> -> memref<1x10000xi32, #tpu.memory_space<hbm>>
    %dma_start3A_127 = arith.constant 0 : i32
    %dma_start3A_128 = tpu.memref_slice %dma_start3A_126[%dma_start3A_106, %dma_start3A_127] : memref<1x10000xi32, #tpu.memory_space<hbm>> -> memref<1x10000xi32, #tpu.memory_space<hbm>>
    %dma_start3A_129 = tpu.memref_squeeze %dma_start3A_128 : memref<1x10000xi32, #tpu.memory_space<hbm>> -> memref<10000xi32, #tpu.memory_space<hbm>>
    %dma_start3A_130 = arith.constant 320 : i32
    %dma_start3A_131 = tpu.memref_slice %dma_start3A_129[%dma_start3A_130] : memref<10000xi32, #tpu.memory_space<hbm>> -> memref<80xi32, #tpu.memory_space<hbm>>
    tpu.enqueue_dma source(%dma_start3A_131 : memref<80xi32, #tpu.memory_space<hbm>>) target(%dma_start3A_122 : memref<80xi32, #tpu.memory_space<vmem>>) target_semaphore(%arg17 : memref<!tpu.dma_semaphore, #tpu.memory_space<semaphore_mem>>)
    %dma_start3A_132 = arith.constant 0 : i32
    %dma_start3A_133 = arith.constant 5 : i32
    %dma_start3A_134 = arith.constant 0 : i32
    %dma_start3A_135 = tpu.memref_slice %arg7[%dma_start3A_133, %dma_start3A_134] : memref<6x80xi32, #tpu.memory_space<vmem>> -> memref<1x80xi32, #tpu.memory_space<vmem>>
    %dma_start3A_136 = tpu.memref_squeeze %dma_start3A_135 : memref<1x80xi32, #tpu.memory_space<vmem>> -> memref<80xi32, #tpu.memory_space<vmem>>
    %dma_start3A_137 = arith.constant 0 : i32
    %dma_start3A_138 = arith.constant 0 : i32
    %dma_start3A_139 = tpu.memref_slice %arg3[%add3A, %dma_start3A_137, %dma_start3A_138] : memref<32x1x10000xi32, #tpu.memory_space<hbm>> -> memref<1x1x10000xi32, #tpu.memory_space<hbm>>
    %dma_start3A_140 = tpu.memref_squeeze %dma_start3A_139 : memref<1x1x10000xi32, #tpu.memory_space<hbm>> -> memref<1x10000xi32, #tpu.memory_space<hbm>>
    %dma_start3A_141 = arith.constant 0 : i32
    %dma_start3A_142 = tpu.memref_slice %dma_start3A_140[%dma_start3A_132, %dma_start3A_141] : memref<1x10000xi32, #tpu.memory_space<hbm>> -> memref<1x10000xi32, #tpu.memory_space<hbm>>
    %dma_start3A_143 = tpu.memref_squeeze %dma_start3A_142 : memref<1x10000xi32, #tpu.memory_space<hbm>> -> memref<10000xi32, #tpu.memory_space<hbm>>
    %dma_start3A_144 = arith.constant 400 : i32
    %dma_start3A_145 = tpu.memref_slice %dma_start3A_143[%dma_start3A_144] : memref<10000xi32, #tpu.memory_space<hbm>> -> memref<80xi32, #tpu.memory_space<hbm>>
    %dma_start3A_146 = arith.constant 0 : i32
    %dma_start3A_147 = tpu.memref_slice %arg7[%dma_start3A_133, %dma_start3A_146] : memref<6x80xi32, #tpu.memory_space<vmem>> -> memref<1x80xi32, #tpu.memory_space<vmem>>
    %dma_start3A_148 = tpu.memref_squeeze %dma_start3A_147 : memref<1x80xi32, #tpu.memory_space<vmem>> -> memref<80xi32, #tpu.memory_space<vmem>>
    %dma_start3A_149 = arith.constant 0 : i32
    %dma_start3A_150 = arith.constant 0 : i32
    %dma_start3A_151 = tpu.memref_slice %arg3[%add3A, %dma_start3A_149, %dma_start3A_150] : memref<32x1x10000xi32, #tpu.memory_space<hbm>> -> memref<1x1x10000xi32, #tpu.memory_space<hbm>>
    %dma_start3A_152 = tpu.memref_squeeze %dma_start3A_151 : memref<1x1x10000xi32, #tpu.memory_space<hbm>> -> memref<1x10000xi32, #tpu.memory_space<hbm>>
    %dma_start3A_153 = arith.constant 0 : i32
    %dma_start3A_154 = tpu.memref_slice %dma_start3A_152[%dma_start3A_132, %dma_start3A_153] : memref<1x10000xi32, #tpu.memory_space<hbm>> -> memref<1x10000xi32, #tpu.memory_space<hbm>>
    %dma_start3A_155 = tpu.memref_squeeze %dma_start3A_154 : memref<1x10000xi32, #tpu.memory_space<hbm>> -> memref<10000xi32, #tpu.memory_space<hbm>>
    %dma_start3A_156 = arith.constant 400 : i32
    %dma_start3A_157 = tpu.memref_slice %dma_start3A_155[%dma_start3A_156] : memref<10000xi32, #tpu.memory_space<hbm>> -> memref<80xi32, #tpu.memory_space<hbm>>
    tpu.enqueue_dma source(%dma_start3A_157 : memref<80xi32, #tpu.memory_space<hbm>>) target(%dma_start3A_148 : memref<80xi32, #tpu.memory_space<vmem>>) target_semaphore(%arg18 : memref<!tpu.dma_semaphore, #tpu.memory_space<semaphore_mem>>)
    %dma_wait3A = arith.constant 0 : i32
    %dma_wait3A_158 = arith.constant 0 : i32
    %dma_wait3A_159 = arith.constant 0 : i32
    %dma_wait3A_160 = tpu.memref_slice %arg7[%dma_wait3A_158, %dma_wait3A_159] : memref<6x80xi32, #tpu.memory_space<vmem>> -> memref<1x80xi32, #tpu.memory_space<vmem>>
    %dma_wait3A_161 = tpu.memref_squeeze %dma_wait3A_160 : memref<1x80xi32, #tpu.memory_space<vmem>> -> memref<80xi32, #tpu.memory_space<vmem>>
    %dma_wait3A_162 = arith.constant 0 : i32
    %dma_wait3A_163 = arith.constant 0 : i32
    %dma_wait3A_164 = tpu.memref_slice %arg3[%add3A, %dma_wait3A_162, %dma_wait3A_163] : memref<32x1x10000xi32, #tpu.memory_space<hbm>> -> memref<1x1x10000xi32, #tpu.memory_space<hbm>>
    %dma_wait3A_165 = tpu.memref_squeeze %dma_wait3A_164 : memref<1x1x10000xi32, #tpu.memory_space<hbm>> -> memref<1x10000xi32, #tpu.memory_space<hbm>>
    %dma_wait3A_166 = arith.constant 0 : i32
    %dma_wait3A_167 = tpu.memref_slice %dma_wait3A_165[%dma_wait3A, %dma_wait3A_166] : memref<1x10000xi32, #tpu.memory_space<hbm>> -> memref<1x10000xi32, #tpu.memory_space<hbm>>
    %dma_wait3A_168 = tpu.memref_squeeze %dma_wait3A_167 : memref<1x10000xi32, #tpu.memory_space<hbm>> -> memref<10000xi32, #tpu.memory_space<hbm>>
    %dma_wait3A_169 = arith.constant 0 : i32
    %dma_wait3A_170 = tpu.memref_slice %dma_wait3A_168[%dma_wait3A_169] : memref<10000xi32, #tpu.memory_space<hbm>> -> memref<80xi32, #tpu.memory_space<hbm>>
    %dma_wait3A_171 = arith.constant 0 : i32
    %dma_wait3A_172 = tpu.memref_slice %arg7[%dma_wait3A_158, %dma_wait3A_171] : memref<6x80xi32, #tpu.memory_space<vmem>> -> memref<1x80xi32, #tpu.memory_space<vmem>>
    %dma_wait3A_173 = tpu.memref_squeeze %dma_wait3A_172 : memref<1x80xi32, #tpu.memory_space<vmem>> -> memref<80xi32, #tpu.memory_space<vmem>>
    %dma_wait3A_174 = arith.constant 0 : i32
    %dma_wait3A_175 = arith.constant 0 : i32
    %dma_wait3A_176 = tpu.memref_slice %arg3[%add3A, %dma_wait3A_174, %dma_wait3A_175] : memref<32x1x10000xi32, #tpu.memory_space<hbm>> -> memref<1x1x10000xi32, #tpu.memory_space<hbm>>
    %dma_wait3A_177 = tpu.memref_squeeze %dma_wait3A_176 : memref<1x1x10000xi32, #tpu.memory_space<hbm>> -> memref<1x10000xi32, #tpu.memory_space<hbm>>
    %dma_wait3A_178 = arith.constant 0 : i32
    %dma_wait3A_179 = tpu.memref_slice %dma_wait3A_177[%dma_wait3A, %dma_wait3A_178] : memref<1x10000xi32, #tpu.memory_space<hbm>> -> memref<1x10000xi32, #tpu.memory_space<hbm>>
    %dma_wait3A_180 = tpu.memref_squeeze %dma_wait3A_179 : memref<1x10000xi32, #tpu.memory_space<hbm>> -> memref<10000xi32, #tpu.memory_space<hbm>>
    %dma_wait3A_181 = arith.constant 0 : i32
    %dma_wait3A_182 = tpu.memref_slice %dma_wait3A_180[%dma_wait3A_181] : memref<10000xi32, #tpu.memory_space<hbm>> -> memref<80xi32, #tpu.memory_space<hbm>>
    tpu.wait_dma2 semaphore(%arg13 : memref<!tpu.dma_semaphore, #tpu.memory_space<semaphore_mem>>) src(%dma_wait3A_182 : memref<80xi32, #tpu.memory_space<hbm>>) dst(%dma_wait3A_173 : memref<80xi32, #tpu.memory_space<vmem>>)
    %dma_start3A_183 = arith.constant 0 : i32
    %dma_start3A_184 = arith.constant 0 : i32
    %dma_start3A_185 = tpu.memref_slice %arg7[%dma_start3A_183, %dma_start3A_184] : memref<6x80xi32, #tpu.memory_space<vmem>> -> memref<1x80xi32, #tpu.memory_space<vmem>>
    %dma_start3A_186 = tpu.memref_squeeze %dma_start3A_185 : memref<1x80xi32, #tpu.memory_space<vmem>> -> memref<80xi32, #tpu.memory_space<vmem>>
    %dma_start3A_187 = arith.constant 0 : i32
    %dma_start3A_188 = arith.constant 0 : i32
    %dma_start3A_189 = tpu.memref_slice %arg2[%dma_start3A_187, %dma_start3A_188] : memref<10000x128xf32, #tpu.memory_space<hbm>> -> memref<10000x128xf32, #tpu.memory_space<hbm>>
    tpu.enqueue_indirect_dma source(%dma_start3A_189 : memref<10000x128xf32, #tpu.memory_space<hbm>>) target(%arg9 : memref<80x128xf32, #tpu.memory_space<vmem>>) offsets(%dma_start3A_186 : memref<80xi32, #tpu.memory_space<vmem>>) semaphore(%arg19 : memref<!tpu.dma_semaphore, #tpu.memory_space<semaphore_mem>>)
    %dma_wait3A_190 = arith.constant 0 : i32
    %dma_wait3A_191 = arith.constant 1 : i32
    %dma_wait3A_192 = arith.constant 0 : i32
    %dma_wait3A_193 = tpu.memref_slice %arg7[%dma_wait3A_191, %dma_wait3A_192] : memref<6x80xi32, #tpu.memory_space<vmem>> -> memref<1x80xi32, #tpu.memory_space<vmem>>
    %dma_wait3A_194 = tpu.memref_squeeze %dma_wait3A_193 : memref<1x80xi32, #tpu.memory_space<vmem>> -> memref<80xi32, #tpu.memory_space<vmem>>
    %dma_wait3A_195 = arith.constant 0 : i32
    %dma_wait3A_196 = arith.constant 0 : i32
    %dma_wait3A_197 = tpu.memref_slice %arg3[%add3A, %dma_wait3A_195, %dma_wait3A_196] : memref<32x1x10000xi32, #tpu.memory_space<hbm>> -> memref<1x1x10000xi32, #tpu.memory_space<hbm>>
    %dma_wait3A_198 = tpu.memref_squeeze %dma_wait3A_197 : memref<1x1x10000xi32, #tpu.memory_space<hbm>> -> memref<1x10000xi32, #tpu.memory_space<hbm>>
    %dma_wait3A_199 = arith.constant 0 : i32
    %dma_wait3A_200 = tpu.memref_slice %dma_wait3A_198[%dma_wait3A_190, %dma_wait3A_199] : memref<1x10000xi32, #tpu.memory_space<hbm>> -> memref<1x10000xi32, #tpu.memory_space<hbm>>
    %dma_wait3A_201 = tpu.memref_squeeze %dma_wait3A_200 : memref<1x10000xi32, #tpu.memory_space<hbm>> -> memref<10000xi32, #tpu.memory_space<hbm>>
    %dma_wait3A_202 = arith.constant 80 : i32
    %dma_wait3A_203 = tpu.memref_slice %dma_wait3A_201[%dma_wait3A_202] : memref<10000xi32, #tpu.memory_space<hbm>> -> memref<80xi32, #tpu.memory_space<hbm>>
    %dma_wait3A_204 = arith.constant 0 : i32
    %dma_wait3A_205 = tpu.memref_slice %arg7[%dma_wait3A_191, %dma_wait3A_204] : memref<6x80xi32, #tpu.memory_space<vmem>> -> memref<1x80xi32, #tpu.memory_space<vmem>>
    %dma_wait3A_206 = tpu.memref_squeeze %dma_wait3A_205 : memref<1x80xi32, #tpu.memory_space<vmem>> -> memref<80xi32, #tpu.memory_space<vmem>>
    %dma_wait3A_207 = arith.constant 0 : i32
    %dma_wait3A_208 = arith.constant 0 : i32
    %dma_wait3A_209 = tpu.memref_slice %arg3[%add3A, %dma_wait3A_207, %dma_wait3A_208] : memref<32x1x10000xi32, #tpu.memory_space<hbm>> -> memref<1x1x10000xi32, #tpu.memory_space<hbm>>
    %dma_wait3A_210 = tpu.memref_squeeze %dma_wait3A_209 : memref<1x1x10000xi32, #tpu.memory_space<hbm>> -> memref<1x10000xi32, #tpu.memory_space<hbm>>
    %dma_wait3A_211 = arith.constant 0 : i32
    %dma_wait3A_212 = tpu.memref_slice %dma_wait3A_210[%dma_wait3A_190, %dma_wait3A_211] : memref<1x10000xi32, #tpu.memory_space<hbm>> -> memref<1x10000xi32, #tpu.memory_space<hbm>>
    %dma_wait3A_213 = tpu.memref_squeeze %dma_wait3A_212 : memref<1x10000xi32, #tpu.memory_space<hbm>> -> memref<10000xi32, #tpu.memory_space<hbm>>
    %dma_wait3A_214 = arith.constant 80 : i32
    %dma_wait3A_215 = tpu.memref_slice %dma_wait3A_213[%dma_wait3A_214] : memref<10000xi32, #tpu.memory_space<hbm>> -> memref<80xi32, #tpu.memory_space<hbm>>
    tpu.wait_dma2 semaphore(%arg14 : memref<!tpu.dma_semaphore, #tpu.memory_space<semaphore_mem>>) src(%dma_wait3A_215 : memref<80xi32, #tpu.memory_space<hbm>>) dst(%dma_wait3A_206 : memref<80xi32, #tpu.memory_space<vmem>>)
    %dma_start3A_216 = arith.constant 1 : i32
    %dma_start3A_217 = arith.constant 0 : i32
    %dma_start3A_218 = tpu.memref_slice %arg7[%dma_start3A_216, %dma_start3A_217] : memref<6x80xi32, #tpu.memory_space<vmem>> -> memref<1x80xi32, #tpu.memory_space<vmem>>
    %dma_start3A_219 = tpu.memref_squeeze %dma_start3A_218 : memref<1x80xi32, #tpu.memory_space<vmem>> -> memref<80xi32, #tpu.memory_space<vmem>>
    %dma_start3A_220 = arith.constant 0 : i32
    %dma_start3A_221 = arith.constant 0 : i32
    %dma_start3A_222 = tpu.memref_slice %arg2[%dma_start3A_220, %dma_start3A_221] : memref<10000x128xf32, #tpu.memory_space<hbm>> -> memref<10000x128xf32, #tpu.memory_space<hbm>>
    tpu.enqueue_indirect_dma source(%dma_start3A_222 : memref<10000x128xf32, #tpu.memory_space<hbm>>) target(%arg10 : memref<80x128xf32, #tpu.memory_space<vmem>>) offsets(%dma_start3A_219 : memref<80xi32, #tpu.memory_space<vmem>>) semaphore(%arg20 : memref<!tpu.dma_semaphore, #tpu.memory_space<semaphore_mem>>)
    %scan3A = arith.constant 0 : i32
    %scan3A_223 = arith.constant 0 : i32
    %scan3A_224 = arith.constant 0 : i32
    %scan3A_225 = arith.constant 20 : i32
    %scan3A_226 = arith.addi %scan3A_224, %scan3A_225 : i32
    %scan3A_227 = arith.constant 1 : i32
    %scan3A_228 = scf.for %scan3A_442 = %scan3A_224 to %scan3A_226 step %scan3A_227 iter_args(%scan3A_443 = %scan3A_223) -> (i32)  : i32 {
      %mul3A_444 = arith.constant 6 : i32
      %mul3A_445 = arith.muli %scan3A_442, %mul3A_444 : i32
      %add3A_446 = arith.constant 0 : i32
      %add3A_447 = arith.addi %mul3A_445, %add3A_446 : i32
      %add3A_448 = arith.constant 2 : i32
      %add3A_449 = arith.addi %add3A_447, %add3A_448 : i32
      %lt3A = arith.constant 125 : i32
      %lt3A_450 = arith.cmpi slt, %add3A_449, %lt3A : i32
      %convert_element_type3A = arith.extui %lt3A_450 : i1 to i32
      %cond3A = arith.constant 0 : i32
      %cond3A_451 = arith.cmpi ne, %convert_element_type3A, %cond3A : i32
      scf.if %cond3A_451 {
        %ge3A = arith.constant 1 : i32
        %ge3A_618 = arith.cmpi sge, %add3A_447, %ge3A : i32
        %convert_element_type3A_619 = arith.extui %ge3A_618 : i1 to i32
        %cond3A_620 = arith.constant 0 : i32
        %cond3A_621 = arith.cmpi ne, %convert_element_type3A_619, %cond3A_620 : i32
        scf.if %cond3A_621 {
          %sub3A = arith.constant 1 : i32
          %sub3A_658 = arith.subi %add3A_447, %sub3A : i32
          %dma_wait3A_659 = arith.constant 0 : i32
          %dma_wait3A_660 = tpu.memref_slice %arg8[%sub3A_658, %dma_wait3A_659] : memref<125x80xi32, #tpu.memory_space<vmem>> -> memref<1x80xi32, #tpu.memory_space<vmem>>
          %dma_wait3A_661 = tpu.memref_squeeze %dma_wait3A_660 : memref<1x80xi32, #tpu.memory_space<vmem>> -> memref<80xi32, #tpu.memory_space<vmem>>
          %dma_wait3A_662 = arith.constant 0 : i32
          %dma_wait3A_663 = arith.constant 0 : i32
          %dma_wait3A_664 = tpu.memref_slice %arg12[%dma_wait3A_662, %dma_wait3A_663] : memref<10240x128xf32, #tpu.memory_space<vmem_shared>> -> memref<10240x128xf32, #tpu.memory_space<vmem_shared>>
          tpu.wait_indirect_dma semaphore(%arg24 : memref<!tpu.dma_semaphore, #tpu.memory_space<semaphore_mem>>) src(%arg11 : memref<80x128xf32, #tpu.memory_space<vmem>>) dst(%dma_wait3A_664 : memref<10240x128xf32, #tpu.memory_space<vmem_shared>>)
        } else {
        }
        %add3A_622 = arith.constant 2 : i32
        %add3A_623 = arith.addi %add3A_447, %add3A_622 : i32
        %mul3A_624 = arith.constant 80 : i32
        %mul3A_625 = arith.muli %add3A_623, %mul3A_624 : i32
        %dma_wait3A_626 = arith.constant 2 : i32
        %dma_wait3A_627 = arith.constant 0 : i32
        %dma_wait3A_628 = tpu.memref_slice %arg7[%dma_wait3A_626, %dma_wait3A_627] : memref<6x80xi32, #tpu.memory_space<vmem>> -> memref<1x80xi32, #tpu.memory_space<vmem>>
        %dma_wait3A_629 = tpu.memref_squeeze %dma_wait3A_628 : memref<1x80xi32, #tpu.memory_space<vmem>> -> memref<80xi32, #tpu.memory_space<vmem>>
        %dma_wait3A_630 = arith.constant 0 : i32
        %dma_wait3A_631 = arith.constant 0 : i32
        %dma_wait3A_632 = tpu.memref_slice %arg3[%add3A, %dma_wait3A_630, %dma_wait3A_631] : memref<32x1x10000xi32, #tpu.memory_space<hbm>> -> memref<1x1x10000xi32, #tpu.memory_space<hbm>>
        %dma_wait3A_633 = tpu.memref_squeeze %dma_wait3A_632 : memref<1x1x10000xi32, #tpu.memory_space<hbm>> -> memref<1x10000xi32, #tpu.memory_space<hbm>>
        %dma_wait3A_634 = arith.constant 0 : i32
        %dma_wait3A_635 = tpu.memref_slice %dma_wait3A_633[%scan3A, %dma_wait3A_634] : memref<1x10000xi32, #tpu.memory_space<hbm>> -> memref<1x10000xi32, #tpu.memory_space<hbm>>
        %dma_wait3A_636 = tpu.memref_squeeze %dma_wait3A_635 : memref<1x10000xi32, #tpu.memory_space<hbm>> -> memref<10000xi32, #tpu.memory_space<hbm>>
        %dma_wait3A_637 = tpu.memref_slice %dma_wait3A_636[%mul3A_625] : memref<10000xi32, #tpu.memory_space<hbm>> -> memref<80xi32, #tpu.memory_space<hbm>>
        %dma_wait3A_638 = arith.constant 0 : i32
        %dma_wait3A_639 = tpu.memref_slice %arg7[%dma_wait3A_626, %dma_wait3A_638] : memref<6x80xi32, #tpu.memory_space<vmem>> -> memref<1x80xi32, #tpu.memory_space<vmem>>
        %dma_wait3A_640 = tpu.memref_squeeze %dma_wait3A_639 : memref<1x80xi32, #tpu.memory_space<vmem>> -> memref<80xi32, #tpu.memory_space<vmem>>
        %dma_wait3A_641 = arith.constant 0 : i32
        %dma_wait3A_642 = arith.constant 0 : i32
        %dma_wait3A_643 = tpu.memref_slice %arg3[%add3A, %dma_wait3A_641, %dma_wait3A_642] : memref<32x1x10000xi32, #tpu.memory_space<hbm>> -> memref<1x1x10000xi32, #tpu.memory_space<hbm>>
        %dma_wait3A_644 = tpu.memref_squeeze %dma_wait3A_643 : memref<1x1x10000xi32, #tpu.memory_space<hbm>> -> memref<1x10000xi32, #tpu.memory_space<hbm>>
        %dma_wait3A_645 = arith.constant 0 : i32
        %dma_wait3A_646 = tpu.memref_slice %dma_wait3A_644[%scan3A, %dma_wait3A_645] : memref<1x10000xi32, #tpu.memory_space<hbm>> -> memref<1x10000xi32, #tpu.memory_space<hbm>>
        %dma_wait3A_647 = tpu.memref_squeeze %dma_wait3A_646 : memref<1x10000xi32, #tpu.memory_space<hbm>> -> memref<10000xi32, #tpu.memory_space<hbm>>
        %dma_wait3A_648 = tpu.memref_slice %dma_wait3A_647[%mul3A_625] : memref<10000xi32, #tpu.memory_space<hbm>> -> memref<80xi32, #tpu.memory_space<hbm>>
        tpu.wait_dma2 semaphore(%arg15 : memref<!tpu.dma_semaphore, #tpu.memory_space<semaphore_mem>>) src(%dma_wait3A_648 : memref<80xi32, #tpu.memory_space<hbm>>) dst(%dma_wait3A_640 : memref<80xi32, #tpu.memory_space<vmem>>)
        %add3A_649 = arith.constant 2 : i32
        %add3A_650 = arith.addi %add3A_447, %add3A_649 : i32
        %dma_start3A_651 = arith.constant 2 : i32
        %dma_start3A_652 = arith.constant 0 : i32
        %dma_start3A_653 = tpu.memref_slice %arg7[%dma_start3A_651, %dma_start3A_652] : memref<6x80xi32, #tpu.memory_space<vmem>> -> memref<1x80xi32, #tpu.memory_space<vmem>>
        %dma_start3A_654 = tpu.memref_squeeze %dma_start3A_653 : memref<1x80xi32, #tpu.memory_space<vmem>> -> memref<80xi32, #tpu.memory_space<vmem>>
        %dma_start3A_655 = arith.constant 0 : i32
        %dma_start3A_656 = arith.constant 0 : i32
        %dma_start3A_657 = tpu.memref_slice %arg2[%dma_start3A_655, %dma_start3A_656] : memref<10000x128xf32, #tpu.memory_space<hbm>> -> memref<10000x128xf32, #tpu.memory_space<hbm>>
        tpu.enqueue_indirect_dma source(%dma_start3A_657 : memref<10000x128xf32, #tpu.memory_space<hbm>>) target(%arg11 : memref<80x128xf32, #tpu.memory_space<vmem>>) offsets(%dma_start3A_654 : memref<80xi32, #tpu.memory_space<vmem>>) semaphore(%arg21 : memref<!tpu.dma_semaphore, #tpu.memory_space<semaphore_mem>>)
      } else {
      }
      %dma_wait3A_452 = arith.constant 0 : i32
      %dma_wait3A_453 = arith.constant 0 : i32
      %dma_wait3A_454 = tpu.memref_slice %arg7[%dma_wait3A_452, %dma_wait3A_453] : memref<6x80xi32, #tpu.memory_space<vmem>> -> memref<1x80xi32, #tpu.memory_space<vmem>>
      %dma_wait3A_455 = tpu.memref_squeeze %dma_wait3A_454 : memref<1x80xi32, #tpu.memory_space<vmem>> -> memref<80xi32, #tpu.memory_space<vmem>>
      %dma_wait3A_456 = arith.constant 0 : i32
      %dma_wait3A_457 = arith.constant 0 : i32
      %dma_wait3A_458 = tpu.memref_slice %arg2[%dma_wait3A_456, %dma_wait3A_457] : memref<10000x128xf32, #tpu.memory_space<hbm>> -> memref<10000x128xf32, #tpu.memory_space<hbm>>
      tpu.wait_indirect_dma semaphore(%arg19 : memref<!tpu.dma_semaphore, #tpu.memory_space<semaphore_mem>>) src(%dma_wait3A_458 : memref<10000x128xf32, #tpu.memory_space<hbm>>) dst(%arg9 : memref<80x128xf32, #tpu.memory_space<vmem>>)
      %dma_start3A_459 = arith.constant 0 : i32
      %dma_start3A_460 = tpu.memref_slice %arg8[%add3A_447, %dma_start3A_459] : memref<125x80xi32, #tpu.memory_space<vmem>> -> memref<1x80xi32, #tpu.memory_space<vmem>>
      %dma_start3A_461 = tpu.memref_squeeze %dma_start3A_460 : memref<1x80xi32, #tpu.memory_space<vmem>> -> memref<80xi32, #tpu.memory_space<vmem>>
      %dma_start3A_462 = arith.constant 0 : i32
      %dma_start3A_463 = arith.constant 0 : i32
      %dma_start3A_464 = tpu.memref_slice %arg12[%dma_start3A_462, %dma_start3A_463] : memref<10240x128xf32, #tpu.memory_space<vmem_shared>> -> memref<10240x128xf32, #tpu.memory_space<vmem_shared>>
      tpu.enqueue_indirect_dma source(%arg9 : memref<80x128xf32, #tpu.memory_space<vmem>>) target(%dma_start3A_464 : memref<10240x128xf32, #tpu.memory_space<vmem_shared>>) offsets(%dma_start3A_461 : memref<80xi32, #tpu.memory_space<vmem>>) semaphore(%arg22 : memref<!tpu.dma_semaphore, #tpu.memory_space<semaphore_mem>>) {add = true}
      %add3A_465 = arith.constant 6 : i32
      %add3A_466 = arith.addi %add3A_447, %add3A_465 : i32
      %lt3A_467 = arith.constant 125 : i32
      %lt3A_468 = arith.cmpi slt, %add3A_466, %lt3A_467 : i32
      %convert_element_type3A_469 = arith.extui %lt3A_468 : i1 to i32
      %cond3A_470 = arith.constant 0 : i32
      %cond3A_471 = arith.cmpi ne, %convert_element_type3A_469, %cond3A_470 : i32
      scf.if %cond3A_471 {
        %add3A_618 = arith.constant 6 : i32
        %add3A_619 = arith.addi %add3A_447, %add3A_618 : i32
        %mul3A_620 = arith.constant 80 : i32
        %mul3A_621 = arith.muli %add3A_619, %mul3A_620 : i32
        %dma_start3A_622 = arith.constant 0 : i32
        %dma_start3A_623 = arith.constant 0 : i32
        %dma_start3A_624 = tpu.memref_slice %arg7[%dma_start3A_622, %dma_start3A_623] : memref<6x80xi32, #tpu.memory_space<vmem>> -> memref<1x80xi32, #tpu.memory_space<vmem>>
        %dma_start3A_625 = tpu.memref_squeeze %dma_start3A_624 : memref<1x80xi32, #tpu.memory_space<vmem>> -> memref<80xi32, #tpu.memory_space<vmem>>
        %dma_start3A_626 = arith.constant 0 : i32
        %dma_start3A_627 = arith.constant 0 : i32
        %dma_start3A_628 = tpu.memref_slice %arg3[%add3A, %dma_start3A_626, %dma_start3A_627] : memref<32x1x10000xi32, #tpu.memory_space<hbm>> -> memref<1x1x10000xi32, #tpu.memory_space<hbm>>
        %dma_start3A_629 = tpu.memref_squeeze %dma_start3A_628 : memref<1x1x10000xi32, #tpu.memory_space<hbm>> -> memref<1x10000xi32, #tpu.memory_space<hbm>>
        %dma_start3A_630 = arith.constant 0 : i32
        %dma_start3A_631 = tpu.memref_slice %dma_start3A_629[%scan3A, %dma_start3A_630] : memref<1x10000xi32, #tpu.memory_space<hbm>> -> memref<1x10000xi32, #tpu.memory_space<hbm>>
        %dma_start3A_632 = tpu.memref_squeeze %dma_start3A_631 : memref<1x10000xi32, #tpu.memory_space<hbm>> -> memref<10000xi32, #tpu.memory_space<hbm>>
        %dma_start3A_633 = tpu.memref_slice %dma_start3A_632[%mul3A_621] : memref<10000xi32, #tpu.memory_space<hbm>> -> memref<80xi32, #tpu.memory_space<hbm>>
        %dma_start3A_634 = arith.constant 0 : i32
        %dma_start3A_635 = tpu.memref_slice %arg7[%dma_start3A_622, %dma_start3A_634] : memref<6x80xi32, #tpu.memory_space<vmem>> -> memref<1x80xi32, #tpu.memory_space<vmem>>
        %dma_start3A_636 = tpu.memref_squeeze %dma_start3A_635 : memref<1x80xi32, #tpu.memory_space<vmem>> -> memref<80xi32, #tpu.memory_space<vmem>>
        %dma_start3A_637 = arith.constant 0 : i32
        %dma_start3A_638 = arith.constant 0 : i32
        %dma_start3A_639 = tpu.memref_slice %arg3[%add3A, %dma_start3A_637, %dma_start3A_638] : memref<32x1x10000xi32, #tpu.memory_space<hbm>> -> memref<1x1x10000xi32, #tpu.memory_space<hbm>>
        %dma_start3A_640 = tpu.memref_squeeze %dma_start3A_639 : memref<1x1x10000xi32, #tpu.memory_space<hbm>> -> memref<1x10000xi32, #tpu.memory_space<hbm>>
        %dma_start3A_641 = arith.constant 0 : i32
        %dma_start3A_642 = tpu.memref_slice %dma_start3A_640[%scan3A, %dma_start3A_641] : memref<1x10000xi32, #tpu.memory_space<hbm>> -> memref<1x10000xi32, #tpu.memory_space<hbm>>
        %dma_start3A_643 = tpu.memref_squeeze %dma_start3A_642 : memref<1x10000xi32, #tpu.memory_space<hbm>> -> memref<10000xi32, #tpu.memory_space<hbm>>
        %dma_start3A_644 = tpu.memref_slice %dma_start3A_643[%mul3A_621] : memref<10000xi32, #tpu.memory_space<hbm>> -> memref<80xi32, #tpu.memory_space<hbm>>
        tpu.enqueue_dma source(%dma_start3A_644 : memref<80xi32, #tpu.memory_space<hbm>>) target(%dma_start3A_636 : memref<80xi32, #tpu.memory_space<vmem>>) target_semaphore(%arg13 : memref<!tpu.dma_semaphore, #tpu.memory_space<semaphore_mem>>)
      } else {
      }
      %add3A_472 = arith.constant 1 : i32
      %add3A_473 = arith.addi %mul3A_445, %add3A_472 : i32
      %add3A_474 = arith.constant 2 : i32
      %add3A_475 = arith.addi %add3A_473, %add3A_474 : i32
      %lt3A_476 = arith.constant 125 : i32
      %lt3A_477 = arith.cmpi slt, %add3A_475, %lt3A_476 : i32
      %convert_element_type3A_478 = arith.extui %lt3A_477 : i1 to i32
      %cond3A_479 = arith.constant 0 : i32
      %cond3A_480 = arith.cmpi ne, %convert_element_type3A_478, %cond3A_479 : i32
      scf.if %cond3A_480 {
        %ge3A = arith.constant 1 : i32
        %ge3A_618 = arith.cmpi sge, %add3A_473, %ge3A : i32
        %convert_element_type3A_619 = arith.extui %ge3A_618 : i1 to i32
        %cond3A_620 = arith.constant 0 : i32
        %cond3A_621 = arith.cmpi ne, %convert_element_type3A_619, %cond3A_620 : i32
        scf.if %cond3A_621 {
          %sub3A = arith.constant 1 : i32
          %sub3A_658 = arith.subi %add3A_473, %sub3A : i32
          %dma_wait3A_659 = arith.constant 0 : i32
          %dma_wait3A_660 = tpu.memref_slice %arg8[%sub3A_658, %dma_wait3A_659] : memref<125x80xi32, #tpu.memory_space<vmem>> -> memref<1x80xi32, #tpu.memory_space<vmem>>
          %dma_wait3A_661 = tpu.memref_squeeze %dma_wait3A_660 : memref<1x80xi32, #tpu.memory_space<vmem>> -> memref<80xi32, #tpu.memory_space<vmem>>
          %dma_wait3A_662 = arith.constant 0 : i32
          %dma_wait3A_663 = arith.constant 0 : i32
          %dma_wait3A_664 = tpu.memref_slice %arg12[%dma_wait3A_662, %dma_wait3A_663] : memref<10240x128xf32, #tpu.memory_space<vmem_shared>> -> memref<10240x128xf32, #tpu.memory_space<vmem_shared>>
          tpu.wait_indirect_dma semaphore(%arg22 : memref<!tpu.dma_semaphore, #tpu.memory_space<semaphore_mem>>) src(%arg9 : memref<80x128xf32, #tpu.memory_space<vmem>>) dst(%dma_wait3A_664 : memref<10240x128xf32, #tpu.memory_space<vmem_shared>>)
        } else {
        }
        %add3A_622 = arith.constant 2 : i32
        %add3A_623 = arith.addi %add3A_473, %add3A_622 : i32
        %mul3A_624 = arith.constant 80 : i32
        %mul3A_625 = arith.muli %add3A_623, %mul3A_624 : i32
        %dma_wait3A_626 = arith.constant 3 : i32
        %dma_wait3A_627 = arith.constant 0 : i32
        %dma_wait3A_628 = tpu.memref_slice %arg7[%dma_wait3A_626, %dma_wait3A_627] : memref<6x80xi32, #tpu.memory_space<vmem>> -> memref<1x80xi32, #tpu.memory_space<vmem>>
        %dma_wait3A_629 = tpu.memref_squeeze %dma_wait3A_628 : memref<1x80xi32, #tpu.memory_space<vmem>> -> memref<80xi32, #tpu.memory_space<vmem>>
        %dma_wait3A_630 = arith.constant 0 : i32
        %dma_wait3A_631 = arith.constant 0 : i32
        %dma_wait3A_632 = tpu.memref_slice %arg3[%add3A, %dma_wait3A_630, %dma_wait3A_631] : memref<32x1x10000xi32, #tpu.memory_space<hbm>> -> memref<1x1x10000xi32, #tpu.memory_space<hbm>>
        %dma_wait3A_633 = tpu.memref_squeeze %dma_wait3A_632 : memref<1x1x10000xi32, #tpu.memory_space<hbm>> -> memref<1x10000xi32, #tpu.memory_space<hbm>>
        %dma_wait3A_634 = arith.constant 0 : i32
        %dma_wait3A_635 = tpu.memref_slice %dma_wait3A_633[%scan3A, %dma_wait3A_634] : memref<1x10000xi32, #tpu.memory_space<hbm>> -> memref<1x10000xi32, #tpu.memory_space<hbm>>
        %dma_wait3A_636 = tpu.memref_squeeze %dma_wait3A_635 : memref<1x10000xi32, #tpu.memory_space<hbm>> -> memref<10000xi32, #tpu.memory_space<hbm>>
        %dma_wait3A_637 = tpu.memref_slice %dma_wait3A_636[%mul3A_625] : memref<10000xi32, #tpu.memory_space<hbm>> -> memref<80xi32, #tpu.memory_space<hbm>>
        %dma_wait3A_638 = arith.constant 0 : i32
        %dma_wait3A_639 = tpu.memref_slice %arg7[%dma_wait3A_626, %dma_wait3A_638] : memref<6x80xi32, #tpu.memory_space<vmem>> -> memref<1x80xi32, #tpu.memory_space<vmem>>
        %dma_wait3A_640 = tpu.memref_squeeze %dma_wait3A_639 : memref<1x80xi32, #tpu.memory_space<vmem>> -> memref<80xi32, #tpu.memory_space<vmem>>
        %dma_wait3A_641 = arith.constant 0 : i32
        %dma_wait3A_642 = arith.constant 0 : i32
        %dma_wait3A_643 = tpu.memref_slice %arg3[%add3A, %dma_wait3A_641, %dma_wait3A_642] : memref<32x1x10000xi32, #tpu.memory_space<hbm>> -> memref<1x1x10000xi32, #tpu.memory_space<hbm>>
        %dma_wait3A_644 = tpu.memref_squeeze %dma_wait3A_643 : memref<1x1x10000xi32, #tpu.memory_space<hbm>> -> memref<1x10000xi32, #tpu.memory_space<hbm>>
        %dma_wait3A_645 = arith.constant 0 : i32
        %dma_wait3A_646 = tpu.memref_slice %dma_wait3A_644[%scan3A, %dma_wait3A_645] : memref<1x10000xi32, #tpu.memory_space<hbm>> -> memref<1x10000xi32, #tpu.memory_space<hbm>>
        %dma_wait3A_647 = tpu.memref_squeeze %dma_wait3A_646 : memref<1x10000xi32, #tpu.memory_space<hbm>> -> memref<10000xi32, #tpu.memory_space<hbm>>
        %dma_wait3A_648 = tpu.memref_slice %dma_wait3A_647[%mul3A_625] : memref<10000xi32, #tpu.memory_space<hbm>> -> memref<80xi32, #tpu.memory_space<hbm>>
        tpu.wait_dma2 semaphore(%arg16 : memref<!tpu.dma_semaphore, #tpu.memory_space<semaphore_mem>>) src(%dma_wait3A_648 : memref<80xi32, #tpu.memory_space<hbm>>) dst(%dma_wait3A_640 : memref<80xi32, #tpu.memory_space<vmem>>)
        %add3A_649 = arith.constant 2 : i32
        %add3A_650 = arith.addi %add3A_473, %add3A_649 : i32
        %dma_start3A_651 = arith.constant 3 : i32
        %dma_start3A_652 = arith.constant 0 : i32
        %dma_start3A_653 = tpu.memref_slice %arg7[%dma_start3A_651, %dma_start3A_652] : memref<6x80xi32, #tpu.memory_space<vmem>> -> memref<1x80xi32, #tpu.memory_space<vmem>>
        %dma_start3A_654 = tpu.memref_squeeze %dma_start3A_653 : memref<1x80xi32, #tpu.memory_space<vmem>> -> memref<80xi32, #tpu.memory_space<vmem>>
        %dma_start3A_655 = arith.constant 0 : i32
        %dma_start3A_656 = arith.constant 0 : i32
        %dma_start3A_657 = tpu.memref_slice %arg2[%dma_start3A_655, %dma_start3A_656] : memref<10000x128xf32, #tpu.memory_space<hbm>> -> memref<10000x128xf32, #tpu.memory_space<hbm>>
        tpu.enqueue_indirect_dma source(%dma_start3A_657 : memref<10000x128xf32, #tpu.memory_space<hbm>>) target(%arg9 : memref<80x128xf32, #tpu.memory_space<vmem>>) offsets(%dma_start3A_654 : memref<80xi32, #tpu.memory_space<vmem>>) semaphore(%arg19 : memref<!tpu.dma_semaphore, #tpu.memory_space<semaphore_mem>>)
      } else {
      }
      %dma_wait3A_481 = arith.constant 1 : i32
      %dma_wait3A_482 = arith.constant 0 : i32
      %dma_wait3A_483 = tpu.memref_slice %arg7[%dma_wait3A_481, %dma_wait3A_482] : memref<6x80xi32, #tpu.memory_space<vmem>> -> memref<1x80xi32, #tpu.memory_space<vmem>>
      %dma_wait3A_484 = tpu.memref_squeeze %dma_wait3A_483 : memref<1x80xi32, #tpu.memory_space<vmem>> -> memref<80xi32, #tpu.memory_space<vmem>>
      %dma_wait3A_485 = arith.constant 0 : i32
      %dma_wait3A_486 = arith.constant 0 : i32
      %dma_wait3A_487 = tpu.memref_slice %arg2[%dma_wait3A_485, %dma_wait3A_486] : memref<10000x128xf32, #tpu.memory_space<hbm>> -> memref<10000x128xf32, #tpu.memory_space<hbm>>
      tpu.wait_indirect_dma semaphore(%arg20 : memref<!tpu.dma_semaphore, #tpu.memory_space<semaphore_mem>>) src(%dma_wait3A_487 : memref<10000x128xf32, #tpu.memory_space<hbm>>) dst(%arg10 : memref<80x128xf32, #tpu.memory_space<vmem>>)
      %dma_start3A_488 = arith.constant 0 : i32
      %dma_start3A_489 = tpu.memref_slice %arg8[%add3A_473, %dma_start3A_488] : memref<125x80xi32, #tpu.memory_space<vmem>> -> memref<1x80xi32, #tpu.memory_space<vmem>>
      %dma_start3A_490 = tpu.memref_squeeze %dma_start3A_489 : memref<1x80xi32, #tpu.memory_space<vmem>> -> memref<80xi32, #tpu.memory_space<vmem>>
      %dma_start3A_491 = arith.constant 0 : i32
      %dma_start3A_492 = arith.constant 0 : i32
      %dma_start3A_493 = tpu.memref_slice %arg12[%dma_start3A_491, %dma_start3A_492] : memref<10240x128xf32, #tpu.memory_space<vmem_shared>> -> memref<10240x128xf32, #tpu.memory_space<vmem_shared>>
      tpu.enqueue_indirect_dma source(%arg10 : memref<80x128xf32, #tpu.memory_space<vmem>>) target(%dma_start3A_493 : memref<10240x128xf32, #tpu.memory_space<vmem_shared>>) offsets(%dma_start3A_490 : memref<80xi32, #tpu.memory_space<vmem>>) semaphore(%arg23 : memref<!tpu.dma_semaphore, #tpu.memory_space<semaphore_mem>>) {add = true}
      %add3A_494 = arith.constant 6 : i32
      %add3A_495 = arith.addi %add3A_473, %add3A_494 : i32
      %lt3A_496 = arith.constant 125 : i32
      %lt3A_497 = arith.cmpi slt, %add3A_495, %lt3A_496 : i32
      %convert_element_type3A_498 = arith.extui %lt3A_497 : i1 to i32
      %cond3A_499 = arith.constant 0 : i32
      %cond3A_500 = arith.cmpi ne, %convert_element_type3A_498, %cond3A_499 : i32
      scf.if %cond3A_500 {
        %add3A_618 = arith.constant 6 : i32
        %add3A_619 = arith.addi %add3A_473, %add3A_618 : i32
        %mul3A_620 = arith.constant 80 : i32
        %mul3A_621 = arith.muli %add3A_619, %mul3A_620 : i32
        %dma_start3A_622 = arith.constant 1 : i32
        %dma_start3A_623 = arith.constant 0 : i32
        %dma_start3A_624 = tpu.memref_slice %arg7[%dma_start3A_622, %dma_start3A_623] : memref<6x80xi32, #tpu.memory_space<vmem>> -> memref<1x80xi32, #tpu.memory_space<vmem>>
        %dma_start3A_625 = tpu.memref_squeeze %dma_start3A_624 : memref<1x80xi32, #tpu.memory_space<vmem>> -> memref<80xi32, #tpu.memory_space<vmem>>
        %dma_start3A_626 = arith.constant 0 : i32
        %dma_start3A_627 = arith.constant 0 : i32
        %dma_start3A_628 = tpu.memref_slice %arg3[%add3A, %dma_start3A_626, %dma_start3A_627] : memref<32x1x10000xi32, #tpu.memory_space<hbm>> -> memref<1x1x10000xi32, #tpu.memory_space<hbm>>
        %dma_start3A_629 = tpu.memref_squeeze %dma_start3A_628 : memref<1x1x10000xi32, #tpu.memory_space<hbm>> -> memref<1x10000xi32, #tpu.memory_space<hbm>>
        %dma_start3A_630 = arith.constant 0 : i32
        %dma_start3A_631 = tpu.memref_slice %dma_start3A_629[%scan3A, %dma_start3A_630] : memref<1x10000xi32, #tpu.memory_space<hbm>> -> memref<1x10000xi32, #tpu.memory_space<hbm>>
        %dma_start3A_632 = tpu.memref_squeeze %dma_start3A_631 : memref<1x10000xi32, #tpu.memory_space<hbm>> -> memref<10000xi32, #tpu.memory_space<hbm>>
        %dma_start3A_633 = tpu.memref_slice %dma_start3A_632[%mul3A_621] : memref<10000xi32, #tpu.memory_space<hbm>> -> memref<80xi32, #tpu.memory_space<hbm>>
        %dma_start3A_634 = arith.constant 0 : i32
        %dma_start3A_635 = tpu.memref_slice %arg7[%dma_start3A_622, %dma_start3A_634] : memref<6x80xi32, #tpu.memory_space<vmem>> -> memref<1x80xi32, #tpu.memory_space<vmem>>
        %dma_start3A_636 = tpu.memref_squeeze %dma_start3A_635 : memref<1x80xi32, #tpu.memory_space<vmem>> -> memref<80xi32, #tpu.memory_space<vmem>>
        %dma_start3A_637 = arith.constant 0 : i32
        %dma_start3A_638 = arith.constant 0 : i32
        %dma_start3A_639 = tpu.memref_slice %arg3[%add3A, %dma_start3A_637, %dma_start3A_638] : memref<32x1x10000xi32, #tpu.memory_space<hbm>> -> memref<1x1x10000xi32, #tpu.memory_space<hbm>>
        %dma_start3A_640 = tpu.memref_squeeze %dma_start3A_639 : memref<1x1x10000xi32, #tpu.memory_space<hbm>> -> memref<1x10000xi32, #tpu.memory_space<hbm>>
        %dma_start3A_641 = arith.constant 0 : i32
        %dma_start3A_642 = tpu.memref_slice %dma_start3A_640[%scan3A, %dma_start3A_641] : memref<1x10000xi32, #tpu.memory_space<hbm>> -> memref<1x10000xi32, #tpu.memory_space<hbm>>
        %dma_start3A_643 = tpu.memref_squeeze %dma_start3A_642 : memref<1x10000xi32, #tpu.memory_space<hbm>> -> memref<10000xi32, #tpu.memory_space<hbm>>
        %dma_start3A_644 = tpu.memref_slice %dma_start3A_643[%mul3A_621] : memref<10000xi32, #tpu.memory_space<hbm>> -> memref<80xi32, #tpu.memory_space<hbm>>
        tpu.enqueue_dma source(%dma_start3A_644 : memref<80xi32, #tpu.memory_space<hbm>>) target(%dma_start3A_636 : memref<80xi32, #tpu.memory_space<vmem>>) target_semaphore(%arg14 : memref<!tpu.dma_semaphore, #tpu.memory_space<semaphore_mem>>)
      } else {
      }
      %add3A_501 = arith.constant 2 : i32
      %add3A_502 = arith.addi %mul3A_445, %add3A_501 : i32
      %add3A_503 = arith.constant 2 : i32
      %add3A_504 = arith.addi %add3A_502, %add3A_503 : i32
      %lt3A_505 = arith.constant 125 : i32
      %lt3A_506 = arith.cmpi slt, %add3A_504, %lt3A_505 : i32
      %convert_element_type3A_507 = arith.extui %lt3A_506 : i1 to i32
      %cond3A_508 = arith.constant 0 : i32
      %cond3A_509 = arith.cmpi ne, %convert_element_type3A_507, %cond3A_508 : i32
      scf.if %cond3A_509 {
        %ge3A = arith.constant 1 : i32
        %ge3A_618 = arith.cmpi sge, %add3A_502, %ge3A : i32
        %convert_element_type3A_619 = arith.extui %ge3A_618 : i1 to i32
        %cond3A_620 = arith.constant 0 : i32
        %cond3A_621 = arith.cmpi ne, %convert_element_type3A_619, %cond3A_620 : i32
        scf.if %cond3A_621 {
          %sub3A = arith.constant 1 : i32
          %sub3A_658 = arith.subi %add3A_502, %sub3A : i32
          %dma_wait3A_659 = arith.constant 0 : i32
          %dma_wait3A_660 = tpu.memref_slice %arg8[%sub3A_658, %dma_wait3A_659] : memref<125x80xi32, #tpu.memory_space<vmem>> -> memref<1x80xi32, #tpu.memory_space<vmem>>
          %dma_wait3A_661 = tpu.memref_squeeze %dma_wait3A_660 : memref<1x80xi32, #tpu.memory_space<vmem>> -> memref<80xi32, #tpu.memory_space<vmem>>
          %dma_wait3A_662 = arith.constant 0 : i32
          %dma_wait3A_663 = arith.constant 0 : i32
          %dma_wait3A_664 = tpu.memref_slice %arg12[%dma_wait3A_662, %dma_wait3A_663] : memref<10240x128xf32, #tpu.memory_space<vmem_shared>> -> memref<10240x128xf32, #tpu.memory_space<vmem_shared>>
          tpu.wait_indirect_dma semaphore(%arg23 : memref<!tpu.dma_semaphore, #tpu.memory_space<semaphore_mem>>) src(%arg10 : memref<80x128xf32, #tpu.memory_space<vmem>>) dst(%dma_wait3A_664 : memref<10240x128xf32, #tpu.memory_space<vmem_shared>>)
        } else {
        }
        %add3A_622 = arith.constant 2 : i32
        %add3A_623 = arith.addi %add3A_502, %add3A_622 : i32
        %mul3A_624 = arith.constant 80 : i32
        %mul3A_625 = arith.muli %add3A_623, %mul3A_624 : i32
        %dma_wait3A_626 = arith.constant 4 : i32
        %dma_wait3A_627 = arith.constant 0 : i32
        %dma_wait3A_628 = tpu.memref_slice %arg7[%dma_wait3A_626, %dma_wait3A_627] : memref<6x80xi32, #tpu.memory_space<vmem>> -> memref<1x80xi32, #tpu.memory_space<vmem>>
        %dma_wait3A_629 = tpu.memref_squeeze %dma_wait3A_628 : memref<1x80xi32, #tpu.memory_space<vmem>> -> memref<80xi32, #tpu.memory_space<vmem>>
        %dma_wait3A_630 = arith.constant 0 : i32
        %dma_wait3A_631 = arith.constant 0 : i32
        %dma_wait3A_632 = tpu.memref_slice %arg3[%add3A, %dma_wait3A_630, %dma_wait3A_631] : memref<32x1x10000xi32, #tpu.memory_space<hbm>> -> memref<1x1x10000xi32, #tpu.memory_space<hbm>>
        %dma_wait3A_633 = tpu.memref_squeeze %dma_wait3A_632 : memref<1x1x10000xi32, #tpu.memory_space<hbm>> -> memref<1x10000xi32, #tpu.memory_space<hbm>>
        %dma_wait3A_634 = arith.constant 0 : i32
        %dma_wait3A_635 = tpu.memref_slice %dma_wait3A_633[%scan3A, %dma_wait3A_634] : memref<1x10000xi32, #tpu.memory_space<hbm>> -> memref<1x10000xi32, #tpu.memory_space<hbm>>
        %dma_wait3A_636 = tpu.memref_squeeze %dma_wait3A_635 : memref<1x10000xi32, #tpu.memory_space<hbm>> -> memref<10000xi32, #tpu.memory_space<hbm>>
        %dma_wait3A_637 = tpu.memref_slice %dma_wait3A_636[%mul3A_625] : memref<10000xi32, #tpu.memory_space<hbm>> -> memref<80xi32, #tpu.memory_space<hbm>>
        %dma_wait3A_638 = arith.constant 0 : i32
        %dma_wait3A_639 = tpu.memref_slice %arg7[%dma_wait3A_626, %dma_wait3A_638] : memref<6x80xi32, #tpu.memory_space<vmem>> -> memref<1x80xi32, #tpu.memory_space<vmem>>
        %dma_wait3A_640 = tpu.memref_squeeze %dma_wait3A_639 : memref<1x80xi32, #tpu.memory_space<vmem>> -> memref<80xi32, #tpu.memory_space<vmem>>
        %dma_wait3A_641 = arith.constant 0 : i32
        %dma_wait3A_642 = arith.constant 0 : i32
        %dma_wait3A_643 = tpu.memref_slice %arg3[%add3A, %dma_wait3A_641, %dma_wait3A_642] : memref<32x1x10000xi32, #tpu.memory_space<hbm>> -> memref<1x1x10000xi32, #tpu.memory_space<hbm>>
        %dma_wait3A_644 = tpu.memref_squeeze %dma_wait3A_643 : memref<1x1x10000xi32, #tpu.memory_space<hbm>> -> memref<1x10000xi32, #tpu.memory_space<hbm>>
        %dma_wait3A_645 = arith.constant 0 : i32
        %dma_wait3A_646 = tpu.memref_slice %dma_wait3A_644[%scan3A, %dma_wait3A_645] : memref<1x10000xi32, #tpu.memory_space<hbm>> -> memref<1x10000xi32, #tpu.memory_space<hbm>>
        %dma_wait3A_647 = tpu.memref_squeeze %dma_wait3A_646 : memref<1x10000xi32, #tpu.memory_space<hbm>> -> memref<10000xi32, #tpu.memory_space<hbm>>
        %dma_wait3A_648 = tpu.memref_slice %dma_wait3A_647[%mul3A_625] : memref<10000xi32, #tpu.memory_space<hbm>> -> memref<80xi32, #tpu.memory_space<hbm>>
        tpu.wait_dma2 semaphore(%arg17 : memref<!tpu.dma_semaphore, #tpu.memory_space<semaphore_mem>>) src(%dma_wait3A_648 : memref<80xi32, #tpu.memory_space<hbm>>) dst(%dma_wait3A_640 : memref<80xi32, #tpu.memory_space<vmem>>)
        %add3A_649 = arith.constant 2 : i32
        %add3A_650 = arith.addi %add3A_502, %add3A_649 : i32
        %dma_start3A_651 = arith.constant 4 : i32
        %dma_start3A_652 = arith.constant 0 : i32
        %dma_start3A_653 = tpu.memref_slice %arg7[%dma_start3A_651, %dma_start3A_652] : memref<6x80xi32, #tpu.memory_space<vmem>> -> memref<1x80xi32, #tpu.memory_space<vmem>>
        %dma_start3A_654 = tpu.memref_squeeze %dma_start3A_653 : memref<1x80xi32, #tpu.memory_space<vmem>> -> memref<80xi32, #tpu.memory_space<vmem>>
        %dma_start3A_655 = arith.constant 0 : i32
        %dma_start3A_656 = arith.constant 0 : i32
        %dma_start3A_657 = tpu.memref_slice %arg2[%dma_start3A_655, %dma_start3A_656] : memref<10000x128xf32, #tpu.memory_space<hbm>> -> memref<10000x128xf32, #tpu.memory_space<hbm>>
        tpu.enqueue_indirect_dma source(%dma_start3A_657 : memref<10000x128xf32, #tpu.memory_space<hbm>>) target(%arg10 : memref<80x128xf32, #tpu.memory_space<vmem>>) offsets(%dma_start3A_654 : memref<80xi32, #tpu.memory_space<vmem>>) semaphore(%arg20 : memref<!tpu.dma_semaphore, #tpu.memory_space<semaphore_mem>>)
      } else {
      }
      %dma_wait3A_510 = arith.constant 2 : i32
      %dma_wait3A_511 = arith.constant 0 : i32
      %dma_wait3A_512 = tpu.memref_slice %arg7[%dma_wait3A_510, %dma_wait3A_511] : memref<6x80xi32, #tpu.memory_space<vmem>> -> memref<1x80xi32, #tpu.memory_space<vmem>>
      %dma_wait3A_513 = tpu.memref_squeeze %dma_wait3A_512 : memref<1x80xi32, #tpu.memory_space<vmem>> -> memref<80xi32, #tpu.memory_space<vmem>>
      %dma_wait3A_514 = arith.constant 0 : i32
      %dma_wait3A_515 = arith.constant 0 : i32
      %dma_wait3A_516 = tpu.memref_slice %arg2[%dma_wait3A_514, %dma_wait3A_515] : memref<10000x128xf32, #tpu.memory_space<hbm>> -> memref<10000x128xf32, #tpu.memory_space<hbm>>
      tpu.wait_indirect_dma semaphore(%arg21 : memref<!tpu.dma_semaphore, #tpu.memory_space<semaphore_mem>>) src(%dma_wait3A_516 : memref<10000x128xf32, #tpu.memory_space<hbm>>) dst(%arg11 : memref<80x128xf32, #tpu.memory_space<vmem>>)
      %dma_start3A_517 = arith.constant 0 : i32
      %dma_start3A_518 = tpu.memref_slice %arg8[%add3A_502, %dma_start3A_517] : memref<125x80xi32, #tpu.memory_space<vmem>> -> memref<1x80xi32, #tpu.memory_space<vmem>>
      %dma_start3A_519 = tpu.memref_squeeze %dma_start3A_518 : memref<1x80xi32, #tpu.memory_space<vmem>> -> memref<80xi32, #tpu.memory_space<vmem>>
      %dma_start3A_520 = arith.constant 0 : i32
      %dma_start3A_521 = arith.constant 0 : i32
      %dma_start3A_522 = tpu.memref_slice %arg12[%dma_start3A_520, %dma_start3A_521] : memref<10240x128xf32, #tpu.memory_space<vmem_shared>> -> memref<10240x128xf32, #tpu.memory_space<vmem_shared>>
      tpu.enqueue_indirect_dma source(%arg11 : memref<80x128xf32, #tpu.memory_space<vmem>>) target(%dma_start3A_522 : memref<10240x128xf32, #tpu.memory_space<vmem_shared>>) offsets(%dma_start3A_519 : memref<80xi32, #tpu.memory_space<vmem>>) semaphore(%arg24 : memref<!tpu.dma_semaphore, #tpu.memory_space<semaphore_mem>>) {add = true}
      %add3A_523 = arith.constant 6 : i32
      %add3A_524 = arith.addi %add3A_502, %add3A_523 : i32
      %lt3A_525 = arith.constant 125 : i32
      %lt3A_526 = arith.cmpi slt, %add3A_524, %lt3A_525 : i32
      %convert_element_type3A_527 = arith.extui %lt3A_526 : i1 to i32
      %cond3A_528 = arith.constant 0 : i32
      %cond3A_529 = arith.cmpi ne, %convert_element_type3A_527, %cond3A_528 : i32
      scf.if %cond3A_529 {
        %add3A_618 = arith.constant 6 : i32
        %add3A_619 = arith.addi %add3A_502, %add3A_618 : i32
        %mul3A_620 = arith.constant 80 : i32
        %mul3A_621 = arith.muli %add3A_619, %mul3A_620 : i32
        %dma_start3A_622 = arith.constant 2 : i32
        %dma_start3A_623 = arith.constant 0 : i32
        %dma_start3A_624 = tpu.memref_slice %arg7[%dma_start3A_622, %dma_start3A_623] : memref<6x80xi32, #tpu.memory_space<vmem>> -> memref<1x80xi32, #tpu.memory_space<vmem>>
        %dma_start3A_625 = tpu.memref_squeeze %dma_start3A_624 : memref<1x80xi32, #tpu.memory_space<vmem>> -> memref<80xi32, #tpu.memory_space<vmem>>
        %dma_start3A_626 = arith.constant 0 : i32
        %dma_start3A_627 = arith.constant 0 : i32
        %dma_start3A_628 = tpu.memref_slice %arg3[%add3A, %dma_start3A_626, %dma_start3A_627] : memref<32x1x10000xi32, #tpu.memory_space<hbm>> -> memref<1x1x10000xi32, #tpu.memory_space<hbm>>
        %dma_start3A_629 = tpu.memref_squeeze %dma_start3A_628 : memref<1x1x10000xi32, #tpu.memory_space<hbm>> -> memref<1x10000xi32, #tpu.memory_space<hbm>>
        %dma_start3A_630 = arith.constant 0 : i32
        %dma_start3A_631 = tpu.memref_slice %dma_start3A_629[%scan3A, %dma_start3A_630] : memref<1x10000xi32, #tpu.memory_space<hbm>> -> memref<1x10000xi32, #tpu.memory_space<hbm>>
        %dma_start3A_632 = tpu.memref_squeeze %dma_start3A_631 : memref<1x10000xi32, #tpu.memory_space<hbm>> -> memref<10000xi32, #tpu.memory_space<hbm>>
        %dma_start3A_633 = tpu.memref_slice %dma_start3A_632[%mul3A_621] : memref<10000xi32, #tpu.memory_space<hbm>> -> memref<80xi32, #tpu.memory_space<hbm>>
        %dma_start3A_634 = arith.constant 0 : i32
        %dma_start3A_635 = tpu.memref_slice %arg7[%dma_start3A_622, %dma_start3A_634] : memref<6x80xi32, #tpu.memory_space<vmem>> -> memref<1x80xi32, #tpu.memory_space<vmem>>
        %dma_start3A_636 = tpu.memref_squeeze %dma_start3A_635 : memref<1x80xi32, #tpu.memory_space<vmem>> -> memref<80xi32, #tpu.memory_space<vmem>>
        %dma_start3A_637 = arith.constant 0 : i32
        %dma_start3A_638 = arith.constant 0 : i32
        %dma_start3A_639 = tpu.memref_slice %arg3[%add3A, %dma_start3A_637, %dma_start3A_638] : memref<32x1x10000xi32, #tpu.memory_space<hbm>> -> memref<1x1x10000xi32, #tpu.memory_space<hbm>>
        %dma_start3A_640 = tpu.memref_squeeze %dma_start3A_639 : memref<1x1x10000xi32, #tpu.memory_space<hbm>> -> memref<1x10000xi32, #tpu.memory_space<hbm>>
        %dma_start3A_641 = arith.constant 0 : i32
        %dma_start3A_642 = tpu.memref_slice %dma_start3A_640[%scan3A, %dma_start3A_641] : memref<1x10000xi32, #tpu.memory_space<hbm>> -> memref<1x10000xi32, #tpu.memory_space<hbm>>
        %dma_start3A_643 = tpu.memref_squeeze %dma_start3A_642 : memref<1x10000xi32, #tpu.memory_space<hbm>> -> memref<10000xi32, #tpu.memory_space<hbm>>
        %dma_start3A_644 = tpu.memref_slice %dma_start3A_643[%mul3A_621] : memref<10000xi32, #tpu.memory_space<hbm>> -> memref<80xi32, #tpu.memory_space<hbm>>
        tpu.enqueue_dma source(%dma_start3A_644 : memref<80xi32, #tpu.memory_space<hbm>>) target(%dma_start3A_636 : memref<80xi32, #tpu.memory_space<vmem>>) target_semaphore(%arg15 : memref<!tpu.dma_semaphore, #tpu.memory_space<semaphore_mem>>)
      } else {
      }
      %add3A_530 = arith.constant 3 : i32
      %add3A_531 = arith.addi %mul3A_445, %add3A_530 : i32
      %add3A_532 = arith.constant 2 : i32
      %add3A_533 = arith.addi %add3A_531, %add3A_532 : i32
      %lt3A_534 = arith.constant 125 : i32
      %lt3A_535 = arith.cmpi slt, %add3A_533, %lt3A_534 : i32
      %convert_element_type3A_536 = arith.extui %lt3A_535 : i1 to i32
      %cond3A_537 = arith.constant 0 : i32
      %cond3A_538 = arith.cmpi ne, %convert_element_type3A_536, %cond3A_537 : i32
      scf.if %cond3A_538 {
        %ge3A = arith.constant 1 : i32
        %ge3A_618 = arith.cmpi sge, %add3A_531, %ge3A : i32
        %convert_element_type3A_619 = arith.extui %ge3A_618 : i1 to i32
        %cond3A_620 = arith.constant 0 : i32
        %cond3A_621 = arith.cmpi ne, %convert_element_type3A_619, %cond3A_620 : i32
        scf.if %cond3A_621 {
          %sub3A = arith.constant 1 : i32
          %sub3A_658 = arith.subi %add3A_531, %sub3A : i32
          %dma_wait3A_659 = arith.constant 0 : i32
          %dma_wait3A_660 = tpu.memref_slice %arg8[%sub3A_658, %dma_wait3A_659] : memref<125x80xi32, #tpu.memory_space<vmem>> -> memref<1x80xi32, #tpu.memory_space<vmem>>
          %dma_wait3A_661 = tpu.memref_squeeze %dma_wait3A_660 : memref<1x80xi32, #tpu.memory_space<vmem>> -> memref<80xi32, #tpu.memory_space<vmem>>
          %dma_wait3A_662 = arith.constant 0 : i32
          %dma_wait3A_663 = arith.constant 0 : i32
          %dma_wait3A_664 = tpu.memref_slice %arg12[%dma_wait3A_662, %dma_wait3A_663] : memref<10240x128xf32, #tpu.memory_space<vmem_shared>> -> memref<10240x128xf32, #tpu.memory_space<vmem_shared>>
          tpu.wait_indirect_dma semaphore(%arg24 : memref<!tpu.dma_semaphore, #tpu.memory_space<semaphore_mem>>) src(%arg11 : memref<80x128xf32, #tpu.memory_space<vmem>>) dst(%dma_wait3A_664 : memref<10240x128xf32, #tpu.memory_space<vmem_shared>>)
        } else {
        }
        %add3A_622 = arith.constant 2 : i32
        %add3A_623 = arith.addi %add3A_531, %add3A_622 : i32
        %mul3A_624 = arith.constant 80 : i32
        %mul3A_625 = arith.muli %add3A_623, %mul3A_624 : i32
        %dma_wait3A_626 = arith.constant 5 : i32
        %dma_wait3A_627 = arith.constant 0 : i32
        %dma_wait3A_628 = tpu.memref_slice %arg7[%dma_wait3A_626, %dma_wait3A_627] : memref<6x80xi32, #tpu.memory_space<vmem>> -> memref<1x80xi32, #tpu.memory_space<vmem>>
        %dma_wait3A_629 = tpu.memref_squeeze %dma_wait3A_628 : memref<1x80xi32, #tpu.memory_space<vmem>> -> memref<80xi32, #tpu.memory_space<vmem>>
        %dma_wait3A_630 = arith.constant 0 : i32
        %dma_wait3A_631 = arith.constant 0 : i32
        %dma_wait3A_632 = tpu.memref_slice %arg3[%add3A, %dma_wait3A_630, %dma_wait3A_631] : memref<32x1x10000xi32, #tpu.memory_space<hbm>> -> memref<1x1x10000xi32, #tpu.memory_space<hbm>>
        %dma_wait3A_633 = tpu.memref_squeeze %dma_wait3A_632 : memref<1x1x10000xi32, #tpu.memory_space<hbm>> -> memref<1x10000xi32, #tpu.memory_space<hbm>>
        %dma_wait3A_634 = arith.constant 0 : i32
        %dma_wait3A_635 = tpu.memref_slice %dma_wait3A_633[%scan3A, %dma_wait3A_634] : memref<1x10000xi32, #tpu.memory_space<hbm>> -> memref<1x10000xi32, #tpu.memory_space<hbm>>
        %dma_wait3A_636 = tpu.memref_squeeze %dma_wait3A_635 : memref<1x10000xi32, #tpu.memory_space<hbm>> -> memref<10000xi32, #tpu.memory_space<hbm>>
        %dma_wait3A_637 = tpu.memref_slice %dma_wait3A_636[%mul3A_625] : memref<10000xi32, #tpu.memory_space<hbm>> -> memref<80xi32, #tpu.memory_space<hbm>>
        %dma_wait3A_638 = arith.constant 0 : i32
        %dma_wait3A_639 = tpu.memref_slice %arg7[%dma_wait3A_626, %dma_wait3A_638] : memref<6x80xi32, #tpu.memory_space<vmem>> -> memref<1x80xi32, #tpu.memory_space<vmem>>
        %dma_wait3A_640 = tpu.memref_squeeze %dma_wait3A_639 : memref<1x80xi32, #tpu.memory_space<vmem>> -> memref<80xi32, #tpu.memory_space<vmem>>
        %dma_wait3A_641 = arith.constant 0 : i32
        %dma_wait3A_642 = arith.constant 0 : i32
        %dma_wait3A_643 = tpu.memref_slice %arg3[%add3A, %dma_wait3A_641, %dma_wait3A_642] : memref<32x1x10000xi32, #tpu.memory_space<hbm>> -> memref<1x1x10000xi32, #tpu.memory_space<hbm>>
        %dma_wait3A_644 = tpu.memref_squeeze %dma_wait3A_643 : memref<1x1x10000xi32, #tpu.memory_space<hbm>> -> memref<1x10000xi32, #tpu.memory_space<hbm>>
        %dma_wait3A_645 = arith.constant 0 : i32
        %dma_wait3A_646 = tpu.memref_slice %dma_wait3A_644[%scan3A, %dma_wait3A_645] : memref<1x10000xi32, #tpu.memory_space<hbm>> -> memref<1x10000xi32, #tpu.memory_space<hbm>>
        %dma_wait3A_647 = tpu.memref_squeeze %dma_wait3A_646 : memref<1x10000xi32, #tpu.memory_space<hbm>> -> memref<10000xi32, #tpu.memory_space<hbm>>
        %dma_wait3A_648 = tpu.memref_slice %dma_wait3A_647[%mul3A_625] : memref<10000xi32, #tpu.memory_space<hbm>> -> memref<80xi32, #tpu.memory_space<hbm>>
        tpu.wait_dma2 semaphore(%arg18 : memref<!tpu.dma_semaphore, #tpu.memory_space<semaphore_mem>>) src(%dma_wait3A_648 : memref<80xi32, #tpu.memory_space<hbm>>) dst(%dma_wait3A_640 : memref<80xi32, #tpu.memory_space<vmem>>)
        %add3A_649 = arith.constant 2 : i32
        %add3A_650 = arith.addi %add3A_531, %add3A_649 : i32
        %dma_start3A_651 = arith.constant 5 : i32
        %dma_start3A_652 = arith.constant 0 : i32
        %dma_start3A_653 = tpu.memref_slice %arg7[%dma_start3A_651, %dma_start3A_652] : memref<6x80xi32, #tpu.memory_space<vmem>> -> memref<1x80xi32, #tpu.memory_space<vmem>>
        %dma_start3A_654 = tpu.memref_squeeze %dma_start3A_653 : memref<1x80xi32, #tpu.memory_space<vmem>> -> memref<80xi32, #tpu.memory_space<vmem>>
        %dma_start3A_655 = arith.constant 0 : i32
        %dma_start3A_656 = arith.constant 0 : i32
        %dma_start3A_657 = tpu.memref_slice %arg2[%dma_start3A_655, %dma_start3A_656] : memref<10000x128xf32, #tpu.memory_space<hbm>> -> memref<10000x128xf32, #tpu.memory_space<hbm>>
        tpu.enqueue_indirect_dma source(%dma_start3A_657 : memref<10000x128xf32, #tpu.memory_space<hbm>>) target(%arg11 : memref<80x128xf32, #tpu.memory_space<vmem>>) offsets(%dma_start3A_654 : memref<80xi32, #tpu.memory_space<vmem>>) semaphore(%arg21 : memref<!tpu.dma_semaphore, #tpu.memory_space<semaphore_mem>>)
      } else {
      }
      %dma_wait3A_539 = arith.constant 3 : i32
      %dma_wait3A_540 = arith.constant 0 : i32
      %dma_wait3A_541 = tpu.memref_slice %arg7[%dma_wait3A_539, %dma_wait3A_540] : memref<6x80xi32, #tpu.memory_space<vmem>> -> memref<1x80xi32, #tpu.memory_space<vmem>>
      %dma_wait3A_542 = tpu.memref_squeeze %dma_wait3A_541 : memref<1x80xi32, #tpu.memory_space<vmem>> -> memref<80xi32, #tpu.memory_space<vmem>>
      %dma_wait3A_543 = arith.constant 0 : i32
      %dma_wait3A_544 = arith.constant 0 : i32
      %dma_wait3A_545 = tpu.memref_slice %arg2[%dma_wait3A_543, %dma_wait3A_544] : memref<10000x128xf32, #tpu.memory_space<hbm>> -> memref<10000x128xf32, #tpu.memory_space<hbm>>
      tpu.wait_indirect_dma semaphore(%arg19 : memref<!tpu.dma_semaphore, #tpu.memory_space<semaphore_mem>>) src(%dma_wait3A_545 : memref<10000x128xf32, #tpu.memory_space<hbm>>) dst(%arg9 : memref<80x128xf32, #tpu.memory_space<vmem>>)
      %dma_start3A_546 = arith.constant 0 : i32
      %dma_start3A_547 = tpu.memref_slice %arg8[%add3A_531, %dma_start3A_546] : memref<125x80xi32, #tpu.memory_space<vmem>> -> memref<1x80xi32, #tpu.memory_space<vmem>>
      %dma_start3A_548 = tpu.memref_squeeze %dma_start3A_547 : memref<1x80xi32, #tpu.memory_space<vmem>> -> memref<80xi32, #tpu.memory_space<vmem>>
      %dma_start3A_549 = arith.constant 0 : i32
      %dma_start3A_550 = arith.constant 0 : i32
      %dma_start3A_551 = tpu.memref_slice %arg12[%dma_start3A_549, %dma_start3A_550] : memref<10240x128xf32, #tpu.memory_space<vmem_shared>> -> memref<10240x128xf32, #tpu.memory_space<vmem_shared>>
      tpu.enqueue_indirect_dma source(%arg9 : memref<80x128xf32, #tpu.memory_space<vmem>>) target(%dma_start3A_551 : memref<10240x128xf32, #tpu.memory_space<vmem_shared>>) offsets(%dma_start3A_548 : memref<80xi32, #tpu.memory_space<vmem>>) semaphore(%arg22 : memref<!tpu.dma_semaphore, #tpu.memory_space<semaphore_mem>>) {add = true}
      %add3A_552 = arith.constant 6 : i32
      %add3A_553 = arith.addi %add3A_531, %add3A_552 : i32
      %lt3A_554 = arith.constant 125 : i32
      %lt3A_555 = arith.cmpi slt, %add3A_553, %lt3A_554 : i32
      %convert_element_type3A_556 = arith.extui %lt3A_555 : i1 to i32
      %cond3A_557 = arith.constant 0 : i32
      %cond3A_558 = arith.cmpi ne, %convert_element_type3A_556, %cond3A_557 : i32
      scf.if %cond3A_558 {
        %add3A_618 = arith.constant 6 : i32
        %add3A_619 = arith.addi %add3A_531, %add3A_618 : i32
        %mul3A_620 = arith.constant 80 : i32
        %mul3A_621 = arith.muli %add3A_619, %mul3A_620 : i32
        %dma_start3A_622 = arith.constant 3 : i32
        %dma_start3A_623 = arith.constant 0 : i32
        %dma_start3A_624 = tpu.memref_slice %arg7[%dma_start3A_622, %dma_start3A_623] : memref<6x80xi32, #tpu.memory_space<vmem>> -> memref<1x80xi32, #tpu.memory_space<vmem>>
        %dma_start3A_625 = tpu.memref_squeeze %dma_start3A_624 : memref<1x80xi32, #tpu.memory_space<vmem>> -> memref<80xi32, #tpu.memory_space<vmem>>
        %dma_start3A_626 = arith.constant 0 : i32
        %dma_start3A_627 = arith.constant 0 : i32
        %dma_start3A_628 = tpu.memref_slice %arg3[%add3A, %dma_start3A_626, %dma_start3A_627] : memref<32x1x10000xi32, #tpu.memory_space<hbm>> -> memref<1x1x10000xi32, #tpu.memory_space<hbm>>
        %dma_start3A_629 = tpu.memref_squeeze %dma_start3A_628 : memref<1x1x10000xi32, #tpu.memory_space<hbm>> -> memref<1x10000xi32, #tpu.memory_space<hbm>>
        %dma_start3A_630 = arith.constant 0 : i32
        %dma_start3A_631 = tpu.memref_slice %dma_start3A_629[%scan3A, %dma_start3A_630] : memref<1x10000xi32, #tpu.memory_space<hbm>> -> memref<1x10000xi32, #tpu.memory_space<hbm>>
        %dma_start3A_632 = tpu.memref_squeeze %dma_start3A_631 : memref<1x10000xi32, #tpu.memory_space<hbm>> -> memref<10000xi32, #tpu.memory_space<hbm>>
        %dma_start3A_633 = tpu.memref_slice %dma_start3A_632[%mul3A_621] : memref<10000xi32, #tpu.memory_space<hbm>> -> memref<80xi32, #tpu.memory_space<hbm>>
        %dma_start3A_634 = arith.constant 0 : i32
        %dma_start3A_635 = tpu.memref_slice %arg7[%dma_start3A_622, %dma_start3A_634] : memref<6x80xi32, #tpu.memory_space<vmem>> -> memref<1x80xi32, #tpu.memory_space<vmem>>
        %dma_start3A_636 = tpu.memref_squeeze %dma_start3A_635 : memref<1x80xi32, #tpu.memory_space<vmem>> -> memref<80xi32, #tpu.memory_space<vmem>>
        %dma_start3A_637 = arith.constant 0 : i32
        %dma_start3A_638 = arith.constant 0 : i32
        %dma_start3A_639 = tpu.memref_slice %arg3[%add3A, %dma_start3A_637, %dma_start3A_638] : memref<32x1x10000xi32, #tpu.memory_space<hbm>> -> memref<1x1x10000xi32, #tpu.memory_space<hbm>>
        %dma_start3A_640 = tpu.memref_squeeze %dma_start3A_639 : memref<1x1x10000xi32, #tpu.memory_space<hbm>> -> memref<1x10000xi32, #tpu.memory_space<hbm>>
        %dma_start3A_641 = arith.constant 0 : i32
        %dma_start3A_642 = tpu.memref_slice %dma_start3A_640[%scan3A, %dma_start3A_641] : memref<1x10000xi32, #tpu.memory_space<hbm>> -> memref<1x10000xi32, #tpu.memory_space<hbm>>
        %dma_start3A_643 = tpu.memref_squeeze %dma_start3A_642 : memref<1x10000xi32, #tpu.memory_space<hbm>> -> memref<10000xi32, #tpu.memory_space<hbm>>
        %dma_start3A_644 = tpu.memref_slice %dma_start3A_643[%mul3A_621] : memref<10000xi32, #tpu.memory_space<hbm>> -> memref<80xi32, #tpu.memory_space<hbm>>
        tpu.enqueue_dma source(%dma_start3A_644 : memref<80xi32, #tpu.memory_space<hbm>>) target(%dma_start3A_636 : memref<80xi32, #tpu.memory_space<vmem>>) target_semaphore(%arg16 : memref<!tpu.dma_semaphore, #tpu.memory_space<semaphore_mem>>)
      } else {
      }
      %add3A_559 = arith.constant 4 : i32
      %add3A_560 = arith.addi %mul3A_445, %add3A_559 : i32
      %add3A_561 = arith.constant 2 : i32
      %add3A_562 = arith.addi %add3A_560, %add3A_561 : i32
      %lt3A_563 = arith.constant 125 : i32
      %lt3A_564 = arith.cmpi slt, %add3A_562, %lt3A_563 : i32
      %convert_element_type3A_565 = arith.extui %lt3A_564 : i1 to i32
      %cond3A_566 = arith.constant 0 : i32
      %cond3A_567 = arith.cmpi ne, %convert_element_type3A_565, %cond3A_566 : i32
      scf.if %cond3A_567 {
        %ge3A = arith.constant 1 : i32
        %ge3A_618 = arith.cmpi sge, %add3A_560, %ge3A : i32
        %convert_element_type3A_619 = arith.extui %ge3A_618 : i1 to i32
        %cond3A_620 = arith.constant 0 : i32
        %cond3A_621 = arith.cmpi ne, %convert_element_type3A_619, %cond3A_620 : i32
        scf.if %cond3A_621 {
          %sub3A = arith.constant 1 : i32
          %sub3A_658 = arith.subi %add3A_560, %sub3A : i32
          %dma_wait3A_659 = arith.constant 0 : i32
          %dma_wait3A_660 = tpu.memref_slice %arg8[%sub3A_658, %dma_wait3A_659] : memref<125x80xi32, #tpu.memory_space<vmem>> -> memref<1x80xi32, #tpu.memory_space<vmem>>
          %dma_wait3A_661 = tpu.memref_squeeze %dma_wait3A_660 : memref<1x80xi32, #tpu.memory_space<vmem>> -> memref<80xi32, #tpu.memory_space<vmem>>
          %dma_wait3A_662 = arith.constant 0 : i32
          %dma_wait3A_663 = arith.constant 0 : i32
          %dma_wait3A_664 = tpu.memref_slice %arg12[%dma_wait3A_662, %dma_wait3A_663] : memref<10240x128xf32, #tpu.memory_space<vmem_shared>> -> memref<10240x128xf32, #tpu.memory_space<vmem_shared>>
          tpu.wait_indirect_dma semaphore(%arg22 : memref<!tpu.dma_semaphore, #tpu.memory_space<semaphore_mem>>) src(%arg9 : memref<80x128xf32, #tpu.memory_space<vmem>>) dst(%dma_wait3A_664 : memref<10240x128xf32, #tpu.memory_space<vmem_shared>>)
        } else {
        }
        %add3A_622 = arith.constant 2 : i32
        %add3A_623 = arith.addi %add3A_560, %add3A_622 : i32
        %mul3A_624 = arith.constant 80 : i32
        %mul3A_625 = arith.muli %add3A_623, %mul3A_624 : i32
        %dma_wait3A_626 = arith.constant 0 : i32
        %dma_wait3A_627 = arith.constant 0 : i32
        %dma_wait3A_628 = tpu.memref_slice %arg7[%dma_wait3A_626, %dma_wait3A_627] : memref<6x80xi32, #tpu.memory_space<vmem>> -> memref<1x80xi32, #tpu.memory_space<vmem>>
        %dma_wait3A_629 = tpu.memref_squeeze %dma_wait3A_628 : memref<1x80xi32, #tpu.memory_space<vmem>> -> memref<80xi32, #tpu.memory_space<vmem>>
        %dma_wait3A_630 = arith.constant 0 : i32
        %dma_wait3A_631 = arith.constant 0 : i32
        %dma_wait3A_632 = tpu.memref_slice %arg3[%add3A, %dma_wait3A_630, %dma_wait3A_631] : memref<32x1x10000xi32, #tpu.memory_space<hbm>> -> memref<1x1x10000xi32, #tpu.memory_space<hbm>>
        %dma_wait3A_633 = tpu.memref_squeeze %dma_wait3A_632 : memref<1x1x10000xi32, #tpu.memory_space<hbm>> -> memref<1x10000xi32, #tpu.memory_space<hbm>>
        %dma_wait3A_634 = arith.constant 0 : i32
        %dma_wait3A_635 = tpu.memref_slice %dma_wait3A_633[%scan3A, %dma_wait3A_634] : memref<1x10000xi32, #tpu.memory_space<hbm>> -> memref<1x10000xi32, #tpu.memory_space<hbm>>
        %dma_wait3A_636 = tpu.memref_squeeze %dma_wait3A_635 : memref<1x10000xi32, #tpu.memory_space<hbm>> -> memref<10000xi32, #tpu.memory_space<hbm>>
        %dma_wait3A_637 = tpu.memref_slice %dma_wait3A_636[%mul3A_625] : memref<10000xi32, #tpu.memory_space<hbm>> -> memref<80xi32, #tpu.memory_space<hbm>>
        %dma_wait3A_638 = arith.constant 0 : i32
        %dma_wait3A_639 = tpu.memref_slice %arg7[%dma_wait3A_626, %dma_wait3A_638] : memref<6x80xi32, #tpu.memory_space<vmem>> -> memref<1x80xi32, #tpu.memory_space<vmem>>
        %dma_wait3A_640 = tpu.memref_squeeze %dma_wait3A_639 : memref<1x80xi32, #tpu.memory_space<vmem>> -> memref<80xi32, #tpu.memory_space<vmem>>
        %dma_wait3A_641 = arith.constant 0 : i32
        %dma_wait3A_642 = arith.constant 0 : i32
        %dma_wait3A_643 = tpu.memref_slice %arg3[%add3A, %dma_wait3A_641, %dma_wait3A_642] : memref<32x1x10000xi32, #tpu.memory_space<hbm>> -> memref<1x1x10000xi32, #tpu.memory_space<hbm>>
        %dma_wait3A_644 = tpu.memref_squeeze %dma_wait3A_643 : memref<1x1x10000xi32, #tpu.memory_space<hbm>> -> memref<1x10000xi32, #tpu.memory_space<hbm>>
        %dma_wait3A_645 = arith.constant 0 : i32
        %dma_wait3A_646 = tpu.memref_slice %dma_wait3A_644[%scan3A, %dma_wait3A_645] : memref<1x10000xi32, #tpu.memory_space<hbm>> -> memref<1x10000xi32, #tpu.memory_space<hbm>>
        %dma_wait3A_647 = tpu.memref_squeeze %dma_wait3A_646 : memref<1x10000xi32, #tpu.memory_space<hbm>> -> memref<10000xi32, #tpu.memory_space<hbm>>
        %dma_wait3A_648 = tpu.memref_slice %dma_wait3A_647[%mul3A_625] : memref<10000xi32, #tpu.memory_space<hbm>> -> memref<80xi32, #tpu.memory_space<hbm>>
        tpu.wait_dma2 semaphore(%arg13 : memref<!tpu.dma_semaphore, #tpu.memory_space<semaphore_mem>>) src(%dma_wait3A_648 : memref<80xi32, #tpu.memory_space<hbm>>) dst(%dma_wait3A_640 : memref<80xi32, #tpu.memory_space<vmem>>)
        %add3A_649 = arith.constant 2 : i32
        %add3A_650 = arith.addi %add3A_560, %add3A_649 : i32
        %dma_start3A_651 = arith.constant 0 : i32
        %dma_start3A_652 = arith.constant 0 : i32
        %dma_start3A_653 = tpu.memref_slice %arg7[%dma_start3A_651, %dma_start3A_652] : memref<6x80xi32, #tpu.memory_space<vmem>> -> memref<1x80xi32, #tpu.memory_space<vmem>>
        %dma_start3A_654 = tpu.memref_squeeze %dma_start3A_653 : memref<1x80xi32, #tpu.memory_space<vmem>> -> memref<80xi32, #tpu.memory_space<vmem>>
        %dma_start3A_655 = arith.constant 0 : i32
        %dma_start3A_656 = arith.constant 0 : i32
        %dma_start3A_657 = tpu.memref_slice %arg2[%dma_start3A_655, %dma_start3A_656] : memref<10000x128xf32, #tpu.memory_space<hbm>> -> memref<10000x128xf32, #tpu.memory_space<hbm>>
        tpu.enqueue_indirect_dma source(%dma_start3A_657 : memref<10000x128xf32, #tpu.memory_space<hbm>>) target(%arg9 : memref<80x128xf32, #tpu.memory_space<vmem>>) offsets(%dma_start3A_654 : memref<80xi32, #tpu.memory_space<vmem>>) semaphore(%arg19 : memref<!tpu.dma_semaphore, #tpu.memory_space<semaphore_mem>>)
      } else {
      }
      %dma_wait3A_568 = arith.constant 4 : i32
      %dma_wait3A_569 = arith.constant 0 : i32
      %dma_wait3A_570 = tpu.memref_slice %arg7[%dma_wait3A_568, %dma_wait3A_569] : memref<6x80xi32, #tpu.memory_space<vmem>> -> memref<1x80xi32, #tpu.memory_space<vmem>>
      %dma_wait3A_571 = tpu.memref_squeeze %dma_wait3A_570 : memref<1x80xi32, #tpu.memory_space<vmem>> -> memref<80xi32, #tpu.memory_space<vmem>>
      %dma_wait3A_572 = arith.constant 0 : i32
      %dma_wait3A_573 = arith.constant 0 : i32
      %dma_wait3A_574 = tpu.memref_slice %arg2[%dma_wait3A_572, %dma_wait3A_573] : memref<10000x128xf32, #tpu.memory_space<hbm>> -> memref<10000x128xf32, #tpu.memory_space<hbm>>
      tpu.wait_indirect_dma semaphore(%arg20 : memref<!tpu.dma_semaphore, #tpu.memory_space<semaphore_mem>>) src(%dma_wait3A_574 : memref<10000x128xf32, #tpu.memory_space<hbm>>) dst(%arg10 : memref<80x128xf32, #tpu.memory_space<vmem>>)
      %dma_start3A_575 = arith.constant 0 : i32
      %dma_start3A_576 = tpu.memref_slice %arg8[%add3A_560, %dma_start3A_575] : memref<125x80xi32, #tpu.memory_space<vmem>> -> memref<1x80xi32, #tpu.memory_space<vmem>>
      %dma_start3A_577 = tpu.memref_squeeze %dma_start3A_576 : memref<1x80xi32, #tpu.memory_space<vmem>> -> memref<80xi32, #tpu.memory_space<vmem>>
      %dma_start3A_578 = arith.constant 0 : i32
      %dma_start3A_579 = arith.constant 0 : i32
      %dma_start3A_580 = tpu.memref_slice %arg12[%dma_start3A_578, %dma_start3A_579] : memref<10240x128xf32, #tpu.memory_space<vmem_shared>> -> memref<10240x128xf32, #tpu.memory_space<vmem_shared>>
      tpu.enqueue_indirect_dma source(%arg10 : memref<80x128xf32, #tpu.memory_space<vmem>>) target(%dma_start3A_580 : memref<10240x128xf32, #tpu.memory_space<vmem_shared>>) offsets(%dma_start3A_577 : memref<80xi32, #tpu.memory_space<vmem>>) semaphore(%arg23 : memref<!tpu.dma_semaphore, #tpu.memory_space<semaphore_mem>>) {add = true}
      %add3A_581 = arith.constant 6 : i32
      %add3A_582 = arith.addi %add3A_560, %add3A_581 : i32
      %lt3A_583 = arith.constant 125 : i32
      %lt3A_584 = arith.cmpi slt, %add3A_582, %lt3A_583 : i32
      %convert_element_type3A_585 = arith.extui %lt3A_584 : i1 to i32
      %cond3A_586 = arith.constant 0 : i32
      %cond3A_587 = arith.cmpi ne, %convert_element_type3A_585, %cond3A_586 : i32
      scf.if %cond3A_587 {
        %add3A_618 = arith.constant 6 : i32
        %add3A_619 = arith.addi %add3A_560, %add3A_618 : i32
        %mul3A_620 = arith.constant 80 : i32
        %mul3A_621 = arith.muli %add3A_619, %mul3A_620 : i32
        %dma_start3A_622 = arith.constant 4 : i32
        %dma_start3A_623 = arith.constant 0 : i32
        %dma_start3A_624 = tpu.memref_slice %arg7[%dma_start3A_622, %dma_start3A_623] : memref<6x80xi32, #tpu.memory_space<vmem>> -> memref<1x80xi32, #tpu.memory_space<vmem>>
        %dma_start3A_625 = tpu.memref_squeeze %dma_start3A_624 : memref<1x80xi32, #tpu.memory_space<vmem>> -> memref<80xi32, #tpu.memory_space<vmem>>
        %dma_start3A_626 = arith.constant 0 : i32
        %dma_start3A_627 = arith.constant 0 : i32
        %dma_start3A_628 = tpu.memref_slice %arg3[%add3A, %dma_start3A_626, %dma_start3A_627] : memref<32x1x10000xi32, #tpu.memory_space<hbm>> -> memref<1x1x10000xi32, #tpu.memory_space<hbm>>
        %dma_start3A_629 = tpu.memref_squeeze %dma_start3A_628 : memref<1x1x10000xi32, #tpu.memory_space<hbm>> -> memref<1x10000xi32, #tpu.memory_space<hbm>>
        %dma_start3A_630 = arith.constant 0 : i32
        %dma_start3A_631 = tpu.memref_slice %dma_start3A_629[%scan3A, %dma_start3A_630] : memref<1x10000xi32, #tpu.memory_space<hbm>> -> memref<1x10000xi32, #tpu.memory_space<hbm>>
        %dma_start3A_632 = tpu.memref_squeeze %dma_start3A_631 : memref<1x10000xi32, #tpu.memory_space<hbm>> -> memref<10000xi32, #tpu.memory_space<hbm>>
        %dma_start3A_633 = tpu.memref_slice %dma_start3A_632[%mul3A_621] : memref<10000xi32, #tpu.memory_space<hbm>> -> memref<80xi32, #tpu.memory_space<hbm>>
        %dma_start3A_634 = arith.constant 0 : i32
        %dma_start3A_635 = tpu.memref_slice %arg7[%dma_start3A_622, %dma_start3A_634] : memref<6x80xi32, #tpu.memory_space<vmem>> -> memref<1x80xi32, #tpu.memory_space<vmem>>
        %dma_start3A_636 = tpu.memref_squeeze %dma_start3A_635 : memref<1x80xi32, #tpu.memory_space<vmem>> -> memref<80xi32, #tpu.memory_space<vmem>>
        %dma_start3A_637 = arith.constant 0 : i32
        %dma_start3A_638 = arith.constant 0 : i32
        %dma_start3A_639 = tpu.memref_slice %arg3[%add3A, %dma_start3A_637, %dma_start3A_638] : memref<32x1x10000xi32, #tpu.memory_space<hbm>> -> memref<1x1x10000xi32, #tpu.memory_space<hbm>>
        %dma_start3A_640 = tpu.memref_squeeze %dma_start3A_639 : memref<1x1x10000xi32, #tpu.memory_space<hbm>> -> memref<1x10000xi32, #tpu.memory_space<hbm>>
        %dma_start3A_641 = arith.constant 0 : i32
        %dma_start3A_642 = tpu.memref_slice %dma_start3A_640[%scan3A, %dma_start3A_641] : memref<1x10000xi32, #tpu.memory_space<hbm>> -> memref<1x10000xi32, #tpu.memory_space<hbm>>
        %dma_start3A_643 = tpu.memref_squeeze %dma_start3A_642 : memref<1x10000xi32, #tpu.memory_space<hbm>> -> memref<10000xi32, #tpu.memory_space<hbm>>
        %dma_start3A_644 = tpu.memref_slice %dma_start3A_643[%mul3A_621] : memref<10000xi32, #tpu.memory_space<hbm>> -> memref<80xi32, #tpu.memory_space<hbm>>
        tpu.enqueue_dma source(%dma_start3A_644 : memref<80xi32, #tpu.memory_space<hbm>>) target(%dma_start3A_636 : memref<80xi32, #tpu.memory_space<vmem>>) target_semaphore(%arg17 : memref<!tpu.dma_semaphore, #tpu.memory_space<semaphore_mem>>)
      } else {
      }
      %add3A_588 = arith.constant 5 : i32
      %add3A_589 = arith.addi %mul3A_445, %add3A_588 : i32
      %add3A_590 = arith.constant 2 : i32
      %add3A_591 = arith.addi %add3A_589, %add3A_590 : i32
      %lt3A_592 = arith.constant 125 : i32
      %lt3A_593 = arith.cmpi slt, %add3A_591, %lt3A_592 : i32
      %convert_element_type3A_594 = arith.extui %lt3A_593 : i1 to i32
      %cond3A_595 = arith.constant 0 : i32
      %cond3A_596 = arith.cmpi ne, %convert_element_type3A_594, %cond3A_595 : i32
      scf.if %cond3A_596 {
        %ge3A = arith.constant 1 : i32
        %ge3A_618 = arith.cmpi sge, %add3A_589, %ge3A : i32
        %convert_element_type3A_619 = arith.extui %ge3A_618 : i1 to i32
        %cond3A_620 = arith.constant 0 : i32
        %cond3A_621 = arith.cmpi ne, %convert_element_type3A_619, %cond3A_620 : i32
        scf.if %cond3A_621 {
          %sub3A = arith.constant 1 : i32
          %sub3A_658 = arith.subi %add3A_589, %sub3A : i32
          %dma_wait3A_659 = arith.constant 0 : i32
          %dma_wait3A_660 = tpu.memref_slice %arg8[%sub3A_658, %dma_wait3A_659] : memref<125x80xi32, #tpu.memory_space<vmem>> -> memref<1x80xi32, #tpu.memory_space<vmem>>
          %dma_wait3A_661 = tpu.memref_squeeze %dma_wait3A_660 : memref<1x80xi32, #tpu.memory_space<vmem>> -> memref<80xi32, #tpu.memory_space<vmem>>
          %dma_wait3A_662 = arith.constant 0 : i32
          %dma_wait3A_663 = arith.constant 0 : i32
          %dma_wait3A_664 = tpu.memref_slice %arg12[%dma_wait3A_662, %dma_wait3A_663] : memref<10240x128xf32, #tpu.memory_space<vmem_shared>> -> memref<10240x128xf32, #tpu.memory_space<vmem_shared>>
          tpu.wait_indirect_dma semaphore(%arg23 : memref<!tpu.dma_semaphore, #tpu.memory_space<semaphore_mem>>) src(%arg10 : memref<80x128xf32, #tpu.memory_space<vmem>>) dst(%dma_wait3A_664 : memref<10240x128xf32, #tpu.memory_space<vmem_shared>>)
        } else {
        }
        %add3A_622 = arith.constant 2 : i32
        %add3A_623 = arith.addi %add3A_589, %add3A_622 : i32
        %mul3A_624 = arith.constant 80 : i32
        %mul3A_625 = arith.muli %add3A_623, %mul3A_624 : i32
        %dma_wait3A_626 = arith.constant 1 : i32
        %dma_wait3A_627 = arith.constant 0 : i32
        %dma_wait3A_628 = tpu.memref_slice %arg7[%dma_wait3A_626, %dma_wait3A_627] : memref<6x80xi32, #tpu.memory_space<vmem>> -> memref<1x80xi32, #tpu.memory_space<vmem>>
        %dma_wait3A_629 = tpu.memref_squeeze %dma_wait3A_628 : memref<1x80xi32, #tpu.memory_space<vmem>> -> memref<80xi32, #tpu.memory_space<vmem>>
        %dma_wait3A_630 = arith.constant 0 : i32
        %dma_wait3A_631 = arith.constant 0 : i32
        %dma_wait3A_632 = tpu.memref_slice %arg3[%add3A, %dma_wait3A_630, %dma_wait3A_631] : memref<32x1x10000xi32, #tpu.memory_space<hbm>> -> memref<1x1x10000xi32, #tpu.memory_space<hbm>>
        %dma_wait3A_633 = tpu.memref_squeeze %dma_wait3A_632 : memref<1x1x10000xi32, #tpu.memory_space<hbm>> -> memref<1x10000xi32, #tpu.memory_space<hbm>>
        %dma_wait3A_634 = arith.constant 0 : i32
        %dma_wait3A_635 = tpu.memref_slice %dma_wait3A_633[%scan3A, %dma_wait3A_634] : memref<1x10000xi32, #tpu.memory_space<hbm>> -> memref<1x10000xi32, #tpu.memory_space<hbm>>
        %dma_wait3A_636 = tpu.memref_squeeze %dma_wait3A_635 : memref<1x10000xi32, #tpu.memory_space<hbm>> -> memref<10000xi32, #tpu.memory_space<hbm>>
        %dma_wait3A_637 = tpu.memref_slice %dma_wait3A_636[%mul3A_625] : memref<10000xi32, #tpu.memory_space<hbm>> -> memref<80xi32, #tpu.memory_space<hbm>>
        %dma_wait3A_638 = arith.constant 0 : i32
        %dma_wait3A_639 = tpu.memref_slice %arg7[%dma_wait3A_626, %dma_wait3A_638] : memref<6x80xi32, #tpu.memory_space<vmem>> -> memref<1x80xi32, #tpu.memory_space<vmem>>
        %dma_wait3A_640 = tpu.memref_squeeze %dma_wait3A_639 : memref<1x80xi32, #tpu.memory_space<vmem>> -> memref<80xi32, #tpu.memory_space<vmem>>
        %dma_wait3A_641 = arith.constant 0 : i32
        %dma_wait3A_642 = arith.constant 0 : i32
        %dma_wait3A_643 = tpu.memref_slice %arg3[%add3A, %dma_wait3A_641, %dma_wait3A_642] : memref<32x1x10000xi32, #tpu.memory_space<hbm>> -> memref<1x1x10000xi32, #tpu.memory_space<hbm>>
        %dma_wait3A_644 = tpu.memref_squeeze %dma_wait3A_643 : memref<1x1x10000xi32, #tpu.memory_space<hbm>> -> memref<1x10000xi32, #tpu.memory_space<hbm>>
        %dma_wait3A_645 = arith.constant 0 : i32
        %dma_wait3A_646 = tpu.memref_slice %dma_wait3A_644[%scan3A, %dma_wait3A_645] : memref<1x10000xi32, #tpu.memory_space<hbm>> -> memref<1x10000xi32, #tpu.memory_space<hbm>>
        %dma_wait3A_647 = tpu.memref_squeeze %dma_wait3A_646 : memref<1x10000xi32, #tpu.memory_space<hbm>> -> memref<10000xi32, #tpu.memory_space<hbm>>
        %dma_wait3A_648 = tpu.memref_slice %dma_wait3A_647[%mul3A_625] : memref<10000xi32, #tpu.memory_space<hbm>> -> memref<80xi32, #tpu.memory_space<hbm>>
        tpu.wait_dma2 semaphore(%arg14 : memref<!tpu.dma_semaphore, #tpu.memory_space<semaphore_mem>>) src(%dma_wait3A_648 : memref<80xi32, #tpu.memory_space<hbm>>) dst(%dma_wait3A_640 : memref<80xi32, #tpu.memory_space<vmem>>)
        %add3A_649 = arith.constant 2 : i32
        %add3A_650 = arith.addi %add3A_589, %add3A_649 : i32
        %dma_start3A_651 = arith.constant 1 : i32
        %dma_start3A_652 = arith.constant 0 : i32
        %dma_start3A_653 = tpu.memref_slice %arg7[%dma_start3A_651, %dma_start3A_652] : memref<6x80xi32, #tpu.memory_space<vmem>> -> memref<1x80xi32, #tpu.memory_space<vmem>>
        %dma_start3A_654 = tpu.memref_squeeze %dma_start3A_653 : memref<1x80xi32, #tpu.memory_space<vmem>> -> memref<80xi32, #tpu.memory_space<vmem>>
        %dma_start3A_655 = arith.constant 0 : i32
        %dma_start3A_656 = arith.constant 0 : i32
        %dma_start3A_657 = tpu.memref_slice %arg2[%dma_start3A_655, %dma_start3A_656] : memref<10000x128xf32, #tpu.memory_space<hbm>> -> memref<10000x128xf32, #tpu.memory_space<hbm>>
        tpu.enqueue_indirect_dma source(%dma_start3A_657 : memref<10000x128xf32, #tpu.memory_space<hbm>>) target(%arg10 : memref<80x128xf32, #tpu.memory_space<vmem>>) offsets(%dma_start3A_654 : memref<80xi32, #tpu.memory_space<vmem>>) semaphore(%arg20 : memref<!tpu.dma_semaphore, #tpu.memory_space<semaphore_mem>>)
      } else {
      }
      %dma_wait3A_597 = arith.constant 5 : i32
      %dma_wait3A_598 = arith.constant 0 : i32
      %dma_wait3A_599 = tpu.memref_slice %arg7[%dma_wait3A_597, %dma_wait3A_598] : memref<6x80xi32, #tpu.memory_space<vmem>> -> memref<1x80xi32, #tpu.memory_space<vmem>>
      %dma_wait3A_600 = tpu.memref_squeeze %dma_wait3A_599 : memref<1x80xi32, #tpu.memory_space<vmem>> -> memref<80xi32, #tpu.memory_space<vmem>>
      %dma_wait3A_601 = arith.constant 0 : i32
      %dma_wait3A_602 = arith.constant 0 : i32
      %dma_wait3A_603 = tpu.memref_slice %arg2[%dma_wait3A_601, %dma_wait3A_602] : memref<10000x128xf32, #tpu.memory_space<hbm>> -> memref<10000x128xf32, #tpu.memory_space<hbm>>
      tpu.wait_indirect_dma semaphore(%arg21 : memref<!tpu.dma_semaphore, #tpu.memory_space<semaphore_mem>>) src(%dma_wait3A_603 : memref<10000x128xf32, #tpu.memory_space<hbm>>) dst(%arg11 : memref<80x128xf32, #tpu.memory_space<vmem>>)
      %dma_start3A_604 = arith.constant 0 : i32
      %dma_start3A_605 = tpu.memref_slice %arg8[%add3A_589, %dma_start3A_604] : memref<125x80xi32, #tpu.memory_space<vmem>> -> memref<1x80xi32, #tpu.memory_space<vmem>>
      %dma_start3A_606 = tpu.memref_squeeze %dma_start3A_605 : memref<1x80xi32, #tpu.memory_space<vmem>> -> memref<80xi32, #tpu.memory_space<vmem>>
      %dma_start3A_607 = arith.constant 0 : i32
      %dma_start3A_608 = arith.constant 0 : i32
      %dma_start3A_609 = tpu.memref_slice %arg12[%dma_start3A_607, %dma_start3A_608] : memref<10240x128xf32, #tpu.memory_space<vmem_shared>> -> memref<10240x128xf32, #tpu.memory_space<vmem_shared>>
      tpu.enqueue_indirect_dma source(%arg11 : memref<80x128xf32, #tpu.memory_space<vmem>>) target(%dma_start3A_609 : memref<10240x128xf32, #tpu.memory_space<vmem_shared>>) offsets(%dma_start3A_606 : memref<80xi32, #tpu.memory_space<vmem>>) semaphore(%arg24 : memref<!tpu.dma_semaphore, #tpu.memory_space<semaphore_mem>>) {add = true}
      %add3A_610 = arith.constant 6 : i32
      %add3A_611 = arith.addi %add3A_589, %add3A_610 : i32
      %lt3A_612 = arith.constant 125 : i32
      %lt3A_613 = arith.cmpi slt, %add3A_611, %lt3A_612 : i32
      %convert_element_type3A_614 = arith.extui %lt3A_613 : i1 to i32
      %cond3A_615 = arith.constant 0 : i32
      %cond3A_616 = arith.cmpi ne, %convert_element_type3A_614, %cond3A_615 : i32
      scf.if %cond3A_616 {
        %add3A_618 = arith.constant 6 : i32
        %add3A_619 = arith.addi %add3A_589, %add3A_618 : i32
        %mul3A_620 = arith.constant 80 : i32
        %mul3A_621 = arith.muli %add3A_619, %mul3A_620 : i32
        %dma_start3A_622 = arith.constant 5 : i32
        %dma_start3A_623 = arith.constant 0 : i32
        %dma_start3A_624 = tpu.memref_slice %arg7[%dma_start3A_622, %dma_start3A_623] : memref<6x80xi32, #tpu.memory_space<vmem>> -> memref<1x80xi32, #tpu.memory_space<vmem>>
        %dma_start3A_625 = tpu.memref_squeeze %dma_start3A_624 : memref<1x80xi32, #tpu.memory_space<vmem>> -> memref<80xi32, #tpu.memory_space<vmem>>
        %dma_start3A_626 = arith.constant 0 : i32
        %dma_start3A_627 = arith.constant 0 : i32
        %dma_start3A_628 = tpu.memref_slice %arg3[%add3A, %dma_start3A_626, %dma_start3A_627] : memref<32x1x10000xi32, #tpu.memory_space<hbm>> -> memref<1x1x10000xi32, #tpu.memory_space<hbm>>
        %dma_start3A_629 = tpu.memref_squeeze %dma_start3A_628 : memref<1x1x10000xi32, #tpu.memory_space<hbm>> -> memref<1x10000xi32, #tpu.memory_space<hbm>>
        %dma_start3A_630 = arith.constant 0 : i32
        %dma_start3A_631 = tpu.memref_slice %dma_start3A_629[%scan3A, %dma_start3A_630] : memref<1x10000xi32, #tpu.memory_space<hbm>> -> memref<1x10000xi32, #tpu.memory_space<hbm>>
        %dma_start3A_632 = tpu.memref_squeeze %dma_start3A_631 : memref<1x10000xi32, #tpu.memory_space<hbm>> -> memref<10000xi32, #tpu.memory_space<hbm>>
        %dma_start3A_633 = tpu.memref_slice %dma_start3A_632[%mul3A_621] : memref<10000xi32, #tpu.memory_space<hbm>> -> memref<80xi32, #tpu.memory_space<hbm>>
        %dma_start3A_634 = arith.constant 0 : i32
        %dma_start3A_635 = tpu.memref_slice %arg7[%dma_start3A_622, %dma_start3A_634] : memref<6x80xi32, #tpu.memory_space<vmem>> -> memref<1x80xi32, #tpu.memory_space<vmem>>
        %dma_start3A_636 = tpu.memref_squeeze %dma_start3A_635 : memref<1x80xi32, #tpu.memory_space<vmem>> -> memref<80xi32, #tpu.memory_space<vmem>>
        %dma_start3A_637 = arith.constant 0 : i32
        %dma_start3A_638 = arith.constant 0 : i32
        %dma_start3A_639 = tpu.memref_slice %arg3[%add3A, %dma_start3A_637, %dma_start3A_638] : memref<32x1x10000xi32, #tpu.memory_space<hbm>> -> memref<1x1x10000xi32, #tpu.memory_space<hbm>>
        %dma_start3A_640 = tpu.memref_squeeze %dma_start3A_639 : memref<1x1x10000xi32, #tpu.memory_space<hbm>> -> memref<1x10000xi32, #tpu.memory_space<hbm>>
        %dma_start3A_641 = arith.constant 0 : i32
        %dma_start3A_642 = tpu.memref_slice %dma_start3A_640[%scan3A, %dma_start3A_641] : memref<1x10000xi32, #tpu.memory_space<hbm>> -> memref<1x10000xi32, #tpu.memory_space<hbm>>
        %dma_start3A_643 = tpu.memref_squeeze %dma_start3A_642 : memref<1x10000xi32, #tpu.memory_space<hbm>> -> memref<10000xi32, #tpu.memory_space<hbm>>
        %dma_start3A_644 = tpu.memref_slice %dma_start3A_643[%mul3A_621] : memref<10000xi32, #tpu.memory_space<hbm>> -> memref<80xi32, #tpu.memory_space<hbm>>
        tpu.enqueue_dma source(%dma_start3A_644 : memref<80xi32, #tpu.memory_space<hbm>>) target(%dma_start3A_636 : memref<80xi32, #tpu.memory_space<vmem>>) target_semaphore(%arg18 : memref<!tpu.dma_semaphore, #tpu.memory_space<semaphore_mem>>)
      } else {
      }
      %scan3A_617 = arith.constant 0 : i32
      scf.yield %scan3A_617 : i32
    }
    %scan3A_229 = arith.constant 20 : i32
    %dma_wait3A_230 = arith.constant 119 : i32
    %dma_wait3A_231 = arith.constant 0 : i32
    %dma_wait3A_232 = tpu.memref_slice %arg8[%dma_wait3A_230, %dma_wait3A_231] : memref<125x80xi32, #tpu.memory_space<vmem>> -> memref<1x80xi32, #tpu.memory_space<vmem>>
    %dma_wait3A_233 = tpu.memref_squeeze %dma_wait3A_232 : memref<1x80xi32, #tpu.memory_space<vmem>> -> memref<80xi32, #tpu.memory_space<vmem>>
    %dma_wait3A_234 = arith.constant 0 : i32
    %dma_wait3A_235 = arith.constant 0 : i32
    %dma_wait3A_236 = tpu.memref_slice %arg12[%dma_wait3A_234, %dma_wait3A_235] : memref<10240x128xf32, #tpu.memory_space<vmem_shared>> -> memref<10240x128xf32, #tpu.memory_space<vmem_shared>>
    tpu.wait_indirect_dma semaphore(%arg24 : memref<!tpu.dma_semaphore, #tpu.memory_space<semaphore_mem>>) src(%arg11 : memref<80x128xf32, #tpu.memory_space<vmem>>) dst(%dma_wait3A_236 : memref<10240x128xf32, #tpu.memory_space<vmem_shared>>)
    %dma_wait3A_237 = arith.constant 0 : i32
    %dma_wait3A_238 = arith.constant 2 : i32
    %dma_wait3A_239 = arith.constant 0 : i32
    %dma_wait3A_240 = tpu.memref_slice %arg7[%dma_wait3A_238, %dma_wait3A_239] : memref<6x80xi32, #tpu.memory_space<vmem>> -> memref<1x80xi32, #tpu.memory_space<vmem>>
    %dma_wait3A_241 = tpu.memref_squeeze %dma_wait3A_240 : memref<1x80xi32, #tpu.memory_space<vmem>> -> memref<80xi32, #tpu.memory_space<vmem>>
    %dma_wait3A_242 = arith.constant 0 : i32
    %dma_wait3A_243 = arith.constant 0 : i32
    %dma_wait3A_244 = tpu.memref_slice %arg3[%add3A, %dma_wait3A_242, %dma_wait3A_243] : memref<32x1x10000xi32, #tpu.memory_space<hbm>> -> memref<1x1x10000xi32, #tpu.memory_space<hbm>>
    %dma_wait3A_245 = tpu.memref_squeeze %dma_wait3A_244 : memref<1x1x10000xi32, #tpu.memory_space<hbm>> -> memref<1x10000xi32, #tpu.memory_space<hbm>>
    %dma_wait3A_246 = arith.constant 0 : i32
    %dma_wait3A_247 = tpu.memref_slice %dma_wait3A_245[%dma_wait3A_237, %dma_wait3A_246] : memref<1x10000xi32, #tpu.memory_space<hbm>> -> memref<1x10000xi32, #tpu.memory_space<hbm>>
    %dma_wait3A_248 = tpu.memref_squeeze %dma_wait3A_247 : memref<1x10000xi32, #tpu.memory_space<hbm>> -> memref<10000xi32, #tpu.memory_space<hbm>>
    %dma_wait3A_249 = arith.constant 9760 : i32
    %dma_wait3A_250 = tpu.memref_slice %dma_wait3A_248[%dma_wait3A_249] : memref<10000xi32, #tpu.memory_space<hbm>> -> memref<80xi32, #tpu.memory_space<hbm>>
    %dma_wait3A_251 = arith.constant 0 : i32
    %dma_wait3A_252 = tpu.memref_slice %arg7[%dma_wait3A_238, %dma_wait3A_251] : memref<6x80xi32, #tpu.memory_space<vmem>> -> memref<1x80xi32, #tpu.memory_space<vmem>>
    %dma_wait3A_253 = tpu.memref_squeeze %dma_wait3A_252 : memref<1x80xi32, #tpu.memory_space<vmem>> -> memref<80xi32, #tpu.memory_space<vmem>>
    %dma_wait3A_254 = arith.constant 0 : i32
    %dma_wait3A_255 = arith.constant 0 : i32
    %dma_wait3A_256 = tpu.memref_slice %arg3[%add3A, %dma_wait3A_254, %dma_wait3A_255] : memref<32x1x10000xi32, #tpu.memory_space<hbm>> -> memref<1x1x10000xi32, #tpu.memory_space<hbm>>
    %dma_wait3A_257 = tpu.memref_squeeze %dma_wait3A_256 : memref<1x1x10000xi32, #tpu.memory_space<hbm>> -> memref<1x10000xi32, #tpu.memory_space<hbm>>
    %dma_wait3A_258 = arith.constant 0 : i32
    %dma_wait3A_259 = tpu.memref_slice %dma_wait3A_257[%dma_wait3A_237, %dma_wait3A_258] : memref<1x10000xi32, #tpu.memory_space<hbm>> -> memref<1x10000xi32, #tpu.memory_space<hbm>>
    %dma_wait3A_260 = tpu.memref_squeeze %dma_wait3A_259 : memref<1x10000xi32, #tpu.memory_space<hbm>> -> memref<10000xi32, #tpu.memory_space<hbm>>
    %dma_wait3A_261 = arith.constant 9760 : i32
    %dma_wait3A_262 = tpu.memref_slice %dma_wait3A_260[%dma_wait3A_261] : memref<10000xi32, #tpu.memory_space<hbm>> -> memref<80xi32, #tpu.memory_space<hbm>>
    tpu.wait_dma2 semaphore(%arg15 : memref<!tpu.dma_semaphore, #tpu.memory_space<semaphore_mem>>) src(%dma_wait3A_262 : memref<80xi32, #tpu.memory_space<hbm>>) dst(%dma_wait3A_253 : memref<80xi32, #tpu.memory_space<vmem>>)
    %dma_start3A_263 = arith.constant 2 : i32
    %dma_start3A_264 = arith.constant 0 : i32
    %dma_start3A_265 = tpu.memref_slice %arg7[%dma_start3A_263, %dma_start3A_264] : memref<6x80xi32, #tpu.memory_space<vmem>> -> memref<1x80xi32, #tpu.memory_space<vmem>>
    %dma_start3A_266 = tpu.memref_squeeze %dma_start3A_265 : memref<1x80xi32, #tpu.memory_space<vmem>> -> memref<80xi32, #tpu.memory_space<vmem>>
    %dma_start3A_267 = arith.constant 0 : i32
    %dma_start3A_268 = arith.constant 0 : i32
    %dma_start3A_269 = tpu.memref_slice %arg2[%dma_start3A_267, %dma_start3A_268] : memref<10000x128xf32, #tpu.memory_space<hbm>> -> memref<10000x128xf32, #tpu.memory_space<hbm>>
    tpu.enqueue_indirect_dma source(%dma_start3A_269 : memref<10000x128xf32, #tpu.memory_space<hbm>>) target(%arg11 : memref<80x128xf32, #tpu.memory_space<vmem>>) offsets(%dma_start3A_266 : memref<80xi32, #tpu.memory_space<vmem>>) semaphore(%arg21 : memref<!tpu.dma_semaphore, #tpu.memory_space<semaphore_mem>>)
    %dma_wait3A_270 = arith.constant 0 : i32
    %dma_wait3A_271 = arith.constant 0 : i32
    %dma_wait3A_272 = tpu.memref_slice %arg7[%dma_wait3A_270, %dma_wait3A_271] : memref<6x80xi32, #tpu.memory_space<vmem>> -> memref<1x80xi32, #tpu.memory_space<vmem>>
    %dma_wait3A_273 = tpu.memref_squeeze %dma_wait3A_272 : memref<1x80xi32, #tpu.memory_space<vmem>> -> memref<80xi32, #tpu.memory_space<vmem>>
    %dma_wait3A_274 = arith.constant 0 : i32
    %dma_wait3A_275 = arith.constant 0 : i32
    %dma_wait3A_276 = tpu.memref_slice %arg2[%dma_wait3A_274, %dma_wait3A_275] : memref<10000x128xf32, #tpu.memory_space<hbm>> -> memref<10000x128xf32, #tpu.memory_space<hbm>>
    tpu.wait_indirect_dma semaphore(%arg19 : memref<!tpu.dma_semaphore, #tpu.memory_space<semaphore_mem>>) src(%dma_wait3A_276 : memref<10000x128xf32, #tpu.memory_space<hbm>>) dst(%arg9 : memref<80x128xf32, #tpu.memory_space<vmem>>)
    %dma_start3A_277 = arith.constant 120 : i32
    %dma_start3A_278 = arith.constant 0 : i32
    %dma_start3A_279 = tpu.memref_slice %arg8[%dma_start3A_277, %dma_start3A_278] : memref<125x80xi32, #tpu.memory_space<vmem>> -> memref<1x80xi32, #tpu.memory_space<vmem>>
    %dma_start3A_280 = tpu.memref_squeeze %dma_start3A_279 : memref<1x80xi32, #tpu.memory_space<vmem>> -> memref<80xi32, #tpu.memory_space<vmem>>
    %dma_start3A_281 = arith.constant 0 : i32
    %dma_start3A_282 = arith.constant 0 : i32
    %dma_start3A_283 = tpu.memref_slice %arg12[%dma_start3A_281, %dma_start3A_282] : memref<10240x128xf32, #tpu.memory_space<vmem_shared>> -> memref<10240x128xf32, #tpu.memory_space<vmem_shared>>
    tpu.enqueue_indirect_dma source(%arg9 : memref<80x128xf32, #tpu.memory_space<vmem>>) target(%dma_start3A_283 : memref<10240x128xf32, #tpu.memory_space<vmem_shared>>) offsets(%dma_start3A_280 : memref<80xi32, #tpu.memory_space<vmem>>) semaphore(%arg22 : memref<!tpu.dma_semaphore, #tpu.memory_space<semaphore_mem>>) {add = true}
    %dma_wait3A_284 = arith.constant 120 : i32
    %dma_wait3A_285 = arith.constant 0 : i32
    %dma_wait3A_286 = tpu.memref_slice %arg8[%dma_wait3A_284, %dma_wait3A_285] : memref<125x80xi32, #tpu.memory_space<vmem>> -> memref<1x80xi32, #tpu.memory_space<vmem>>
    %dma_wait3A_287 = tpu.memref_squeeze %dma_wait3A_286 : memref<1x80xi32, #tpu.memory_space<vmem>> -> memref<80xi32, #tpu.memory_space<vmem>>
    %dma_wait3A_288 = arith.constant 0 : i32
    %dma_wait3A_289 = arith.constant 0 : i32
    %dma_wait3A_290 = tpu.memref_slice %arg12[%dma_wait3A_288, %dma_wait3A_289] : memref<10240x128xf32, #tpu.memory_space<vmem_shared>> -> memref<10240x128xf32, #tpu.memory_space<vmem_shared>>
    tpu.wait_indirect_dma semaphore(%arg22 : memref<!tpu.dma_semaphore, #tpu.memory_space<semaphore_mem>>) src(%arg9 : memref<80x128xf32, #tpu.memory_space<vmem>>) dst(%dma_wait3A_290 : memref<10240x128xf32, #tpu.memory_space<vmem_shared>>)
    %dma_wait3A_291 = arith.constant 0 : i32
    %dma_wait3A_292 = arith.constant 3 : i32
    %dma_wait3A_293 = arith.constant 0 : i32
    %dma_wait3A_294 = tpu.memref_slice %arg7[%dma_wait3A_292, %dma_wait3A_293] : memref<6x80xi32, #tpu.memory_space<vmem>> -> memref<1x80xi32, #tpu.memory_space<vmem>>
    %dma_wait3A_295 = tpu.memref_squeeze %dma_wait3A_294 : memref<1x80xi32, #tpu.memory_space<vmem>> -> memref<80xi32, #tpu.memory_space<vmem>>
    %dma_wait3A_296 = arith.constant 0 : i32
    %dma_wait3A_297 = arith.constant 0 : i32
    %dma_wait3A_298 = tpu.memref_slice %arg3[%add3A, %dma_wait3A_296, %dma_wait3A_297] : memref<32x1x10000xi32, #tpu.memory_space<hbm>> -> memref<1x1x10000xi32, #tpu.memory_space<hbm>>
    %dma_wait3A_299 = tpu.memref_squeeze %dma_wait3A_298 : memref<1x1x10000xi32, #tpu.memory_space<hbm>> -> memref<1x10000xi32, #tpu.memory_space<hbm>>
    %dma_wait3A_300 = arith.constant 0 : i32
    %dma_wait3A_301 = tpu.memref_slice %dma_wait3A_299[%dma_wait3A_291, %dma_wait3A_300] : memref<1x10000xi32, #tpu.memory_space<hbm>> -> memref<1x10000xi32, #tpu.memory_space<hbm>>
    %dma_wait3A_302 = tpu.memref_squeeze %dma_wait3A_301 : memref<1x10000xi32, #tpu.memory_space<hbm>> -> memref<10000xi32, #tpu.memory_space<hbm>>
    %dma_wait3A_303 = arith.constant 9840 : i32
    %dma_wait3A_304 = tpu.memref_slice %dma_wait3A_302[%dma_wait3A_303] : memref<10000xi32, #tpu.memory_space<hbm>> -> memref<80xi32, #tpu.memory_space<hbm>>
    %dma_wait3A_305 = arith.constant 0 : i32
    %dma_wait3A_306 = tpu.memref_slice %arg7[%dma_wait3A_292, %dma_wait3A_305] : memref<6x80xi32, #tpu.memory_space<vmem>> -> memref<1x80xi32, #tpu.memory_space<vmem>>
    %dma_wait3A_307 = tpu.memref_squeeze %dma_wait3A_306 : memref<1x80xi32, #tpu.memory_space<vmem>> -> memref<80xi32, #tpu.memory_space<vmem>>
    %dma_wait3A_308 = arith.constant 0 : i32
    %dma_wait3A_309 = arith.constant 0 : i32
    %dma_wait3A_310 = tpu.memref_slice %arg3[%add3A, %dma_wait3A_308, %dma_wait3A_309] : memref<32x1x10000xi32, #tpu.memory_space<hbm>> -> memref<1x1x10000xi32, #tpu.memory_space<hbm>>
    %dma_wait3A_311 = tpu.memref_squeeze %dma_wait3A_310 : memref<1x1x10000xi32, #tpu.memory_space<hbm>> -> memref<1x10000xi32, #tpu.memory_space<hbm>>
    %dma_wait3A_312 = arith.constant 0 : i32
    %dma_wait3A_313 = tpu.memref_slice %dma_wait3A_311[%dma_wait3A_291, %dma_wait3A_312] : memref<1x10000xi32, #tpu.memory_space<hbm>> -> memref<1x10000xi32, #tpu.memory_space<hbm>>
    %dma_wait3A_314 = tpu.memref_squeeze %dma_wait3A_313 : memref<1x10000xi32, #tpu.memory_space<hbm>> -> memref<10000xi32, #tpu.memory_space<hbm>>
    %dma_wait3A_315 = arith.constant 9840 : i32
    %dma_wait3A_316 = tpu.memref_slice %dma_wait3A_314[%dma_wait3A_315] : memref<10000xi32, #tpu.memory_space<hbm>> -> memref<80xi32, #tpu.memory_space<hbm>>
    tpu.wait_dma2 semaphore(%arg16 : memref<!tpu.dma_semaphore, #tpu.memory_space<semaphore_mem>>) src(%dma_wait3A_316 : memref<80xi32, #tpu.memory_space<hbm>>) dst(%dma_wait3A_307 : memref<80xi32, #tpu.memory_space<vmem>>)
    %dma_start3A_317 = arith.constant 3 : i32
    %dma_start3A_318 = arith.constant 0 : i32
    %dma_start3A_319 = tpu.memref_slice %arg7[%dma_start3A_317, %dma_start3A_318] : memref<6x80xi32, #tpu.memory_space<vmem>> -> memref<1x80xi32, #tpu.memory_space<vmem>>
    %dma_start3A_320 = tpu.memref_squeeze %dma_start3A_319 : memref<1x80xi32, #tpu.memory_space<vmem>> -> memref<80xi32, #tpu.memory_space<vmem>>
    %dma_start3A_321 = arith.constant 0 : i32
    %dma_start3A_322 = arith.constant 0 : i32
    %dma_start3A_323 = tpu.memref_slice %arg2[%dma_start3A_321, %dma_start3A_322] : memref<10000x128xf32, #tpu.memory_space<hbm>> -> memref<10000x128xf32, #tpu.memory_space<hbm>>
    tpu.enqueue_indirect_dma source(%dma_start3A_323 : memref<10000x128xf32, #tpu.memory_space<hbm>>) target(%arg9 : memref<80x128xf32, #tpu.memory_space<vmem>>) offsets(%dma_start3A_320 : memref<80xi32, #tpu.memory_space<vmem>>) semaphore(%arg19 : memref<!tpu.dma_semaphore, #tpu.memory_space<semaphore_mem>>)
    %dma_wait3A_324 = arith.constant 1 : i32
    %dma_wait3A_325 = arith.constant 0 : i32
    %dma_wait3A_326 = tpu.memref_slice %arg7[%dma_wait3A_324, %dma_wait3A_325] : memref<6x80xi32, #tpu.memory_space<vmem>> -> memref<1x80xi32, #tpu.memory_space<vmem>>
    %dma_wait3A_327 = tpu.memref_squeeze %dma_wait3A_326 : memref<1x80xi32, #tpu.memory_space<vmem>> -> memref<80xi32, #tpu.memory_space<vmem>>
    %dma_wait3A_328 = arith.constant 0 : i32
    %dma_wait3A_329 = arith.constant 0 : i32
    %dma_wait3A_330 = tpu.memref_slice %arg2[%dma_wait3A_328, %dma_wait3A_329] : memref<10000x128xf32, #tpu.memory_space<hbm>> -> memref<10000x128xf32, #tpu.memory_space<hbm>>
    tpu.wait_indirect_dma semaphore(%arg20 : memref<!tpu.dma_semaphore, #tpu.memory_space<semaphore_mem>>) src(%dma_wait3A_330 : memref<10000x128xf32, #tpu.memory_space<hbm>>) dst(%arg10 : memref<80x128xf32, #tpu.memory_space<vmem>>)
    %dma_start3A_331 = arith.constant 121 : i32
    %dma_start3A_332 = arith.constant 0 : i32
    %dma_start3A_333 = tpu.memref_slice %arg8[%dma_start3A_331, %dma_start3A_332] : memref<125x80xi32, #tpu.memory_space<vmem>> -> memref<1x80xi32, #tpu.memory_space<vmem>>
    %dma_start3A_334 = tpu.memref_squeeze %dma_start3A_333 : memref<1x80xi32, #tpu.memory_space<vmem>> -> memref<80xi32, #tpu.memory_space<vmem>>
    %dma_start3A_335 = arith.constant 0 : i32
    %dma_start3A_336 = arith.constant 0 : i32
    %dma_start3A_337 = tpu.memref_slice %arg12[%dma_start3A_335, %dma_start3A_336] : memref<10240x128xf32, #tpu.memory_space<vmem_shared>> -> memref<10240x128xf32, #tpu.memory_space<vmem_shared>>
    tpu.enqueue_indirect_dma source(%arg10 : memref<80x128xf32, #tpu.memory_space<vmem>>) target(%dma_start3A_337 : memref<10240x128xf32, #tpu.memory_space<vmem_shared>>) offsets(%dma_start3A_334 : memref<80xi32, #tpu.memory_space<vmem>>) semaphore(%arg23 : memref<!tpu.dma_semaphore, #tpu.memory_space<semaphore_mem>>) {add = true}
    %dma_wait3A_338 = arith.constant 121 : i32
    %dma_wait3A_339 = arith.constant 0 : i32
    %dma_wait3A_340 = tpu.memref_slice %arg8[%dma_wait3A_338, %dma_wait3A_339] : memref<125x80xi32, #tpu.memory_space<vmem>> -> memref<1x80xi32, #tpu.memory_space<vmem>>
    %dma_wait3A_341 = tpu.memref_squeeze %dma_wait3A_340 : memref<1x80xi32, #tpu.memory_space<vmem>> -> memref<80xi32, #tpu.memory_space<vmem>>
    %dma_wait3A_342 = arith.constant 0 : i32
    %dma_wait3A_343 = arith.constant 0 : i32
    %dma_wait3A_344 = tpu.memref_slice %arg12[%dma_wait3A_342, %dma_wait3A_343] : memref<10240x128xf32, #tpu.memory_space<vmem_shared>> -> memref<10240x128xf32, #tpu.memory_space<vmem_shared>>
    tpu.wait_indirect_dma semaphore(%arg23 : memref<!tpu.dma_semaphore, #tpu.memory_space<semaphore_mem>>) src(%arg10 : memref<80x128xf32, #tpu.memory_space<vmem>>) dst(%dma_wait3A_344 : memref<10240x128xf32, #tpu.memory_space<vmem_shared>>)
    %dma_wait3A_345 = arith.constant 0 : i32
    %dma_wait3A_346 = arith.constant 4 : i32
    %dma_wait3A_347 = arith.constant 0 : i32
    %dma_wait3A_348 = tpu.memref_slice %arg7[%dma_wait3A_346, %dma_wait3A_347] : memref<6x80xi32, #tpu.memory_space<vmem>> -> memref<1x80xi32, #tpu.memory_space<vmem>>
    %dma_wait3A_349 = tpu.memref_squeeze %dma_wait3A_348 : memref<1x80xi32, #tpu.memory_space<vmem>> -> memref<80xi32, #tpu.memory_space<vmem>>
    %dma_wait3A_350 = arith.constant 0 : i32
    %dma_wait3A_351 = arith.constant 0 : i32
    %dma_wait3A_352 = tpu.memref_slice %arg3[%add3A, %dma_wait3A_350, %dma_wait3A_351] : memref<32x1x10000xi32, #tpu.memory_space<hbm>> -> memref<1x1x10000xi32, #tpu.memory_space<hbm>>
    %dma_wait3A_353 = tpu.memref_squeeze %dma_wait3A_352 : memref<1x1x10000xi32, #tpu.memory_space<hbm>> -> memref<1x10000xi32, #tpu.memory_space<hbm>>
    %dma_wait3A_354 = arith.constant 0 : i32
    %dma_wait3A_355 = tpu.memref_slice %dma_wait3A_353[%dma_wait3A_345, %dma_wait3A_354] : memref<1x10000xi32, #tpu.memory_space<hbm>> -> memref<1x10000xi32, #tpu.memory_space<hbm>>
    %dma_wait3A_356 = tpu.memref_squeeze %dma_wait3A_355 : memref<1x10000xi32, #tpu.memory_space<hbm>> -> memref<10000xi32, #tpu.memory_space<hbm>>
    %dma_wait3A_357 = arith.constant 9920 : i32
    %dma_wait3A_358 = tpu.memref_slice %dma_wait3A_356[%dma_wait3A_357] : memref<10000xi32, #tpu.memory_space<hbm>> -> memref<80xi32, #tpu.memory_space<hbm>>
    %dma_wait3A_359 = arith.constant 0 : i32
    %dma_wait3A_360 = tpu.memref_slice %arg7[%dma_wait3A_346, %dma_wait3A_359] : memref<6x80xi32, #tpu.memory_space<vmem>> -> memref<1x80xi32, #tpu.memory_space<vmem>>
    %dma_wait3A_361 = tpu.memref_squeeze %dma_wait3A_360 : memref<1x80xi32, #tpu.memory_space<vmem>> -> memref<80xi32, #tpu.memory_space<vmem>>
    %dma_wait3A_362 = arith.constant 0 : i32
    %dma_wait3A_363 = arith.constant 0 : i32
    %dma_wait3A_364 = tpu.memref_slice %arg3[%add3A, %dma_wait3A_362, %dma_wait3A_363] : memref<32x1x10000xi32, #tpu.memory_space<hbm>> -> memref<1x1x10000xi32, #tpu.memory_space<hbm>>
    %dma_wait3A_365 = tpu.memref_squeeze %dma_wait3A_364 : memref<1x1x10000xi32, #tpu.memory_space<hbm>> -> memref<1x10000xi32, #tpu.memory_space<hbm>>
    %dma_wait3A_366 = arith.constant 0 : i32
    %dma_wait3A_367 = tpu.memref_slice %dma_wait3A_365[%dma_wait3A_345, %dma_wait3A_366] : memref<1x10000xi32, #tpu.memory_space<hbm>> -> memref<1x10000xi32, #tpu.memory_space<hbm>>
    %dma_wait3A_368 = tpu.memref_squeeze %dma_wait3A_367 : memref<1x10000xi32, #tpu.memory_space<hbm>> -> memref<10000xi32, #tpu.memory_space<hbm>>
    %dma_wait3A_369 = arith.constant 9920 : i32
    %dma_wait3A_370 = tpu.memref_slice %dma_wait3A_368[%dma_wait3A_369] : memref<10000xi32, #tpu.memory_space<hbm>> -> memref<80xi32, #tpu.memory_space<hbm>>
    tpu.wait_dma2 semaphore(%arg17 : memref<!tpu.dma_semaphore, #tpu.memory_space<semaphore_mem>>) src(%dma_wait3A_370 : memref<80xi32, #tpu.memory_space<hbm>>) dst(%dma_wait3A_361 : memref<80xi32, #tpu.memory_space<vmem>>)
    %dma_start3A_371 = arith.constant 4 : i32
    %dma_start3A_372 = arith.constant 0 : i32
    %dma_start3A_373 = tpu.memref_slice %arg7[%dma_start3A_371, %dma_start3A_372] : memref<6x80xi32, #tpu.memory_space<vmem>> -> memref<1x80xi32, #tpu.memory_space<vmem>>
    %dma_start3A_374 = tpu.memref_squeeze %dma_start3A_373 : memref<1x80xi32, #tpu.memory_space<vmem>> -> memref<80xi32, #tpu.memory_space<vmem>>
    %dma_start3A_375 = arith.constant 0 : i32
    %dma_start3A_376 = arith.constant 0 : i32
    %dma_start3A_377 = tpu.memref_slice %arg2[%dma_start3A_375, %dma_start3A_376] : memref<10000x128xf32, #tpu.memory_space<hbm>> -> memref<10000x128xf32, #tpu.memory_space<hbm>>
    tpu.enqueue_indirect_dma source(%dma_start3A_377 : memref<10000x128xf32, #tpu.memory_space<hbm>>) target(%arg10 : memref<80x128xf32, #tpu.memory_space<vmem>>) offsets(%dma_start3A_374 : memref<80xi32, #tpu.memory_space<vmem>>) semaphore(%arg20 : memref<!tpu.dma_semaphore, #tpu.memory_space<semaphore_mem>>)
    %dma_wait3A_378 = arith.constant 2 : i32
    %dma_wait3A_379 = arith.constant 0 : i32
    %dma_wait3A_380 = tpu.memref_slice %arg7[%dma_wait3A_378, %dma_wait3A_379] : memref<6x80xi32, #tpu.memory_space<vmem>> -> memref<1x80xi32, #tpu.memory_space<vmem>>
    %dma_wait3A_381 = tpu.memref_squeeze %dma_wait3A_380 : memref<1x80xi32, #tpu.memory_space<vmem>> -> memref<80xi32, #tpu.memory_space<vmem>>
    %dma_wait3A_382 = arith.constant 0 : i32
    %dma_wait3A_383 = arith.constant 0 : i32
    %dma_wait3A_384 = tpu.memref_slice %arg2[%dma_wait3A_382, %dma_wait3A_383] : memref<10000x128xf32, #tpu.memory_space<hbm>> -> memref<10000x128xf32, #tpu.memory_space<hbm>>
    tpu.wait_indirect_dma semaphore(%arg21 : memref<!tpu.dma_semaphore, #tpu.memory_space<semaphore_mem>>) src(%dma_wait3A_384 : memref<10000x128xf32, #tpu.memory_space<hbm>>) dst(%arg11 : memref<80x128xf32, #tpu.memory_space<vmem>>)
    %dma_start3A_385 = arith.constant 122 : i32
    %dma_start3A_386 = arith.constant 0 : i32
    %dma_start3A_387 = tpu.memref_slice %arg8[%dma_start3A_385, %dma_start3A_386] : memref<125x80xi32, #tpu.memory_space<vmem>> -> memref<1x80xi32, #tpu.memory_space<vmem>>
    %dma_start3A_388 = tpu.memref_squeeze %dma_start3A_387 : memref<1x80xi32, #tpu.memory_space<vmem>> -> memref<80xi32, #tpu.memory_space<vmem>>
    %dma_start3A_389 = arith.constant 0 : i32
    %dma_start3A_390 = arith.constant 0 : i32
    %dma_start3A_391 = tpu.memref_slice %arg12[%dma_start3A_389, %dma_start3A_390] : memref<10240x128xf32, #tpu.memory_space<vmem_shared>> -> memref<10240x128xf32, #tpu.memory_space<vmem_shared>>
    tpu.enqueue_indirect_dma source(%arg11 : memref<80x128xf32, #tpu.memory_space<vmem>>) target(%dma_start3A_391 : memref<10240x128xf32, #tpu.memory_space<vmem_shared>>) offsets(%dma_start3A_388 : memref<80xi32, #tpu.memory_space<vmem>>) semaphore(%arg24 : memref<!tpu.dma_semaphore, #tpu.memory_space<semaphore_mem>>) {add = true}
    %dma_wait3A_392 = arith.constant 3 : i32
    %dma_wait3A_393 = arith.constant 0 : i32
    %dma_wait3A_394 = tpu.memref_slice %arg7[%dma_wait3A_392, %dma_wait3A_393] : memref<6x80xi32, #tpu.memory_space<vmem>> -> memref<1x80xi32, #tpu.memory_space<vmem>>
    %dma_wait3A_395 = tpu.memref_squeeze %dma_wait3A_394 : memref<1x80xi32, #tpu.memory_space<vmem>> -> memref<80xi32, #tpu.memory_space<vmem>>
    %dma_wait3A_396 = arith.constant 0 : i32
    %dma_wait3A_397 = arith.constant 0 : i32
    %dma_wait3A_398 = tpu.memref_slice %arg2[%dma_wait3A_396, %dma_wait3A_397] : memref<10000x128xf32, #tpu.memory_space<hbm>> -> memref<10000x128xf32, #tpu.memory_space<hbm>>
    tpu.wait_indirect_dma semaphore(%arg19 : memref<!tpu.dma_semaphore, #tpu.memory_space<semaphore_mem>>) src(%dma_wait3A_398 : memref<10000x128xf32, #tpu.memory_space<hbm>>) dst(%arg9 : memref<80x128xf32, #tpu.memory_space<vmem>>)
    %dma_start3A_399 = arith.constant 123 : i32
    %dma_start3A_400 = arith.constant 0 : i32
    %dma_start3A_401 = tpu.memref_slice %arg8[%dma_start3A_399, %dma_start3A_400] : memref<125x80xi32, #tpu.memory_space<vmem>> -> memref<1x80xi32, #tpu.memory_space<vmem>>
    %dma_start3A_402 = tpu.memref_squeeze %dma_start3A_401 : memref<1x80xi32, #tpu.memory_space<vmem>> -> memref<80xi32, #tpu.memory_space<vmem>>
    %dma_start3A_403 = arith.constant 0 : i32
    %dma_start3A_404 = arith.constant 0 : i32
    %dma_start3A_405 = tpu.memref_slice %arg12[%dma_start3A_403, %dma_start3A_404] : memref<10240x128xf32, #tpu.memory_space<vmem_shared>> -> memref<10240x128xf32, #tpu.memory_space<vmem_shared>>
    tpu.enqueue_indirect_dma source(%arg9 : memref<80x128xf32, #tpu.memory_space<vmem>>) target(%dma_start3A_405 : memref<10240x128xf32, #tpu.memory_space<vmem_shared>>) offsets(%dma_start3A_402 : memref<80xi32, #tpu.memory_space<vmem>>) semaphore(%arg22 : memref<!tpu.dma_semaphore, #tpu.memory_space<semaphore_mem>>) {add = true}
    %dma_wait3A_406 = arith.constant 4 : i32
    %dma_wait3A_407 = arith.constant 0 : i32
    %dma_wait3A_408 = tpu.memref_slice %arg7[%dma_wait3A_406, %dma_wait3A_407] : memref<6x80xi32, #tpu.memory_space<vmem>> -> memref<1x80xi32, #tpu.memory_space<vmem>>
    %dma_wait3A_409 = tpu.memref_squeeze %dma_wait3A_408 : memref<1x80xi32, #tpu.memory_space<vmem>> -> memref<80xi32, #tpu.memory_space<vmem>>
    %dma_wait3A_410 = arith.constant 0 : i32
    %dma_wait3A_411 = arith.constant 0 : i32
    %dma_wait3A_412 = tpu.memref_slice %arg2[%dma_wait3A_410, %dma_wait3A_411] : memref<10000x128xf32, #tpu.memory_space<hbm>> -> memref<10000x128xf32, #tpu.memory_space<hbm>>
    tpu.wait_indirect_dma semaphore(%arg20 : memref<!tpu.dma_semaphore, #tpu.memory_space<semaphore_mem>>) src(%dma_wait3A_412 : memref<10000x128xf32, #tpu.memory_space<hbm>>) dst(%arg10 : memref<80x128xf32, #tpu.memory_space<vmem>>)
    %dma_start3A_413 = arith.constant 124 : i32
    %dma_start3A_414 = arith.constant 0 : i32
    %dma_start3A_415 = tpu.memref_slice %arg8[%dma_start3A_413, %dma_start3A_414] : memref<125x80xi32, #tpu.memory_space<vmem>> -> memref<1x80xi32, #tpu.memory_space<vmem>>
    %dma_start3A_416 = tpu.memref_squeeze %dma_start3A_415 : memref<1x80xi32, #tpu.memory_space<vmem>> -> memref<80xi32, #tpu.memory_space<vmem>>
    %dma_start3A_417 = arith.constant 0 : i32
    %dma_start3A_418 = arith.constant 0 : i32
    %dma_start3A_419 = tpu.memref_slice %arg12[%dma_start3A_417, %dma_start3A_418] : memref<10240x128xf32, #tpu.memory_space<vmem_shared>> -> memref<10240x128xf32, #tpu.memory_space<vmem_shared>>
    tpu.enqueue_indirect_dma source(%arg10 : memref<80x128xf32, #tpu.memory_space<vmem>>) target(%dma_start3A_419 : memref<10240x128xf32, #tpu.memory_space<vmem_shared>>) offsets(%dma_start3A_416 : memref<80xi32, #tpu.memory_space<vmem>>) semaphore(%arg23 : memref<!tpu.dma_semaphore, #tpu.memory_space<semaphore_mem>>) {add = true}
    %dma_wait3A_420 = arith.constant 124 : i32
    %dma_wait3A_421 = arith.constant 0 : i32
    %dma_wait3A_422 = tpu.memref_slice %arg8[%dma_wait3A_420, %dma_wait3A_421] : memref<125x80xi32, #tpu.memory_space<vmem>> -> memref<1x80xi32, #tpu.memory_space<vmem>>
    %dma_wait3A_423 = tpu.memref_squeeze %dma_wait3A_422 : memref<1x80xi32, #tpu.memory_space<vmem>> -> memref<80xi32, #tpu.memory_space<vmem>>
    %dma_wait3A_424 = arith.constant 0 : i32
    %dma_wait3A_425 = arith.constant 0 : i32
    %dma_wait3A_426 = tpu.memref_slice %arg12[%dma_wait3A_424, %dma_wait3A_425] : memref<10240x128xf32, #tpu.memory_space<vmem_shared>> -> memref<10240x128xf32, #tpu.memory_space<vmem_shared>>
    tpu.wait_indirect_dma semaphore(%arg23 : memref<!tpu.dma_semaphore, #tpu.memory_space<semaphore_mem>>) src(%arg10 : memref<80x128xf32, #tpu.memory_space<vmem>>) dst(%dma_wait3A_426 : memref<10240x128xf32, #tpu.memory_space<vmem_shared>>)
    %dma_wait3A_427 = arith.constant 123 : i32
    %dma_wait3A_428 = arith.constant 0 : i32
    %dma_wait3A_429 = tpu.memref_slice %arg8[%dma_wait3A_427, %dma_wait3A_428] : memref<125x80xi32, #tpu.memory_space<vmem>> -> memref<1x80xi32, #tpu.memory_space<vmem>>
    %dma_wait3A_430 = tpu.memref_squeeze %dma_wait3A_429 : memref<1x80xi32, #tpu.memory_space<vmem>> -> memref<80xi32, #tpu.memory_space<vmem>>
    %dma_wait3A_431 = arith.constant 0 : i32
    %dma_wait3A_432 = arith.constant 0 : i32
    %dma_wait3A_433 = tpu.memref_slice %arg12[%dma_wait3A_431, %dma_wait3A_432] : memref<10240x128xf32, #tpu.memory_space<vmem_shared>> -> memref<10240x128xf32, #tpu.memory_space<vmem_shared>>
    tpu.wait_indirect_dma semaphore(%arg22 : memref<!tpu.dma_semaphore, #tpu.memory_space<semaphore_mem>>) src(%arg9 : memref<80x128xf32, #tpu.memory_space<vmem>>) dst(%dma_wait3A_433 : memref<10240x128xf32, #tpu.memory_space<vmem_shared>>)
    %dma_wait3A_434 = arith.constant 122 : i32
    %dma_wait3A_435 = arith.constant 0 : i32
    %dma_wait3A_436 = tpu.memref_slice %arg8[%dma_wait3A_434, %dma_wait3A_435] : memref<125x80xi32, #tpu.memory_space<vmem>> -> memref<1x80xi32, #tpu.memory_space<vmem>>
    %dma_wait3A_437 = tpu.memref_squeeze %dma_wait3A_436 : memref<1x80xi32, #tpu.memory_space<vmem>> -> memref<80xi32, #tpu.memory_space<vmem>>
    %dma_wait3A_438 = arith.constant 0 : i32
    %dma_wait3A_439 = arith.constant 0 : i32
    %dma_wait3A_440 = tpu.memref_slice %arg12[%dma_wait3A_438, %dma_wait3A_439] : memref<10240x128xf32, #tpu.memory_space<vmem_shared>> -> memref<10240x128xf32, #tpu.memory_space<vmem_shared>>
    tpu.wait_indirect_dma semaphore(%arg24 : memref<!tpu.dma_semaphore, #tpu.memory_space<semaphore_mem>>) src(%arg11 : memref<80x128xf32, #tpu.memory_space<vmem>>) dst(%dma_wait3A_440 : memref<10240x128xf32, #tpu.memory_space<vmem_shared>>)
    %barrier3A_441 = arith.constant 0 : index
    tpu.barrier barrier_id(%barrier3A_441)
    "tpu.region"() ({
      %run_scoped3A = tpu.sem_alloc : memref<!tpu.dma_semaphore, #tpu.memory_space<semaphore_mem>>
      %dma_start3A_442 = arith.constant 0 : i32
      %dma_start3A_443 = arith.constant 0 : i32
      %dma_start3A_444 = tpu.memref_slice %arg6[%arg0, %dma_start3A_442, %dma_start3A_443] : memref<2x10240x128xf32, #tpu.memory_space<hbm>> -> memref<1x10240x128xf32, #tpu.memory_space<hbm>>
      %dma_start3A_445 = tpu.memref_squeeze %dma_start3A_444 : memref<1x10240x128xf32, #tpu.memory_space<hbm>> -> memref<10240x128xf32, #tpu.memory_space<hbm>>
      %dma_start3A_446 = arith.constant 0 : i32
      %dma_start3A_447 = tpu.memref_slice %dma_start3A_445[%mul3A_2, %dma_start3A_446] : memref<10240x128xf32, #tpu.memory_space<hbm>> -> memref<640x128xf32, #tpu.memory_space<hbm>>
      %dma_start3A_448 = arith.constant 0 : i32
      %dma_start3A_449 = tpu.memref_slice %arg12[%mul3A_2, %dma_start3A_448] : memref<10240x128xf32, #tpu.memory_space<vmem_shared>> -> memref<640x128xf32, #tpu.memory_space<vmem_shared>>
      tpu.enqueue_dma source(%dma_start3A_449 : memref<640x128xf32, #tpu.memory_space<vmem_shared>>) target(%dma_start3A_447 : memref<640x128xf32, #tpu.memory_space<hbm>>) target_semaphore(%run_scoped3A : memref<!tpu.dma_semaphore, #tpu.memory_space<semaphore_mem>>)
      %dma_wait3A_450 = arith.constant 0 : i32
      %dma_wait3A_451 = arith.constant 0 : i32
      %dma_wait3A_452 = tpu.memref_slice %arg6[%arg0, %dma_wait3A_450, %dma_wait3A_451] : memref<2x10240x128xf32, #tpu.memory_space<hbm>> -> memref<1x10240x128xf32, #tpu.memory_space<hbm>>
      %dma_wait3A_453 = tpu.memref_squeeze %dma_wait3A_452 : memref<1x10240x128xf32, #tpu.memory_space<hbm>> -> memref<10240x128xf32, #tpu.memory_space<hbm>>
      %dma_wait3A_454 = arith.constant 0 : i32
      %dma_wait3A_455 = tpu.memref_slice %dma_wait3A_453[%mul3A_2, %dma_wait3A_454] : memref<10240x128xf32, #tpu.memory_space<hbm>> -> memref<640x128xf32, #tpu.memory_space<hbm>>
      %dma_wait3A_456 = arith.constant 0 : i32
      %dma_wait3A_457 = tpu.memref_slice %arg12[%mul3A_2, %dma_wait3A_456] : memref<10240x128xf32, #tpu.memory_space<vmem_shared>> -> memref<640x128xf32, #tpu.memory_space<vmem_shared>>
      tpu.wait_dma2 semaphore(%run_scoped3A : memref<!tpu.dma_semaphore, #tpu.memory_space<semaphore_mem>>) src(%dma_wait3A_457 : memref<640x128xf32, #tpu.memory_space<vmem_shared>>) dst(%dma_wait3A_455 : memref<640x128xf32, #tpu.memory_space<hbm>>)
      tpu.yield
    }) : () -> ()
    return
  }
}

module attributes {stable_mosaic.version = 14 : i64} {
  func.func @body(%arg0: i32, %arg1: memref<2x1000x128xf32, #tpu.memory_space<vmem>>, %arg2: memref<2x1000x128xf32, #tpu.memory_space<vmem>>, %arg3: memref<1000x128xf32, #tpu.memory_space<vmem>>, %arg4: memref<128x128xf32, #tpu.memory_space<vmem>>, %arg5: memref<128x128xf32, #tpu.memory_space<vmem>>, %arg6: memref<1x128xf32, #tpu.memory_space<vmem>>, %arg7: memref<1000x128xf32, #tpu.memory_space<vmem>>, %arg8: memref<8x128xf32, #tpu.memory_space<vmem>>, %arg9: memref<1000x1xf32, #tpu.memory_space<vmem>>) attributes {dimension_semantics = [#tpu.dimension_semantics<arbitrary>], iteration_bounds = array<i64: 10>, scalar_prefetch = 0 : i64, scratch_operands = 0 : i64, tpu.core_type = #tpu.core_type<tc>, window_params = [{transform_indices = @transform_0, window_bounds = array<i64: 2, 1000, 128>}, {transform_indices = @transform_1, window_bounds = array<i64: 2, 1000, 128>}, {transform_indices = @transform_2, window_bounds = array<i64: 1000, 128>}, {pipeline_mode = #tpu.pipeline_mode<synchronous>, transform_indices = @transform_3, window_bounds = array<i64: 128, 128>}, {pipeline_mode = #tpu.pipeline_mode<synchronous>, transform_indices = @transform_4, window_bounds = array<i64: 128, 128>}, {pipeline_mode = #tpu.pipeline_mode<synchronous>, transform_indices = @transform_5, window_bounds = array<i64: 1, 128>}, {transform_indices = @transform_6, window_bounds = array<i64: 1000, 128>}, {pipeline_mode = #tpu.pipeline_mode<synchronous>, transform_indices = @transform_7, window_bounds = array<i64: 8, 128>}, {transform_indices = @transform_8, window_bounds = array<i64: 1000, 1>}]} {
    %get3A = arith.constant 0 : index
    %get3A_0 = arith.constant 0 : index
    %get3A_1 = arith.constant 0 : index
    %get3A_2 = vector.load %arg1[%get3A, %get3A_0, %get3A_1] : memref<2x1000x128xf32, #tpu.memory_space<vmem>>, vector<1x1000x128xf32>
    %get3A_3 = vector.shape_cast %get3A_2 : vector<1x1000x128xf32> to vector<1000x128xf32>
    %get3A_4 = arith.constant 1 : index
    %get3A_5 = arith.constant 0 : index
    %get3A_6 = arith.constant 0 : index
    %get3A_7 = vector.load %arg1[%get3A_4, %get3A_5, %get3A_6] : memref<2x1000x128xf32, #tpu.memory_space<vmem>>, vector<1x1000x128xf32>
    %get3A_8 = vector.shape_cast %get3A_7 : vector<1x1000x128xf32> to vector<1000x128xf32>
    %add3A = arith.addf %get3A_3, %get3A_8 : vector<1000x128xf32>
    %get3A_9 = arith.constant 0 : index
    %get3A_10 = arith.constant 0 : index
    %get3A_11 = arith.constant 0 : index
    %get3A_12 = vector.load %arg2[%get3A_9, %get3A_10, %get3A_11] : memref<2x1000x128xf32, #tpu.memory_space<vmem>>, vector<1x1000x1xf32>
    %get3A_13 = vector.shape_cast %get3A_12 : vector<1x1000x1xf32> to vector<1000x1xf32>
    %get3A_14 = arith.constant 1 : index
    %get3A_15 = arith.constant 0 : index
    %get3A_16 = arith.constant 0 : index
    %get3A_17 = vector.load %arg2[%get3A_14, %get3A_15, %get3A_16] : memref<2x1000x128xf32, #tpu.memory_space<vmem>>, vector<1x1000x1xf32>
    %get3A_18 = vector.shape_cast %get3A_17 : vector<1x1000x1xf32> to vector<1000x1xf32>
    %add3A_19 = arith.addf %get3A_13, %get3A_18 : vector<1000x1xf32>
    %max3A = arith.constant 1.000000e+00 : f32
    %max3A_20 = vector.broadcast %max3A : f32 to vector<1000x1xf32>
    %max3A_21 = arith.maximumf %add3A_19, %max3A_20 : vector<1000x1xf32>
    %swap3A = arith.constant 0 : index
    %swap3A_22 = arith.constant 0 : index
    %swap3A_23 = vector.load %arg9[%swap3A, %swap3A_22] : memref<1000x1xf32, #tpu.memory_space<vmem>>, vector<1000x1xf32>
    tpu.vector_store %arg9[%swap3A, %swap3A_22], %max3A_21 {strides = array<i32>} : memref<1000x1xf32, #tpu.memory_space<vmem>>, vector<1000x1xf32>,
    %div3A = vector.broadcast %max3A_21 : vector<1000x1xf32> to vector<1000x128xf32>
    %div3A_24 = arith.divf %add3A, %div3A : vector<1000x128xf32>
    %get3A_25 = arith.constant 0 : index
    %get3A_26 = arith.constant 0 : index
    %get3A_27 = vector.load %arg4[%get3A_25, %get3A_26] : memref<128x128xf32, #tpu.memory_space<vmem>>, vector<128x128xf32>
    %dot_general3A = arith.constant dense<0.000000e+00> : vector<1000x128xf32>
    %dot_general3A_28 = tpu.matmul %div3A_24, %get3A_27, %dot_general3A {dimension_numbers = #tpu.dot_dimension_numbers<[1], [0], [0], [1], [0, 0, 1, 1], [], []>, transpose_lhs_hint = false} : vector<1000x128xf32>, vector<128x128xf32>, vector<1000x128xf32> -> vector<1000x128xf32>
    %get3A_29 = arith.constant 0 : index
    %get3A_30 = arith.constant 0 : index
    %get3A_31 = vector.load %arg3[%get3A_29, %get3A_30] : memref<1000x128xf32, #tpu.memory_space<vmem>>, vector<1000x128xf32>
    %get3A_32 = arith.constant 0 : index
    %get3A_33 = arith.constant 0 : index
    %get3A_34 = vector.load %arg5[%get3A_32, %get3A_33] : memref<128x128xf32, #tpu.memory_space<vmem>>, vector<128x128xf32>
    %dot_general3A_35 = arith.constant dense<0.000000e+00> : vector<1000x128xf32>
    %dot_general3A_36 = tpu.matmul %get3A_31, %get3A_34, %dot_general3A_35 {dimension_numbers = #tpu.dot_dimension_numbers<[1], [0], [0], [1], [0, 0, 1, 1], [], []>, transpose_lhs_hint = false} : vector<1000x128xf32>, vector<128x128xf32>, vector<1000x128xf32> -> vector<1000x128xf32>
    %add3A_37 = arith.addf %dot_general3A_28, %dot_general3A_36 : vector<1000x128xf32>
    %get3A_38 = arith.constant 0 : index
    %get3A_39 = arith.constant 0 : index
    %get3A_40 = vector.load %arg6[%get3A_38, %get3A_39] : memref<1x128xf32, #tpu.memory_space<vmem>>, vector<1x128xf32>
    %add3A_41 = vector.broadcast %get3A_40 : vector<1x128xf32> to vector<1000x128xf32>
    %add3A_42 = arith.addf %add3A_37, %add3A_41 : vector<1000x128xf32>
    %swap3A_43 = arith.constant 0 : index
    %swap3A_44 = arith.constant 0 : index
    %swap3A_45 = vector.load %arg7[%swap3A_43, %swap3A_44] : memref<1000x128xf32, #tpu.memory_space<vmem>>, vector<1000x128xf32>
    tpu.vector_store %arg7[%swap3A_43, %swap3A_44], %add3A_42 {strides = array<i32>} : memref<1000x128xf32, #tpu.memory_space<vmem>>, vector<1000x128xf32>,
    %eq3A = arith.constant 0 : i32
    %eq3A_46 = arith.cmpi eq, %arg0, %eq3A : i32
    %convert_element_type3A = arith.extui %eq3A_46 : i1 to i32
    %cond3A = arith.constant 0 : i32
    %cond3A_47 = arith.cmpi ne, %convert_element_type3A, %cond3A : i32
    scf.if %cond3A_47 {
      %broadcast_in_dim3A_66 = arith.constant 0.000000e+00 : f32
      %broadcast_in_dim3A_67 = vector.broadcast %broadcast_in_dim3A_66 : f32 to vector<8x128xf32>
      %swap3A_68 = arith.constant 0 : index
      %swap3A_69 = arith.constant 0 : index
      %swap3A_70 = vector.load %arg8[%swap3A_68, %swap3A_69] : memref<8x128xf32, #tpu.memory_space<vmem>>, vector<8x128xf32>
      tpu.vector_store %arg8[%swap3A_68, %swap3A_69], %broadcast_in_dim3A_67 {strides = array<i32>} : memref<8x128xf32, #tpu.memory_space<vmem>>, vector<8x128xf32>,
    } else {
    }
    %get3A_48 = arith.constant 0 : index
    %get3A_49 = arith.constant 0 : index
    %get3A_50 = vector.load %arg8[%get3A_48, %get3A_49] : memref<8x128xf32, #tpu.memory_space<vmem>>, vector<1x128xf32>
    %reduce_sum3A = arith.constant dense<0.000000e+00> : vector<128xf32>
    %reduce_sum3A_51 = vector.multi_reduction <add>, %add3A_42, %reduce_sum3A [0] : vector<1000x128xf32> to vector<128xf32>
    %broadcast_in_dim3A = vector.shape_cast %reduce_sum3A_51 : vector<128xf32> to vector<1x128xf32>
    %add3A_52 = arith.addf %get3A_50, %broadcast_in_dim3A : vector<1x128xf32>
    %swap3A_53 = arith.constant 0 : index
    %swap3A_54 = arith.constant 0 : index
    %swap3A_55 = vector.load %arg8[%swap3A_53, %swap3A_54] : memref<8x128xf32, #tpu.memory_space<vmem>>, vector<1x128xf32>
    tpu.vector_store %arg8[%swap3A_53, %swap3A_54], %add3A_52 {strides = array<i32>} : memref<8x128xf32, #tpu.memory_space<vmem>>, vector<1x128xf32>,
    %get3A_56 = arith.constant 1 : index
    %get3A_57 = arith.constant 0 : index
    %get3A_58 = vector.load %arg8[%get3A_56, %get3A_57] : memref<8x128xf32, #tpu.memory_space<vmem>>, vector<1x128xf32>
    %mul3A = arith.mulf %add3A_42, %add3A_42 : vector<1000x128xf32>
    %reduce_sum3A_59 = arith.constant dense<0.000000e+00> : vector<128xf32>
    %reduce_sum3A_60 = vector.multi_reduction <add>, %mul3A, %reduce_sum3A_59 [0] : vector<1000x128xf32> to vector<128xf32>
    %broadcast_in_dim3A_61 = vector.shape_cast %reduce_sum3A_60 : vector<128xf32> to vector<1x128xf32>
    %add3A_62 = arith.addf %get3A_58, %broadcast_in_dim3A_61 : vector<1x128xf32>
    %swap3A_63 = arith.constant 1 : index
    %swap3A_64 = arith.constant 0 : index
    %swap3A_65 = vector.load %arg8[%swap3A_63, %swap3A_64] : memref<8x128xf32, #tpu.memory_space<vmem>>, vector<1x128xf32>
    tpu.vector_store %arg8[%swap3A_63, %swap3A_64], %add3A_62 {strides = array<i32>} : memref<8x128xf32, #tpu.memory_space<vmem>>, vector<1x128xf32>,
    return
  }
  func.func @transform_0(%arg0: i32) -> (i32, i32, i32) {
    %c0_i32 = arith.constant 0 : i32
    %c0_i32_0 = arith.constant 0 : i32
    %c0_i32_1 = arith.constant 0 : i32
    return %c0_i32, %arg0, %c0_i32_0 : i32, i32, i32
  }
  func.func @transform_1(%arg0: i32) -> (i32, i32, i32) {
    %c0_i32 = arith.constant 0 : i32
    %c0_i32_0 = arith.constant 0 : i32
    %c0_i32_1 = arith.constant 0 : i32
    return %c0_i32, %arg0, %c0_i32_0 : i32, i32, i32
  }
  func.func @transform_2(%arg0: i32) -> (i32, i32) {
    %c0_i32 = arith.constant 0 : i32
    %c0_i32_0 = arith.constant 0 : i32
    return %arg0, %c0_i32 : i32, i32
  }
  func.func @transform_3(%arg0: i32) -> (i32, i32) {
    %c0_i32 = arith.constant 0 : i32
    %c0_i32_0 = arith.constant 0 : i32
    %c0_i32_1 = arith.constant 0 : i32
    return %c0_i32, %c0_i32_0 : i32, i32
  }
  func.func @transform_4(%arg0: i32) -> (i32, i32) {
    %c0_i32 = arith.constant 0 : i32
    %c0_i32_0 = arith.constant 0 : i32
    %c0_i32_1 = arith.constant 0 : i32
    return %c0_i32, %c0_i32_0 : i32, i32
  }
  func.func @transform_5(%arg0: i32) -> (i32, i32) {
    %c0_i32 = arith.constant 0 : i32
    %c0_i32_0 = arith.constant 0 : i32
    %c0_i32_1 = arith.constant 0 : i32
    return %c0_i32, %c0_i32_0 : i32, i32
  }
  func.func @transform_6(%arg0: i32) -> (i32, i32) {
    %c0_i32 = arith.constant 0 : i32
    %c0_i32_0 = arith.constant 0 : i32
    return %arg0, %c0_i32 : i32, i32
  }
  func.func @transform_7(%arg0: i32) -> (i32, i32) {
    %c0_i32 = arith.constant 0 : i32
    %c0_i32_0 = arith.constant 0 : i32
    %c0_i32_1 = arith.constant 0 : i32
    return %c0_i32, %c0_i32_0 : i32, i32
  }
  func.func @transform_8(%arg0: i32) -> (i32, i32) {
    %c0_i32 = arith.constant 0 : i32
    %c0_i32_0 = arith.constant 0 : i32
    return %arg0, %c0_i32 : i32, i32
  }
}

module attributes {stable_mosaic.version = 14 : i64} {
  func.func @body(%arg0: i32, %arg1: memref<1000x128xf32, #tpu.memory_space<vmem>>, %arg2: memref<8x128xf32, #tpu.memory_space<vmem>>, %arg3: memref<1x128xf32, #tpu.memory_space<vmem>>, %arg4: memref<1x128xf32, #tpu.memory_space<vmem>>, %arg5: memref<1000x128xf32, #tpu.memory_space<vmem>>) attributes {dimension_semantics = [#tpu.dimension_semantics<arbitrary>], iteration_bounds = array<i64: 10>, scalar_prefetch = 0 : i64, scratch_operands = 0 : i64, tpu.core_type = #tpu.core_type<tc>, window_params = [{transform_indices = @transform_0, window_bounds = array<i64: 1000, 128>}, {pipeline_mode = #tpu.pipeline_mode<synchronous>, transform_indices = @transform_1, window_bounds = array<i64: 8, 128>}, {pipeline_mode = #tpu.pipeline_mode<synchronous>, transform_indices = @transform_2, window_bounds = array<i64: 1, 128>}, {pipeline_mode = #tpu.pipeline_mode<synchronous>, transform_indices = @transform_3, window_bounds = array<i64: 1, 128>}, {transform_indices = @transform_4, window_bounds = array<i64: 1000, 128>}]} {
    %get3A = arith.constant 0 : index
    %get3A_0 = arith.constant 0 : index
    %get3A_1 = vector.load %arg2[%get3A, %get3A_0] : memref<8x128xf32, #tpu.memory_space<vmem>>, vector<1x128xf32>
    %mul3A = arith.constant 9.99999974E-5 : f32
    %mul3A_2 = vector.broadcast %mul3A : f32 to vector<1x128xf32>
    %mul3A_3 = arith.mulf %get3A_1, %mul3A_2 : vector<1x128xf32>
    %get3A_4 = arith.constant 1 : index
    %get3A_5 = arith.constant 0 : index
    %get3A_6 = vector.load %arg2[%get3A_4, %get3A_5] : memref<8x128xf32, #tpu.memory_space<vmem>>, vector<1x128xf32>
    %mul3A_7 = arith.constant 9.99999974E-5 : f32
    %mul3A_8 = vector.broadcast %mul3A_7 : f32 to vector<1x128xf32>
    %mul3A_9 = arith.mulf %get3A_6, %mul3A_8 : vector<1x128xf32>
    %mul3A_10 = arith.mulf %mul3A_3, %mul3A_3 : vector<1x128xf32>
    %sub3A = arith.subf %mul3A_9, %mul3A_10 : vector<1x128xf32>
    %add3A = arith.constant 9.99999974E-6 : f32
    %add3A_11 = vector.broadcast %add3A : f32 to vector<1x128xf32>
    %add3A_12 = arith.addf %sub3A, %add3A_11 : vector<1x128xf32>
    %rsqrt3A = math.rsqrt %add3A_12 : vector<1x128xf32>
    %get3A_13 = arith.constant 0 : index
    %get3A_14 = arith.constant 0 : index
    %get3A_15 = vector.load %arg1[%get3A_13, %get3A_14] : memref<1000x128xf32, #tpu.memory_space<vmem>>, vector<1000x128xf32>
    %sub3A_16 = vector.broadcast %mul3A_3 : vector<1x128xf32> to vector<1000x128xf32>
    %sub3A_17 = arith.subf %get3A_15, %sub3A_16 : vector<1000x128xf32>
    %get3A_18 = arith.constant 0 : index
    %get3A_19 = arith.constant 0 : index
    %get3A_20 = vector.load %arg3[%get3A_18, %get3A_19] : memref<1x128xf32, #tpu.memory_space<vmem>>, vector<1x128xf32>
    %mul3A_21 = arith.mulf %rsqrt3A, %get3A_20 : vector<1x128xf32>
    %mul3A_22 = vector.broadcast %mul3A_21 : vector<1x128xf32> to vector<1000x128xf32>
    %mul3A_23 = arith.mulf %sub3A_17, %mul3A_22 : vector<1000x128xf32>
    %get3A_24 = arith.constant 0 : index
    %get3A_25 = arith.constant 0 : index
    %get3A_26 = vector.load %arg4[%get3A_24, %get3A_25] : memref<1x128xf32, #tpu.memory_space<vmem>>, vector<1x128xf32>
    %add3A_27 = vector.broadcast %get3A_26 : vector<1x128xf32> to vector<1000x128xf32>
    %add3A_28 = arith.addf %mul3A_23, %add3A_27 : vector<1000x128xf32>
    %max3A = arith.constant 0.000000e+00 : f32
    %max3A_29 = vector.broadcast %max3A : f32 to vector<1000x128xf32>
    %max3A_30 = arith.maximumf %add3A_28, %max3A_29 : vector<1000x128xf32>
    %swap3A = arith.constant 0 : index
    %swap3A_31 = arith.constant 0 : index
    %swap3A_32 = vector.load %arg5[%swap3A, %swap3A_31] : memref<1000x128xf32, #tpu.memory_space<vmem>>, vector<1000x128xf32>
    tpu.vector_store %arg5[%swap3A, %swap3A_31], %max3A_30 {strides = array<i32>} : memref<1000x128xf32, #tpu.memory_space<vmem>>, vector<1000x128xf32>,
    return
  }
  func.func @transform_0(%arg0: i32) -> (i32, i32) {
    %c0_i32 = arith.constant 0 : i32
    %c0_i32_0 = arith.constant 0 : i32
    return %arg0, %c0_i32 : i32, i32
  }
  func.func @transform_1(%arg0: i32) -> (i32, i32) {
    %c0_i32 = arith.constant 0 : i32
    %c0_i32_0 = arith.constant 0 : i32
    %c0_i32_1 = arith.constant 0 : i32
    return %c0_i32, %c0_i32_0 : i32, i32
  }
  func.func @transform_2(%arg0: i32) -> (i32, i32) {
    %c0_i32 = arith.constant 0 : i32
    %c0_i32_0 = arith.constant 0 : i32
    %c0_i32_1 = arith.constant 0 : i32
    return %c0_i32, %c0_i32_0 : i32, i32
  }
  func.func @transform_3(%arg0: i32) -> (i32, i32) {
    %c0_i32 = arith.constant 0 : i32
    %c0_i32_0 = arith.constant 0 : i32
    %c0_i32_1 = arith.constant 0 : i32
    return %c0_i32, %c0_i32_0 : i32, i32
  }
  func.func @transform_4(%arg0: i32) -> (i32, i32) {
    %c0_i32 = arith.constant 0 : i32
    %c0_i32_0 = arith.constant 0 : i32
    return %arg0, %c0_i32 : i32, i32
  }
}

module attributes {stable_mosaic.version = 14 : i64} {
  func.func @body(%arg0: i32, %arg1: memref<2x1000x128xf32, #tpu.memory_space<vmem>>, %arg2: memref<1000x1xf32, #tpu.memory_space<vmem>>, %arg3: memref<1000x128xf32, #tpu.memory_space<vmem>>, %arg4: memref<128x128xf32, #tpu.memory_space<vmem>>, %arg5: memref<128x128xf32, #tpu.memory_space<vmem>>, %arg6: memref<1x128xf32, #tpu.memory_space<vmem>>, %arg7: memref<1000x128xf32, #tpu.memory_space<vmem>>, %arg8: memref<8x128xf32, #tpu.memory_space<vmem>>) attributes {dimension_semantics = [#tpu.dimension_semantics<arbitrary>], iteration_bounds = array<i64: 10>, scalar_prefetch = 0 : i64, scratch_operands = 0 : i64, tpu.core_type = #tpu.core_type<tc>, window_params = [{transform_indices = @transform_0, window_bounds = array<i64: 2, 1000, 128>}, {transform_indices = @transform_1, window_bounds = array<i64: 1000, 1>}, {transform_indices = @transform_2, window_bounds = array<i64: 1000, 128>}, {pipeline_mode = #tpu.pipeline_mode<synchronous>, transform_indices = @transform_3, window_bounds = array<i64: 128, 128>}, {pipeline_mode = #tpu.pipeline_mode<synchronous>, transform_indices = @transform_4, window_bounds = array<i64: 128, 128>}, {pipeline_mode = #tpu.pipeline_mode<synchronous>, transform_indices = @transform_5, window_bounds = array<i64: 1, 128>}, {transform_indices = @transform_6, window_bounds = array<i64: 1000, 128>}, {pipeline_mode = #tpu.pipeline_mode<synchronous>, transform_indices = @transform_7, window_bounds = array<i64: 8, 128>}]} {
    %get3A = arith.constant 0 : index
    %get3A_0 = arith.constant 0 : index
    %get3A_1 = arith.constant 0 : index
    %get3A_2 = vector.load %arg1[%get3A, %get3A_0, %get3A_1] : memref<2x1000x128xf32, #tpu.memory_space<vmem>>, vector<1x1000x128xf32>
    %get3A_3 = vector.shape_cast %get3A_2 : vector<1x1000x128xf32> to vector<1000x128xf32>
    %get3A_4 = arith.constant 1 : index
    %get3A_5 = arith.constant 0 : index
    %get3A_6 = arith.constant 0 : index
    %get3A_7 = vector.load %arg1[%get3A_4, %get3A_5, %get3A_6] : memref<2x1000x128xf32, #tpu.memory_space<vmem>>, vector<1x1000x128xf32>
    %get3A_8 = vector.shape_cast %get3A_7 : vector<1x1000x128xf32> to vector<1000x128xf32>
    %add3A = arith.addf %get3A_3, %get3A_8 : vector<1000x128xf32>
    %get3A_9 = arith.constant 0 : index
    %get3A_10 = arith.constant 0 : index
    %get3A_11 = vector.load %arg2[%get3A_9, %get3A_10] : memref<1000x1xf32, #tpu.memory_space<vmem>>, vector<1000x1xf32>
    %div3A = vector.broadcast %get3A_11 : vector<1000x1xf32> to vector<1000x128xf32>
    %div3A_12 = arith.divf %add3A, %div3A : vector<1000x128xf32>
    %get3A_13 = arith.constant 0 : index
    %get3A_14 = arith.constant 0 : index
    %get3A_15 = vector.load %arg4[%get3A_13, %get3A_14] : memref<128x128xf32, #tpu.memory_space<vmem>>, vector<128x128xf32>
    %dot_general3A = arith.constant dense<0.000000e+00> : vector<1000x128xf32>
    %dot_general3A_16 = tpu.matmul %div3A_12, %get3A_15, %dot_general3A {dimension_numbers = #tpu.dot_dimension_numbers<[1], [0], [0], [1], [0, 0, 1, 1], [], []>, transpose_lhs_hint = false} : vector<1000x128xf32>, vector<128x128xf32>, vector<1000x128xf32> -> vector<1000x128xf32>
    %get3A_17 = arith.constant 0 : index
    %get3A_18 = arith.constant 0 : index
    %get3A_19 = vector.load %arg3[%get3A_17, %get3A_18] : memref<1000x128xf32, #tpu.memory_space<vmem>>, vector<1000x128xf32>
    %get3A_20 = arith.constant 0 : index
    %get3A_21 = arith.constant 0 : index
    %get3A_22 = vector.load %arg5[%get3A_20, %get3A_21] : memref<128x128xf32, #tpu.memory_space<vmem>>, vector<128x128xf32>
    %dot_general3A_23 = arith.constant dense<0.000000e+00> : vector<1000x128xf32>
    %dot_general3A_24 = tpu.matmul %get3A_19, %get3A_22, %dot_general3A_23 {dimension_numbers = #tpu.dot_dimension_numbers<[1], [0], [0], [1], [0, 0, 1, 1], [], []>, transpose_lhs_hint = false} : vector<1000x128xf32>, vector<128x128xf32>, vector<1000x128xf32> -> vector<1000x128xf32>
    %add3A_25 = arith.addf %dot_general3A_16, %dot_general3A_24 : vector<1000x128xf32>
    %get3A_26 = arith.constant 0 : index
    %get3A_27 = arith.constant 0 : index
    %get3A_28 = vector.load %arg6[%get3A_26, %get3A_27] : memref<1x128xf32, #tpu.memory_space<vmem>>, vector<1x128xf32>
    %add3A_29 = vector.broadcast %get3A_28 : vector<1x128xf32> to vector<1000x128xf32>
    %add3A_30 = arith.addf %add3A_25, %add3A_29 : vector<1000x128xf32>
    %swap3A = arith.constant 0 : index
    %swap3A_31 = arith.constant 0 : index
    %swap3A_32 = vector.load %arg7[%swap3A, %swap3A_31] : memref<1000x128xf32, #tpu.memory_space<vmem>>, vector<1000x128xf32>
    tpu.vector_store %arg7[%swap3A, %swap3A_31], %add3A_30 {strides = array<i32>} : memref<1000x128xf32, #tpu.memory_space<vmem>>, vector<1000x128xf32>,
    %eq3A = arith.constant 0 : i32
    %eq3A_33 = arith.cmpi eq, %arg0, %eq3A : i32
    %convert_element_type3A = arith.extui %eq3A_33 : i1 to i32
    %cond3A = arith.constant 0 : i32
    %cond3A_34 = arith.cmpi ne, %convert_element_type3A, %cond3A : i32
    scf.if %cond3A_34 {
      %broadcast_in_dim3A_53 = arith.constant 0.000000e+00 : f32
      %broadcast_in_dim3A_54 = vector.broadcast %broadcast_in_dim3A_53 : f32 to vector<8x128xf32>
      %swap3A_55 = arith.constant 0 : index
      %swap3A_56 = arith.constant 0 : index
      %swap3A_57 = vector.load %arg8[%swap3A_55, %swap3A_56] : memref<8x128xf32, #tpu.memory_space<vmem>>, vector<8x128xf32>
      tpu.vector_store %arg8[%swap3A_55, %swap3A_56], %broadcast_in_dim3A_54 {strides = array<i32>} : memref<8x128xf32, #tpu.memory_space<vmem>>, vector<8x128xf32>,
    } else {
    }
    %get3A_35 = arith.constant 0 : index
    %get3A_36 = arith.constant 0 : index
    %get3A_37 = vector.load %arg8[%get3A_35, %get3A_36] : memref<8x128xf32, #tpu.memory_space<vmem>>, vector<1x128xf32>
    %reduce_sum3A = arith.constant dense<0.000000e+00> : vector<128xf32>
    %reduce_sum3A_38 = vector.multi_reduction <add>, %add3A_30, %reduce_sum3A [0] : vector<1000x128xf32> to vector<128xf32>
    %broadcast_in_dim3A = vector.shape_cast %reduce_sum3A_38 : vector<128xf32> to vector<1x128xf32>
    %add3A_39 = arith.addf %get3A_37, %broadcast_in_dim3A : vector<1x128xf32>
    %swap3A_40 = arith.constant 0 : index
    %swap3A_41 = arith.constant 0 : index
    %swap3A_42 = vector.load %arg8[%swap3A_40, %swap3A_41] : memref<8x128xf32, #tpu.memory_space<vmem>>, vector<1x128xf32>
    tpu.vector_store %arg8[%swap3A_40, %swap3A_41], %add3A_39 {strides = array<i32>} : memref<8x128xf32, #tpu.memory_space<vmem>>, vector<1x128xf32>,
    %get3A_43 = arith.constant 1 : index
    %get3A_44 = arith.constant 0 : index
    %get3A_45 = vector.load %arg8[%get3A_43, %get3A_44] : memref<8x128xf32, #tpu.memory_space<vmem>>, vector<1x128xf32>
    %mul3A = arith.mulf %add3A_30, %add3A_30 : vector<1000x128xf32>
    %reduce_sum3A_46 = arith.constant dense<0.000000e+00> : vector<128xf32>
    %reduce_sum3A_47 = vector.multi_reduction <add>, %mul3A, %reduce_sum3A_46 [0] : vector<1000x128xf32> to vector<128xf32>
    %broadcast_in_dim3A_48 = vector.shape_cast %reduce_sum3A_47 : vector<128xf32> to vector<1x128xf32>
    %add3A_49 = arith.addf %get3A_45, %broadcast_in_dim3A_48 : vector<1x128xf32>
    %swap3A_50 = arith.constant 1 : index
    %swap3A_51 = arith.constant 0 : index
    %swap3A_52 = vector.load %arg8[%swap3A_50, %swap3A_51] : memref<8x128xf32, #tpu.memory_space<vmem>>, vector<1x128xf32>
    tpu.vector_store %arg8[%swap3A_50, %swap3A_51], %add3A_49 {strides = array<i32>} : memref<8x128xf32, #tpu.memory_space<vmem>>, vector<1x128xf32>,
    return
  }
  func.func @transform_0(%arg0: i32) -> (i32, i32, i32) {
    %c0_i32 = arith.constant 0 : i32
    %c0_i32_0 = arith.constant 0 : i32
    %c0_i32_1 = arith.constant 0 : i32
    return %c0_i32, %arg0, %c0_i32_0 : i32, i32, i32
  }
  func.func @transform_1(%arg0: i32) -> (i32, i32) {
    %c0_i32 = arith.constant 0 : i32
    %c0_i32_0 = arith.constant 0 : i32
    return %arg0, %c0_i32 : i32, i32
  }
  func.func @transform_2(%arg0: i32) -> (i32, i32) {
    %c0_i32 = arith.constant 0 : i32
    %c0_i32_0 = arith.constant 0 : i32
    return %arg0, %c0_i32 : i32, i32
  }
  func.func @transform_3(%arg0: i32) -> (i32, i32) {
    %c0_i32 = arith.constant 0 : i32
    %c0_i32_0 = arith.constant 0 : i32
    %c0_i32_1 = arith.constant 0 : i32
    return %c0_i32, %c0_i32_0 : i32, i32
  }
  func.func @transform_4(%arg0: i32) -> (i32, i32) {
    %c0_i32 = arith.constant 0 : i32
    %c0_i32_0 = arith.constant 0 : i32
    %c0_i32_1 = arith.constant 0 : i32
    return %c0_i32, %c0_i32_0 : i32, i32
  }
  func.func @transform_5(%arg0: i32) -> (i32, i32) {
    %c0_i32 = arith.constant 0 : i32
    %c0_i32_0 = arith.constant 0 : i32
    %c0_i32_1 = arith.constant 0 : i32
    return %c0_i32, %c0_i32_0 : i32, i32
  }
  func.func @transform_6(%arg0: i32) -> (i32, i32) {
    %c0_i32 = arith.constant 0 : i32
    %c0_i32_0 = arith.constant 0 : i32
    return %arg0, %c0_i32 : i32, i32
  }
  func.func @transform_7(%arg0: i32) -> (i32, i32) {
    %c0_i32 = arith.constant 0 : i32
    %c0_i32_0 = arith.constant 0 : i32
    %c0_i32_1 = arith.constant 0 : i32
    return %c0_i32, %c0_i32_0 : i32, i32
  }
}

module attributes {stable_mosaic.version = 14 : i64} {
  func.func @body(%arg0: i32, %arg1: memref<1000x128xf32, #tpu.memory_space<vmem>>, %arg2: memref<8x128xf32, #tpu.memory_space<vmem>>, %arg3: memref<1x128xf32, #tpu.memory_space<vmem>>, %arg4: memref<1x128xf32, #tpu.memory_space<vmem>>, %arg5: memref<1000x128xf32, #tpu.memory_space<vmem>>) attributes {dimension_semantics = [#tpu.dimension_semantics<arbitrary>], iteration_bounds = array<i64: 10>, scalar_prefetch = 0 : i64, scratch_operands = 0 : i64, tpu.core_type = #tpu.core_type<tc>, window_params = [{transform_indices = @transform_0, window_bounds = array<i64: 1000, 128>}, {pipeline_mode = #tpu.pipeline_mode<synchronous>, transform_indices = @transform_1, window_bounds = array<i64: 8, 128>}, {pipeline_mode = #tpu.pipeline_mode<synchronous>, transform_indices = @transform_2, window_bounds = array<i64: 1, 128>}, {pipeline_mode = #tpu.pipeline_mode<synchronous>, transform_indices = @transform_3, window_bounds = array<i64: 1, 128>}, {transform_indices = @transform_4, window_bounds = array<i64: 1000, 128>}]} {
    %get3A = arith.constant 0 : index
    %get3A_0 = arith.constant 0 : index
    %get3A_1 = vector.load %arg2[%get3A, %get3A_0] : memref<8x128xf32, #tpu.memory_space<vmem>>, vector<1x128xf32>
    %mul3A = arith.constant 9.99999974E-5 : f32
    %mul3A_2 = vector.broadcast %mul3A : f32 to vector<1x128xf32>
    %mul3A_3 = arith.mulf %get3A_1, %mul3A_2 : vector<1x128xf32>
    %get3A_4 = arith.constant 1 : index
    %get3A_5 = arith.constant 0 : index
    %get3A_6 = vector.load %arg2[%get3A_4, %get3A_5] : memref<8x128xf32, #tpu.memory_space<vmem>>, vector<1x128xf32>
    %mul3A_7 = arith.constant 9.99999974E-5 : f32
    %mul3A_8 = vector.broadcast %mul3A_7 : f32 to vector<1x128xf32>
    %mul3A_9 = arith.mulf %get3A_6, %mul3A_8 : vector<1x128xf32>
    %mul3A_10 = arith.mulf %mul3A_3, %mul3A_3 : vector<1x128xf32>
    %sub3A = arith.subf %mul3A_9, %mul3A_10 : vector<1x128xf32>
    %add3A = arith.constant 9.99999974E-6 : f32
    %add3A_11 = vector.broadcast %add3A : f32 to vector<1x128xf32>
    %add3A_12 = arith.addf %sub3A, %add3A_11 : vector<1x128xf32>
    %rsqrt3A = math.rsqrt %add3A_12 : vector<1x128xf32>
    %get3A_13 = arith.constant 0 : index
    %get3A_14 = arith.constant 0 : index
    %get3A_15 = vector.load %arg1[%get3A_13, %get3A_14] : memref<1000x128xf32, #tpu.memory_space<vmem>>, vector<1000x128xf32>
    %sub3A_16 = vector.broadcast %mul3A_3 : vector<1x128xf32> to vector<1000x128xf32>
    %sub3A_17 = arith.subf %get3A_15, %sub3A_16 : vector<1000x128xf32>
    %get3A_18 = arith.constant 0 : index
    %get3A_19 = arith.constant 0 : index
    %get3A_20 = vector.load %arg3[%get3A_18, %get3A_19] : memref<1x128xf32, #tpu.memory_space<vmem>>, vector<1x128xf32>
    %mul3A_21 = arith.mulf %rsqrt3A, %get3A_20 : vector<1x128xf32>
    %mul3A_22 = vector.broadcast %mul3A_21 : vector<1x128xf32> to vector<1000x128xf32>
    %mul3A_23 = arith.mulf %sub3A_17, %mul3A_22 : vector<1000x128xf32>
    %get3A_24 = arith.constant 0 : index
    %get3A_25 = arith.constant 0 : index
    %get3A_26 = vector.load %arg4[%get3A_24, %get3A_25] : memref<1x128xf32, #tpu.memory_space<vmem>>, vector<1x128xf32>
    %add3A_27 = vector.broadcast %get3A_26 : vector<1x128xf32> to vector<1000x128xf32>
    %add3A_28 = arith.addf %mul3A_23, %add3A_27 : vector<1000x128xf32>
    %swap3A = arith.constant 0 : index
    %swap3A_29 = arith.constant 0 : index
    %swap3A_30 = vector.load %arg5[%swap3A, %swap3A_29] : memref<1000x128xf32, #tpu.memory_space<vmem>>, vector<1000x128xf32>
    tpu.vector_store %arg5[%swap3A, %swap3A_29], %add3A_28 {strides = array<i32>} : memref<1000x128xf32, #tpu.memory_space<vmem>>, vector<1000x128xf32>,
    return
  }
  func.func @transform_0(%arg0: i32) -> (i32, i32) {
    %c0_i32 = arith.constant 0 : i32
    %c0_i32_0 = arith.constant 0 : i32
    return %arg0, %c0_i32 : i32, i32
  }
  func.func @transform_1(%arg0: i32) -> (i32, i32) {
    %c0_i32 = arith.constant 0 : i32
    %c0_i32_0 = arith.constant 0 : i32
    %c0_i32_1 = arith.constant 0 : i32
    return %c0_i32, %c0_i32_0 : i32, i32
  }
  func.func @transform_2(%arg0: i32) -> (i32, i32) {
    %c0_i32 = arith.constant 0 : i32
    %c0_i32_0 = arith.constant 0 : i32
    %c0_i32_1 = arith.constant 0 : i32
    return %c0_i32, %c0_i32_0 : i32, i32
  }
  func.func @transform_3(%arg0: i32) -> (i32, i32) {
    %c0_i32 = arith.constant 0 : i32
    %c0_i32_0 = arith.constant 0 : i32
    %c0_i32_1 = arith.constant 0 : i32
    return %c0_i32, %c0_i32_0 : i32, i32
  }
  func.func @transform_4(%arg0: i32) -> (i32, i32) {
    %c0_i32 = arith.constant 0 : i32
    %c0_i32_0 = arith.constant 0 : i32
    return %arg0, %c0_i32 : i32, i32
  }
}

</mosaic_0001>

<sc_bundles>
// kernel: kernel.12.cloned.1.call-start
scs
__scs_entry_jumppad:
0x0: {  	(pc) =	sbr.rel $0x88, $3  }
0x1: {  	(tag) =	ssettag $0x0;
	lr =	simm.s32 $0x1  }
0x2: {  	[smem:$0x3F95] =	sst lr;
	_ =	strace $0xD0000000  }
0x3: {  	_ = 	snop  }
0x4: {  	_ = 	snop  }
0x5: {  	_ = 	snop  }
0x6: {  	_ = 	snop  }
0x7: {  	_ = 	snop  }
__scs_overlays_trampoline_lowered:
0x8: {  	[smem:$0x3FA4] =	sst s0  }
0x9: {  	[smem:$0x3FA5] =	sst s1  }
0xa: {  	[smem:$0x3FA6] =	sst s2  }
0xb: {  	[smem:$0x3FA7] =	sst s3  }
0xc: {  	[smem:$0x3FA8] =	sst s4  }
0xd: {  	[smem:$0x3FA9] =	sst s5  }
0xe: {  	[smem:$0x3FAA] =	sst s6  }
0xf: {  	[smem:$0x3FAB] =	sst s7  }
0x10: {  	[smem:$0x3FAC] =	sst s8  }
0x11: {  	[smem:$0x3FAD] =	sst s9;
	s0 =	simm.s32 @!p0 $0x0  }
0x12: {  	s1 =	sld [smem:$0x3F93];
	s0 =	simm.s32 @p0 $0x1  }
0x13: {  	[smem:$0x3FAE] =	sst s0;
	s0 =	simm.s32 @!p1 $0x0  }
0x14: {  	s2 =	sld [smem:$0x3F92];
	s0 =	simm.s32 @p1 $0x1  }
0x15: {  	[smem:$0x3FAF] =	sst s0;
	s0 =	simm.s32 @!p2 $0x0  }
0x16: {  	s3 =	sld [smem:$0x3FDB];
	s0 =	simm.s32 @p2 $0x1  }
0x17: {  	s4 =	simm.s32 $0x1BF5;
	[smem:$0x3FB1] =	sst s0  }
0x18: {  	s0 =	sld [smem:$0x3F94];
	_ =	swait.ge [sflag:s4], $0x0  }
0x19: {  	s7 =	sld [smem:$0x3F95]  }
0x1a: {  	s8 =	sadd.s32 $0xFFFFE003, lr  }
0x1b: {  	s9 =	sadd.s32 $0xFFFFFEF7, lr;
	s5 =	simm.s32 $0xFFFFFFFF;
	p2 =	slt.u32 s8, $0xFFFFF086  }
0x1c: {  	p1 =	slt.u32 s9, $0xF7A;
	s5 =	simm.s32 @!p2 $0x0  }
0x1d: {  	s5 =	simm.s32 @p1 $0x1;
	p0 =	seq.s32 s7, s2  }
0x1e: {  	s7 =	smul.u32 @!p0 $0xF7A, s2;
	p2 =	seq.s32 @!p0 s5, $0x0  }
0x1f: {  	s9 =	smul.u32 $0xF7A, s1;
	s8 =	simm.s32 @!p0 $0x1BF5;
	p2 =	por !p2, p0  }
0x20: {  	[sflag:s8] =	ssyncset.s32 @!p0 $0xFFFFF086;
	s6 =	sadd.s32 @!p0 s3, s7;
	s7 =	simm.s32 @!p0 $0x108  }
0x21: {  	s3 =	sadd.s32 s3, s9;
	s6 =	sadd.s32 @!p0 $0x88, s6;
	s7 =	simm.s32 @p2 $0x1082  }
0x22: {  	[simem:s7], [sflag:s8] =	dma.local @!p0 [hbm:s6], $0xF7A  }
0x23: {  	s9 =	sor.u32 $0xD0000000, s2;
	s6 =	simm.s32 $0x108;
	_ =	swait.ge @!p0 [sflag:s8], $0x0  }
0x24: {  	s3 =	sadd.s32 $0x88, s3;
	s6 =	simm.s32 @!p1 $0x1082;
	[sflag:s4] =	ssyncset.s32 $0xFFFFF086  }
0x25: {  	[simem:s6], [sflag:s4] =	dma.local [hbm:s3], $0xF7A  }
0x26: {  	[smem:$0x3F95] =	sst s1;
	(tag) =	ssettag s2;
	_ =	strace s9  }
0x27: {  	s1 =	sld [smem:$0x3FA5]  }
0x28: {  	s2 =	sld [smem:$0x3FA6]  }
0x29: {  	s4 =	sld [smem:$0x3FA8]  }
0x2a: {  	p0 =	seq.s32 s5, $0x0;
	s5 =	sld [smem:$0x3FA9]  }
0x2b: {  	s6 =	sld [smem:$0x3FAA]  }
0x2c: {  	s7 =	sld [smem:$0x3FAB]  }
0x2d: {  	s3 =	simm.s32 $0x108;
	s8 =	sld [smem:$0x3FAC]  }
0x2e: {  	s3 =	simm.s32 @!p0 $0x1082;
	s9 =	sld [smem:$0x3FAD]  }
0x2f: {  	lr =	sadd.s32 s0, s3;
	s0 =	sld [smem:$0x3FA4]  }
0x30: {  	s3 =	sld [smem:$0x3FA7]  }
0x31: {  	[smem:$0x3FB0] =	sst s10  }
0x32: {  	s10 =	sld [smem:$0x3FAE];
	_ =	sdelay $0x3  }
0x33: {  	p0 =	seq.s32 s10, $0x1;
	s10 =	sld [smem:$0x3FB0];
	_ =	sdelay $0x3  }
0x34: {  	[smem:$0x3FB0] =	sst s10  }
0x35: {  	s10 =	sld [smem:$0x3FAF];
	_ =	sdelay $0x3  }
0x36: {  	p1 =	seq.s32 s10, $0x1;
	s10 =	sld [smem:$0x3FB0];
	_ =	sdelay $0x3  }
0x37: {  	[smem:$0x3FB0] =	sst s10  }
0x38: {  	s10 =	sld [smem:$0x3FB1]  }
0x39: {  	_ = 	snop;
	(pc) =	sbr.ind lr, $3  }
0x3a: {  	_ = 	snop  }
0x3b: {  	_ = 	snop  }
0x3c: {  	p2 =	seq.s32 s10, $0x1;
	s10 =	sld [smem:$0x3FB0]  }
0x3d: {  	_ =	shalt  }
0x3e: {  	_ =	shalt  }
0x3f: {  	_ =	shalt  }
0x40: {  	_ =	shalt  }
0x41: {  	_ =	shalt  }
0x42: {  	_ =	shalt  }
0x43: {  	_ =	shalt  }
0x44: {  	_ =	shalt  }
0x45: {  	_ =	shalt  }
0x46: {  	_ =	shalt  }
0x47: {  	_ =	shalt  }
0x48: {  	_ =	shalt  }
0x49: {  	_ =	shalt  }
0x4a: {  	_ =	shalt  }
0x4b: {  	_ =	shalt  }
0x4c: {  	_ =	shalt  }
0x4d: {  	_ =	shalt  }
0x4e: {  	_ =	shalt  }
0x4f: {  	_ =	shalt  }
0x50: {  	_ =	shalt  }
0x51: {  	_ =	shalt  }
0x52: {  	_ =	shalt  }
0x53: {  	_ =	shalt  }
0x54: {  	_ =	shalt  }
0x55: {  	_ =	shalt  }
0x56: {  	_ =	shalt  }
0x57: {  	_ =	shalt  }
0x58: {  	_ =	shalt  }
0x59: {  	_ =	shalt  }
0x5a: {  	_ =	shalt  }
0x5b: {  	_ =	shalt  }
0x5c: {  	_ =	shalt  }
0x5d: {  	_ =	shalt  }
0x5e: {  	_ =	shalt  }
0x5f: {  	_ =	shalt  }
0x60: {  	_ =	shalt  }
0x61: {  	_ =	shalt  }
0x62: {  	_ =	shalt  }
0x63: {  	_ =	shalt  }
0x64: {  	_ =	shalt  }
0x65: {  	_ =	shalt  }
0x66: {  	_ =	shalt  }
0x67: {  	_ =	shalt  }
0x68: {  	_ =	shalt  }
0x69: {  	_ =	shalt  }
0x6a: {  	_ =	shalt  }
0x6b: {  	_ =	shalt  }
0x6c: {  	_ =	shalt  }
0x6d: {  	_ =	shalt  }
0x6e: {  	_ =	shalt  }
0x6f: {  	_ =	shalt  }
0x70: {  	_ =	shalt  }
0x71: {  	_ =	shalt  }
0x72: {  	_ =	shalt  }
0x73: {  	_ =	shalt  }
0x74: {  	_ =	shalt  }
0x75: {  	_ =	shalt  }
0x76: {  	_ =	shalt  }
0x77: {  	_ =	shalt  }
0x78: {  	_ =	shalt  }
0x79: {  	_ =	shalt  }
0x7a: {  	_ =	shalt  }
0x7b: {  	_ =	shalt  }
0x7c: {  	_ =	shalt  }
0x7d: {  	_ =	shalt  }
0x7e: {  	_ =	shalt  }
0x7f: {  	_ =	shalt  }
0x80: {  	_ =	shalt  }
0x81: {  	_ =	shalt  }
0x82: {  	_ =	shalt  }
0x83: {  	_ =	shalt  }
0x84: {  	_ =	shalt  }
0x85: {  	_ =	shalt  }
0x86: {  	_ =	shalt  }
0x87: {  	_ =	shalt  }
.Lfunc_end0:
.L_simem_size_0:
called_computation.1_lowered:
.L_overlay_start_0:
0x88: {  	s2 =	sld [smem:$0x3FD9]  }
0x89: {  	s3 =	sld [smem:$0x3FFE];
	_ =	sdelay $0x1  }
0x8a: {  	s1 =	srdreg.scid  }
0x8b: {  	s0 =	sand.u32 $0x1, s1  }
0x8c: {  	s17 =	sshll.u32 s0, $0xA;
	s2 =	sadd.s32 s3, s2  }
0x8d: {  	s2 =	sadd.s32 s2, s17  }
0x8e: {  	[smem:$0x3FBC] =	sst s2  }
0x8f: {  	_ = 	snop  }
0x90: {  	s2 =	sld [smem:$0x3FC9];
	(tm) =	ssettm $0x1  }
0x91: {  	s18 =	sld [smem:$0x3FFB];
	_ =	sdelay $0x3  }
0x92: {  	_ =	strace s18  }
0x93: {  	s3 =	sld [smem:$0x3FFC];
	_ =	sdelay $0x3  }
0x94: {  	_ =	strace s3  }
0x95: {  	s3 =	sld [smem:$0x3FFD];
	_ =	sdelay $0x3  }
0x96: {  	_ =	strace s3  }
0x97: {  	_ =	strace $0x8FFFFFFF  }
0x98: {  	s19 =	sld [smem:$0x3FDB];
	_ =	sdelay $0x1  }
0x99: {  	s4 =	simm.s32 $_scs_section_size  }
0x9a: {  	s5 =	simm.s32 $_size__tile_overlayer_lowered;
	s6 =	simm.s32 $_tile_overlayer_lowered  }
0x9b: {  	s22 =	simm.s32 $0x1BFF;
	s21 =	sshll.u32 s6, $0x1;
	s3 =	sadd.s32 s4, s19  }
0x9c: {  	s7 =	simm.s32 $0x0;
	s20 =	sshll.u32 s5, $0x1;
	s5 =	sadd.s32 s21, s3  }
0x9d: {  	[timem:s7], [sflag:s22] =	dma.local [hbm:s5], s20  }
0x9e: {  	_ =	swait.ge [sflag:s22], s20  }
0x9f: {  	s4 =	ssub.s32 $0x0, s20;
	[sflag:s22] =	ssyncset.done $0x0  }
0xa0: {  	[sflag:s22] =	ssyncadd.s32 s4;
	_ =	sdelay $0x1  }
0xa1: {  	s23 =	simm.s32 $0x1B8B  }
0xa2: {  	_ =	swait.ge [sflag:s23], $0x1  }
0xa3: {  	[sflag:s23] =	ssyncset.done $0x0  }
0xa4: {  	s25 =	simm.s32 $0x1B8E;
	s24 =	sld [smem:$0x3FFE];
	[sflag:s23] =	ssyncadd.s32 $0xFFFFFFFF  }
0xa5: {  	s26 =	simm.s32 $execute0_lowered;
	[smem:$0x3FD2] =	sst s25  }
0xa6: {  	s5 =	sshll.u32 s26, $0x1;
	_ =	strace $0x80000046;
	[dreg:$0x1] =	wrdreg $0xFFFFFFFF  }
0xa7: {  	s28 =	simm.s32 $_size_execute0_lowered;
	s3 =	sadd.s32 s3, s5;
	[dreg:$0x0] =	wrdreg $0x0  }
0xa8: {  	s5 =	sshll.u32 s28, $0x1;
	[dreg:$0x2] =	wrdreg s3  }
0xa9: {  	[dreg:$0x3] =	wrdreg s5  }
0xaa: {  	[dreg:$0x4] =	wrdreg $0xC0  }
0xab: {  	_ =	task [dreg:s7], $0x5FFFF  }
0xac: {  	[dreg:$0x1] =	wrdreg $0xFFFFFFFF  }
0xad: {  	[dreg:$0x0] =	wrdreg $0x60  }
0xae: {  	[dreg:$0x2] =	wrdreg s2  }
0xaf: {  	[dreg:$0x3] =	wrdreg s24  }
0xb0: {  	[dreg:$0x4] =	wrdreg $0xBC000  }
0xb1: {  	[dreg:$0x5] =	wrdreg $0xA  }
0xb2: {  	_ =	task.clear_ibuf [dreg:s7], $0x6FFFF;
	_ =	strace $0x90000046  }
0xb3: {  	s29 =	simm.s32 $0xA;
	_ =	strace $0x80000048  }
0xb4: {  	_ =	swait.ge [sflag:s29], $0x1  }
0xb5: {  	[sflag:s29] =	ssyncadd.s32 $0xFFFFFFFF  }
0xb6: {  	_ =	strace $0x90000048  }
0xb7: {  	_ =	sfence  }
0xb8: {  	s30 =	sld [smem:$0x0];
	_ =	sdelay $0x2  }
0xb9: {  	s31 =	sshll.u32 s1, $0xD;
	s1 =	sshrl.u32 s1, $0x2  }
0xba: {  	s3 =	sand.u32 $0x4000, s31;
	s1 =	sadd.s32 s1, s30  }
0xbb: {  	s0 =	sor.u32 s3, s0;
	s1 =	sshll.u32 s1, $0x11  }
0xbc: {  	s0 =	sor.u32 s1, s0  }
0xbd: {  	s0 =	sadd.s32 $0x8F2B, s0  }
0xbe: {  	[sflag:s0] =	ssyncadd.remote.s32 $0x1  }
0xbf: {  	_ =	sfence.sel $0xFFFF  }
0xc0: {  	[dreg:$0x0] =	wrdreg $0xFFFFFFFF;
	(pc) =	sbr.abs _section_cstart, $3  }
0xc1: {  	[dreg:$0x1] =	wrdreg $0xFFFFFFFF  }
0xc2: {  	_ =	task.clear_ibuf [dreg:s7], $0x2FFFF;
	_ =	strace $0x9FFFFFFF  }
0xc3: {  	(tm) =	ssettm $0x7FFFFFFF  }
tec
execute0_lowered:
.L_overlay_start_1:
0x0: {  	(tag) =	ssettag $0x1  }
0x1: {  	s0 =	rddreg [dreg:$0x0]  }
0x2: {  	s2 =	rddreg [dreg:$0x1]  }
0x3: {  	s1 =	srdreg.scid;
	s3 =	rddreg [dreg:$0x2]  }
0x4: {  	s9 =	stileid.u32;
	s4 =	simm.s32 $0x0;
	s11 =	simm.s32 $0xD  }
0x5: {  	s14 =	simm.s32 $0x80;
	s28 =	simm.s32 $0x2;
	s29 =	simm.s32 $0x6C00  }
0x6: {  	s30 =	simm.s32 $0x3;
	s31 =	simm.s32 $0x9400;
	s12 =	simm.s32 $0x4  }
0x7: {  	s13 =	simm.s32 $0x9;
	s15 =	simm.s32 $0xC;
	s1 =	sand.u32 $0x1, s1  }
0x8: {  	[smem:$0x7FF] =	sst s4;
	s8 =	smul.u32 $0x50000, s9;
	s10 =	sadd.s32 $0x1C600, s2  }
0x9: {  	s18 =	sshll.u32 s9, $0x6;
	s19 =	smul.u32 $0x2800, s9;
	s5 =	sshll.u32 s1, $0x4  }
0xa: {  	_ =	strace $0x80000047;
	s7 =	smul.u32 $0x28000, s1;
	[dreg:$0x4] =	wrdreg s10  }
0xb: {  	s1 =	ssub.s32 $0x2, s1;
	s10 =	sor.u32 $0x1C0D, s18;
	s18 =	simm.s32 $0x180  }
0xc: {  	s5 =	sor.u32 s9, s5;
	s16 =	sshrl.u32 s1, $0x1;
	s8 =	sshrl.u32 s8, $0x2  }
0xd: {  	s9 =	simm.s32 $0x5;
	[dreg:$0x8] =	wrdreg s10;
	s6 =	smul.u32 $0x4F0, s5  }
0xe: {  	s5 =	sshll.u32 s5, $0xB;
	s1 =	ssub.s32 s1, s16;
	s17 =	sadd.s32 s8, s3  }
0xf: {  	s16 =	simm.s32 $0x100;
	s5 =	sadd.s32 s5, s2;
	s1 =	smax.u32 s1, $0x1  }
0x10: {  	s21 =	sshrl.u32 s17, $0x3;
	s17 =	simm.s32 $0x6;
	s6 =	sadd.s32 s6, s2  }
0x11: {  	s2 =	sadd.s32 s7, s2;
	s5 =	sadd.s32 $0x2800, s5;
	[dreg:$0x7] =	wrdreg s1  }
0x12: {  	s1 =	simm.s32 $0x7;
	s7 =	simm.s32 $0xB;
	[dreg:$0x5] =	wrdreg s5  }
0x13: {  	s6 =	sadd.s32 $0x12800, s6;
	s2 =	sadd.s32 $0x1EE00, s2;
	s5 =	simm.s32 $0x8  }
0x14: {  	s20 =	sadd.s32 $0xA, s6;
	s22 =	sadd.s32 $0x14, s6;
	[dreg:$0x6] =	wrdreg s6  }
0x15: {  	s23 =	sadd.s32 $0x1E, s6;
	s24 =	sadd.s32 $0x28, s6;
	[dreg:$0x9] =	wrdreg s20  }
.Ltmp0:
0x16: {  	s25 =	sadd.s32 $0x32, s6;
	[dreg:$0xa] =	wrdreg s22;
	(pc) =	sbr.rel .LBB2_1-.Ltmp0, $4  }
0x17: {  	s26 =	sadd.s32 s19, s2;
	s2 =	simm.s32 $0xA;
	[dreg:$0xb] =	wrdreg s23  }
0x18: {  	s19 =	simm.s32 $0x0;
	[dreg:$0xc] =	wrdreg s24;
	s20 =	simm.s32 $0x200  }
0x19: {  	[dreg:$0xd] =	wrdreg s25;
	s22 =	simm.s32 $0x280;
	s23 =	simm.s32 $0x1  }
0x1a: {  	[dreg:$0xe] =	wrdreg s26;
	s25 =	simm.s32 $0x50;
	s26 =	simm.s32 $0x4400  }
.LBB2_4:
0x1b: {  	_ =	swait.ge [sflag:s15], $0x2800  }
0x1c: {  	[sflag:s15] =	ssyncset.done $0x0  }
0x1d: {  	[sflag:s15] =	ssyncadd.s32 $0xFFFFD800  }
0x1e: {  	_ =	swait.ge [sflag:s30], $0x50  }
0x1f: {  	[sflag:s30] =	ssyncset.done $0x0  }
0x20: {  	[sflag:s30] =	ssyncadd.s32 $0xFFFFFFB0  }
0x21: {  	[tilespmem:s31], [sflag:$0x9] =	stream.indirect.gather [hbm4b:s0+s25], $0x80, s16, s25, $0xb8;
	[tilespmem:$0x1FC00] =	vst v63  }
0x22: {  	_ =	swait.ge [sflag:s1], $0x2800  }
0x23: {  	[sflag:s1] =	ssyncset.done $0x0  }
0x24: {  	s6 =	simm.s32 $0x4000;
	[sflag:s1] =	ssyncadd.s32 $0xFFFFD800  }
0x25: {  	[spmem:s3] =	stream.indirect.scatter.add.f32 [tilespmem:s26], [sflag:$0xA], $0x80, s6, s25, $0xb8;
	[tilespmem:$0x1FC00] =	vst v63  }
0x26: {  	_ =	swait.ge [sflag:s2], $0x2800  }
0x27: {  	[sflag:s2] =	ssyncset.done $0x0  }
0x28: {  	[sflag:s2] =	ssyncadd.s32 $0xFFFFD800  }
0x29: {  	_ =	swait.ge [sflag:s12], $0x50  }
0x2a: {  	[sflag:s12] =	ssyncset.done $0x0  }
0x2b: {  	[sflag:s12] =	ssyncadd.s32 $0xFFFFFFB0  }
0x2c: {  	[tilespmem:s26], [sflag:$0x7] =	stream.indirect.gather [hbm4b:s0+s25], $0x80, s18, s25, $0xb8;
	[tilespmem:$0x1FC00] =	vst v63  }
0x2d: {  	_ =	swait.ge [sflag:s5], $0x2800  }
0x2e: {  	[sflag:s5] =	ssyncset.done $0x0  }
0x2f: {  	s21 =	simm.s32 $0x4080;
	[sflag:s5] =	ssyncadd.s32 $0xFFFFD800  }
0x30: {  	[spmem:s3] =	stream.indirect.scatter.add.f32 [tilespmem:s29], [sflag:$0xB], $0x80, s21, s25, $0xb8;
	[tilespmem:$0x1FC00] =	vst v63  }
0x31: {  	_ =	swait.ge [sflag:s7], $0x2800  }
0x32: {  	[sflag:s7] =	ssyncset.done $0x0  }
0x33: {  	[sflag:s7] =	ssyncadd.s32 $0xFFFFD800  }
0x34: {  	_ =	swait.ge [sflag:s9], $0x50  }
0x35: {  	[sflag:s9] =	ssyncset.done $0x0  }
0x36: {  	[sflag:s9] =	ssyncadd.s32 $0xFFFFFFB0  }
0x37: {  	[tilespmem:s29], [sflag:$0x8] =	stream.indirect.gather [hbm4b:s0+s25], $0x80, s20, s25, $0xb8;
	[tilespmem:$0x1FC00] =	vst v63  }
0x38: {  	_ =	swait.ge [sflag:s13], $0x2800  }
0x39: {  	[sflag:s13] =	ssyncset.done $0x0  }
0x3a: {  	s24 =	simm.s32 $0x4100;
	[sflag:s13] =	ssyncadd.s32 $0xFFFFD800  }
0x3b: {  	[spmem:s3] =	stream.indirect.scatter.add.f32 [tilespmem:s31], [sflag:$0xC], $0x80, s24, s25, $0xb8;
	[tilespmem:$0x1FC00] =	vst v63  }
0x3c: {  	_ =	swait.ge [sflag:s1], $0x2800  }
0x3d: {  	[sflag:s1] =	ssyncset.done $0x0  }
0x3e: {  	s10 =	simm.s32 $0x4180;
	[sflag:s1] =	ssyncadd.s32 $0xFFFFD800  }
0x3f: {  	[spmem:s3] =	stream.indirect.scatter.add.f32 [tilespmem:s26], [sflag:$0xA], $0x80, s10, s25, $0xb8;
	[tilespmem:$0x1FC00] =	vst v63  }
0x40: {  	_ =	swait.ge [sflag:s5], $0x2800  }
0x41: {  	[sflag:s5] =	ssyncset.done $0x0  }
0x42: {  	s21 =	simm.s32 $0x4200;
	[sflag:s5] =	ssyncadd.s32 $0xFFFFD800  }
0x43: {  	[spmem:s3] =	stream.indirect.scatter.add.f32 [tilespmem:s29], [sflag:$0xB], $0x80, s21, s25, $0xb8;
	[tilespmem:$0x1FC00] =	vst v63  }
0x44: {  	_ =	swait.ge [sflag:s7], $0x2800  }
0x45: {  	[sflag:s7] =	ssyncset.done $0x0  }
0x46: {  	[sflag:s7] =	ssyncadd.s32 $0xFFFFD800  }
0x47: {  	_ =	swait.ge [sflag:s2], $0x2800  }
0x48: {  	[sflag:s2] =	ssyncset.done $0x0  }
0x49: {  	[sflag:s2] =	ssyncadd.s32 $0xFFFFD800  }
0x4a: {  	_ =	swait.ge [sflag:s15], $0x2800  }
0x4b: {  	[sflag:s15] =	ssyncset.done $0x0  }
0x4c: {  	[sflag:s15] =	ssyncadd.s32 $0xFFFFD800  }
0x4d: {  	[bflag:$0x0] =	sbarrier.arrive $0xFFFF  }
0x4e: {  	s10 =	rddreg [dreg:$0x8]  }
0x4f: {  	s24 =	rddreg [dreg:$0xe]  }
0x50: {  	[hbm:s24], [sflag:s10] =	dma.local [spmem:s8], $0x2800  }
0x51: {  	_ =	swait.ge [sflag:s11], $0x2800  }
0x52: {  	s19 =	sadd.s32 $0x1, s19;
	s24 =	rddreg [dreg:$0x7]  }
0x53: {  	p0 =	sne.s32 s19, s24  }
.Ltmp1:
0x54: {  	_ = 	snop;
	(pc) =	sbr.rel @!p0 .LBB2_5-.Ltmp1, $3  }
0x55: {  	_ =	sdelay $0x1  }
0x56: {  	[sflag:s11] =	ssyncset.done $0x0  }
0x57: {  	s21 =	smov.u32 s8;
	[sflag:s11] =	ssyncadd.s32 $0xFFFFD800  }
.LBB2_1:
0x58: {  	s6 =	rddreg [dreg:$0x4]  }
0x59: {  	[spmem:s21], [sflag:s10] =	dma.local [hbm:s6], $0x2800  }
0x5a: {  	_ =	swait.ge [sflag:s11], $0x2800  }
0x5b: {  	s8 =	smov.u32 s21;
	[sflag:s11] =	ssyncset.done $0x0  }
0x5c: {  	s21 =	simm.s32 $0x400;
	s10 =	rddreg [dreg:$0x5];
	[sflag:s11] =	ssyncadd.s32 $0xFFFFD800  }
0x5d: {  	[tilespmem:s21], [sflag:$0xD] =	stream.linear.gather [hbm4b:s10+s4], $0x3E80, $0x38;
	[tilespmem:$0x1FC00] =	vst v63  }
0x5e: {  	_ =	swait.ge [sflag:s11], $0x3E80  }
0x5f: {  	[sflag:s11] =	ssyncset.done $0x0  }
0x60: {  	[sflag:s11] =	ssyncadd.s32 $0xFFFFC180  }
0x61: {  	[bflag:$0x0] =	sbarrier.arrive $0xFFFF  }
0x62: {  	s6 =	rddreg [dreg:$0x6]  }
0x63: {  	[tilespmem:s4], [sflag:$0x1] =	stream.linear.gather [hbm4b:s6+s4], $0x50, $0x38;
	[tilespmem:$0x1FC00] =	vst v63  }
0x64: {  	s24 =	rddreg [dreg:$0x9]  }
0x65: {  	[tilespmem:s14], [sflag:$0x2] =	stream.linear.gather [hbm4b:s24+s4], $0x50, $0x38;
	[tilespmem:$0x1FC00] =	vst v63  }
0x66: {  	s21 =	rddreg [dreg:$0xa]  }
0x67: {  	[tilespmem:s16], [sflag:$0x3] =	stream.linear.gather [hbm4b:s21+s4], $0x50, $0x38;
	[tilespmem:$0x1FC00] =	vst v63  }
0x68: {  	s24 =	rddreg [dreg:$0xb]  }
0x69: {  	[tilespmem:s18], [sflag:$0x4] =	stream.linear.gather [hbm4b:s24+s4], $0x50, $0x38;
	[tilespmem:$0x1FC00] =	vst v63  }
0x6a: {  	s21 =	rddreg [dreg:$0xc]  }
0x6b: {  	[tilespmem:s20], [sflag:$0x5] =	stream.linear.gather [hbm4b:s21+s4], $0x50, $0x38;
	[tilespmem:$0x1FC00] =	vst v63  }
0x6c: {  	s24 =	rddreg [dreg:$0xd]  }
0x6d: {  	[tilespmem:s22], [sflag:$0x6] =	stream.linear.gather [hbm4b:s24+s4], $0x50, $0x38;
	[tilespmem:$0x1FC00] =	vst v63  }
0x6e: {  	_ =	swait.ge [sflag:s23], $0x50  }
0x6f: {  	[sflag:s23] =	ssyncset.done $0x0  }
0x70: {  	[sflag:s23] =	ssyncadd.s32 $0xFFFFFFB0  }
0x71: {  	[tilespmem:s26], [sflag:$0x7] =	stream.indirect.gather [hbm4b:s0+s25], $0x80, s4, s25, $0xb8;
	[tilespmem:$0x1FC00] =	vst v63  }
0x72: {  	_ =	swait.ge [sflag:s28], $0x50  }
0x73: {  	[sflag:s28] =	ssyncset.done $0x0  }
0x74: {  	s21 =	sadd.s32 $0x6E, s6;
	s24 =	simm.s32 $0x0;
	[sflag:s28] =	ssyncadd.s32 $0xFFFFFFB0  }
0x75: {  	[tilespmem:s29], [sflag:$0x8] =	stream.indirect.gather [hbm4b:s0+s25], $0x80, s14, s25, $0xb8;
	[tilespmem:$0x1FC00] =	vst v63  }
.LBB2_2:
0x76: {  	p0 =	seq.s32 s24, $0x0  }
0x77: {  	s6 =	simm.s32 @!p0 $0xC  }
0x78: {  	_ =	swait.ge @!p0 [sflag:s6], $0x2800  }
0x79: {  	[sflag:s6] =	ssyncset.done @!p0 $0x0  }
0x7a: {  	[sflag:s6] =	ssyncadd.s32 @!p0 $0xFFFFD800  }
0x7b: {  	_ =	swait.ge [sflag:s30], $0x50  }
0x7c: {  	[sflag:s30] =	ssyncset.done $0x0  }
0x7d: {  	[sflag:s30] =	ssyncadd.s32 $0xFFFFFFB0  }
0x7e: {  	[tilespmem:s31], [sflag:$0x9] =	stream.indirect.gather [hbm4b:s0+s25], $0x80, s16, s25, $0xb8;
	[tilespmem:$0x1FC00] =	vst v63  }
0x7f: {  	_ =	swait.ge [sflag:s1], $0x2800  }
0x80: {  	s6 =	sshra.s32 s24, $0x2;
	[sflag:s1] =	ssyncset.done $0x0  }
0x81: {  	s10 =	sadd.s32 $0x400, s6;
	[sflag:s1] =	ssyncadd.s32 $0xFFFFD800  }
0x82: {  	[spmem:s3] =	stream.indirect.scatter.add.f32 [tilespmem:s26], [sflag:$0xA], $0x80, s10, s25, $0xb8;
	[tilespmem:$0x1FC00] =	vst v63  }
0x83: {  	s10 =	sadd.s32 $0xFFFFFFCE, s21  }
0x84: {  	[tilespmem:s4], [sflag:$0x1] =	stream.linear.gather [hbm4b:s10+s4], $0x50, $0x38;
	[tilespmem:$0x1FC00] =	vst v63  }
0x85: {  	_ =	swait.ge [sflag:s2], $0x2800  }
0x86: {  	[sflag:s2] =	ssyncset.done $0x0  }
0x87: {  	[sflag:s2] =	ssyncadd.s32 $0xFFFFD800  }
0x88: {  	_ =	swait.ge [sflag:s12], $0x50  }
0x89: {  	[sflag:s12] =	ssyncset.done $0x0  }
0x8a: {  	[sflag:s12] =	ssyncadd.s32 $0xFFFFFFB0  }
0x8b: {  	[tilespmem:s26], [sflag:$0x7] =	stream.indirect.gather [hbm4b:s0+s25], $0x80, s18, s25, $0xb8;
	[tilespmem:$0x1FC00] =	vst v63  }
0x8c: {  	_ =	swait.ge [sflag:s5], $0x2800  }
0x8d: {  	[sflag:s5] =	ssyncset.done $0x0  }
0x8e: {  	s10 =	sadd.s32 $0x480, s6;
	[sflag:s5] =	ssyncadd.s32 $0xFFFFD800  }
0x8f: {  	[spmem:s3] =	stream.indirect.scatter.add.f32 [tilespmem:s29], [sflag:$0xB], $0x80, s10, s25, $0xb8;
	[tilespmem:$0x1FC00] =	vst v63  }
0x90: {  	s10 =	sadd.s32 $0xFFFFFFD8, s21  }
0x91: {  	[tilespmem:s14], [sflag:$0x2] =	stream.linear.gather [hbm4b:s10+s4], $0x50, $0x38;
	[tilespmem:$0x1FC00] =	vst v63  }
0x92: {  	_ =	swait.ge [sflag:s7], $0x2800  }
0x93: {  	[sflag:s7] =	ssyncset.done $0x0  }
0x94: {  	[sflag:s7] =	ssyncadd.s32 $0xFFFFD800  }
0x95: {  	_ =	swait.ge [sflag:s9], $0x50  }
0x96: {  	[sflag:s9] =	ssyncset.done $0x0  }
0x97: {  	[sflag:s9] =	ssyncadd.s32 $0xFFFFFFB0  }
0x98: {  	[tilespmem:s29], [sflag:$0x8] =	stream.indirect.gather [hbm4b:s0+s25], $0x80, s20, s25, $0xb8;
	[tilespmem:$0x1FC00] =	vst v63  }
0x99: {  	_ =	swait.ge [sflag:s13], $0x2800  }
0x9a: {  	[sflag:s13] =	ssyncset.done $0x0  }
0x9b: {  	s10 =	sadd.s32 $0x500, s6;
	[sflag:s13] =	ssyncadd.s32 $0xFFFFD800  }
0x9c: {  	[spmem:s3] =	stream.indirect.scatter.add.f32 [tilespmem:s31], [sflag:$0xC], $0x80, s10, s25, $0xb8;
	[tilespmem:$0x1FC00] =	vst v63  }
0x9d: {  	s10 =	sadd.s32 $0xFFFFFFE2, s21  }
0x9e: {  	[tilespmem:s16], [sflag:$0x3] =	stream.linear.gather [hbm4b:s10+s4], $0x50, $0x38;
	[tilespmem:$0x1FC00] =	vst v63  }
0x9f: {  	_ =	swait.ge [sflag:s15], $0x2800  }
0xa0: {  	[sflag:s15] =	ssyncset.done $0x0  }
0xa1: {  	[sflag:s15] =	ssyncadd.s32 $0xFFFFD800  }
0xa2: {  	_ =	swait.ge [sflag:s17], $0x50  }
0xa3: {  	[sflag:s17] =	ssyncset.done $0x0  }
0xa4: {  	[sflag:s17] =	ssyncadd.s32 $0xFFFFFFB0  }
0xa5: {  	[tilespmem:s31], [sflag:$0x9] =	stream.indirect.gather [hbm4b:s0+s25], $0x80, s22, s25, $0xb8;
	[tilespmem:$0x1FC00] =	vst v63  }
0xa6: {  	_ =	swait.ge [sflag:s1], $0x2800  }
0xa7: {  	[sflag:s1] =	ssyncset.done $0x0  }
0xa8: {  	s10 =	sadd.s32 $0x580, s6;
	[sflag:s1] =	ssyncadd.s32 $0xFFFFD800  }
0xa9: {  	[spmem:s3] =	stream.indirect.scatter.add.f32 [tilespmem:s26], [sflag:$0xA], $0x80, s10, s25, $0xb8;
	[tilespmem:$0x1FC00] =	vst v63  }
0xaa: {  	s10 =	sadd.s32 $0xFFFFFFEC, s21  }
0xab: {  	[tilespmem:s18], [sflag:$0x4] =	stream.linear.gather [hbm4b:s10+s4], $0x50, $0x38;
	[tilespmem:$0x1FC00] =	vst v63  }
0xac: {  	_ =	swait.ge [sflag:s2], $0x2800  }
0xad: {  	[sflag:s2] =	ssyncset.done $0x0  }
0xae: {  	[sflag:s2] =	ssyncadd.s32 $0xFFFFD800  }
0xaf: {  	_ =	swait.ge [sflag:s23], $0x50  }
0xb0: {  	[sflag:s23] =	ssyncset.done $0x0  }
0xb1: {  	[sflag:s23] =	ssyncadd.s32 $0xFFFFFFB0  }
0xb2: {  	[tilespmem:s26], [sflag:$0x7] =	stream.indirect.gather [hbm4b:s0+s25], $0x80, s4, s25, $0xb8;
	[tilespmem:$0x1FC00] =	vst v63  }
0xb3: {  	_ =	swait.ge [sflag:s5], $0x2800  }
0xb4: {  	[sflag:s5] =	ssyncset.done $0x0  }
0xb5: {  	s10 =	sadd.s32 $0x600, s6;
	[sflag:s5] =	ssyncadd.s32 $0xFFFFD800  }
0xb6: {  	[spmem:s3] =	stream.indirect.scatter.add.f32 [tilespmem:s29], [sflag:$0xB], $0x80, s10, s25, $0xb8;
	[tilespmem:$0x1FC00] =	vst v63  }
0xb7: {  	s10 =	sadd.s32 $0xFFFFFFF6, s21  }
0xb8: {  	[tilespmem:s20], [sflag:$0x5] =	stream.linear.gather [hbm4b:s10+s4], $0x50, $0x38;
	[tilespmem:$0x1FC00] =	vst v63  }
0xb9: {  	_ =	swait.ge [sflag:s7], $0x2800  }
0xba: {  	[sflag:s7] =	ssyncset.done $0x0  }
0xbb: {  	[sflag:s7] =	ssyncadd.s32 $0xFFFFD800  }
0xbc: {  	_ =	swait.ge [sflag:s28], $0x50  }
0xbd: {  	[sflag:s28] =	ssyncset.done $0x0  }
0xbe: {  	p0 =	seq.s32 s24, $0xE400;
	[sflag:s28] =	ssyncadd.s32 $0xFFFFFFB0  }
0xbf: {  	[tilespmem:s29], [sflag:$0x8] =	stream.indirect.gather [hbm4b:s0+s25], $0x80, s14, s25, $0xb8;
	[tilespmem:$0x1FC00] =	vst v63  }
.Ltmp2:
0xc0: {  	_ = 	snop;
	(pc) =	sbr.rel @p0 .LBB2_4-.Ltmp2, $4  }
0xc1: {  	_ =	swait.ge [sflag:s13], $0x2800  }
0xc2: {  	[sflag:s13] =	ssyncset.done $0x0  }
0xc3: {  	s6 =	sadd.s32 $0x680, s6;
	[sflag:s13] =	ssyncadd.s32 $0xFFFFD800  }
0xc4: {  	[spmem:s3] =	stream.indirect.scatter.add.f32 [tilespmem:s31], [sflag:$0xC], $0x80, s6, s25, $0xb8;
	[tilespmem:$0x1FC00] =	vst v63  }
.Ltmp3:
0xc5: {  	(pc) =	sbr.rel .LBB2_2-.Ltmp3, $3  }
0xc6: {  	_ =	sdelay $0x1  }
0xc7: {  	[tilespmem:s22], [sflag:$0x6] =	stream.linear.gather [hbm4b:s21+s4], $0x50, $0x38;
	[tilespmem:$0x1FC00] =	vst v63  }
0xc8: {  	s24 =	sadd.s32 $0xC00, s24;
	s21 =	sadd.s32 $0x3C, s21  }
.LBB2_5:
0xc9: {  	_ =	sfence.sel $0x180000  }
0xca: {  	[bflag:$0x0] =	sbarrier.arrive $0xFFFF  }
0xcb: {  	_ =	strace $0x90000047  }
0xcc: {  	s0 =	stileid.u32;
	[bflag:$0x2] =	sbarrier.arrive $0xFFFF  }
0xcd: {  	p0 =	sne.s32 s0, $0x0;
	s0 =	rddreg [dreg:$0x3]  }
0xce: {  	s0 =	sadd.s32 @!p0 $0x100000, s0  }
0xcf: {  	[sflag:s0] =	ssyncadd.tile.s32 @!p0 $0x1;
	_ =	shalt  }
.Lfunc_end2:
_tile_overlayer_lowered:
.L_overlay_start_2:
0xd0: {  	(tag) =	ssettag $0x2  }
0xd1: {  	s0 =	rddreg [dreg:$0x0];
	s2 =	stileid.u32  }
0xd2: {  	s1 =	rddreg [dreg:$0x1];
	p0 =	sne.s32 s2, $0x0  }
0xd3: {  	s3 =	rddreg [dreg:$0x2];
	[bflag:$0x3] =	sbarrier.arrive $0xFFFF;
	s2 =	simm.s32 @!p0 $0x1C0D  }
0xd4: {  	[timem:s3], [sflag:s2] =	dma.local @!p0 [hbm:s0], s1  }
0xd5: {  	s0 =	simm.s32 @!p0 $0xD  }
0xd6: {  	_ =	swait.ge @!p0 [sflag:s0], s1  }
0xd7: {  	s1 =	ssub.s32 @!p0 $0x0, s1;
	[sflag:s0] =	ssyncset.done @!p0 $0x0  }
0xd8: {  	[sflag:s0] =	ssyncadd.s32 @!p0 s1  }
0xd9: {  	[bflag:$0x3] =	sbarrier.arrive $0xFFFF  }
0xda: {  	_ =	shalt  }

// kernel: kernel.15.cloned.1.call-start
scs
__scs_entry_jumppad:
0x0: {  	(pc) =	sbr.rel $0x88, $3  }
0x1: {  	(tag) =	ssettag $0x0;
	lr =	simm.s32 $0x1  }
0x2: {  	[smem:$0x3F95] =	sst lr;
	_ =	strace $0xD0000000  }
0x3: {  	_ = 	snop  }
0x4: {  	_ = 	snop  }
0x5: {  	_ = 	snop  }
0x6: {  	_ = 	snop  }
0x7: {  	_ = 	snop  }
__scs_overlays_trampoline_lowered:
0x8: {  	[smem:$0x3FA4] =	sst s0  }
0x9: {  	[smem:$0x3FA5] =	sst s1  }
0xa: {  	[smem:$0x3FA6] =	sst s2  }
0xb: {  	[smem:$0x3FA7] =	sst s3  }
0xc: {  	[smem:$0x3FA8] =	sst s4  }
0xd: {  	[smem:$0x3FA9] =	sst s5  }
0xe: {  	[smem:$0x3FAA] =	sst s6  }
0xf: {  	[smem:$0x3FAB] =	sst s7  }
0x10: {  	[smem:$0x3FAC] =	sst s8  }
0x11: {  	[smem:$0x3FAD] =	sst s9;
	s0 =	simm.s32 @!p0 $0x0  }
0x12: {  	s1 =	sld [smem:$0x3F93];
	s0 =	simm.s32 @p0 $0x1  }
0x13: {  	[smem:$0x3FAE] =	sst s0;
	s0 =	simm.s32 @!p1 $0x0  }
0x14: {  	s2 =	sld [smem:$0x3F92];
	s0 =	simm.s32 @p1 $0x1  }
0x15: {  	[smem:$0x3FAF] =	sst s0;
	s0 =	simm.s32 @!p2 $0x0  }
0x16: {  	s3 =	sld [smem:$0x3FDB];
	s0 =	simm.s32 @p2 $0x1  }
0x17: {  	s4 =	simm.s32 $0x1BF5;
	[smem:$0x3FB1] =	sst s0  }
0x18: {  	s0 =	sld [smem:$0x3F94];
	_ =	swait.ge [sflag:s4], $0x0  }
0x19: {  	s7 =	sld [smem:$0x3F95]  }
0x1a: {  	s8 =	sadd.s32 $0xFFFFE003, lr  }
0x1b: {  	s9 =	sadd.s32 $0xFFFFFEF7, lr;
	s5 =	simm.s32 $0xFFFFFFFF;
	p2 =	slt.u32 s8, $0xFFFFF086  }
0x1c: {  	p1 =	slt.u32 s9, $0xF7A;
	s5 =	simm.s32 @!p2 $0x0  }
0x1d: {  	s5 =	simm.s32 @p1 $0x1;
	p0 =	seq.s32 s7, s2  }
0x1e: {  	s7 =	smul.u32 @!p0 $0xF7A, s2;
	p2 =	seq.s32 @!p0 s5, $0x0  }
0x1f: {  	s9 =	smul.u32 $0xF7A, s1;
	s8 =	simm.s32 @!p0 $0x1BF5;
	p2 =	por !p2, p0  }
0x20: {  	[sflag:s8] =	ssyncset.s32 @!p0 $0xFFFFF086;
	s6 =	sadd.s32 @!p0 s3, s7;
	s7 =	simm.s32 @!p0 $0x108  }
0x21: {  	s3 =	sadd.s32 s3, s9;
	s6 =	sadd.s32 @!p0 $0x88, s6;
	s7 =	simm.s32 @p2 $0x1082  }
0x22: {  	[simem:s7], [sflag:s8] =	dma.local @!p0 [hbm:s6], $0xF7A  }
0x23: {  	s9 =	sor.u32 $0xD0000000, s2;
	s6 =	simm.s32 $0x108;
	_ =	swait.ge @!p0 [sflag:s8], $0x0  }
0x24: {  	s3 =	sadd.s32 $0x88, s3;
	s6 =	simm.s32 @!p1 $0x1082;
	[sflag:s4] =	ssyncset.s32 $0xFFFFF086  }
0x25: {  	[simem:s6], [sflag:s4] =	dma.local [hbm:s3], $0xF7A  }
0x26: {  	[smem:$0x3F95] =	sst s1;
	(tag) =	ssettag s2;
	_ =	strace s9  }
0x27: {  	s1 =	sld [smem:$0x3FA5]  }
0x28: {  	s2 =	sld [smem:$0x3FA6]  }
0x29: {  	s4 =	sld [smem:$0x3FA8]  }
0x2a: {  	p0 =	seq.s32 s5, $0x0;
	s5 =	sld [smem:$0x3FA9]  }
0x2b: {  	s6 =	sld [smem:$0x3FAA]  }
0x2c: {  	s7 =	sld [smem:$0x3FAB]  }
0x2d: {  	s3 =	simm.s32 $0x108;
	s8 =	sld [smem:$0x3FAC]  }
0x2e: {  	s3 =	simm.s32 @!p0 $0x1082;
	s9 =	sld [smem:$0x3FAD]  }
0x2f: {  	lr =	sadd.s32 s0, s3;
	s0 =	sld [smem:$0x3FA4]  }
0x30: {  	s3 =	sld [smem:$0x3FA7]  }
0x31: {  	[smem:$0x3FB0] =	sst s10  }
0x32: {  	s10 =	sld [smem:$0x3FAE];
	_ =	sdelay $0x3  }
0x33: {  	p0 =	seq.s32 s10, $0x1;
	s10 =	sld [smem:$0x3FB0];
	_ =	sdelay $0x3  }
0x34: {  	[smem:$0x3FB0] =	sst s10  }
0x35: {  	s10 =	sld [smem:$0x3FAF];
	_ =	sdelay $0x3  }
0x36: {  	p1 =	seq.s32 s10, $0x1;
	s10 =	sld [smem:$0x3FB0];
	_ =	sdelay $0x3  }
0x37: {  	[smem:$0x3FB0] =	sst s10  }
0x38: {  	s10 =	sld [smem:$0x3FB1]  }
0x39: {  	_ = 	snop;
	(pc) =	sbr.ind lr, $3  }
0x3a: {  	_ = 	snop  }
0x3b: {  	_ = 	snop  }
0x3c: {  	p2 =	seq.s32 s10, $0x1;
	s10 =	sld [smem:$0x3FB0]  }
0x3d: {  	_ =	shalt  }
0x3e: {  	_ =	shalt  }
0x3f: {  	_ =	shalt  }
0x40: {  	_ =	shalt  }
0x41: {  	_ =	shalt  }
0x42: {  	_ =	shalt  }
0x43: {  	_ =	shalt  }
0x44: {  	_ =	shalt  }
0x45: {  	_ =	shalt  }
0x46: {  	_ =	shalt  }
0x47: {  	_ =	shalt  }
0x48: {  	_ =	shalt  }
0x49: {  	_ =	shalt  }
0x4a: {  	_ =	shalt  }
0x4b: {  	_ =	shalt  }
0x4c: {  	_ =	shalt  }
0x4d: {  	_ =	shalt  }
0x4e: {  	_ =	shalt  }
0x4f: {  	_ =	shalt  }
0x50: {  	_ =	shalt  }
0x51: {  	_ =	shalt  }
0x52: {  	_ =	shalt  }
0x53: {  	_ =	shalt  }
0x54: {  	_ =	shalt  }
0x55: {  	_ =	shalt  }
0x56: {  	_ =	shalt  }
0x57: {  	_ =	shalt  }
0x58: {  	_ =	shalt  }
0x59: {  	_ =	shalt  }
0x5a: {  	_ =	shalt  }
0x5b: {  	_ =	shalt  }
0x5c: {  	_ =	shalt  }
0x5d: {  	_ =	shalt  }
0x5e: {  	_ =	shalt  }
0x5f: {  	_ =	shalt  }
0x60: {  	_ =	shalt  }
0x61: {  	_ =	shalt  }
0x62: {  	_ =	shalt  }
0x63: {  	_ =	shalt  }
0x64: {  	_ =	shalt  }
0x65: {  	_ =	shalt  }
0x66: {  	_ =	shalt  }
0x67: {  	_ =	shalt  }
0x68: {  	_ =	shalt  }
0x69: {  	_ =	shalt  }
0x6a: {  	_ =	shalt  }
0x6b: {  	_ =	shalt  }
0x6c: {  	_ =	shalt  }
0x6d: {  	_ =	shalt  }
0x6e: {  	_ =	shalt  }
0x6f: {  	_ =	shalt  }
0x70: {  	_ =	shalt  }
0x71: {  	_ =	shalt  }
0x72: {  	_ =	shalt  }
0x73: {  	_ =	shalt  }
0x74: {  	_ =	shalt  }
0x75: {  	_ =	shalt  }
0x76: {  	_ =	shalt  }
0x77: {  	_ =	shalt  }
0x78: {  	_ =	shalt  }
0x79: {  	_ =	shalt  }
0x7a: {  	_ =	shalt  }
0x7b: {  	_ =	shalt  }
0x7c: {  	_ =	shalt  }
0x7d: {  	_ =	shalt  }
0x7e: {  	_ =	shalt  }
0x7f: {  	_ =	shalt  }
0x80: {  	_ =	shalt  }
0x81: {  	_ =	shalt  }
0x82: {  	_ =	shalt  }
0x83: {  	_ =	shalt  }
0x84: {  	_ =	shalt  }
0x85: {  	_ =	shalt  }
0x86: {  	_ =	shalt  }
0x87: {  	_ =	shalt  }
.Lfunc_end0:
.L_simem_size_0:
called_computation.2_lowered:
.L_overlay_start_0:
0x88: {  	s2 =	sld [smem:$0x3FD9]  }
0x89: {  	s3 =	sld [smem:$0x3FFE];
	_ =	sdelay $0x1  }
0x8a: {  	s1 =	srdreg.scid  }
0x8b: {  	s0 =	sand.u32 $0x1, s1  }
0x8c: {  	s17 =	sshll.u32 s0, $0xA;
	s2 =	sadd.s32 s3, s2  }
0x8d: {  	s2 =	sadd.s32 s2, s17  }
0x8e: {  	[smem:$0x3FBC] =	sst s2  }
0x8f: {  	_ = 	snop  }
0x90: {  	s2 =	sld [smem:$0x3FD0];
	(tm) =	ssettm $0x1  }
0x91: {  	s18 =	sld [smem:$0x3FFB];
	_ =	sdelay $0x3  }
0x92: {  	_ =	strace s18  }
0x93: {  	s3 =	sld [smem:$0x3FFC];
	_ =	sdelay $0x3  }
0x94: {  	_ =	strace s3  }
0x95: {  	s3 =	sld [smem:$0x3FFD];
	_ =	sdelay $0x3  }
0x96: {  	_ =	strace s3  }
0x97: {  	_ =	strace $0x8FFFFFFF  }
0x98: {  	s19 =	sld [smem:$0x3FDB];
	_ =	sdelay $0x1  }
0x99: {  	s4 =	simm.s32 $_scs_section_size  }
0x9a: {  	s5 =	simm.s32 $_size__tile_overlayer_lowered;
	s6 =	simm.s32 $_tile_overlayer_lowered  }
0x9b: {  	s22 =	simm.s32 $0x1BFF;
	s21 =	sshll.u32 s6, $0x1;
	s3 =	sadd.s32 s4, s19  }
0x9c: {  	s7 =	simm.s32 $0x0;
	s20 =	sshll.u32 s5, $0x1;
	s5 =	sadd.s32 s21, s3  }
0x9d: {  	[timem:s7], [sflag:s22] =	dma.local [hbm:s5], s20  }
0x9e: {  	_ =	swait.ge [sflag:s22], s20  }
0x9f: {  	s4 =	ssub.s32 $0x0, s20;
	[sflag:s22] =	ssyncset.done $0x0  }
0xa0: {  	[sflag:s22] =	ssyncadd.s32 s4;
	_ =	sdelay $0x1  }
0xa1: {  	s23 =	simm.s32 $0x1B8B  }
0xa2: {  	_ =	swait.ge [sflag:s23], $0x1  }
0xa3: {  	[sflag:s23] =	ssyncset.done $0x0  }
0xa4: {  	s25 =	simm.s32 $0x1B8E;
	s24 =	sld [smem:$0x3FFE];
	[sflag:s23] =	ssyncadd.s32 $0xFFFFFFFF  }
0xa5: {  	s26 =	simm.s32 $execute0_lowered;
	[smem:$0x3FD2] =	sst s25  }
0xa6: {  	s5 =	sshll.u32 s26, $0x1;
	_ =	strace $0x8000004C;
	[dreg:$0x1] =	wrdreg $0xFFFFFFFF  }
0xa7: {  	s28 =	simm.s32 $_size_execute0_lowered;
	s3 =	sadd.s32 s3, s5;
	[dreg:$0x0] =	wrdreg $0x0  }
0xa8: {  	s5 =	sshll.u32 s28, $0x1;
	[dreg:$0x2] =	wrdreg s3  }
0xa9: {  	[dreg:$0x3] =	wrdreg s5  }
0xaa: {  	[dreg:$0x4] =	wrdreg $0xC0  }
0xab: {  	_ =	task [dreg:s7], $0x5FFFF  }
0xac: {  	[dreg:$0x1] =	wrdreg $0xFFFFFFFF  }
0xad: {  	[dreg:$0x0] =	wrdreg $0x60  }
0xae: {  	[dreg:$0x2] =	wrdreg s2  }
0xaf: {  	[dreg:$0x3] =	wrdreg s24  }
0xb0: {  	[dreg:$0x4] =	wrdreg $0xBC000  }
0xb1: {  	[dreg:$0x5] =	wrdreg $0x9  }
0xb2: {  	_ =	task.clear_ibuf [dreg:s7], $0x6FFFF;
	_ =	strace $0x9000004C  }
0xb3: {  	s29 =	simm.s32 $0x9;
	_ =	strace $0x8000004E  }
0xb4: {  	_ =	swait.ge [sflag:s29], $0x1  }
0xb5: {  	[sflag:s29] =	ssyncadd.s32 $0xFFFFFFFF  }
0xb6: {  	_ =	strace $0x9000004E  }
0xb7: {  	_ =	sfence  }
0xb8: {  	s30 =	sld [smem:$0x0];
	_ =	sdelay $0x2  }
0xb9: {  	s31 =	sshll.u32 s1, $0xD;
	s1 =	sshrl.u32 s1, $0x2  }
0xba: {  	s3 =	sand.u32 $0x4000, s31;
	s1 =	sadd.s32 s1, s30  }
0xbb: {  	s0 =	sor.u32 s3, s0;
	s1 =	sshll.u32 s1, $0x11  }
0xbc: {  	s0 =	sor.u32 s1, s0  }
0xbd: {  	s0 =	sadd.s32 $0x8F2B, s0  }
0xbe: {  	[sflag:s0] =	ssyncadd.remote.s32 $0x1  }
0xbf: {  	_ =	sfence.sel $0xFFFF  }
0xc0: {  	[dreg:$0x0] =	wrdreg $0xFFFFFFFF;
	(pc) =	sbr.abs _section_cstart, $3  }
0xc1: {  	[dreg:$0x1] =	wrdreg $0xFFFFFFFF  }
0xc2: {  	_ =	task.clear_ibuf [dreg:s7], $0x2FFFF;
	_ =	strace $0x9FFFFFFF  }
0xc3: {  	(tm) =	ssettm $0x7FFFFFFF  }
tec
execute0_lowered:
.L_overlay_start_1:
0x0: {  	(tag) =	ssettag $0x1  }
0x1: {  	s0 =	rddreg [dreg:$0x0]  }
0x2: {  	s2 =	rddreg [dreg:$0x1]  }
0x3: {  	s1 =	srdreg.scid;
	s3 =	rddreg [dreg:$0x2]  }
0x4: {  	s9 =	stileid.u32;
	s4 =	simm.s32 $0x0;
	s11 =	simm.s32 $0xD  }
0x5: {  	s14 =	simm.s32 $0x80;
	s28 =	simm.s32 $0x2;
	s29 =	simm.s32 $0x6C00  }
0x6: {  	s30 =	simm.s32 $0x3;
	s31 =	simm.s32 $0x9400;
	s12 =	simm.s32 $0x4  }
0x7: {  	s13 =	simm.s32 $0x9;
	s15 =	simm.s32 $0xC;
	s1 =	sand.u32 $0x1, s1  }
0x8: {  	[smem:$0x7FF] =	sst s4;
	s8 =	smul.u32 $0x50000, s9;
	s10 =	sadd.s32 $0x1C600, s2  }
0x9: {  	s18 =	sshll.u32 s9, $0x6;
	s19 =	smul.u32 $0x2800, s9;
	s5 =	sshll.u32 s1, $0x4  }
0xa: {  	_ =	strace $0x8000004D;
	s7 =	smul.u32 $0x28000, s1;
	[dreg:$0x4] =	wrdreg s10  }
0xb: {  	s1 =	ssub.s32 $0x2, s1;
	s10 =	sor.u32 $0x1C0D, s18;
	s18 =	simm.s32 $0x180  }
0xc: {  	s5 =	sor.u32 s9, s5;
	s16 =	sshrl.u32 s1, $0x1;
	s8 =	sshrl.u32 s8, $0x2  }
0xd: {  	s9 =	simm.s32 $0x5;
	[dreg:$0x8] =	wrdreg s10;
	s6 =	smul.u32 $0x4F0, s5  }
0xe: {  	s5 =	sshll.u32 s5, $0xB;
	s1 =	ssub.s32 s1, s16;
	s17 =	sadd.s32 s8, s3  }
0xf: {  	s16 =	simm.s32 $0x100;
	s5 =	sadd.s32 s5, s2;
	s1 =	smax.u32 s1, $0x1  }
0x10: {  	s21 =	sshrl.u32 s17, $0x3;
	s17 =	simm.s32 $0x6;
	s6 =	sadd.s32 s6, s2  }
0x11: {  	s2 =	sadd.s32 s7, s2;
	s5 =	sadd.s32 $0x2800, s5;
	[dreg:$0x7] =	wrdreg s1  }
0x12: {  	s1 =	simm.s32 $0x7;
	s7 =	simm.s32 $0xB;
	[dreg:$0x5] =	wrdreg s5  }
0x13: {  	s6 =	sadd.s32 $0x12800, s6;
	s2 =	sadd.s32 $0x1EE00, s2;
	s5 =	simm.s32 $0x8  }
0x14: {  	s20 =	sadd.s32 $0xA, s6;
	s22 =	sadd.s32 $0x14, s6;
	[dreg:$0x6] =	wrdreg s6  }
0x15: {  	s23 =	sadd.s32 $0x1E, s6;
	s24 =	sadd.s32 $0x28, s6;
	[dreg:$0x9] =	wrdreg s20  }
.Ltmp0:
0x16: {  	s25 =	sadd.s32 $0x32, s6;
	[dreg:$0xa] =	wrdreg s22;
	(pc) =	sbr.rel .LBB2_1-.Ltmp0, $4  }
0x17: {  	s26 =	sadd.s32 s19, s2;
	s2 =	simm.s32 $0xA;
	[dreg:$0xb] =	wrdreg s23  }
0x18: {  	s19 =	simm.s32 $0x0;
	[dreg:$0xc] =	wrdreg s24;
	s20 =	simm.s32 $0x200  }
0x19: {  	[dreg:$0xd] =	wrdreg s25;
	s22 =	simm.s32 $0x280;
	s23 =	simm.s32 $0x1  }
0x1a: {  	[dreg:$0xe] =	wrdreg s26;
	s25 =	simm.s32 $0x50;
	s26 =	simm.s32 $0x4400  }
.LBB2_4:
0x1b: {  	_ =	swait.ge [sflag:s15], $0x2800  }
0x1c: {  	[sflag:s15] =	ssyncset.done $0x0  }
0x1d: {  	[sflag:s15] =	ssyncadd.s32 $0xFFFFD800  }
0x1e: {  	_ =	swait.ge [sflag:s30], $0x50  }
0x1f: {  	[sflag:s30] =	ssyncset.done $0x0  }
0x20: {  	[sflag:s30] =	ssyncadd.s32 $0xFFFFFFB0  }
0x21: {  	[tilespmem:s31], [sflag:$0x9] =	stream.indirect.gather [hbm4b:s0+s25], $0x80, s16, s25, $0xb8;
	[tilespmem:$0x1FC00] =	vst v63  }
0x22: {  	_ =	swait.ge [sflag:s1], $0x2800  }
0x23: {  	[sflag:s1] =	ssyncset.done $0x0  }
0x24: {  	s6 =	simm.s32 $0x4000;
	[sflag:s1] =	ssyncadd.s32 $0xFFFFD800  }
0x25: {  	[spmem:s3] =	stream.indirect.scatter.add.f32 [tilespmem:s26], [sflag:$0xA], $0x80, s6, s25, $0xb8;
	[tilespmem:$0x1FC00] =	vst v63  }
0x26: {  	_ =	swait.ge [sflag:s2], $0x2800  }
0x27: {  	[sflag:s2] =	ssyncset.done $0x0  }
0x28: {  	[sflag:s2] =	ssyncadd.s32 $0xFFFFD800  }
0x29: {  	_ =	swait.ge [sflag:s12], $0x50  }
0x2a: {  	[sflag:s12] =	ssyncset.done $0x0  }
0x2b: {  	[sflag:s12] =	ssyncadd.s32 $0xFFFFFFB0  }
0x2c: {  	[tilespmem:s26], [sflag:$0x7] =	stream.indirect.gather [hbm4b:s0+s25], $0x80, s18, s25, $0xb8;
	[tilespmem:$0x1FC00] =	vst v63  }
0x2d: {  	_ =	swait.ge [sflag:s5], $0x2800  }
0x2e: {  	[sflag:s5] =	ssyncset.done $0x0  }
0x2f: {  	s21 =	simm.s32 $0x4080;
	[sflag:s5] =	ssyncadd.s32 $0xFFFFD800  }
0x30: {  	[spmem:s3] =	stream.indirect.scatter.add.f32 [tilespmem:s29], [sflag:$0xB], $0x80, s21, s25, $0xb8;
	[tilespmem:$0x1FC00] =	vst v63  }
0x31: {  	_ =	swait.ge [sflag:s7], $0x2800  }
0x32: {  	[sflag:s7] =	ssyncset.done $0x0  }
0x33: {  	[sflag:s7] =	ssyncadd.s32 $0xFFFFD800  }
0x34: {  	_ =	swait.ge [sflag:s9], $0x50  }
0x35: {  	[sflag:s9] =	ssyncset.done $0x0  }
0x36: {  	[sflag:s9] =	ssyncadd.s32 $0xFFFFFFB0  }
0x37: {  	[tilespmem:s29], [sflag:$0x8] =	stream.indirect.gather [hbm4b:s0+s25], $0x80, s20, s25, $0xb8;
	[tilespmem:$0x1FC00] =	vst v63  }
0x38: {  	_ =	swait.ge [sflag:s13], $0x2800  }
0x39: {  	[sflag:s13] =	ssyncset.done $0x0  }
0x3a: {  	s24 =	simm.s32 $0x4100;
	[sflag:s13] =	ssyncadd.s32 $0xFFFFD800  }
0x3b: {  	[spmem:s3] =	stream.indirect.scatter.add.f32 [tilespmem:s31], [sflag:$0xC], $0x80, s24, s25, $0xb8;
	[tilespmem:$0x1FC00] =	vst v63  }
0x3c: {  	_ =	swait.ge [sflag:s1], $0x2800  }
0x3d: {  	[sflag:s1] =	ssyncset.done $0x0  }
0x3e: {  	s10 =	simm.s32 $0x4180;
	[sflag:s1] =	ssyncadd.s32 $0xFFFFD800  }
0x3f: {  	[spmem:s3] =	stream.indirect.scatter.add.f32 [tilespmem:s26], [sflag:$0xA], $0x80, s10, s25, $0xb8;
	[tilespmem:$0x1FC00] =	vst v63  }
0x40: {  	_ =	swait.ge [sflag:s5], $0x2800  }
0x41: {  	[sflag:s5] =	ssyncset.done $0x0  }
0x42: {  	s21 =	simm.s32 $0x4200;
	[sflag:s5] =	ssyncadd.s32 $0xFFFFD800  }
0x43: {  	[spmem:s3] =	stream.indirect.scatter.add.f32 [tilespmem:s29], [sflag:$0xB], $0x80, s21, s25, $0xb8;
	[tilespmem:$0x1FC00] =	vst v63  }
0x44: {  	_ =	swait.ge [sflag:s7], $0x2800  }
0x45: {  	[sflag:s7] =	ssyncset.done $0x0  }
0x46: {  	[sflag:s7] =	ssyncadd.s32 $0xFFFFD800  }
0x47: {  	_ =	swait.ge [sflag:s2], $0x2800  }
0x48: {  	[sflag:s2] =	ssyncset.done $0x0  }
0x49: {  	[sflag:s2] =	ssyncadd.s32 $0xFFFFD800  }
0x4a: {  	_ =	swait.ge [sflag:s15], $0x2800  }
0x4b: {  	[sflag:s15] =	ssyncset.done $0x0  }
0x4c: {  	[sflag:s15] =	ssyncadd.s32 $0xFFFFD800  }
0x4d: {  	[bflag:$0x0] =	sbarrier.arrive $0xFFFF  }
0x4e: {  	s10 =	rddreg [dreg:$0x8]  }
0x4f: {  	s24 =	rddreg [dreg:$0xe]  }
0x50: {  	[hbm:s24], [sflag:s10] =	dma.local [spmem:s8], $0x2800  }
0x51: {  	_ =	swait.ge [sflag:s11], $0x2800  }
0x52: {  	s19 =	sadd.s32 $0x1, s19;
	s24 =	rddreg [dreg:$0x7]  }
0x53: {  	p0 =	sne.s32 s19, s24  }
.Ltmp1:
0x54: {  	_ = 	snop;
	(pc) =	sbr.rel @!p0 .LBB2_5-.Ltmp1, $3  }
0x55: {  	_ =	sdelay $0x1  }
0x56: {  	[sflag:s11] =	ssyncset.done $0x0  }
0x57: {  	s21 =	smov.u32 s8;
	[sflag:s11] =	ssyncadd.s32 $0xFFFFD800  }
.LBB2_1:
0x58: {  	s6 =	rddreg [dreg:$0x4]  }
0x59: {  	[spmem:s21], [sflag:s10] =	dma.local [hbm:s6], $0x2800  }
0x5a: {  	_ =	swait.ge [sflag:s11], $0x2800  }
0x5b: {  	s8 =	smov.u32 s21;
	[sflag:s11] =	ssyncset.done $0x0  }
0x5c: {  	s21 =	simm.s32 $0x400;
	s10 =	rddreg [dreg:$0x5];
	[sflag:s11] =	ssyncadd.s32 $0xFFFFD800  }
0x5d: {  	[tilespmem:s21], [sflag:$0xD] =	stream.linear.gather [hbm4b:s10+s4], $0x3E80, $0x38;
	[tilespmem:$0x1FC00] =	vst v63  }
0x5e: {  	_ =	swait.ge [sflag:s11], $0x3E80  }
0x5f: {  	[sflag:s11] =	ssyncset.done $0x0  }
0x60: {  	[sflag:s11] =	ssyncadd.s32 $0xFFFFC180  }
0x61: {  	[bflag:$0x0] =	sbarrier.arrive $0xFFFF  }
0x62: {  	s6 =	rddreg [dreg:$0x6]  }
0x63: {  	[tilespmem:s4], [sflag:$0x1] =	stream.linear.gather [hbm4b:s6+s4], $0x50, $0x38;
	[tilespmem:$0x1FC00] =	vst v63  }
0x64: {  	s24 =	rddreg [dreg:$0x9]  }
0x65: {  	[tilespmem:s14], [sflag:$0x2] =	stream.linear.gather [hbm4b:s24+s4], $0x50, $0x38;
	[tilespmem:$0x1FC00] =	vst v63  }
0x66: {  	s21 =	rddreg [dreg:$0xa]  }
0x67: {  	[tilespmem:s16], [sflag:$0x3] =	stream.linear.gather [hbm4b:s21+s4], $0x50, $0x38;
	[tilespmem:$0x1FC00] =	vst v63  }
0x68: {  	s24 =	rddreg [dreg:$0xb]  }
0x69: {  	[tilespmem:s18], [sflag:$0x4] =	stream.linear.gather [hbm4b:s24+s4], $0x50, $0x38;
	[tilespmem:$0x1FC00] =	vst v63  }
0x6a: {  	s21 =	rddreg [dreg:$0xc]  }
0x6b: {  	[tilespmem:s20], [sflag:$0x5] =	stream.linear.gather [hbm4b:s21+s4], $0x50, $0x38;
	[tilespmem:$0x1FC00] =	vst v63  }
0x6c: {  	s24 =	rddreg [dreg:$0xd]  }
0x6d: {  	[tilespmem:s22], [sflag:$0x6] =	stream.linear.gather [hbm4b:s24+s4], $0x50, $0x38;
	[tilespmem:$0x1FC00] =	vst v63  }
0x6e: {  	_ =	swait.ge [sflag:s23], $0x50  }
0x6f: {  	[sflag:s23] =	ssyncset.done $0x0  }
0x70: {  	[sflag:s23] =	ssyncadd.s32 $0xFFFFFFB0  }
0x71: {  	[tilespmem:s26], [sflag:$0x7] =	stream.indirect.gather [hbm4b:s0+s25], $0x80, s4, s25, $0xb8;
	[tilespmem:$0x1FC00] =	vst v63  }
0x72: {  	_ =	swait.ge [sflag:s28], $0x50  }
0x73: {  	[sflag:s28] =	ssyncset.done $0x0  }
0x74: {  	s21 =	sadd.s32 $0x6E, s6;
	s24 =	simm.s32 $0x0;
	[sflag:s28] =	ssyncadd.s32 $0xFFFFFFB0  }
0x75: {  	[tilespmem:s29], [sflag:$0x8] =	stream.indirect.gather [hbm4b:s0+s25], $0x80, s14, s25, $0xb8;
	[tilespmem:$0x1FC00] =	vst v63  }
.LBB2_2:
0x76: {  	p0 =	seq.s32 s24, $0x0  }
0x77: {  	s6 =	simm.s32 @!p0 $0xC  }
0x78: {  	_ =	swait.ge @!p0 [sflag:s6], $0x2800  }
0x79: {  	[sflag:s6] =	ssyncset.done @!p0 $0x0  }
0x7a: {  	[sflag:s6] =	ssyncadd.s32 @!p0 $0xFFFFD800  }
0x7b: {  	_ =	swait.ge [sflag:s30], $0x50  }
0x7c: {  	[sflag:s30] =	ssyncset.done $0x0  }
0x7d: {  	[sflag:s30] =	ssyncadd.s32 $0xFFFFFFB0  }
0x7e: {  	[tilespmem:s31], [sflag:$0x9] =	stream.indirect.gather [hbm4b:s0+s25], $0x80, s16, s25, $0xb8;
	[tilespmem:$0x1FC00] =	vst v63  }
0x7f: {  	_ =	swait.ge [sflag:s1], $0x2800  }
0x80: {  	s6 =	sshra.s32 s24, $0x2;
	[sflag:s1] =	ssyncset.done $0x0  }
0x81: {  	s10 =	sadd.s32 $0x400, s6;
	[sflag:s1] =	ssyncadd.s32 $0xFFFFD800  }
0x82: {  	[spmem:s3] =	stream.indirect.scatter.add.f32 [tilespmem:s26], [sflag:$0xA], $0x80, s10, s25, $0xb8;
	[tilespmem:$0x1FC00] =	vst v63  }
0x83: {  	s10 =	sadd.s32 $0xFFFFFFCE, s21  }
0x84: {  	[tilespmem:s4], [sflag:$0x1] =	stream.linear.gather [hbm4b:s10+s4], $0x50, $0x38;
	[tilespmem:$0x1FC00] =	vst v63  }
0x85: {  	_ =	swait.ge [sflag:s2], $0x2800  }
0x86: {  	[sflag:s2] =	ssyncset.done $0x0  }
0x87: {  	[sflag:s2] =	ssyncadd.s32 $0xFFFFD800  }
0x88: {  	_ =	swait.ge [sflag:s12], $0x50  }
0x89: {  	[sflag:s12] =	ssyncset.done $0x0  }
0x8a: {  	[sflag:s12] =	ssyncadd.s32 $0xFFFFFFB0  }
0x8b: {  	[tilespmem:s26], [sflag:$0x7] =	stream.indirect.gather [hbm4b:s0+s25], $0x80, s18, s25, $0xb8;
	[tilespmem:$0x1FC00] =	vst v63  }
0x8c: {  	_ =	swait.ge [sflag:s5], $0x2800  }
0x8d: {  	[sflag:s5] =	ssyncset.done $0x0  }
0x8e: {  	s10 =	sadd.s32 $0x480, s6;
	[sflag:s5] =	ssyncadd.s32 $0xFFFFD800  }
0x8f: {  	[spmem:s3] =	stream.indirect.scatter.add.f32 [tilespmem:s29], [sflag:$0xB], $0x80, s10, s25, $0xb8;
	[tilespmem:$0x1FC00] =	vst v63  }
0x90: {  	s10 =	sadd.s32 $0xFFFFFFD8, s21  }
0x91: {  	[tilespmem:s14], [sflag:$0x2] =	stream.linear.gather [hbm4b:s10+s4], $0x50, $0x38;
	[tilespmem:$0x1FC00] =	vst v63  }
0x92: {  	_ =	swait.ge [sflag:s7], $0x2800  }
0x93: {  	[sflag:s7] =	ssyncset.done $0x0  }
0x94: {  	[sflag:s7] =	ssyncadd.s32 $0xFFFFD800  }
0x95: {  	_ =	swait.ge [sflag:s9], $0x50  }
0x96: {  	[sflag:s9] =	ssyncset.done $0x0  }
0x97: {  	[sflag:s9] =	ssyncadd.s32 $0xFFFFFFB0  }
0x98: {  	[tilespmem:s29], [sflag:$0x8] =	stream.indirect.gather [hbm4b:s0+s25], $0x80, s20, s25, $0xb8;
	[tilespmem:$0x1FC00] =	vst v63  }
0x99: {  	_ =	swait.ge [sflag:s13], $0x2800  }
0x9a: {  	[sflag:s13] =	ssyncset.done $0x0  }
0x9b: {  	s10 =	sadd.s32 $0x500, s6;
	[sflag:s13] =	ssyncadd.s32 $0xFFFFD800  }
0x9c: {  	[spmem:s3] =	stream.indirect.scatter.add.f32 [tilespmem:s31], [sflag:$0xC], $0x80, s10, s25, $0xb8;
	[tilespmem:$0x1FC00] =	vst v63  }
0x9d: {  	s10 =	sadd.s32 $0xFFFFFFE2, s21  }
0x9e: {  	[tilespmem:s16], [sflag:$0x3] =	stream.linear.gather [hbm4b:s10+s4], $0x50, $0x38;
	[tilespmem:$0x1FC00] =	vst v63  }
0x9f: {  	_ =	swait.ge [sflag:s15], $0x2800  }
0xa0: {  	[sflag:s15] =	ssyncset.done $0x0  }
0xa1: {  	[sflag:s15] =	ssyncadd.s32 $0xFFFFD800  }
0xa2: {  	_ =	swait.ge [sflag:s17], $0x50  }
0xa3: {  	[sflag:s17] =	ssyncset.done $0x0  }
0xa4: {  	[sflag:s17] =	ssyncadd.s32 $0xFFFFFFB0  }
0xa5: {  	[tilespmem:s31], [sflag:$0x9] =	stream.indirect.gather [hbm4b:s0+s25], $0x80, s22, s25, $0xb8;
	[tilespmem:$0x1FC00] =	vst v63  }
0xa6: {  	_ =	swait.ge [sflag:s1], $0x2800  }
0xa7: {  	[sflag:s1] =	ssyncset.done $0x0  }
0xa8: {  	s10 =	sadd.s32 $0x580, s6;
	[sflag:s1] =	ssyncadd.s32 $0xFFFFD800  }
0xa9: {  	[spmem:s3] =	stream.indirect.scatter.add.f32 [tilespmem:s26], [sflag:$0xA], $0x80, s10, s25, $0xb8;
	[tilespmem:$0x1FC00] =	vst v63  }
0xaa: {  	s10 =	sadd.s32 $0xFFFFFFEC, s21  }
0xab: {  	[tilespmem:s18], [sflag:$0x4] =	stream.linear.gather [hbm4b:s10+s4], $0x50, $0x38;
	[tilespmem:$0x1FC00] =	vst v63  }
0xac: {  	_ =	swait.ge [sflag:s2], $0x2800  }
0xad: {  	[sflag:s2] =	ssyncset.done $0x0  }
0xae: {  	[sflag:s2] =	ssyncadd.s32 $0xFFFFD800  }
0xaf: {  	_ =	swait.ge [sflag:s23], $0x50  }
0xb0: {  	[sflag:s23] =	ssyncset.done $0x0  }
0xb1: {  	[sflag:s23] =	ssyncadd.s32 $0xFFFFFFB0  }
0xb2: {  	[tilespmem:s26], [sflag:$0x7] =	stream.indirect.gather [hbm4b:s0+s25], $0x80, s4, s25, $0xb8;
	[tilespmem:$0x1FC00] =	vst v63  }
0xb3: {  	_ =	swait.ge [sflag:s5], $0x2800  }
0xb4: {  	[sflag:s5] =	ssyncset.done $0x0  }
0xb5: {  	s10 =	sadd.s32 $0x600, s6;
	[sflag:s5] =	ssyncadd.s32 $0xFFFFD800  }
0xb6: {  	[spmem:s3] =	stream.indirect.scatter.add.f32 [tilespmem:s29], [sflag:$0xB], $0x80, s10, s25, $0xb8;
	[tilespmem:$0x1FC00] =	vst v63  }
0xb7: {  	s10 =	sadd.s32 $0xFFFFFFF6, s21  }
0xb8: {  	[tilespmem:s20], [sflag:$0x5] =	stream.linear.gather [hbm4b:s10+s4], $0x50, $0x38;
	[tilespmem:$0x1FC00] =	vst v63  }
0xb9: {  	_ =	swait.ge [sflag:s7], $0x2800  }
0xba: {  	[sflag:s7] =	ssyncset.done $0x0  }
0xbb: {  	[sflag:s7] =	ssyncadd.s32 $0xFFFFD800  }
0xbc: {  	_ =	swait.ge [sflag:s28], $0x50  }
0xbd: {  	[sflag:s28] =	ssyncset.done $0x0  }
0xbe: {  	p0 =	seq.s32 s24, $0xE400;
	[sflag:s28] =	ssyncadd.s32 $0xFFFFFFB0  }
0xbf: {  	[tilespmem:s29], [sflag:$0x8] =	stream.indirect.gather [hbm4b:s0+s25], $0x80, s14, s25, $0xb8;
	[tilespmem:$0x1FC00] =	vst v63  }
.Ltmp2:
0xc0: {  	_ = 	snop;
	(pc) =	sbr.rel @p0 .LBB2_4-.Ltmp2, $4  }
0xc1: {  	_ =	swait.ge [sflag:s13], $0x2800  }
0xc2: {  	[sflag:s13] =	ssyncset.done $0x0  }
0xc3: {  	s6 =	sadd.s32 $0x680, s6;
	[sflag:s13] =	ssyncadd.s32 $0xFFFFD800  }
0xc4: {  	[spmem:s3] =	stream.indirect.scatter.add.f32 [tilespmem:s31], [sflag:$0xC], $0x80, s6, s25, $0xb8;
	[tilespmem:$0x1FC00] =	vst v63  }
.Ltmp3:
0xc5: {  	(pc) =	sbr.rel .LBB2_2-.Ltmp3, $3  }
0xc6: {  	_ =	sdelay $0x1  }
0xc7: {  	[tilespmem:s22], [sflag:$0x6] =	stream.linear.gather [hbm4b:s21+s4], $0x50, $0x38;
	[tilespmem:$0x1FC00] =	vst v63  }
0xc8: {  	s24 =	sadd.s32 $0xC00, s24;
	s21 =	sadd.s32 $0x3C, s21  }
.LBB2_5:
0xc9: {  	_ =	sfence.sel $0x180000  }
0xca: {  	[bflag:$0x0] =	sbarrier.arrive $0xFFFF  }
0xcb: {  	_ =	strace $0x9000004D  }
0xcc: {  	s0 =	stileid.u32;
	[bflag:$0x2] =	sbarrier.arrive $0xFFFF  }
0xcd: {  	p0 =	sne.s32 s0, $0x0;
	s0 =	rddreg [dreg:$0x3]  }
0xce: {  	s0 =	sadd.s32 @!p0 $0x100000, s0  }
0xcf: {  	[sflag:s0] =	ssyncadd.tile.s32 @!p0 $0x1;
	_ =	shalt  }
.Lfunc_end2:
_tile_overlayer_lowered:
.L_overlay_start_2:
0xd0: {  	(tag) =	ssettag $0x2  }
0xd1: {  	s0 =	rddreg [dreg:$0x0];
	s2 =	stileid.u32  }
0xd2: {  	s1 =	rddreg [dreg:$0x1];
	p0 =	sne.s32 s2, $0x0  }
0xd3: {  	s3 =	rddreg [dreg:$0x2];
	[bflag:$0x3] =	sbarrier.arrive $0xFFFF;
	s2 =	simm.s32 @!p0 $0x1C0D  }
0xd4: {  	[timem:s3], [sflag:s2] =	dma.local @!p0 [hbm:s0], s1  }
0xd5: {  	s0 =	simm.s32 @!p0 $0xD  }
0xd6: {  	_ =	swait.ge @!p0 [sflag:s0], s1  }
0xd7: {  	s1 =	ssub.s32 @!p0 $0x0, s1;
	[sflag:s0] =	ssyncset.done @!p0 $0x0  }
0xd8: {  	[sflag:s0] =	ssyncadd.s32 @!p0 s1  }
0xd9: {  	[bflag:$0x3] =	sbarrier.arrive $0xFFFF  }
0xda: {  	_ =	shalt  }

// kernel: kernel.9.cloned.1.call-start
scs
__scs_entry_jumppad:
0x0: {  	(pc) =	sbr.rel $0x88, $3  }
0x1: {  	(tag) =	ssettag $0x0;
	lr =	simm.s32 $0x1  }
0x2: {  	[smem:$0x3F95] =	sst lr;
	_ =	strace $0xD0000000  }
0x3: {  	_ = 	snop  }
0x4: {  	_ = 	snop  }
0x5: {  	_ = 	snop  }
0x6: {  	_ = 	snop  }
0x7: {  	_ = 	snop  }
__scs_overlays_trampoline_lowered:
0x8: {  	[smem:$0x3FA4] =	sst s0  }
0x9: {  	[smem:$0x3FA5] =	sst s1  }
0xa: {  	[smem:$0x3FA6] =	sst s2  }
0xb: {  	[smem:$0x3FA7] =	sst s3  }
0xc: {  	[smem:$0x3FA8] =	sst s4  }
0xd: {  	[smem:$0x3FA9] =	sst s5  }
0xe: {  	[smem:$0x3FAA] =	sst s6  }
0xf: {  	[smem:$0x3FAB] =	sst s7  }
0x10: {  	[smem:$0x3FAC] =	sst s8  }
0x11: {  	[smem:$0x3FAD] =	sst s9;
	s0 =	simm.s32 @!p0 $0x0  }
0x12: {  	s1 =	sld [smem:$0x3F93];
	s0 =	simm.s32 @p0 $0x1  }
0x13: {  	[smem:$0x3FAE] =	sst s0;
	s0 =	simm.s32 @!p1 $0x0  }
0x14: {  	s2 =	sld [smem:$0x3F92];
	s0 =	simm.s32 @p1 $0x1  }
0x15: {  	[smem:$0x3FAF] =	sst s0;
	s0 =	simm.s32 @!p2 $0x0  }
0x16: {  	s3 =	sld [smem:$0x3FDB];
	s0 =	simm.s32 @p2 $0x1  }
0x17: {  	s4 =	simm.s32 $0x1BF5;
	[smem:$0x3FB1] =	sst s0  }
0x18: {  	s0 =	sld [smem:$0x3F94];
	_ =	swait.ge [sflag:s4], $0x0  }
0x19: {  	s7 =	sld [smem:$0x3F95]  }
0x1a: {  	s8 =	sadd.s32 $0xFFFFE003, lr  }
0x1b: {  	s9 =	sadd.s32 $0xFFFFFEF7, lr;
	s5 =	simm.s32 $0xFFFFFFFF;
	p2 =	slt.u32 s8, $0xFFFFF086  }
0x1c: {  	p1 =	slt.u32 s9, $0xF7A;
	s5 =	simm.s32 @!p2 $0x0  }
0x1d: {  	s5 =	simm.s32 @p1 $0x1;
	p0 =	seq.s32 s7, s2  }
0x1e: {  	s7 =	smul.u32 @!p0 $0xF7A, s2;
	p2 =	seq.s32 @!p0 s5, $0x0  }
0x1f: {  	s9 =	smul.u32 $0xF7A, s1;
	s8 =	simm.s32 @!p0 $0x1BF5;
	p2 =	por !p2, p0  }
0x20: {  	[sflag:s8] =	ssyncset.s32 @!p0 $0xFFFFF086;
	s6 =	sadd.s32 @!p0 s3, s7;
	s7 =	simm.s32 @!p0 $0x108  }
0x21: {  	s3 =	sadd.s32 s3, s9;
	s6 =	sadd.s32 @!p0 $0x88, s6;
	s7 =	simm.s32 @p2 $0x1082  }
0x22: {  	[simem:s7], [sflag:s8] =	dma.local @!p0 [hbm:s6], $0xF7A  }
0x23: {  	s9 =	sor.u32 $0xD0000000, s2;
	s6 =	simm.s32 $0x108;
	_ =	swait.ge @!p0 [sflag:s8], $0x0  }
0x24: {  	s3 =	sadd.s32 $0x88, s3;
	s6 =	simm.s32 @!p1 $0x1082;
	[sflag:s4] =	ssyncset.s32 $0xFFFFF086  }
0x25: {  	[simem:s6], [sflag:s4] =	dma.local [hbm:s3], $0xF7A  }
0x26: {  	[smem:$0x3F95] =	sst s1;
	(tag) =	ssettag s2;
	_ =	strace s9  }
0x27: {  	s1 =	sld [smem:$0x3FA5]  }
0x28: {  	s2 =	sld [smem:$0x3FA6]  }
0x29: {  	s4 =	sld [smem:$0x3FA8]  }
0x2a: {  	p0 =	seq.s32 s5, $0x0;
	s5 =	sld [smem:$0x3FA9]  }
0x2b: {  	s6 =	sld [smem:$0x3FAA]  }
0x2c: {  	s7 =	sld [smem:$0x3FAB]  }
0x2d: {  	s3 =	simm.s32 $0x108;
	s8 =	sld [smem:$0x3FAC]  }
0x2e: {  	s3 =	simm.s32 @!p0 $0x1082;
	s9 =	sld [smem:$0x3FAD]  }
0x2f: {  	lr =	sadd.s32 s0, s3;
	s0 =	sld [smem:$0x3FA4]  }
0x30: {  	s3 =	sld [smem:$0x3FA7]  }
0x31: {  	[smem:$0x3FB0] =	sst s10  }
0x32: {  	s10 =	sld [smem:$0x3FAE];
	_ =	sdelay $0x3  }
0x33: {  	p0 =	seq.s32 s10, $0x1;
	s10 =	sld [smem:$0x3FB0];
	_ =	sdelay $0x3  }
0x34: {  	[smem:$0x3FB0] =	sst s10  }
0x35: {  	s10 =	sld [smem:$0x3FAF];
	_ =	sdelay $0x3  }
0x36: {  	p1 =	seq.s32 s10, $0x1;
	s10 =	sld [smem:$0x3FB0];
	_ =	sdelay $0x3  }
0x37: {  	[smem:$0x3FB0] =	sst s10  }
0x38: {  	s10 =	sld [smem:$0x3FB1]  }
0x39: {  	_ = 	snop;
	(pc) =	sbr.ind lr, $3  }
0x3a: {  	_ = 	snop  }
0x3b: {  	_ = 	snop  }
0x3c: {  	p2 =	seq.s32 s10, $0x1;
	s10 =	sld [smem:$0x3FB0]  }
0x3d: {  	_ =	shalt  }
0x3e: {  	_ =	shalt  }
0x3f: {  	_ =	shalt  }
0x40: {  	_ =	shalt  }
0x41: {  	_ =	shalt  }
0x42: {  	_ =	shalt  }
0x43: {  	_ =	shalt  }
0x44: {  	_ =	shalt  }
0x45: {  	_ =	shalt  }
0x46: {  	_ =	shalt  }
0x47: {  	_ =	shalt  }
0x48: {  	_ =	shalt  }
0x49: {  	_ =	shalt  }
0x4a: {  	_ =	shalt  }
0x4b: {  	_ =	shalt  }
0x4c: {  	_ =	shalt  }
0x4d: {  	_ =	shalt  }
0x4e: {  	_ =	shalt  }
0x4f: {  	_ =	shalt  }
0x50: {  	_ =	shalt  }
0x51: {  	_ =	shalt  }
0x52: {  	_ =	shalt  }
0x53: {  	_ =	shalt  }
0x54: {  	_ =	shalt  }
0x55: {  	_ =	shalt  }
0x56: {  	_ =	shalt  }
0x57: {  	_ =	shalt  }
0x58: {  	_ =	shalt  }
0x59: {  	_ =	shalt  }
0x5a: {  	_ =	shalt  }
0x5b: {  	_ =	shalt  }
0x5c: {  	_ =	shalt  }
0x5d: {  	_ =	shalt  }
0x5e: {  	_ =	shalt  }
0x5f: {  	_ =	shalt  }
0x60: {  	_ =	shalt  }
0x61: {  	_ =	shalt  }
0x62: {  	_ =	shalt  }
0x63: {  	_ =	shalt  }
0x64: {  	_ =	shalt  }
0x65: {  	_ =	shalt  }
0x66: {  	_ =	shalt  }
0x67: {  	_ =	shalt  }
0x68: {  	_ =	shalt  }
0x69: {  	_ =	shalt  }
0x6a: {  	_ =	shalt  }
0x6b: {  	_ =	shalt  }
0x6c: {  	_ =	shalt  }
0x6d: {  	_ =	shalt  }
0x6e: {  	_ =	shalt  }
0x6f: {  	_ =	shalt  }
0x70: {  	_ =	shalt  }
0x71: {  	_ =	shalt  }
0x72: {  	_ =	shalt  }
0x73: {  	_ =	shalt  }
0x74: {  	_ =	shalt  }
0x75: {  	_ =	shalt  }
0x76: {  	_ =	shalt  }
0x77: {  	_ =	shalt  }
0x78: {  	_ =	shalt  }
0x79: {  	_ =	shalt  }
0x7a: {  	_ =	shalt  }
0x7b: {  	_ =	shalt  }
0x7c: {  	_ =	shalt  }
0x7d: {  	_ =	shalt  }
0x7e: {  	_ =	shalt  }
0x7f: {  	_ =	shalt  }
0x80: {  	_ =	shalt  }
0x81: {  	_ =	shalt  }
0x82: {  	_ =	shalt  }
0x83: {  	_ =	shalt  }
0x84: {  	_ =	shalt  }
0x85: {  	_ =	shalt  }
0x86: {  	_ =	shalt  }
0x87: {  	_ =	shalt  }
.Lfunc_end0:
.L_simem_size_0:
called_computation_lowered:
.L_overlay_start_0:
0x88: {  	s2 =	sld [smem:$0x3FD9]  }
0x89: {  	s3 =	sld [smem:$0x3FFE];
	_ =	sdelay $0x1  }
0x8a: {  	s1 =	srdreg.scid  }
0x8b: {  	s0 =	sand.u32 $0x1, s1  }
0x8c: {  	s17 =	sshll.u32 s0, $0xA;
	s2 =	sadd.s32 s3, s2  }
0x8d: {  	s2 =	sadd.s32 s2, s17  }
0x8e: {  	[smem:$0x3FBC] =	sst s2  }
0x8f: {  	_ = 	snop  }
0x90: {  	s18 =	sld [smem:$0x3FD0];
	(tm) =	ssettm $0x1  }
0x91: {  	s19 =	sld [smem:$0x3FFB];
	_ =	sdelay $0x3  }
0x92: {  	_ =	strace s19  }
0x93: {  	s2 =	sld [smem:$0x3FFC];
	_ =	sdelay $0x3  }
0x94: {  	_ =	strace s2  }
0x95: {  	s2 =	sld [smem:$0x3FFD];
	_ =	sdelay $0x3  }
0x96: {  	_ =	strace s2  }
0x97: {  	_ =	strace $0x8FFFFFFF  }
0x98: {  	s20 =	sld [smem:$0x3FDB];
	_ =	sdelay $0x1  }
0x99: {  	s4 =	simm.s32 $_scs_section_size  }
0x9a: {  	s5 =	simm.s32 $_size__tile_overlayer_lowered;
	s6 =	simm.s32 $_tile_overlayer_lowered  }
0x9b: {  	s7 =	simm.s32 $0x1BFF;
	s21 =	sshll.u32 s6, $0x1;
	s4 =	sadd.s32 s4, s20  }
0x9c: {  	s22 =	simm.s32 $0x0;
	s5 =	sshll.u32 s5, $0x1;
	s6 =	sadd.s32 s21, s4  }
0x9d: {  	[timem:s22], [sflag:s7] =	dma.local [hbm:s6], s5  }
0x9e: {  	_ =	swait.ge [sflag:s7], s5  }
0x9f: {  	s5 =	ssub.s32 $0x0, s5;
	[sflag:s7] =	ssyncset.done $0x0  }
0xa0: {  	[sflag:s7] =	ssyncadd.s32 s5;
	_ =	sdelay $0x1  }
0xa1: {  	s23 =	simm.s32 $0x1B8B  }
0xa2: {  	_ =	swait.ge [sflag:s23], $0x1  }
0xa3: {  	[sflag:s23] =	ssyncset.done $0x0  }
0xa4: {  	[sflag:s23] =	ssyncadd.s32 $0xFFFFFFFF  }
0xa5: {  	s5 =	sld [smem:$0x0]  }
0xa6: {  	s6 =	sand.u32 $0xFFFFFFFE, s1  }
0xa7: {  	p0 =	sne.s32 s1, s6  }
0xa8: {  	s6 =	sshll.u32 @p0 s6, $0xE  }
0xa9: {  	s6 =	sadd.s32 @p0 $0x11B8D, s6;
	s7 =	sshll.u32 @p0 s5, $0x11  }
0xaa: {  	s6 =	sor.u32 @p0 s7, s6  }
0xab: {  	[sflag:s6] =	ssyncadd.remote.s32 @p0 $0x1;
	_ =	sdelay $0x1  }
0xac: {  	s6 =	simm.s32 @p0 $0x1B8D  }
0xad: {  	_ =	swait.eq @p0 [sflag:s6], $0x1  }
0xae: {  	[sflag:s6] =	ssyncadd.s32 @p0 $0xFFFFFFFF  }
0xaf: {  	s7 =	sshll.u32 @!p0 s1, $0xE  }
0xb0: {  	s7 =	sor.u32 @!p0 $0x4000, s7;
	s6 =	simm.s32 @!p0 $0x1B8D  }
0xb1: {  	s5 =	sshll.u32 @!p0 s5, $0x11;
	s7 =	sadd.s32 @!p0 $0x11B8D, s7;
	_ =	swait.eq @!p0 [sflag:s6], $0x1  }
0xb2: {  	s5 =	sor.u32 @!p0 s5, s7;
	[sflag:s6] =	ssyncadd.s32 @!p0 $0xFFFFFFFF  }
0xb3: {  	s25 =	simm.s32 $0x1B8E;
	s24 =	sld [smem:$0x3FFE];
	[sflag:s5] =	ssyncadd.remote.s32 @!p0 $0x1  }
0xb4: {  	s26 =	simm.s32 $execute0_lowered;
	[smem:$0x3FD2] =	sst s25  }
0xb5: {  	s6 =	sshll.u32 s26, $0x1;
	_ =	strace $0x80000049;
	[dreg:$0x1] =	wrdreg $0xFFFFFFFF  }
0xb6: {  	s28 =	simm.s32 $_size_execute0_lowered;
	s4 =	sadd.s32 s4, s6;
	[dreg:$0x0] =	wrdreg $0x0  }
0xb7: {  	s6 =	sshll.u32 s28, $0x1;
	[dreg:$0x2] =	wrdreg s4  }
0xb8: {  	[dreg:$0x3] =	wrdreg s6  }
0xb9: {  	[dreg:$0x4] =	wrdreg $0xC0  }
0xba: {  	_ =	task [dreg:s22], $0x5FFFF  }
0xbb: {  	[dreg:$0x1] =	wrdreg $0xFFFFFFFF  }
0xbc: {  	[dreg:$0x0] =	wrdreg $0x60  }
0xbd: {  	[dreg:$0x2] =	wrdreg s24  }
0xbe: {  	[dreg:$0x3] =	wrdreg s18  }
0xbf: {  	[dreg:$0x4] =	wrdreg $0x68000  }
0xc0: {  	[dreg:$0x5] =	wrdreg $0x9  }
0xc1: {  	_ =	task.clear_ibuf [dreg:s22], $0x6FFFF;
	_ =	strace $0x90000049  }
0xc2: {  	s29 =	simm.s32 $0x9;
	_ =	strace $0x8000004B  }
0xc3: {  	_ =	swait.ge [sflag:s29], $0x1  }
0xc4: {  	[sflag:s29] =	ssyncadd.s32 $0xFFFFFFFF  }
0xc5: {  	_ =	strace $0x9000004B  }
0xc6: {  	_ =	sfence  }
0xc7: {  	s30 =	sld [smem:$0x0];
	_ =	sdelay $0x2  }
0xc8: {  	s31 =	sshll.u32 s1, $0xD;
	s1 =	sshrl.u32 s1, $0x2  }
0xc9: {  	s4 =	sand.u32 $0x4000, s31;
	s1 =	sadd.s32 s1, s30  }
0xca: {  	s0 =	sor.u32 s4, s0;
	s1 =	sshll.u32 s1, $0x11  }
0xcb: {  	s0 =	sor.u32 s1, s0  }
0xcc: {  	s0 =	sadd.s32 $0x8F2B, s0  }
0xcd: {  	[sflag:s0] =	ssyncadd.remote.s32 $0x1  }
0xce: {  	_ =	sfence.sel $0xFFFF  }
0xcf: {  	[dreg:$0x0] =	wrdreg $0xFFFFFFFF;
	(pc) =	sbr.abs _section_cstart, $3  }
0xd0: {  	[dreg:$0x1] =	wrdreg $0xFFFFFFFF  }
0xd1: {  	_ =	task.clear_ibuf [dreg:s22], $0x2FFFF;
	_ =	strace $0x9FFFFFFF  }
0xd2: {  	(tm) =	ssettm $0x7FFFFFFF  }
0xd3: {  	_ =	shalt  }
tec
execute0_lowered:
.L_overlay_start_1:
0x0: {  	(tag) =	ssettag $0x1  }
0x1: {  	s6 =	rddreg [dreg:$0x0]  }
0x2: {  	s1 =	rddreg [dreg:$0x1]  }
0x3: {  	s2 =	rddreg [dreg:$0x2]  }
0x4: {  	s0 =	rddreg [dreg:$0x3]  }
0x5: {  	s4 =	simm.s32 $0x0;
	s5 =	srdreg.scid;
	s3 =	stileid.u32  }
0x6: {  	s13 =	simm.s32 $0x80;
	s14 =	simm.s32 $0x100;
	s15 =	simm.s32 $0x180  }
0x7: {  	s16 =	simm.s32 $0x1;
	s17 =	simm.s32 $0x2;
	s18 =	simm.s32 $0x3  }
0x8: {  	s19 =	simm.s32 $0x4;
	s20 =	simm.s32 $0x3E00;
	[smem:$0x7FF] =	sst s4  }
0x9: {  	s7 =	sand.u32 $0x1, s5;
	s29 =	sshll.u32 s3, $0xB;
	s12 =	smul.u32 $0x50000, s3  }
0xa: {  	s5 =	sadd.s32 $0x1C600, s6;
	s31 =	sshll.u32 s3, $0x6;
	s22 =	smul.u32 $0x2800, s3  }
0xb: {  	_ =	strace $0x8000004A;
	s8 =	smul.u32 $0x28000, s7;
	s9 =	ssub.s32 $0x2, s7  }
0xc: {  	s10 =	sadd.s32 s29, s6;
	s7 =	sshll.u32 s7, $0xF;
	s11 =	sshrl.u32 s9, $0x1  }
0xd: {  	s30 =	sshrl.u32 s12, $0x2;
	s7 =	sadd.s32 s7, s10;
	s10 =	simm.s32 $0x5  }
0xe: {  	s8 =	sadd.s32 s8, s6;
	s9 =	ssub.s32 s9, s11;
	s12 =	sadd.s32 s30, s2  }
0xf: {  	s6 =	sor.u32 $0x1C05, s31;
	s7 =	sadd.s32 $0x2800, s7;
	s11 =	simm.s32 $0x4000  }
0x10: {  	s21 =	sadd.s32 $0x6EE00, s8;
	s8 =	smax.u32 s9, $0x1;
	s9 =	sshrl.u32 s12, $0x3  }
0x11: {  	s12 =	simm.s32 $0x50;
	s21 =	sadd.s32 s22, s21;
	s22 =	simm.s32 $0x0  }
.LBB2_1:
0x12: {  	[spmem:s9], [sflag:s6] =	dma.local [hbm:s5], $0x2800  }
0x13: {  	_ =	swait.ge [sflag:s10], $0x2800  }
0x14: {  	[sflag:s10] =	ssyncset.done $0x0  }
0x15: {  	[sflag:s10] =	ssyncadd.s32 $0xFFFFD800  }
0x16: {  	[tilespmem:s4], [sflag:$0x5] =	stream.linear.gather [hbm4b:s7+s4], $0x3E80, $0x38;
	[tilespmem:$0x1A800] =	vst v63  }
0x17: {  	_ =	swait.ge [sflag:s10], $0x3E80  }
0x18: {  	[sflag:s10] =	ssyncset.done $0x0  }
0x19: {  	[sflag:s10] =	ssyncadd.s32 $0xFFFFC180  }
0x1a: {  	[tilespmem:s11], [sflag:$0x5] =	stream.linear.gather [hbm4b:s1+s4], $0x2800, $0x38;
	[tilespmem:$0x1A800] =	vst v63  }
0x1b: {  	_ =	swait.ge [sflag:s10], $0x2800  }
0x1c: {  	[sflag:s10] =	ssyncset.done $0x0  }
0x1d: {  	[sflag:s10] =	ssyncadd.s32 $0xFFFFD800  }
0x1e: {  	[bflag:$0x0] =	sbarrier.arrive $0xFFFF  }
0x1f: {  	[spmem:s2] =	stream.indirect.scatter.add.f32 [tilespmem:s11], [sflag:$0x1], $0x80, s4, s12, $0xb8;
	[tilespmem:$0x1A800] =	vst v63  }
0x20: {  	_ = 	snop  }
0x21: {  	[spmem:s2] =	stream.indirect.scatter.add.f32 [tilespmem:s11], [sflag:$0x2], $0x80, s13, s12, $0xb8;
	[tilespmem:$0x1A800] =	vst v63  }
0x22: {  	_ = 	snop  }
0x23: {  	[spmem:s2] =	stream.indirect.scatter.add.f32 [tilespmem:s11], [sflag:$0x3], $0x80, s14, s12, $0xb8;
	[tilespmem:$0x1A800] =	vst v63  }
0x24: {  	_ = 	snop  }
0x25: {  	[spmem:s2] =	stream.indirect.scatter.add.f32 [tilespmem:s11], [sflag:$0x4], $0x80, s15, s12, $0xb8;
	[tilespmem:$0x1A800] =	vst v63  }
0x26: {  	_ =	swait.ge [sflag:s16], $0x2800  }
0x27: {  	[sflag:s16] =	ssyncset.done $0x0  }
0x28: {  	s23 =	simm.s32 $0x200;
	[sflag:s16] =	ssyncadd.s32 $0xFFFFD800  }
0x29: {  	[spmem:s2] =	stream.indirect.scatter.add.f32 [tilespmem:s11], [sflag:$0x1], $0x80, s23, s12, $0xb8;
	[tilespmem:$0x1A800] =	vst v63  }
0x2a: {  	_ =	swait.ge [sflag:s17], $0x2800  }
0x2b: {  	[sflag:s17] =	ssyncset.done $0x0  }
0x2c: {  	s30 =	simm.s32 $0x280;
	[sflag:s17] =	ssyncadd.s32 $0xFFFFD800  }
0x2d: {  	[spmem:s2] =	stream.indirect.scatter.add.f32 [tilespmem:s11], [sflag:$0x2], $0x80, s30, s12, $0xb8;
	[tilespmem:$0x1A800] =	vst v63  }
0x2e: {  	_ =	swait.ge [sflag:s18], $0x2800  }
0x2f: {  	[sflag:s18] =	ssyncset.done $0x0  }
0x30: {  	s31 =	simm.s32 $0x300;
	[sflag:s18] =	ssyncadd.s32 $0xFFFFD800  }
0x31: {  	[spmem:s2] =	stream.indirect.scatter.add.f32 [tilespmem:s11], [sflag:$0x3], $0x80, s31, s12, $0xb8;
	[tilespmem:$0x1A800] =	vst v63  }
0x32: {  	_ =	swait.ge [sflag:s19], $0x2800  }
0x33: {  	[sflag:s19] =	ssyncset.done $0x0  }
0x34: {  	s24 =	simm.s32 $0x380;
	s23 =	simm.s32 $0xFFFF1800;
	[sflag:s19] =	ssyncadd.s32 $0xFFFFD800  }
.LBB2_2:
0x35: {  	[spmem:s2] =	stream.indirect.scatter.add.f32 [tilespmem:s11], [sflag:$0x4], $0x80, s24, s12, $0xb8;
	[tilespmem:$0x1A800] =	vst v63  }
0x36: {  	s24 =	smov.u32 s23  }
0x37: {  	p0 =	sne.s32 s23, $0xFFFFF800;
	s23 =	sadd.s32 $0x800, s23;
	_ =	swait.ge [sflag:s16], $0x2800  }
0x38: {  	s24 =	sshra.s32 s24, $0x2;
	[sflag:s16] =	ssyncset.done $0x0  }
0x39: {  	s25 =	sadd.s32 $0x3E00, s24;
	[sflag:s16] =	ssyncadd.s32 $0xFFFFD800  }
0x3a: {  	[spmem:s2] =	stream.indirect.scatter.add.f32 [tilespmem:s11], [sflag:$0x1], $0x80, s25, s12, $0xb8;
	[tilespmem:$0x1A800] =	vst v63  }
0x3b: {  	_ =	swait.ge [sflag:s17], $0x2800  }
0x3c: {  	[sflag:s17] =	ssyncset.done $0x0  }
0x3d: {  	s25 =	sadd.s32 $0x3E80, s24;
	[sflag:s17] =	ssyncadd.s32 $0xFFFFD800  }
0x3e: {  	[spmem:s2] =	stream.indirect.scatter.add.f32 [tilespmem:s11], [sflag:$0x2], $0x80, s25, s12, $0xb8;
	[tilespmem:$0x1A800] =	vst v63  }
0x3f: {  	_ =	swait.ge [sflag:s18], $0x2800  }
0x40: {  	[sflag:s18] =	ssyncset.done $0x0  }
.Ltmp0:
0x41: {  	s25 =	sadd.s32 $0x3F00, s24;
	[sflag:s18] =	ssyncadd.s32 $0xFFFFD800;
	(pc) =	sbr.rel @p0 .LBB2_2-.Ltmp0, $4  }
0x42: {  	[spmem:s2] =	stream.indirect.scatter.add.f32 [tilespmem:s11], [sflag:$0x3], $0x80, s25, s12, $0xb8;
	[tilespmem:$0x1A800] =	vst v63  }
0x43: {  	_ =	swait.ge [sflag:s19], $0x2800  }
0x44: {  	[sflag:s19] =	ssyncset.done $0x0  }
0x45: {  	s24 =	sadd.s32 $0x3F80, s24;
	[sflag:s19] =	ssyncadd.s32 $0xFFFFD800  }
0x46: {  	[spmem:s2] =	stream.indirect.scatter.add.f32 [tilespmem:s11], [sflag:$0x4], $0x80, s24, s12, $0xb8;
	[tilespmem:$0x1A800] =	vst v63  }
0x47: {  	_ =	swait.ge [sflag:s16], $0x2800  }
0x48: {  	[sflag:s16] =	ssyncset.done $0x0  }
0x49: {  	[sflag:s16] =	ssyncadd.s32 $0xFFFFD800  }
0x4a: {  	[spmem:s2] =	stream.indirect.scatter.add.f32 [tilespmem:s11], [sflag:$0x1], $0x80, s20, s12, $0xb8;
	[tilespmem:$0x1A800] =	vst v63  }
0x4b: {  	_ =	swait.ge [sflag:s17], $0x2800  }
0x4c: {  	[sflag:s17] =	ssyncset.done $0x0  }
0x4d: {  	[sflag:s17] =	ssyncadd.s32 $0xFFFFD800  }
0x4e: {  	_ =	swait.ge [sflag:s18], $0x2800  }
0x4f: {  	[sflag:s18] =	ssyncset.done $0x0  }
0x50: {  	[sflag:s18] =	ssyncadd.s32 $0xFFFFD800  }
0x51: {  	_ =	swait.ge [sflag:s19], $0x2800  }
0x52: {  	[sflag:s19] =	ssyncset.done $0x0  }
0x53: {  	[sflag:s19] =	ssyncadd.s32 $0xFFFFD800  }
0x54: {  	_ =	swait.ge [sflag:s16], $0x2800  }
0x55: {  	s22 =	sadd.s32 $0x1, s22;
	[sflag:s16] =	ssyncset.done $0x0  }
0x56: {  	p0 =	sne.s32 s22, s8;
	[sflag:s16] =	ssyncadd.s32 $0xFFFFD800  }
.Ltmp1:
0x57: {  	[bflag:$0x0] =	sbarrier.arrive $0xFFFF;
	(pc) =	sbr.rel @p0 .LBB2_1-.Ltmp1, $4  }
0x58: {  	[hbm:s21], [sflag:s6] =	dma.local [spmem:s9], $0x2800  }
0x59: {  	_ =	swait.ge [sflag:s10], $0x2800  }
0x5a: {  	[sflag:s10] =	ssyncset.done $0x0  }
0x5b: {  	[sflag:s10] =	ssyncadd.s32 $0xFFFFD800  }
0x5c: {  	_ =	sfence.sel $0x180000  }
0x5d: {  	[bflag:$0x0] =	sbarrier.arrive $0xFFFF  }
0x5e: {  	p0 =	sne.s32 s3, $0x0;
	_ =	strace $0x9000004A  }
0x5f: {  	s0 =	sadd.s32 @!p0 $0x100000, s0;
	[bflag:$0x2] =	sbarrier.arrive $0xFFFF  }
0x60: {  	[sflag:s0] =	ssyncadd.tile.s32 @!p0 $0x1;
	_ =	shalt  }
.Lfunc_end2:
_tile_overlayer_lowered:
.L_overlay_start_2:
0x61: {  	(tag) =	ssettag $0x2  }
0x62: {  	s0 =	rddreg [dreg:$0x0];
	s2 =	stileid.u32  }
0x63: {  	s1 =	rddreg [dreg:$0x1];
	p0 =	sne.s32 s2, $0x0  }
0x64: {  	s3 =	rddreg [dreg:$0x2];
	[bflag:$0x3] =	sbarrier.arrive $0xFFFF;
	s2 =	simm.s32 @!p0 $0x1C05  }
0x65: {  	[timem:s3], [sflag:s2] =	dma.local @!p0 [hbm:s0], s1  }
0x66: {  	s0 =	simm.s32 @!p0 $0x5  }
0x67: {  	_ =	swait.ge @!p0 [sflag:s0], s1  }
0x68: {  	s1 =	ssub.s32 @!p0 $0x0, s1;
	[sflag:s0] =	ssyncset.done @!p0 $0x0  }
0x69: {  	[sflag:s0] =	ssyncadd.s32 @!p0 s1  }
0x6a: {  	[bflag:$0x3] =	sbarrier.arrive $0xFFFF  }
0x6b: {  	_ =	shalt  }

</sc_bundles>
